<compile_context>
chip_gen: v7x
topology: tpu7x:2x2x1
jax: 0.10.2.dev20260603
libtpu: 0.0.44.dev20260713+nightly
codegen_flags: <defaults>
</compile_context>

<pallas_src>
import functools

import jax
import jax.numpy as jnp
from jax import lax
from jax.experimental import pallas as pl
from jax.experimental.pallas import tpu as pltpu
from jax.experimental.pallas import tpu_sc as plsc

_NF = 256
_NC = 1024
_B = 8
_HW = 24 * 24
_N = _B * _HW
_BLK = 512
_NBLK = _N // _BLK

_NW = 32
_FPW = _NF // _NW
_L = 16


def _tc_body(x_ref, c_ref, idx_ref, loss_ref):
    i = pl.program_id(0)
    x = x_ref[...]
    c = c_ref[...]
    mm = jnp.dot(x, c, preferred_element_type=jnp.float32)
    c_sq = jnp.sum(c * c, axis=0, keepdims=True)
    x_sq = jnp.sum(x * x, axis=1, keepdims=True)
    dist = (c_sq + x_sq) - 2.0 * mm
    m = jnp.min(dist, axis=1, keepdims=True)
    ids = lax.broadcasted_iota(jnp.int32, dist.shape, 1)
    idx = jnp.min(jnp.where(dist == m, ids, _NC), axis=1)
    idx_ref[0, 0, :] = idx

    @pl.when(i == 0)
    def _():
        loss_ref[...] = jnp.zeros((1, 1), jnp.float32)

    loss_ref[...] += jnp.sum(m, axis=(0, 1), keepdims=True)

    @pl.when(i == _NBLK - 1)
    def _():
        loss_ref[...] = loss_ref[...] * (1.0 / float(_N * _NF))


_tc_call = pl.pallas_call(
    _tc_body,
    grid=(_NBLK,),
    in_specs=[
        pl.BlockSpec((_BLK, _NF), lambda i: (i, 0)),
        pl.BlockSpec((_NF, _NC), lambda i: (0, 0)),
    ],
    out_specs=[
        pl.BlockSpec((1, 1, _BLK), lambda i: (i, 0, 0)),
        pl.BlockSpec((1, 1), lambda i: (0, 0)),
    ],
    out_shape=[
        jax.ShapeDtypeStruct((_NBLK, 1, _BLK), jnp.int32),
        jax.ShapeDtypeStruct((1, 1), jnp.float32),
    ],
)


@functools.cache
def _sc_gather_call():
    @functools.partial(
        pl.kernel,
        mesh=plsc.VectorSubcoreMesh(core_axis_name="c", subcore_axis_name="s"),
        out_type=jax.ShapeDtypeStruct((_B, _NF, _HW), jnp.float32),
        scratch_types=[
            pltpu.VMEM((_FPW, _NC), jnp.float32),
            pltpu.VMEM((_N,), jnp.int32),
            pltpu.VMEM((_B, _FPW, _HW), jnp.float32),
        ],
        compiler_params=pltpu.CompilerParams(
            needs_layout_passes=False, use_tc_tiling_on_sc=False
        ),
    )
    def _sc_gather(c_hbm, idx_hbm, out_hbm, tab_v, idx_v, vals_v):
        wid = lax.axis_index("s") * 2 + lax.axis_index("c")
        f0 = wid * _FPW
        pltpu.sync_copy(c_hbm.at[pl.ds(f0, _FPW)], tab_v)
        pltpu.sync_copy(idx_hbm, idx_v)

        iota = lax.iota(jnp.int32, _L)
        fvs = [jnp.full((_L,), f, jnp.int32) for f in range(_FPW)]
        for b in range(_B):
            @plsc.parallel_loop(0, _HW, _L, unroll=2)
            def body(i, b=b):
                s = i + iota
                perm = (s % 24) * 24 + s // 24 + b * _HW
                iv = plsc.load_gather(idx_v, [perm])
                for f in range(_FPW):
                    vals_v[b, f, pl.ds(i, _L)] = plsc.load_gather(
                        tab_v, [fvs[f], iv]
                    )
        for b in range(_B):
            pltpu.sync_copy(
                vals_v.at[b],
                out_hbm.at[b, pl.ds(f0, _FPW), :],
            )

    return _sc_gather


def kernel(x, centroids):
    x_flat = jnp.swapaxes(x, 1, -1).reshape(_N, _NF)
    idx, loss_sum = _tc_call(x_flat, centroids)
    x_q = _sc_gather_call()(centroids, idx.reshape(_N))
    x_q = x_q.reshape(x.shape)
    return x_q, loss_sum[0, 0]

# --- scband reference (transcript-rebuilt; emitter-appended) ---
"""Pipeline reference for scband-centroids-25271587570291 (READ-ONLY COPY).

The authoritative reference and input builder live on the scoring server;
editing this copy changes nothing except your own understanding.
"""

import jax, jax.numpy as jnp
import numpy as np

N_FEATURES = 256
N_CENTROIDS = 1024

def setup_inputs(seed: int = 0) -> dict:
    key = jax.random.key(seed)
    k1, k2 = jax.random.split(key)
    x = jax.random.normal(k1, (8, N_FEATURES, 24, 24), dtype=jnp.float32)
    centroids = jax.random.normal(k2, (N_FEATURES, N_CENTROIDS), dtype=jnp.float32)
    return {"x": x, "centroids": centroids}

def reference(x, centroids):
    # Eval-mode forward of Centroids (VQ with EMA buffers; no buffer update in eval).
    n_features = centroids.shape[0]
    if x.ndim > 2:
        # torch: x.transpose(-1, 1) swaps dim 1 and last dim
        x_t = jnp.swapaxes(x, 1, -1)
        flat_shape = x_t.shape
        x_flat = x_t.reshape(-1, n_features)
    else:
        x_flat = x
        flat_shape = None
    x_flat_sq = jnp.sum(x_flat ** 2, axis=1, keepdims=True)
    centroids_sq = jnp.sum(centroids ** 2, axis=0, keepdims=True)
    # addmm(beta=1, alpha=-2): dist = (c_sq + x_sq) - 2 * x_flat @ centroids
    dist = (centroids_sq + x_flat_sq) - 2.0 * (x_flat @ centroids)
    centroids_ind = jnp.argmax(-dist, axis=1)
    # F.embedding(ind, centroids.T) -> gather rows of centroids.T
    x_quantized = jnp.take(centroids.T, centroids_ind, axis=0)
    if x.ndim > 2:
        x_quantized = x_quantized.reshape(flat_shape)
        x_quantized = jnp.swapaxes(x_quantized, 1, -1)
    centroids_loss = jnp.mean((x - jax.lax.stop_gradient(x_quantized)) ** 2)
    x_quantized_st = x + jax.lax.stop_gradient(x_quantized - x)
    return x_quantized_st, centroids_loss

if __name__ == "__main__":
    import jax
    _d = setup_inputs()
    print(jax.jit(kernel)(*tuple(_d.values())))

</pallas_src>

<mosaic_0001>
#map = affine_map<(d0, d1) -> (0, 0)>
#map1 = affine_map<(d0, d1) -> (0)>
#map2 = affine_map<(d0, d1) -> (0, 0, 0)>
module attributes {stable_mosaic.version = 14 : i64} {
  func.func @_sc_gather(%arg0: i32, %arg1: i32, %arg2: memref<256x1024xf32, #tpu.memory_space<hbm>>, %arg3: memref<4608xi32, #tpu.memory_space<hbm>>, %arg4: memref<8x256x576xf32, #tpu.memory_space<hbm>>, %arg5: memref<8x1024xf32, #tpu.memory_space<vmem>>, %arg6: memref<4608xi32, #tpu.memory_space<vmem>>, %arg7: memref<8x8x576xf32, #tpu.memory_space<vmem>>) attributes {dimension_semantics = [#tpu.dimension_semantics<core_parallel>, #tpu.dimension_semantics<subcore_parallel>], iteration_bounds = array<i64: 2, 16>, scalar_prefetch = 0 : i64, scratch_operands = 3 : i64, tpu.core_type = #tpu.core_type<sc_vector_subcore>, window_params = [{transform_indices = #map}, {transform_indices = #map1}, {transform_indices = #map2}]} {
    %mul3A = arith.constant 2 : i32
    %mul3A_0 = arith.muli %arg1, %mul3A : i32
    %add3A = arith.addi %mul3A_0, %arg0 : i32
    %mul3A_1 = arith.constant 8 : i32
    %mul3A_2 = arith.muli %add3A, %mul3A_1 : i32
    "tpu.region"() ({
      %run_scoped3A_56 = tpu.sem_alloc : memref<!tpu.dma_semaphore, #tpu.memory_space<semaphore_mem>>
      %dma_start3A = arith.constant 0 : i32
      %dma_start3A_57 = tpu.memref_slice %arg2[%mul3A_2, %dma_start3A] : memref<256x1024xf32, #tpu.memory_space<hbm>> -> memref<8x1024xf32, #tpu.memory_space<hbm>>
      %dma_start3A_58 = arith.constant 0 : i32
      %dma_start3A_59 = tpu.memref_slice %arg2[%mul3A_2, %dma_start3A_58] : memref<256x1024xf32, #tpu.memory_space<hbm>> -> memref<8x1024xf32, #tpu.memory_space<hbm>>
      tpu.enqueue_dma source(%dma_start3A_59 : memref<8x1024xf32, #tpu.memory_space<hbm>>) target(%arg5 : memref<8x1024xf32, #tpu.memory_space<vmem>>) target_semaphore(%run_scoped3A_56 : memref<!tpu.dma_semaphore, #tpu.memory_space<semaphore_mem>>)
      %dma_wait3A = arith.constant 0 : i32
      %dma_wait3A_60 = tpu.memref_slice %arg2[%mul3A_2, %dma_wait3A] : memref<256x1024xf32, #tpu.memory_space<hbm>> -> memref<8x1024xf32, #tpu.memory_space<hbm>>
      %dma_wait3A_61 = arith.constant 0 : i32
      %dma_wait3A_62 = tpu.memref_slice %arg2[%mul3A_2, %dma_wait3A_61] : memref<256x1024xf32, #tpu.memory_space<hbm>> -> memref<8x1024xf32, #tpu.memory_space<hbm>>
      tpu.wait_dma2 semaphore(%run_scoped3A_56 : memref<!tpu.dma_semaphore, #tpu.memory_space<semaphore_mem>>) src(%dma_wait3A_62 : memref<8x1024xf32, #tpu.memory_space<hbm>>) dst(%arg5 : memref<8x1024xf32, #tpu.memory_space<vmem>>)
      tpu.yield
    }) : () -> ()
    "tpu.region"() ({
      %run_scoped3A_56 = tpu.sem_alloc : memref<!tpu.dma_semaphore, #tpu.memory_space<semaphore_mem>>
      tpu.enqueue_dma source(%arg3 : memref<4608xi32, #tpu.memory_space<hbm>>) target(%arg6 : memref<4608xi32, #tpu.memory_space<vmem>>) target_semaphore(%run_scoped3A_56 : memref<!tpu.dma_semaphore, #tpu.memory_space<semaphore_mem>>)
      tpu.wait_dma2 semaphore(%run_scoped3A_56 : memref<!tpu.dma_semaphore, #tpu.memory_space<semaphore_mem>>) src(%arg3 : memref<4608xi32, #tpu.memory_space<hbm>>) dst(%arg6 : memref<4608xi32, #tpu.memory_space<vmem>>)
      tpu.yield
    }) : () -> ()
    %iota3A = tpu.iota {dimensions = array<i32: 0>} : vector<16xi32>
    %broadcast_in_dim3A = arith.constant 0 : i32
    %broadcast_in_dim3A_3 = vector.broadcast %broadcast_in_dim3A : i32 to vector<16xi32>
    %broadcast_in_dim3A_4 = arith.constant 1 : i32
    %broadcast_in_dim3A_5 = vector.broadcast %broadcast_in_dim3A_4 : i32 to vector<16xi32>
    %broadcast_in_dim3A_6 = arith.constant 2 : i32
    %broadcast_in_dim3A_7 = vector.broadcast %broadcast_in_dim3A_6 : i32 to vector<16xi32>
    %broadcast_in_dim3A_8 = arith.constant 3 : i32
    %broadcast_in_dim3A_9 = vector.broadcast %broadcast_in_dim3A_8 : i32 to vector<16xi32>
    %broadcast_in_dim3A_10 = arith.constant 4 : i32
    %broadcast_in_dim3A_11 = vector.broadcast %broadcast_in_dim3A_10 : i32 to vector<16xi32>
    %broadcast_in_dim3A_12 = arith.constant 5 : i32
    %broadcast_in_dim3A_13 = vector.broadcast %broadcast_in_dim3A_12 : i32 to vector<16xi32>
    %broadcast_in_dim3A_14 = arith.constant 6 : i32
    %broadcast_in_dim3A_15 = vector.broadcast %broadcast_in_dim3A_14 : i32 to vector<16xi32>
    %broadcast_in_dim3A_16 = arith.constant 7 : i32
    %broadcast_in_dim3A_17 = vector.broadcast %broadcast_in_dim3A_16 : i32 to vector<16xi32>
    %parallel_loop3A = arith.constant 0 : i32
    %parallel_loop3A_18 = arith.constant 576 : i32
    %parallel_loop3A_19 = arith.constant 16 : i32
    scf.for %parallel_loop3A_56 = %parallel_loop3A to %parallel_loop3A_18 step %parallel_loop3A_19  : i32 {
      %parallel_loop3A_57 = vector.broadcast %parallel_loop3A_56 : i32 to vector<16xi32>
      %parallel_loop3A_58 = arith.addi %parallel_loop3A_57, %iota3A : vector<16xi32>
      %parallel_loop3A_59 = arith.constant 24 : i32
      %parallel_loop3A_60 = arith.constant 0 : i32
      %parallel_loop3A_61 = arith.cmpi eq, %parallel_loop3A_59, %parallel_loop3A_60 : i32
      %parallel_loop3A_62 = arith.constant 1 : i32
      %parallel_loop3A_63 = arith.select %parallel_loop3A_61, %parallel_loop3A_62, %parallel_loop3A_59 : i32
      %parallel_loop3A_64 = vector.broadcast %parallel_loop3A_63 : i32 to vector<16xi32>
      %parallel_loop3A_65 = arith.remsi %parallel_loop3A_58, %parallel_loop3A_64 : vector<16xi32>
      %parallel_loop3A_66 = arith.constant 0 : i32
      %parallel_loop3A_67 = vector.broadcast %parallel_loop3A_66 : i32 to vector<16xi32>
      %parallel_loop3A_68 = arith.cmpi ne, %parallel_loop3A_65, %parallel_loop3A_67 : vector<16xi32>
      %parallel_loop3A_69 = arith.constant 0 : i32
      %parallel_loop3A_70 = vector.broadcast %parallel_loop3A_69 : i32 to vector<16xi32>
      %parallel_loop3A_71 = arith.cmpi slt, %parallel_loop3A_65, %parallel_loop3A_70 : vector<16xi32>
      %parallel_loop3A_72 = arith.constant 0 : i32
      %parallel_loop3A_73 = arith.cmpi slt, %parallel_loop3A_63, %parallel_loop3A_72 : i32
      %parallel_loop3A_74 = vector.broadcast %parallel_loop3A_73 : i1 to vector<16xi1>
      %parallel_loop3A_75 = vector.broadcast %parallel_loop3A_74 : vector<16xi1> to vector<16xi1>
      %parallel_loop3A_76 = arith.xori %parallel_loop3A_71, %parallel_loop3A_75 : vector<16xi1>
      %parallel_loop3A_77 = arith.andi %parallel_loop3A_76, %parallel_loop3A_68 : vector<16xi1>
      %parallel_loop3A_78 = vector.broadcast %parallel_loop3A_63 : i32 to vector<16xi32>
      %parallel_loop3A_79 = arith.addi %parallel_loop3A_65, %parallel_loop3A_78 : vector<16xi32>
      %parallel_loop3A_80 = arith.select %parallel_loop3A_77, %parallel_loop3A_79, %parallel_loop3A_65 : vector<16xi1>, vector<16xi32>
      %parallel_loop3A_81 = arith.constant 24 : i32
      %parallel_loop3A_82 = vector.broadcast %parallel_loop3A_81 : i32 to vector<16xi32>
      %parallel_loop3A_83 = arith.muli %parallel_loop3A_80, %parallel_loop3A_82 : vector<16xi32>
      %parallel_loop3A_84 = arith.constant 24 : i32
      %parallel_loop3A_85 = vector.broadcast %parallel_loop3A_84 : i32 to vector<16xi32>
      %parallel_loop3A_86 = arith.divsi %parallel_loop3A_58, %parallel_loop3A_85 : vector<16xi32>
      %parallel_loop3A_87 = arith.constant 0 : i32
      %parallel_loop3A_88 = vector.broadcast %parallel_loop3A_87 : i32 to vector<16xi32>
      %parallel_loop3A_89 = arith.cmpi sgt, %parallel_loop3A_58, %parallel_loop3A_88 : vector<16xi32>
      %parallel_loop3A_90 = arith.extui %parallel_loop3A_89 : vector<16xi1> to vector<16xi32>
      %parallel_loop3A_91 = arith.constant 0 : i32
      %parallel_loop3A_92 = vector.broadcast %parallel_loop3A_91 : i32 to vector<16xi32>
      %parallel_loop3A_93 = arith.cmpi slt, %parallel_loop3A_58, %parallel_loop3A_92 : vector<16xi32>
      %parallel_loop3A_94 = arith.extui %parallel_loop3A_93 : vector<16xi1> to vector<16xi32>
      %parallel_loop3A_95 = arith.subi %parallel_loop3A_90, %parallel_loop3A_94 : vector<16xi32>
      %parallel_loop3A_96 = arith.constant 0 : i32
      %parallel_loop3A_97 = arith.cmpi sgt, %parallel_loop3A_84, %parallel_loop3A_96 : i32
      %parallel_loop3A_98 = arith.extui %parallel_loop3A_97 : i1 to i32
      %parallel_loop3A_99 = arith.constant 0 : i32
      %parallel_loop3A_100 = arith.cmpi slt, %parallel_loop3A_84, %parallel_loop3A_99 : i32
      %parallel_loop3A_101 = arith.extui %parallel_loop3A_100 : i1 to i32
      %parallel_loop3A_102 = arith.subi %parallel_loop3A_98, %parallel_loop3A_101 : i32
      %parallel_loop3A_103 = vector.broadcast %parallel_loop3A_102 : i32 to vector<16xi32>
      %parallel_loop3A_104 = arith.cmpi ne, %parallel_loop3A_95, %parallel_loop3A_103 : vector<16xi32>
      %parallel_loop3A_105 = vector.broadcast %parallel_loop3A_84 : i32 to vector<16xi32>
      %parallel_loop3A_106 = arith.remsi %parallel_loop3A_58, %parallel_loop3A_105 : vector<16xi32>
      %parallel_loop3A_107 = arith.constant 0 : i32
      %parallel_loop3A_108 = vector.broadcast %parallel_loop3A_107 : i32 to vector<16xi32>
      %parallel_loop3A_109 = arith.cmpi ne, %parallel_loop3A_106, %parallel_loop3A_108 : vector<16xi32>
      %parallel_loop3A_110 = arith.andi %parallel_loop3A_104, %parallel_loop3A_109 : vector<16xi1>
      %parallel_loop3A_111 = arith.constant 1 : i32
      %parallel_loop3A_112 = vector.broadcast %parallel_loop3A_111 : i32 to vector<16xi32>
      %parallel_loop3A_113 = arith.subi %parallel_loop3A_86, %parallel_loop3A_112 : vector<16xi32>
      %parallel_loop3A_114 = arith.select %parallel_loop3A_110, %parallel_loop3A_113, %parallel_loop3A_86 : vector<16xi1>, vector<16xi32>
      %parallel_loop3A_115 = arith.addi %parallel_loop3A_83, %parallel_loop3A_114 : vector<16xi32>
      %parallel_loop3A_116 = arith.constant 0 : i32
      %parallel_loop3A_117 = vector.broadcast %parallel_loop3A_116 : i32 to vector<16xi32>
      %parallel_loop3A_118 = arith.addi %parallel_loop3A_115, %parallel_loop3A_117 : vector<16xi32>
      %parallel_loop3A_119 = tpu.vector_load_idx %arg6[%parallel_loop3A_118] : memref<4608xi32, #tpu.memory_space<vmem>>[vector<16xi32>], vector<16xi32>,
      %parallel_loop3A_120 = tpu.vector_load_idx %arg5[%broadcast_in_dim3A_3, %parallel_loop3A_119] : memref<8x1024xf32, #tpu.memory_space<vmem>>[vector<16xi32>, vector<16xi32>], vector<16xf32>,
      %parallel_loop3A_121 = arith.constant 0 : i32
      %parallel_loop3A_122 = arith.constant 0 : i32
      %parallel_loop3A_123 = arith.index_cast %parallel_loop3A_121 : i32 to index
      %parallel_loop3A_124 = arith.index_cast %parallel_loop3A_122 : i32 to index
      %parallel_loop3A_125 = arith.index_cast %parallel_loop3A_56 : i32 to index
      %parallel_loop3A_126 = tpu.vector_load %arg7[%parallel_loop3A_123, %parallel_loop3A_124, %parallel_loop3A_125] {strides = array<i32>} : memref<8x8x576xf32, #tpu.memory_space<vmem>>, vector<16xf32>,
      tpu.vector_store %arg7[%parallel_loop3A_123, %parallel_loop3A_124, %parallel_loop3A_125], %parallel_loop3A_120 {strides = array<i32>} : memref<8x8x576xf32, #tpu.memory_space<vmem>>, vector<16xf32>,
      %parallel_loop3A_127 = tpu.vector_load_idx %arg5[%broadcast_in_dim3A_5, %parallel_loop3A_119] : memref<8x1024xf32, #tpu.memory_space<vmem>>[vector<16xi32>, vector<16xi32>], vector<16xf32>,
      %parallel_loop3A_128 = arith.constant 0 : i32
      %parallel_loop3A_129 = arith.constant 1 : i32
      %parallel_loop3A_130 = arith.index_cast %parallel_loop3A_128 : i32 to index
      %parallel_loop3A_131 = arith.index_cast %parallel_loop3A_129 : i32 to index
      %parallel_loop3A_132 = arith.index_cast %parallel_loop3A_56 : i32 to index
      %parallel_loop3A_133 = tpu.vector_load %arg7[%parallel_loop3A_130, %parallel_loop3A_131, %parallel_loop3A_132] {strides = array<i32>} : memref<8x8x576xf32, #tpu.memory_space<vmem>>, vector<16xf32>,
      tpu.vector_store %arg7[%parallel_loop3A_130, %parallel_loop3A_131, %parallel_loop3A_132], %parallel_loop3A_127 {strides = array<i32>} : memref<8x8x576xf32, #tpu.memory_space<vmem>>, vector<16xf32>,
      %parallel_loop3A_134 = tpu.vector_load_idx %arg5[%broadcast_in_dim3A_7, %parallel_loop3A_119] : memref<8x1024xf32, #tpu.memory_space<vmem>>[vector<16xi32>, vector<16xi32>], vector<16xf32>,
      %parallel_loop3A_135 = arith.constant 0 : i32
      %parallel_loop3A_136 = arith.constant 2 : i32
      %parallel_loop3A_137 = arith.index_cast %parallel_loop3A_135 : i32 to index
      %parallel_loop3A_138 = arith.index_cast %parallel_loop3A_136 : i32 to index
      %parallel_loop3A_139 = arith.index_cast %parallel_loop3A_56 : i32 to index
      %parallel_loop3A_140 = tpu.vector_load %arg7[%parallel_loop3A_137, %parallel_loop3A_138, %parallel_loop3A_139] {strides = array<i32>} : memref<8x8x576xf32, #tpu.memory_space<vmem>>, vector<16xf32>,
      tpu.vector_store %arg7[%parallel_loop3A_137, %parallel_loop3A_138, %parallel_loop3A_139], %parallel_loop3A_134 {strides = array<i32>} : memref<8x8x576xf32, #tpu.memory_space<vmem>>, vector<16xf32>,
      %parallel_loop3A_141 = tpu.vector_load_idx %arg5[%broadcast_in_dim3A_9, %parallel_loop3A_119] : memref<8x1024xf32, #tpu.memory_space<vmem>>[vector<16xi32>, vector<16xi32>], vector<16xf32>,
      %parallel_loop3A_142 = arith.constant 0 : i32
      %parallel_loop3A_143 = arith.constant 3 : i32
      %parallel_loop3A_144 = arith.index_cast %parallel_loop3A_142 : i32 to index
      %parallel_loop3A_145 = arith.index_cast %parallel_loop3A_143 : i32 to index
      %parallel_loop3A_146 = arith.index_cast %parallel_loop3A_56 : i32 to index
      %parallel_loop3A_147 = tpu.vector_load %arg7[%parallel_loop3A_144, %parallel_loop3A_145, %parallel_loop3A_146] {strides = array<i32>} : memref<8x8x576xf32, #tpu.memory_space<vmem>>, vector<16xf32>,
      tpu.vector_store %arg7[%parallel_loop3A_144, %parallel_loop3A_145, %parallel_loop3A_146], %parallel_loop3A_141 {strides = array<i32>} : memref<8x8x576xf32, #tpu.memory_space<vmem>>, vector<16xf32>,
      %parallel_loop3A_148 = tpu.vector_load_idx %arg5[%broadcast_in_dim3A_11, %parallel_loop3A_119] : memref<8x1024xf32, #tpu.memory_space<vmem>>[vector<16xi32>, vector<16xi32>], vector<16xf32>,
      %parallel_loop3A_149 = arith.constant 0 : i32
      %parallel_loop3A_150 = arith.constant 4 : i32
      %parallel_loop3A_151 = arith.index_cast %parallel_loop3A_149 : i32 to index
      %parallel_loop3A_152 = arith.index_cast %parallel_loop3A_150 : i32 to index
      %parallel_loop3A_153 = arith.index_cast %parallel_loop3A_56 : i32 to index
      %parallel_loop3A_154 = tpu.vector_load %arg7[%parallel_loop3A_151, %parallel_loop3A_152, %parallel_loop3A_153] {strides = array<i32>} : memref<8x8x576xf32, #tpu.memory_space<vmem>>, vector<16xf32>,
      tpu.vector_store %arg7[%parallel_loop3A_151, %parallel_loop3A_152, %parallel_loop3A_153], %parallel_loop3A_148 {strides = array<i32>} : memref<8x8x576xf32, #tpu.memory_space<vmem>>, vector<16xf32>,
      %parallel_loop3A_155 = tpu.vector_load_idx %arg5[%broadcast_in_dim3A_13, %parallel_loop3A_119] : memref<8x1024xf32, #tpu.memory_space<vmem>>[vector<16xi32>, vector<16xi32>], vector<16xf32>,
      %parallel_loop3A_156 = arith.constant 0 : i32
      %parallel_loop3A_157 = arith.constant 5 : i32
      %parallel_loop3A_158 = arith.index_cast %parallel_loop3A_156 : i32 to index
      %parallel_loop3A_159 = arith.index_cast %parallel_loop3A_157 : i32 to index
      %parallel_loop3A_160 = arith.index_cast %parallel_loop3A_56 : i32 to index
      %parallel_loop3A_161 = tpu.vector_load %arg7[%parallel_loop3A_158, %parallel_loop3A_159, %parallel_loop3A_160] {strides = array<i32>} : memref<8x8x576xf32, #tpu.memory_space<vmem>>, vector<16xf32>,
      tpu.vector_store %arg7[%parallel_loop3A_158, %parallel_loop3A_159, %parallel_loop3A_160], %parallel_loop3A_155 {strides = array<i32>} : memref<8x8x576xf32, #tpu.memory_space<vmem>>, vector<16xf32>,
      %parallel_loop3A_162 = tpu.vector_load_idx %arg5[%broadcast_in_dim3A_15, %parallel_loop3A_119] : memref<8x1024xf32, #tpu.memory_space<vmem>>[vector<16xi32>, vector<16xi32>], vector<16xf32>,
      %parallel_loop3A_163 = arith.constant 0 : i32
      %parallel_loop3A_164 = arith.constant 6 : i32
      %parallel_loop3A_165 = arith.index_cast %parallel_loop3A_163 : i32 to index
      %parallel_loop3A_166 = arith.index_cast %parallel_loop3A_164 : i32 to index
      %parallel_loop3A_167 = arith.index_cast %parallel_loop3A_56 : i32 to index
      %parallel_loop3A_168 = tpu.vector_load %arg7[%parallel_loop3A_165, %parallel_loop3A_166, %parallel_loop3A_167] {strides = array<i32>} : memref<8x8x576xf32, #tpu.memory_space<vmem>>, vector<16xf32>,
      tpu.vector_store %arg7[%parallel_loop3A_165, %parallel_loop3A_166, %parallel_loop3A_167], %parallel_loop3A_162 {strides = array<i32>} : memref<8x8x576xf32, #tpu.memory_space<vmem>>, vector<16xf32>,
      %parallel_loop3A_169 = tpu.vector_load_idx %arg5[%broadcast_in_dim3A_17, %parallel_loop3A_119] : memref<8x1024xf32, #tpu.memory_space<vmem>>[vector<16xi32>, vector<16xi32>], vector<16xf32>,
      %parallel_loop3A_170 = arith.constant 0 : i32
      %parallel_loop3A_171 = arith.constant 7 : i32
      %parallel_loop3A_172 = arith.index_cast %parallel_loop3A_170 : i32 to index
      %parallel_loop3A_173 = arith.index_cast %parallel_loop3A_171 : i32 to index
      %parallel_loop3A_174 = arith.index_cast %parallel_loop3A_56 : i32 to index
      %parallel_loop3A_175 = tpu.vector_load %arg7[%parallel_loop3A_172, %parallel_loop3A_173, %parallel_loop3A_174] {strides = array<i32>} : memref<8x8x576xf32, #tpu.memory_space<vmem>>, vector<16xf32>,
      tpu.vector_store %arg7[%parallel_loop3A_172, %parallel_loop3A_173, %parallel_loop3A_174], %parallel_loop3A_169 {strides = array<i32>} : memref<8x8x576xf32, #tpu.memory_space<vmem>>, vector<16xf32>,
    } {sc.loop_unroll_factor = 2 : i64, sc.parallel_access}
    %parallel_loop3A_20 = arith.constant 0 : i32
    %parallel_loop3A_21 = arith.constant 576 : i32
    %parallel_loop3A_22 = arith.constant 16 : i32
    scf.for %parallel_loop3A_56 = %parallel_loop3A_20 to %parallel_loop3A_21 step %parallel_loop3A_22  : i32 {
      %parallel_loop3A_57 = vector.broadcast %parallel_loop3A_56 : i32 to vector<16xi32>
      %parallel_loop3A_58 = arith.addi %parallel_loop3A_57, %iota3A : vector<16xi32>
      %parallel_loop3A_59 = arith.constant 24 : i32
      %parallel_loop3A_60 = arith.constant 0 : i32
      %parallel_loop3A_61 = arith.cmpi eq, %parallel_loop3A_59, %parallel_loop3A_60 : i32
      %parallel_loop3A_62 = arith.constant 1 : i32
      %parallel_loop3A_63 = arith.select %parallel_loop3A_61, %parallel_loop3A_62, %parallel_loop3A_59 : i32
      %parallel_loop3A_64 = vector.broadcast %parallel_loop3A_63 : i32 to vector<16xi32>
      %parallel_loop3A_65 = arith.remsi %parallel_loop3A_58, %parallel_loop3A_64 : vector<16xi32>
      %parallel_loop3A_66 = arith.constant 0 : i32
      %parallel_loop3A_67 = vector.broadcast %parallel_loop3A_66 : i32 to vector<16xi32>
      %parallel_loop3A_68 = arith.cmpi ne, %parallel_loop3A_65, %parallel_loop3A_67 : vector<16xi32>
      %parallel_loop3A_69 = arith.constant 0 : i32
      %parallel_loop3A_70 = vector.broadcast %parallel_loop3A_69 : i32 to vector<16xi32>
      %parallel_loop3A_71 = arith.cmpi slt, %parallel_loop3A_65, %parallel_loop3A_70 : vector<16xi32>
      %parallel_loop3A_72 = arith.constant 0 : i32
      %parallel_loop3A_73 = arith.cmpi slt, %parallel_loop3A_63, %parallel_loop3A_72 : i32
      %parallel_loop3A_74 = vector.broadcast %parallel_loop3A_73 : i1 to vector<16xi1>
      %parallel_loop3A_75 = vector.broadcast %parallel_loop3A_74 : vector<16xi1> to vector<16xi1>
      %parallel_loop3A_76 = arith.xori %parallel_loop3A_71, %parallel_loop3A_75 : vector<16xi1>
      %parallel_loop3A_77 = arith.andi %parallel_loop3A_76, %parallel_loop3A_68 : vector<16xi1>
      %parallel_loop3A_78 = vector.broadcast %parallel_loop3A_63 : i32 to vector<16xi32>
      %parallel_loop3A_79 = arith.addi %parallel_loop3A_65, %parallel_loop3A_78 : vector<16xi32>
      %parallel_loop3A_80 = arith.select %parallel_loop3A_77, %parallel_loop3A_79, %parallel_loop3A_65 : vector<16xi1>, vector<16xi32>
      %parallel_loop3A_81 = arith.constant 24 : i32
      %parallel_loop3A_82 = vector.broadcast %parallel_loop3A_81 : i32 to vector<16xi32>
      %parallel_loop3A_83 = arith.muli %parallel_loop3A_80, %parallel_loop3A_82 : vector<16xi32>
      %parallel_loop3A_84 = arith.constant 24 : i32
      %parallel_loop3A_85 = vector.broadcast %parallel_loop3A_84 : i32 to vector<16xi32>
      %parallel_loop3A_86 = arith.divsi %parallel_loop3A_58, %parallel_loop3A_85 : vector<16xi32>
      %parallel_loop3A_87 = arith.constant 0 : i32
      %parallel_loop3A_88 = vector.broadcast %parallel_loop3A_87 : i32 to vector<16xi32>
      %parallel_loop3A_89 = arith.cmpi sgt, %parallel_loop3A_58, %parallel_loop3A_88 : vector<16xi32>
      %parallel_loop3A_90 = arith.extui %parallel_loop3A_89 : vector<16xi1> to vector<16xi32>
      %parallel_loop3A_91 = arith.constant 0 : i32
      %parallel_loop3A_92 = vector.broadcast %parallel_loop3A_91 : i32 to vector<16xi32>
      %parallel_loop3A_93 = arith.cmpi slt, %parallel_loop3A_58, %parallel_loop3A_92 : vector<16xi32>
      %parallel_loop3A_94 = arith.extui %parallel_loop3A_93 : vector<16xi1> to vector<16xi32>
      %parallel_loop3A_95 = arith.subi %parallel_loop3A_90, %parallel_loop3A_94 : vector<16xi32>
      %parallel_loop3A_96 = arith.constant 0 : i32
      %parallel_loop3A_97 = arith.cmpi sgt, %parallel_loop3A_84, %parallel_loop3A_96 : i32
      %parallel_loop3A_98 = arith.extui %parallel_loop3A_97 : i1 to i32
      %parallel_loop3A_99 = arith.constant 0 : i32
      %parallel_loop3A_100 = arith.cmpi slt, %parallel_loop3A_84, %parallel_loop3A_99 : i32
      %parallel_loop3A_101 = arith.extui %parallel_loop3A_100 : i1 to i32
      %parallel_loop3A_102 = arith.subi %parallel_loop3A_98, %parallel_loop3A_101 : i32
      %parallel_loop3A_103 = vector.broadcast %parallel_loop3A_102 : i32 to vector<16xi32>
      %parallel_loop3A_104 = arith.cmpi ne, %parallel_loop3A_95, %parallel_loop3A_103 : vector<16xi32>
      %parallel_loop3A_105 = vector.broadcast %parallel_loop3A_84 : i32 to vector<16xi32>
      %parallel_loop3A_106 = arith.remsi %parallel_loop3A_58, %parallel_loop3A_105 : vector<16xi32>
      %parallel_loop3A_107 = arith.constant 0 : i32
      %parallel_loop3A_108 = vector.broadcast %parallel_loop3A_107 : i32 to vector<16xi32>
      %parallel_loop3A_109 = arith.cmpi ne, %parallel_loop3A_106, %parallel_loop3A_108 : vector<16xi32>
      %parallel_loop3A_110 = arith.andi %parallel_loop3A_104, %parallel_loop3A_109 : vector<16xi1>
      %parallel_loop3A_111 = arith.constant 1 : i32
      %parallel_loop3A_112 = vector.broadcast %parallel_loop3A_111 : i32 to vector<16xi32>
      %parallel_loop3A_113 = arith.subi %parallel_loop3A_86, %parallel_loop3A_112 : vector<16xi32>
      %parallel_loop3A_114 = arith.select %parallel_loop3A_110, %parallel_loop3A_113, %parallel_loop3A_86 : vector<16xi1>, vector<16xi32>
      %parallel_loop3A_115 = arith.addi %parallel_loop3A_83, %parallel_loop3A_114 : vector<16xi32>
      %parallel_loop3A_116 = arith.constant 576 : i32
      %parallel_loop3A_117 = vector.broadcast %parallel_loop3A_116 : i32 to vector<16xi32>
      %parallel_loop3A_118 = arith.addi %parallel_loop3A_115, %parallel_loop3A_117 : vector<16xi32>
      %parallel_loop3A_119 = tpu.vector_load_idx %arg6[%parallel_loop3A_118] : memref<4608xi32, #tpu.memory_space<vmem>>[vector<16xi32>], vector<16xi32>,
      %parallel_loop3A_120 = tpu.vector_load_idx %arg5[%broadcast_in_dim3A_3, %parallel_loop3A_119] : memref<8x1024xf32, #tpu.memory_space<vmem>>[vector<16xi32>, vector<16xi32>], vector<16xf32>,
      %parallel_loop3A_121 = arith.constant 1 : i32
      %parallel_loop3A_122 = arith.constant 0 : i32
      %parallel_loop3A_123 = arith.index_cast %parallel_loop3A_121 : i32 to index
      %parallel_loop3A_124 = arith.index_cast %parallel_loop3A_122 : i32 to index
      %parallel_loop3A_125 = arith.index_cast %parallel_loop3A_56 : i32 to index
      %parallel_loop3A_126 = tpu.vector_load %arg7[%parallel_loop3A_123, %parallel_loop3A_124, %parallel_loop3A_125] {strides = array<i32>} : memref<8x8x576xf32, #tpu.memory_space<vmem>>, vector<16xf32>,
      tpu.vector_store %arg7[%parallel_loop3A_123, %parallel_loop3A_124, %parallel_loop3A_125], %parallel_loop3A_120 {strides = array<i32>} : memref<8x8x576xf32, #tpu.memory_space<vmem>>, vector<16xf32>,
      %parallel_loop3A_127 = tpu.vector_load_idx %arg5[%broadcast_in_dim3A_5, %parallel_loop3A_119] : memref<8x1024xf32, #tpu.memory_space<vmem>>[vector<16xi32>, vector<16xi32>], vector<16xf32>,
      %parallel_loop3A_128 = arith.constant 1 : i32
      %parallel_loop3A_129 = arith.constant 1 : i32
      %parallel_loop3A_130 = arith.index_cast %parallel_loop3A_128 : i32 to index
      %parallel_loop3A_131 = arith.index_cast %parallel_loop3A_129 : i32 to index
      %parallel_loop3A_132 = arith.index_cast %parallel_loop3A_56 : i32 to index
      %parallel_loop3A_133 = tpu.vector_load %arg7[%parallel_loop3A_130, %parallel_loop3A_131, %parallel_loop3A_132] {strides = array<i32>} : memref<8x8x576xf32, #tpu.memory_space<vmem>>, vector<16xf32>,
      tpu.vector_store %arg7[%parallel_loop3A_130, %parallel_loop3A_131, %parallel_loop3A_132], %parallel_loop3A_127 {strides = array<i32>} : memref<8x8x576xf32, #tpu.memory_space<vmem>>, vector<16xf32>,
      %parallel_loop3A_134 = tpu.vector_load_idx %arg5[%broadcast_in_dim3A_7, %parallel_loop3A_119] : memref<8x1024xf32, #tpu.memory_space<vmem>>[vector<16xi32>, vector<16xi32>], vector<16xf32>,
      %parallel_loop3A_135 = arith.constant 1 : i32
      %parallel_loop3A_136 = arith.constant 2 : i32
      %parallel_loop3A_137 = arith.index_cast %parallel_loop3A_135 : i32 to index
      %parallel_loop3A_138 = arith.index_cast %parallel_loop3A_136 : i32 to index
      %parallel_loop3A_139 = arith.index_cast %parallel_loop3A_56 : i32 to index
      %parallel_loop3A_140 = tpu.vector_load %arg7[%parallel_loop3A_137, %parallel_loop3A_138, %parallel_loop3A_139] {strides = array<i32>} : memref<8x8x576xf32, #tpu.memory_space<vmem>>, vector<16xf32>,
      tpu.vector_store %arg7[%parallel_loop3A_137, %parallel_loop3A_138, %parallel_loop3A_139], %parallel_loop3A_134 {strides = array<i32>} : memref<8x8x576xf32, #tpu.memory_space<vmem>>, vector<16xf32>,
      %parallel_loop3A_141 = tpu.vector_load_idx %arg5[%broadcast_in_dim3A_9, %parallel_loop3A_119] : memref<8x1024xf32, #tpu.memory_space<vmem>>[vector<16xi32>, vector<16xi32>], vector<16xf32>,
      %parallel_loop3A_142 = arith.constant 1 : i32
      %parallel_loop3A_143 = arith.constant 3 : i32
      %parallel_loop3A_144 = arith.index_cast %parallel_loop3A_142 : i32 to index
      %parallel_loop3A_145 = arith.index_cast %parallel_loop3A_143 : i32 to index
      %parallel_loop3A_146 = arith.index_cast %parallel_loop3A_56 : i32 to index
      %parallel_loop3A_147 = tpu.vector_load %arg7[%parallel_loop3A_144, %parallel_loop3A_145, %parallel_loop3A_146] {strides = array<i32>} : memref<8x8x576xf32, #tpu.memory_space<vmem>>, vector<16xf32>,
      tpu.vector_store %arg7[%parallel_loop3A_144, %parallel_loop3A_145, %parallel_loop3A_146], %parallel_loop3A_141 {strides = array<i32>} : memref<8x8x576xf32, #tpu.memory_space<vmem>>, vector<16xf32>,
      %parallel_loop3A_148 = tpu.vector_load_idx %arg5[%broadcast_in_dim3A_11, %parallel_loop3A_119] : memref<8x1024xf32, #tpu.memory_space<vmem>>[vector<16xi32>, vector<16xi32>], vector<16xf32>,
      %parallel_loop3A_149 = arith.constant 1 : i32
      %parallel_loop3A_150 = arith.constant 4 : i32
      %parallel_loop3A_151 = arith.index_cast %parallel_loop3A_149 : i32 to index
      %parallel_loop3A_152 = arith.index_cast %parallel_loop3A_150 : i32 to index
      %parallel_loop3A_153 = arith.index_cast %parallel_loop3A_56 : i32 to index
      %parallel_loop3A_154 = tpu.vector_load %arg7[%parallel_loop3A_151, %parallel_loop3A_152, %parallel_loop3A_153] {strides = array<i32>} : memref<8x8x576xf32, #tpu.memory_space<vmem>>, vector<16xf32>,
      tpu.vector_store %arg7[%parallel_loop3A_151, %parallel_loop3A_152, %parallel_loop3A_153], %parallel_loop3A_148 {strides = array<i32>} : memref<8x8x576xf32, #tpu.memory_space<vmem>>, vector<16xf32>,
      %parallel_loop3A_155 = tpu.vector_load_idx %arg5[%broadcast_in_dim3A_13, %parallel_loop3A_119] : memref<8x1024xf32, #tpu.memory_space<vmem>>[vector<16xi32>, vector<16xi32>], vector<16xf32>,
      %parallel_loop3A_156 = arith.constant 1 : i32
      %parallel_loop3A_157 = arith.constant 5 : i32
      %parallel_loop3A_158 = arith.index_cast %parallel_loop3A_156 : i32 to index
      %parallel_loop3A_159 = arith.index_cast %parallel_loop3A_157 : i32 to index
      %parallel_loop3A_160 = arith.index_cast %parallel_loop3A_56 : i32 to index
      %parallel_loop3A_161 = tpu.vector_load %arg7[%parallel_loop3A_158, %parallel_loop3A_159, %parallel_loop3A_160] {strides = array<i32>} : memref<8x8x576xf32, #tpu.memory_space<vmem>>, vector<16xf32>,
      tpu.vector_store %arg7[%parallel_loop3A_158, %parallel_loop3A_159, %parallel_loop3A_160], %parallel_loop3A_155 {strides = array<i32>} : memref<8x8x576xf32, #tpu.memory_space<vmem>>, vector<16xf32>,
      %parallel_loop3A_162 = tpu.vector_load_idx %arg5[%broadcast_in_dim3A_15, %parallel_loop3A_119] : memref<8x1024xf32, #tpu.memory_space<vmem>>[vector<16xi32>, vector<16xi32>], vector<16xf32>,
      %parallel_loop3A_163 = arith.constant 1 : i32
      %parallel_loop3A_164 = arith.constant 6 : i32
      %parallel_loop3A_165 = arith.index_cast %parallel_loop3A_163 : i32 to index
      %parallel_loop3A_166 = arith.index_cast %parallel_loop3A_164 : i32 to index
      %parallel_loop3A_167 = arith.index_cast %parallel_loop3A_56 : i32 to index
      %parallel_loop3A_168 = tpu.vector_load %arg7[%parallel_loop3A_165, %parallel_loop3A_166, %parallel_loop3A_167] {strides = array<i32>} : memref<8x8x576xf32, #tpu.memory_space<vmem>>, vector<16xf32>,
      tpu.vector_store %arg7[%parallel_loop3A_165, %parallel_loop3A_166, %parallel_loop3A_167], %parallel_loop3A_162 {strides = array<i32>} : memref<8x8x576xf32, #tpu.memory_space<vmem>>, vector<16xf32>,
      %parallel_loop3A_169 = tpu.vector_load_idx %arg5[%broadcast_in_dim3A_17, %parallel_loop3A_119] : memref<8x1024xf32, #tpu.memory_space<vmem>>[vector<16xi32>, vector<16xi32>], vector<16xf32>,
      %parallel_loop3A_170 = arith.constant 1 : i32
      %parallel_loop3A_171 = arith.constant 7 : i32
      %parallel_loop3A_172 = arith.index_cast %parallel_loop3A_170 : i32 to index
      %parallel_loop3A_173 = arith.index_cast %parallel_loop3A_171 : i32 to index
      %parallel_loop3A_174 = arith.index_cast %parallel_loop3A_56 : i32 to index
      %parallel_loop3A_175 = tpu.vector_load %arg7[%parallel_loop3A_172, %parallel_loop3A_173, %parallel_loop3A_174] {strides = array<i32>} : memref<8x8x576xf32, #tpu.memory_space<vmem>>, vector<16xf32>,
      tpu.vector_store %arg7[%parallel_loop3A_172, %parallel_loop3A_173, %parallel_loop3A_174], %parallel_loop3A_169 {strides = array<i32>} : memref<8x8x576xf32, #tpu.memory_space<vmem>>, vector<16xf32>,
    } {sc.loop_unroll_factor = 2 : i64, sc.parallel_access}
    %parallel_loop3A_23 = arith.constant 0 : i32
    %parallel_loop3A_24 = arith.constant 576 : i32
    %parallel_loop3A_25 = arith.constant 16 : i32
    scf.for %parallel_loop3A_56 = %parallel_loop3A_23 to %parallel_loop3A_24 step %parallel_loop3A_25  : i32 {
      %parallel_loop3A_57 = vector.broadcast %parallel_loop3A_56 : i32 to vector<16xi32>
      %parallel_loop3A_58 = arith.addi %parallel_loop3A_57, %iota3A : vector<16xi32>
      %parallel_loop3A_59 = arith.constant 24 : i32
      %parallel_loop3A_60 = arith.constant 0 : i32
      %parallel_loop3A_61 = arith.cmpi eq, %parallel_loop3A_59, %parallel_loop3A_60 : i32
      %parallel_loop3A_62 = arith.constant 1 : i32
      %parallel_loop3A_63 = arith.select %parallel_loop3A_61, %parallel_loop3A_62, %parallel_loop3A_59 : i32
      %parallel_loop3A_64 = vector.broadcast %parallel_loop3A_63 : i32 to vector<16xi32>
      %parallel_loop3A_65 = arith.remsi %parallel_loop3A_58, %parallel_loop3A_64 : vector<16xi32>
      %parallel_loop3A_66 = arith.constant 0 : i32
      %parallel_loop3A_67 = vector.broadcast %parallel_loop3A_66 : i32 to vector<16xi32>
      %parallel_loop3A_68 = arith.cmpi ne, %parallel_loop3A_65, %parallel_loop3A_67 : vector<16xi32>
      %parallel_loop3A_69 = arith.constant 0 : i32
      %parallel_loop3A_70 = vector.broadcast %parallel_loop3A_69 : i32 to vector<16xi32>
      %parallel_loop3A_71 = arith.cmpi slt, %parallel_loop3A_65, %parallel_loop3A_70 : vector<16xi32>
      %parallel_loop3A_72 = arith.constant 0 : i32
      %parallel_loop3A_73 = arith.cmpi slt, %parallel_loop3A_63, %parallel_loop3A_72 : i32
      %parallel_loop3A_74 = vector.broadcast %parallel_loop3A_73 : i1 to vector<16xi1>
      %parallel_loop3A_75 = vector.broadcast %parallel_loop3A_74 : vector<16xi1> to vector<16xi1>
      %parallel_loop3A_76 = arith.xori %parallel_loop3A_71, %parallel_loop3A_75 : vector<16xi1>
      %parallel_loop3A_77 = arith.andi %parallel_loop3A_76, %parallel_loop3A_68 : vector<16xi1>
      %parallel_loop3A_78 = vector.broadcast %parallel_loop3A_63 : i32 to vector<16xi32>
      %parallel_loop3A_79 = arith.addi %parallel_loop3A_65, %parallel_loop3A_78 : vector<16xi32>
      %parallel_loop3A_80 = arith.select %parallel_loop3A_77, %parallel_loop3A_79, %parallel_loop3A_65 : vector<16xi1>, vector<16xi32>
      %parallel_loop3A_81 = arith.constant 24 : i32
      %parallel_loop3A_82 = vector.broadcast %parallel_loop3A_81 : i32 to vector<16xi32>
      %parallel_loop3A_83 = arith.muli %parallel_loop3A_80, %parallel_loop3A_82 : vector<16xi32>
      %parallel_loop3A_84 = arith.constant 24 : i32
      %parallel_loop3A_85 = vector.broadcast %parallel_loop3A_84 : i32 to vector<16xi32>
      %parallel_loop3A_86 = arith.divsi %parallel_loop3A_58, %parallel_loop3A_85 : vector<16xi32>
      %parallel_loop3A_87 = arith.constant 0 : i32
      %parallel_loop3A_88 = vector.broadcast %parallel_loop3A_87 : i32 to vector<16xi32>
      %parallel_loop3A_89 = arith.cmpi sgt, %parallel_loop3A_58, %parallel_loop3A_88 : vector<16xi32>
      %parallel_loop3A_90 = arith.extui %parallel_loop3A_89 : vector<16xi1> to vector<16xi32>
      %parallel_loop3A_91 = arith.constant 0 : i32
      %parallel_loop3A_92 = vector.broadcast %parallel_loop3A_91 : i32 to vector<16xi32>
      %parallel_loop3A_93 = arith.cmpi slt, %parallel_loop3A_58, %parallel_loop3A_92 : vector<16xi32>
      %parallel_loop3A_94 = arith.extui %parallel_loop3A_93 : vector<16xi1> to vector<16xi32>
      %parallel_loop3A_95 = arith.subi %parallel_loop3A_90, %parallel_loop3A_94 : vector<16xi32>
      %parallel_loop3A_96 = arith.constant 0 : i32
      %parallel_loop3A_97 = arith.cmpi sgt, %parallel_loop3A_84, %parallel_loop3A_96 : i32
      %parallel_loop3A_98 = arith.extui %parallel_loop3A_97 : i1 to i32
      %parallel_loop3A_99 = arith.constant 0 : i32
      %parallel_loop3A_100 = arith.cmpi slt, %parallel_loop3A_84, %parallel_loop3A_99 : i32
      %parallel_loop3A_101 = arith.extui %parallel_loop3A_100 : i1 to i32
      %parallel_loop3A_102 = arith.subi %parallel_loop3A_98, %parallel_loop3A_101 : i32
      %parallel_loop3A_103 = vector.broadcast %parallel_loop3A_102 : i32 to vector<16xi32>
      %parallel_loop3A_104 = arith.cmpi ne, %parallel_loop3A_95, %parallel_loop3A_103 : vector<16xi32>
      %parallel_loop3A_105 = vector.broadcast %parallel_loop3A_84 : i32 to vector<16xi32>
      %parallel_loop3A_106 = arith.remsi %parallel_loop3A_58, %parallel_loop3A_105 : vector<16xi32>
      %parallel_loop3A_107 = arith.constant 0 : i32
      %parallel_loop3A_108 = vector.broadcast %parallel_loop3A_107 : i32 to vector<16xi32>
      %parallel_loop3A_109 = arith.cmpi ne, %parallel_loop3A_106, %parallel_loop3A_108 : vector<16xi32>
      %parallel_loop3A_110 = arith.andi %parallel_loop3A_104, %parallel_loop3A_109 : vector<16xi1>
      %parallel_loop3A_111 = arith.constant 1 : i32
      %parallel_loop3A_112 = vector.broadcast %parallel_loop3A_111 : i32 to vector<16xi32>
      %parallel_loop3A_113 = arith.subi %parallel_loop3A_86, %parallel_loop3A_112 : vector<16xi32>
      %parallel_loop3A_114 = arith.select %parallel_loop3A_110, %parallel_loop3A_113, %parallel_loop3A_86 : vector<16xi1>, vector<16xi32>
      %parallel_loop3A_115 = arith.addi %parallel_loop3A_83, %parallel_loop3A_114 : vector<16xi32>
      %parallel_loop3A_116 = arith.constant 1152 : i32
      %parallel_loop3A_117 = vector.broadcast %parallel_loop3A_116 : i32 to vector<16xi32>
      %parallel_loop3A_118 = arith.addi %parallel_loop3A_115, %parallel_loop3A_117 : vector<16xi32>
      %parallel_loop3A_119 = tpu.vector_load_idx %arg6[%parallel_loop3A_118] : memref<4608xi32, #tpu.memory_space<vmem>>[vector<16xi32>], vector<16xi32>,
      %parallel_loop3A_120 = tpu.vector_load_idx %arg5[%broadcast_in_dim3A_3, %parallel_loop3A_119] : memref<8x1024xf32, #tpu.memory_space<vmem>>[vector<16xi32>, vector<16xi32>], vector<16xf32>,
      %parallel_loop3A_121 = arith.constant 2 : i32
      %parallel_loop3A_122 = arith.constant 0 : i32
      %parallel_loop3A_123 = arith.index_cast %parallel_loop3A_121 : i32 to index
      %parallel_loop3A_124 = arith.index_cast %parallel_loop3A_122 : i32 to index
      %parallel_loop3A_125 = arith.index_cast %parallel_loop3A_56 : i32 to index
      %parallel_loop3A_126 = tpu.vector_load %arg7[%parallel_loop3A_123, %parallel_loop3A_124, %parallel_loop3A_125] {strides = array<i32>} : memref<8x8x576xf32, #tpu.memory_space<vmem>>, vector<16xf32>,
      tpu.vector_store %arg7[%parallel_loop3A_123, %parallel_loop3A_124, %parallel_loop3A_125], %parallel_loop3A_120 {strides = array<i32>} : memref<8x8x576xf32, #tpu.memory_space<vmem>>, vector<16xf32>,
      %parallel_loop3A_127 = tpu.vector_load_idx %arg5[%broadcast_in_dim3A_5, %parallel_loop3A_119] : memref<8x1024xf32, #tpu.memory_space<vmem>>[vector<16xi32>, vector<16xi32>], vector<16xf32>,
      %parallel_loop3A_128 = arith.constant 2 : i32
      %parallel_loop3A_129 = arith.constant 1 : i32
      %parallel_loop3A_130 = arith.index_cast %parallel_loop3A_128 : i32 to index
      %parallel_loop3A_131 = arith.index_cast %parallel_loop3A_129 : i32 to index
      %parallel_loop3A_132 = arith.index_cast %parallel_loop3A_56 : i32 to index
      %parallel_loop3A_133 = tpu.vector_load %arg7[%parallel_loop3A_130, %parallel_loop3A_131, %parallel_loop3A_132] {strides = array<i32>} : memref<8x8x576xf32, #tpu.memory_space<vmem>>, vector<16xf32>,
      tpu.vector_store %arg7[%parallel_loop3A_130, %parallel_loop3A_131, %parallel_loop3A_132], %parallel_loop3A_127 {strides = array<i32>} : memref<8x8x576xf32, #tpu.memory_space<vmem>>, vector<16xf32>,
      %parallel_loop3A_134 = tpu.vector_load_idx %arg5[%broadcast_in_dim3A_7, %parallel_loop3A_119] : memref<8x1024xf32, #tpu.memory_space<vmem>>[vector<16xi32>, vector<16xi32>], vector<16xf32>,
      %parallel_loop3A_135 = arith.constant 2 : i32
      %parallel_loop3A_136 = arith.constant 2 : i32
      %parallel_loop3A_137 = arith.index_cast %parallel_loop3A_135 : i32 to index
      %parallel_loop3A_138 = arith.index_cast %parallel_loop3A_136 : i32 to index
      %parallel_loop3A_139 = arith.index_cast %parallel_loop3A_56 : i32 to index
      %parallel_loop3A_140 = tpu.vector_load %arg7[%parallel_loop3A_137, %parallel_loop3A_138, %parallel_loop3A_139] {strides = array<i32>} : memref<8x8x576xf32, #tpu.memory_space<vmem>>, vector<16xf32>,
      tpu.vector_store %arg7[%parallel_loop3A_137, %parallel_loop3A_138, %parallel_loop3A_139], %parallel_loop3A_134 {strides = array<i32>} : memref<8x8x576xf32, #tpu.memory_space<vmem>>, vector<16xf32>,
      %parallel_loop3A_141 = tpu.vector_load_idx %arg5[%broadcast_in_dim3A_9, %parallel_loop3A_119] : memref<8x1024xf32, #tpu.memory_space<vmem>>[vector<16xi32>, vector<16xi32>], vector<16xf32>,
      %parallel_loop3A_142 = arith.constant 2 : i32
      %parallel_loop3A_143 = arith.constant 3 : i32
      %parallel_loop3A_144 = arith.index_cast %parallel_loop3A_142 : i32 to index
      %parallel_loop3A_145 = arith.index_cast %parallel_loop3A_143 : i32 to index
      %parallel_loop3A_146 = arith.index_cast %parallel_loop3A_56 : i32 to index
      %parallel_loop3A_147 = tpu.vector_load %arg7[%parallel_loop3A_144, %parallel_loop3A_145, %parallel_loop3A_146] {strides = array<i32>} : memref<8x8x576xf32, #tpu.memory_space<vmem>>, vector<16xf32>,
      tpu.vector_store %arg7[%parallel_loop3A_144, %parallel_loop3A_145, %parallel_loop3A_146], %parallel_loop3A_141 {strides = array<i32>} : memref<8x8x576xf32, #tpu.memory_space<vmem>>, vector<16xf32>,
      %parallel_loop3A_148 = tpu.vector_load_idx %arg5[%broadcast_in_dim3A_11, %parallel_loop3A_119] : memref<8x1024xf32, #tpu.memory_space<vmem>>[vector<16xi32>, vector<16xi32>], vector<16xf32>,
      %parallel_loop3A_149 = arith.constant 2 : i32
      %parallel_loop3A_150 = arith.constant 4 : i32
      %parallel_loop3A_151 = arith.index_cast %parallel_loop3A_149 : i32 to index
      %parallel_loop3A_152 = arith.index_cast %parallel_loop3A_150 : i32 to index
      %parallel_loop3A_153 = arith.index_cast %parallel_loop3A_56 : i32 to index
      %parallel_loop3A_154 = tpu.vector_load %arg7[%parallel_loop3A_151, %parallel_loop3A_152, %parallel_loop3A_153] {strides = array<i32>} : memref<8x8x576xf32, #tpu.memory_space<vmem>>, vector<16xf32>,
      tpu.vector_store %arg7[%parallel_loop3A_151, %parallel_loop3A_152, %parallel_loop3A_153], %parallel_loop3A_148 {strides = array<i32>} : memref<8x8x576xf32, #tpu.memory_space<vmem>>, vector<16xf32>,
      %parallel_loop3A_155 = tpu.vector_load_idx %arg5[%broadcast_in_dim3A_13, %parallel_loop3A_119] : memref<8x1024xf32, #tpu.memory_space<vmem>>[vector<16xi32>, vector<16xi32>], vector<16xf32>,
      %parallel_loop3A_156 = arith.constant 2 : i32
      %parallel_loop3A_157 = arith.constant 5 : i32
      %parallel_loop3A_158 = arith.index_cast %parallel_loop3A_156 : i32 to index
      %parallel_loop3A_159 = arith.index_cast %parallel_loop3A_157 : i32 to index
      %parallel_loop3A_160 = arith.index_cast %parallel_loop3A_56 : i32 to index
      %parallel_loop3A_161 = tpu.vector_load %arg7[%parallel_loop3A_158, %parallel_loop3A_159, %parallel_loop3A_160] {strides = array<i32>} : memref<8x8x576xf32, #tpu.memory_space<vmem>>, vector<16xf32>,
      tpu.vector_store %arg7[%parallel_loop3A_158, %parallel_loop3A_159, %parallel_loop3A_160], %parallel_loop3A_155 {strides = array<i32>} : memref<8x8x576xf32, #tpu.memory_space<vmem>>, vector<16xf32>,
      %parallel_loop3A_162 = tpu.vector_load_idx %arg5[%broadcast_in_dim3A_15, %parallel_loop3A_119] : memref<8x1024xf32, #tpu.memory_space<vmem>>[vector<16xi32>, vector<16xi32>], vector<16xf32>,
      %parallel_loop3A_163 = arith.constant 2 : i32
      %parallel_loop3A_164 = arith.constant 6 : i32
      %parallel_loop3A_165 = arith.index_cast %parallel_loop3A_163 : i32 to index
      %parallel_loop3A_166 = arith.index_cast %parallel_loop3A_164 : i32 to index
      %parallel_loop3A_167 = arith.index_cast %parallel_loop3A_56 : i32 to index
      %parallel_loop3A_168 = tpu.vector_load %arg7[%parallel_loop3A_165, %parallel_loop3A_166, %parallel_loop3A_167] {strides = array<i32>} : memref<8x8x576xf32, #tpu.memory_space<vmem>>, vector<16xf32>,
      tpu.vector_store %arg7[%parallel_loop3A_165, %parallel_loop3A_166, %parallel_loop3A_167], %parallel_loop3A_162 {strides = array<i32>} : memref<8x8x576xf32, #tpu.memory_space<vmem>>, vector<16xf32>,
      %parallel_loop3A_169 = tpu.vector_load_idx %arg5[%broadcast_in_dim3A_17, %parallel_loop3A_119] : memref<8x1024xf32, #tpu.memory_space<vmem>>[vector<16xi32>, vector<16xi32>], vector<16xf32>,
      %parallel_loop3A_170 = arith.constant 2 : i32
      %parallel_loop3A_171 = arith.constant 7 : i32
      %parallel_loop3A_172 = arith.index_cast %parallel_loop3A_170 : i32 to index
      %parallel_loop3A_173 = arith.index_cast %parallel_loop3A_171 : i32 to index
      %parallel_loop3A_174 = arith.index_cast %parallel_loop3A_56 : i32 to index
      %parallel_loop3A_175 = tpu.vector_load %arg7[%parallel_loop3A_172, %parallel_loop3A_173, %parallel_loop3A_174] {strides = array<i32>} : memref<8x8x576xf32, #tpu.memory_space<vmem>>, vector<16xf32>,
      tpu.vector_store %arg7[%parallel_loop3A_172, %parallel_loop3A_173, %parallel_loop3A_174], %parallel_loop3A_169 {strides = array<i32>} : memref<8x8x576xf32, #tpu.memory_space<vmem>>, vector<16xf32>,
    } {sc.loop_unroll_factor = 2 : i64, sc.parallel_access}
    %parallel_loop3A_26 = arith.constant 0 : i32
    %parallel_loop3A_27 = arith.constant 576 : i32
    %parallel_loop3A_28 = arith.constant 16 : i32
    scf.for %parallel_loop3A_56 = %parallel_loop3A_26 to %parallel_loop3A_27 step %parallel_loop3A_28  : i32 {
      %parallel_loop3A_57 = vector.broadcast %parallel_loop3A_56 : i32 to vector<16xi32>
      %parallel_loop3A_58 = arith.addi %parallel_loop3A_57, %iota3A : vector<16xi32>
      %parallel_loop3A_59 = arith.constant 24 : i32
      %parallel_loop3A_60 = arith.constant 0 : i32
      %parallel_loop3A_61 = arith.cmpi eq, %parallel_loop3A_59, %parallel_loop3A_60 : i32
      %parallel_loop3A_62 = arith.constant 1 : i32
      %parallel_loop3A_63 = arith.select %parallel_loop3A_61, %parallel_loop3A_62, %parallel_loop3A_59 : i32
      %parallel_loop3A_64 = vector.broadcast %parallel_loop3A_63 : i32 to vector<16xi32>
      %parallel_loop3A_65 = arith.remsi %parallel_loop3A_58, %parallel_loop3A_64 : vector<16xi32>
      %parallel_loop3A_66 = arith.constant 0 : i32
      %parallel_loop3A_67 = vector.broadcast %parallel_loop3A_66 : i32 to vector<16xi32>
      %parallel_loop3A_68 = arith.cmpi ne, %parallel_loop3A_65, %parallel_loop3A_67 : vector<16xi32>
      %parallel_loop3A_69 = arith.constant 0 : i32
      %parallel_loop3A_70 = vector.broadcast %parallel_loop3A_69 : i32 to vector<16xi32>
      %parallel_loop3A_71 = arith.cmpi slt, %parallel_loop3A_65, %parallel_loop3A_70 : vector<16xi32>
      %parallel_loop3A_72 = arith.constant 0 : i32
      %parallel_loop3A_73 = arith.cmpi slt, %parallel_loop3A_63, %parallel_loop3A_72 : i32
      %parallel_loop3A_74 = vector.broadcast %parallel_loop3A_73 : i1 to vector<16xi1>
      %parallel_loop3A_75 = vector.broadcast %parallel_loop3A_74 : vector<16xi1> to vector<16xi1>
      %parallel_loop3A_76 = arith.xori %parallel_loop3A_71, %parallel_loop3A_75 : vector<16xi1>
      %parallel_loop3A_77 = arith.andi %parallel_loop3A_76, %parallel_loop3A_68 : vector<16xi1>
      %parallel_loop3A_78 = vector.broadcast %parallel_loop3A_63 : i32 to vector<16xi32>
      %parallel_loop3A_79 = arith.addi %parallel_loop3A_65, %parallel_loop3A_78 : vector<16xi32>
      %parallel_loop3A_80 = arith.select %parallel_loop3A_77, %parallel_loop3A_79, %parallel_loop3A_65 : vector<16xi1>, vector<16xi32>
      %parallel_loop3A_81 = arith.constant 24 : i32
      %parallel_loop3A_82 = vector.broadcast %parallel_loop3A_81 : i32 to vector<16xi32>
      %parallel_loop3A_83 = arith.muli %parallel_loop3A_80, %parallel_loop3A_82 : vector<16xi32>
      %parallel_loop3A_84 = arith.constant 24 : i32
      %parallel_loop3A_85 = vector.broadcast %parallel_loop3A_84 : i32 to vector<16xi32>
      %parallel_loop3A_86 = arith.divsi %parallel_loop3A_58, %parallel_loop3A_85 : vector<16xi32>
      %parallel_loop3A_87 = arith.constant 0 : i32
      %parallel_loop3A_88 = vector.broadcast %parallel_loop3A_87 : i32 to vector<16xi32>
      %parallel_loop3A_89 = arith.cmpi sgt, %parallel_loop3A_58, %parallel_loop3A_88 : vector<16xi32>
      %parallel_loop3A_90 = arith.extui %parallel_loop3A_89 : vector<16xi1> to vector<16xi32>
      %parallel_loop3A_91 = arith.constant 0 : i32
      %parallel_loop3A_92 = vector.broadcast %parallel_loop3A_91 : i32 to vector<16xi32>
      %parallel_loop3A_93 = arith.cmpi slt, %parallel_loop3A_58, %parallel_loop3A_92 : vector<16xi32>
      %parallel_loop3A_94 = arith.extui %parallel_loop3A_93 : vector<16xi1> to vector<16xi32>
      %parallel_loop3A_95 = arith.subi %parallel_loop3A_90, %parallel_loop3A_94 : vector<16xi32>
      %parallel_loop3A_96 = arith.constant 0 : i32
      %parallel_loop3A_97 = arith.cmpi sgt, %parallel_loop3A_84, %parallel_loop3A_96 : i32
      %parallel_loop3A_98 = arith.extui %parallel_loop3A_97 : i1 to i32
      %parallel_loop3A_99 = arith.constant 0 : i32
      %parallel_loop3A_100 = arith.cmpi slt, %parallel_loop3A_84, %parallel_loop3A_99 : i32
      %parallel_loop3A_101 = arith.extui %parallel_loop3A_100 : i1 to i32
      %parallel_loop3A_102 = arith.subi %parallel_loop3A_98, %parallel_loop3A_101 : i32
      %parallel_loop3A_103 = vector.broadcast %parallel_loop3A_102 : i32 to vector<16xi32>
      %parallel_loop3A_104 = arith.cmpi ne, %parallel_loop3A_95, %parallel_loop3A_103 : vector<16xi32>
      %parallel_loop3A_105 = vector.broadcast %parallel_loop3A_84 : i32 to vector<16xi32>
      %parallel_loop3A_106 = arith.remsi %parallel_loop3A_58, %parallel_loop3A_105 : vector<16xi32>
      %parallel_loop3A_107 = arith.constant 0 : i32
      %parallel_loop3A_108 = vector.broadcast %parallel_loop3A_107 : i32 to vector<16xi32>
      %parallel_loop3A_109 = arith.cmpi ne, %parallel_loop3A_106, %parallel_loop3A_108 : vector<16xi32>
      %parallel_loop3A_110 = arith.andi %parallel_loop3A_104, %parallel_loop3A_109 : vector<16xi1>
      %parallel_loop3A_111 = arith.constant 1 : i32
      %parallel_loop3A_112 = vector.broadcast %parallel_loop3A_111 : i32 to vector<16xi32>
      %parallel_loop3A_113 = arith.subi %parallel_loop3A_86, %parallel_loop3A_112 : vector<16xi32>
      %parallel_loop3A_114 = arith.select %parallel_loop3A_110, %parallel_loop3A_113, %parallel_loop3A_86 : vector<16xi1>, vector<16xi32>
      %parallel_loop3A_115 = arith.addi %parallel_loop3A_83, %parallel_loop3A_114 : vector<16xi32>
      %parallel_loop3A_116 = arith.constant 1728 : i32
      %parallel_loop3A_117 = vector.broadcast %parallel_loop3A_116 : i32 to vector<16xi32>
      %parallel_loop3A_118 = arith.addi %parallel_loop3A_115, %parallel_loop3A_117 : vector<16xi32>
      %parallel_loop3A_119 = tpu.vector_load_idx %arg6[%parallel_loop3A_118] : memref<4608xi32, #tpu.memory_space<vmem>>[vector<16xi32>], vector<16xi32>,
      %parallel_loop3A_120 = tpu.vector_load_idx %arg5[%broadcast_in_dim3A_3, %parallel_loop3A_119] : memref<8x1024xf32, #tpu.memory_space<vmem>>[vector<16xi32>, vector<16xi32>], vector<16xf32>,
      %parallel_loop3A_121 = arith.constant 3 : i32
      %parallel_loop3A_122 = arith.constant 0 : i32
      %parallel_loop3A_123 = arith.index_cast %parallel_loop3A_121 : i32 to index
      %parallel_loop3A_124 = arith.index_cast %parallel_loop3A_122 : i32 to index
      %parallel_loop3A_125 = arith.index_cast %parallel_loop3A_56 : i32 to index
      %parallel_loop3A_126 = tpu.vector_load %arg7[%parallel_loop3A_123, %parallel_loop3A_124, %parallel_loop3A_125] {strides = array<i32>} : memref<8x8x576xf32, #tpu.memory_space<vmem>>, vector<16xf32>,
      tpu.vector_store %arg7[%parallel_loop3A_123, %parallel_loop3A_124, %parallel_loop3A_125], %parallel_loop3A_120 {strides = array<i32>} : memref<8x8x576xf32, #tpu.memory_space<vmem>>, vector<16xf32>,
      %parallel_loop3A_127 = tpu.vector_load_idx %arg5[%broadcast_in_dim3A_5, %parallel_loop3A_119] : memref<8x1024xf32, #tpu.memory_space<vmem>>[vector<16xi32>, vector<16xi32>], vector<16xf32>,
      %parallel_loop3A_128 = arith.constant 3 : i32
      %parallel_loop3A_129 = arith.constant 1 : i32
      %parallel_loop3A_130 = arith.index_cast %parallel_loop3A_128 : i32 to index
      %parallel_loop3A_131 = arith.index_cast %parallel_loop3A_129 : i32 to index
      %parallel_loop3A_132 = arith.index_cast %parallel_loop3A_56 : i32 to index
      %parallel_loop3A_133 = tpu.vector_load %arg7[%parallel_loop3A_130, %parallel_loop3A_131, %parallel_loop3A_132] {strides = array<i32>} : memref<8x8x576xf32, #tpu.memory_space<vmem>>, vector<16xf32>,
      tpu.vector_store %arg7[%parallel_loop3A_130, %parallel_loop3A_131, %parallel_loop3A_132], %parallel_loop3A_127 {strides = array<i32>} : memref<8x8x576xf32, #tpu.memory_space<vmem>>, vector<16xf32>,
      %parallel_loop3A_134 = tpu.vector_load_idx %arg5[%broadcast_in_dim3A_7, %parallel_loop3A_119] : memref<8x1024xf32, #tpu.memory_space<vmem>>[vector<16xi32>, vector<16xi32>], vector<16xf32>,
      %parallel_loop3A_135 = arith.constant 3 : i32
      %parallel_loop3A_136 = arith.constant 2 : i32
      %parallel_loop3A_137 = arith.index_cast %parallel_loop3A_135 : i32 to index
      %parallel_loop3A_138 = arith.index_cast %parallel_loop3A_136 : i32 to index
      %parallel_loop3A_139 = arith.index_cast %parallel_loop3A_56 : i32 to index
      %parallel_loop3A_140 = tpu.vector_load %arg7[%parallel_loop3A_137, %parallel_loop3A_138, %parallel_loop3A_139] {strides = array<i32>} : memref<8x8x576xf32, #tpu.memory_space<vmem>>, vector<16xf32>,
      tpu.vector_store %arg7[%parallel_loop3A_137, %parallel_loop3A_138, %parallel_loop3A_139], %parallel_loop3A_134 {strides = array<i32>} : memref<8x8x576xf32, #tpu.memory_space<vmem>>, vector<16xf32>,
      %parallel_loop3A_141 = tpu.vector_load_idx %arg5[%broadcast_in_dim3A_9, %parallel_loop3A_119] : memref<8x1024xf32, #tpu.memory_space<vmem>>[vector<16xi32>, vector<16xi32>], vector<16xf32>,
      %parallel_loop3A_142 = arith.constant 3 : i32
      %parallel_loop3A_143 = arith.constant 3 : i32
      %parallel_loop3A_144 = arith.index_cast %parallel_loop3A_142 : i32 to index
      %parallel_loop3A_145 = arith.index_cast %parallel_loop3A_143 : i32 to index
      %parallel_loop3A_146 = arith.index_cast %parallel_loop3A_56 : i32 to index
      %parallel_loop3A_147 = tpu.vector_load %arg7[%parallel_loop3A_144, %parallel_loop3A_145, %parallel_loop3A_146] {strides = array<i32>} : memref<8x8x576xf32, #tpu.memory_space<vmem>>, vector<16xf32>,
      tpu.vector_store %arg7[%parallel_loop3A_144, %parallel_loop3A_145, %parallel_loop3A_146], %parallel_loop3A_141 {strides = array<i32>} : memref<8x8x576xf32, #tpu.memory_space<vmem>>, vector<16xf32>,
      %parallel_loop3A_148 = tpu.vector_load_idx %arg5[%broadcast_in_dim3A_11, %parallel_loop3A_119] : memref<8x1024xf32, #tpu.memory_space<vmem>>[vector<16xi32>, vector<16xi32>], vector<16xf32>,
      %parallel_loop3A_149 = arith.constant 3 : i32
      %parallel_loop3A_150 = arith.constant 4 : i32
      %parallel_loop3A_151 = arith.index_cast %parallel_loop3A_149 : i32 to index
      %parallel_loop3A_152 = arith.index_cast %parallel_loop3A_150 : i32 to index
      %parallel_loop3A_153 = arith.index_cast %parallel_loop3A_56 : i32 to index
      %parallel_loop3A_154 = tpu.vector_load %arg7[%parallel_loop3A_151, %parallel_loop3A_152, %parallel_loop3A_153] {strides = array<i32>} : memref<8x8x576xf32, #tpu.memory_space<vmem>>, vector<16xf32>,
      tpu.vector_store %arg7[%parallel_loop3A_151, %parallel_loop3A_152, %parallel_loop3A_153], %parallel_loop3A_148 {strides = array<i32>} : memref<8x8x576xf32, #tpu.memory_space<vmem>>, vector<16xf32>,
      %parallel_loop3A_155 = tpu.vector_load_idx %arg5[%broadcast_in_dim3A_13, %parallel_loop3A_119] : memref<8x1024xf32, #tpu.memory_space<vmem>>[vector<16xi32>, vector<16xi32>], vector<16xf32>,
      %parallel_loop3A_156 = arith.constant 3 : i32
      %parallel_loop3A_157 = arith.constant 5 : i32
      %parallel_loop3A_158 = arith.index_cast %parallel_loop3A_156 : i32 to index
      %parallel_loop3A_159 = arith.index_cast %parallel_loop3A_157 : i32 to index
      %parallel_loop3A_160 = arith.index_cast %parallel_loop3A_56 : i32 to index
      %parallel_loop3A_161 = tpu.vector_load %arg7[%parallel_loop3A_158, %parallel_loop3A_159, %parallel_loop3A_160] {strides = array<i32>} : memref<8x8x576xf32, #tpu.memory_space<vmem>>, vector<16xf32>,
      tpu.vector_store %arg7[%parallel_loop3A_158, %parallel_loop3A_159, %parallel_loop3A_160], %parallel_loop3A_155 {strides = array<i32>} : memref<8x8x576xf32, #tpu.memory_space<vmem>>, vector<16xf32>,
      %parallel_loop3A_162 = tpu.vector_load_idx %arg5[%broadcast_in_dim3A_15, %parallel_loop3A_119] : memref<8x1024xf32, #tpu.memory_space<vmem>>[vector<16xi32>, vector<16xi32>], vector<16xf32>,
      %parallel_loop3A_163 = arith.constant 3 : i32
      %parallel_loop3A_164 = arith.constant 6 : i32
      %parallel_loop3A_165 = arith.index_cast %parallel_loop3A_163 : i32 to index
      %parallel_loop3A_166 = arith.index_cast %parallel_loop3A_164 : i32 to index
      %parallel_loop3A_167 = arith.index_cast %parallel_loop3A_56 : i32 to index
      %parallel_loop3A_168 = tpu.vector_load %arg7[%parallel_loop3A_165, %parallel_loop3A_166, %parallel_loop3A_167] {strides = array<i32>} : memref<8x8x576xf32, #tpu.memory_space<vmem>>, vector<16xf32>,
      tpu.vector_store %arg7[%parallel_loop3A_165, %parallel_loop3A_166, %parallel_loop3A_167], %parallel_loop3A_162 {strides = array<i32>} : memref<8x8x576xf32, #tpu.memory_space<vmem>>, vector<16xf32>,
      %parallel_loop3A_169 = tpu.vector_load_idx %arg5[%broadcast_in_dim3A_17, %parallel_loop3A_119] : memref<8x1024xf32, #tpu.memory_space<vmem>>[vector<16xi32>, vector<16xi32>], vector<16xf32>,
      %parallel_loop3A_170 = arith.constant 3 : i32
      %parallel_loop3A_171 = arith.constant 7 : i32
      %parallel_loop3A_172 = arith.index_cast %parallel_loop3A_170 : i32 to index
      %parallel_loop3A_173 = arith.index_cast %parallel_loop3A_171 : i32 to index
      %parallel_loop3A_174 = arith.index_cast %parallel_loop3A_56 : i32 to index
      %parallel_loop3A_175 = tpu.vector_load %arg7[%parallel_loop3A_172, %parallel_loop3A_173, %parallel_loop3A_174] {strides = array<i32>} : memref<8x8x576xf32, #tpu.memory_space<vmem>>, vector<16xf32>,
      tpu.vector_store %arg7[%parallel_loop3A_172, %parallel_loop3A_173, %parallel_loop3A_174], %parallel_loop3A_169 {strides = array<i32>} : memref<8x8x576xf32, #tpu.memory_space<vmem>>, vector<16xf32>,
    } {sc.loop_unroll_factor = 2 : i64, sc.parallel_access}
    %parallel_loop3A_29 = arith.constant 0 : i32
    %parallel_loop3A_30 = arith.constant 576 : i32
    %parallel_loop3A_31 = arith.constant 16 : i32
    scf.for %parallel_loop3A_56 = %parallel_loop3A_29 to %parallel_loop3A_30 step %parallel_loop3A_31  : i32 {
      %parallel_loop3A_57 = vector.broadcast %parallel_loop3A_56 : i32 to vector<16xi32>
      %parallel_loop3A_58 = arith.addi %parallel_loop3A_57, %iota3A : vector<16xi32>
      %parallel_loop3A_59 = arith.constant 24 : i32
      %parallel_loop3A_60 = arith.constant 0 : i32
      %parallel_loop3A_61 = arith.cmpi eq, %parallel_loop3A_59, %parallel_loop3A_60 : i32
      %parallel_loop3A_62 = arith.constant 1 : i32
      %parallel_loop3A_63 = arith.select %parallel_loop3A_61, %parallel_loop3A_62, %parallel_loop3A_59 : i32
      %parallel_loop3A_64 = vector.broadcast %parallel_loop3A_63 : i32 to vector<16xi32>
      %parallel_loop3A_65 = arith.remsi %parallel_loop3A_58, %parallel_loop3A_64 : vector<16xi32>
      %parallel_loop3A_66 = arith.constant 0 : i32
      %parallel_loop3A_67 = vector.broadcast %parallel_loop3A_66 : i32 to vector<16xi32>
      %parallel_loop3A_68 = arith.cmpi ne, %parallel_loop3A_65, %parallel_loop3A_67 : vector<16xi32>
      %parallel_loop3A_69 = arith.constant 0 : i32
      %parallel_loop3A_70 = vector.broadcast %parallel_loop3A_69 : i32 to vector<16xi32>
      %parallel_loop3A_71 = arith.cmpi slt, %parallel_loop3A_65, %parallel_loop3A_70 : vector<16xi32>
      %parallel_loop3A_72 = arith.constant 0 : i32
      %parallel_loop3A_73 = arith.cmpi slt, %parallel_loop3A_63, %parallel_loop3A_72 : i32
      %parallel_loop3A_74 = vector.broadcast %parallel_loop3A_73 : i1 to vector<16xi1>
      %parallel_loop3A_75 = vector.broadcast %parallel_loop3A_74 : vector<16xi1> to vector<16xi1>
      %parallel_loop3A_76 = arith.xori %parallel_loop3A_71, %parallel_loop3A_75 : vector<16xi1>
      %parallel_loop3A_77 = arith.andi %parallel_loop3A_76, %parallel_loop3A_68 : vector<16xi1>
      %parallel_loop3A_78 = vector.broadcast %parallel_loop3A_63 : i32 to vector<16xi32>
      %parallel_loop3A_79 = arith.addi %parallel_loop3A_65, %parallel_loop3A_78 : vector<16xi32>
      %parallel_loop3A_80 = arith.select %parallel_loop3A_77, %parallel_loop3A_79, %parallel_loop3A_65 : vector<16xi1>, vector<16xi32>
      %parallel_loop3A_81 = arith.constant 24 : i32
      %parallel_loop3A_82 = vector.broadcast %parallel_loop3A_81 : i32 to vector<16xi32>
      %parallel_loop3A_83 = arith.muli %parallel_loop3A_80, %parallel_loop3A_82 : vector<16xi32>
      %parallel_loop3A_84 = arith.constant 24 : i32
      %parallel_loop3A_85 = vector.broadcast %parallel_loop3A_84 : i32 to vector<16xi32>
      %parallel_loop3A_86 = arith.divsi %parallel_loop3A_58, %parallel_loop3A_85 : vector<16xi32>
      %parallel_loop3A_87 = arith.constant 0 : i32
      %parallel_loop3A_88 = vector.broadcast %parallel_loop3A_87 : i32 to vector<16xi32>
      %parallel_loop3A_89 = arith.cmpi sgt, %parallel_loop3A_58, %parallel_loop3A_88 : vector<16xi32>
      %parallel_loop3A_90 = arith.extui %parallel_loop3A_89 : vector<16xi1> to vector<16xi32>
      %parallel_loop3A_91 = arith.constant 0 : i32
      %parallel_loop3A_92 = vector.broadcast %parallel_loop3A_91 : i32 to vector<16xi32>
      %parallel_loop3A_93 = arith.cmpi slt, %parallel_loop3A_58, %parallel_loop3A_92 : vector<16xi32>
      %parallel_loop3A_94 = arith.extui %parallel_loop3A_93 : vector<16xi1> to vector<16xi32>
      %parallel_loop3A_95 = arith.subi %parallel_loop3A_90, %parallel_loop3A_94 : vector<16xi32>
      %parallel_loop3A_96 = arith.constant 0 : i32
      %parallel_loop3A_97 = arith.cmpi sgt, %parallel_loop3A_84, %parallel_loop3A_96 : i32
      %parallel_loop3A_98 = arith.extui %parallel_loop3A_97 : i1 to i32
      %parallel_loop3A_99 = arith.constant 0 : i32
      %parallel_loop3A_100 = arith.cmpi slt, %parallel_loop3A_84, %parallel_loop3A_99 : i32
      %parallel_loop3A_101 = arith.extui %parallel_loop3A_100 : i1 to i32
      %parallel_loop3A_102 = arith.subi %parallel_loop3A_98, %parallel_loop3A_101 : i32
      %parallel_loop3A_103 = vector.broadcast %parallel_loop3A_102 : i32 to vector<16xi32>
      %parallel_loop3A_104 = arith.cmpi ne, %parallel_loop3A_95, %parallel_loop3A_103 : vector<16xi32>
      %parallel_loop3A_105 = vector.broadcast %parallel_loop3A_84 : i32 to vector<16xi32>
      %parallel_loop3A_106 = arith.remsi %parallel_loop3A_58, %parallel_loop3A_105 : vector<16xi32>
      %parallel_loop3A_107 = arith.constant 0 : i32
      %parallel_loop3A_108 = vector.broadcast %parallel_loop3A_107 : i32 to vector<16xi32>
      %parallel_loop3A_109 = arith.cmpi ne, %parallel_loop3A_106, %parallel_loop3A_108 : vector<16xi32>
      %parallel_loop3A_110 = arith.andi %parallel_loop3A_104, %parallel_loop3A_109 : vector<16xi1>
      %parallel_loop3A_111 = arith.constant 1 : i32
      %parallel_loop3A_112 = vector.broadcast %parallel_loop3A_111 : i32 to vector<16xi32>
      %parallel_loop3A_113 = arith.subi %parallel_loop3A_86, %parallel_loop3A_112 : vector<16xi32>
      %parallel_loop3A_114 = arith.select %parallel_loop3A_110, %parallel_loop3A_113, %parallel_loop3A_86 : vector<16xi1>, vector<16xi32>
      %parallel_loop3A_115 = arith.addi %parallel_loop3A_83, %parallel_loop3A_114 : vector<16xi32>
      %parallel_loop3A_116 = arith.constant 2304 : i32
      %parallel_loop3A_117 = vector.broadcast %parallel_loop3A_116 : i32 to vector<16xi32>
      %parallel_loop3A_118 = arith.addi %parallel_loop3A_115, %parallel_loop3A_117 : vector<16xi32>
      %parallel_loop3A_119 = tpu.vector_load_idx %arg6[%parallel_loop3A_118] : memref<4608xi32, #tpu.memory_space<vmem>>[vector<16xi32>], vector<16xi32>,
      %parallel_loop3A_120 = tpu.vector_load_idx %arg5[%broadcast_in_dim3A_3, %parallel_loop3A_119] : memref<8x1024xf32, #tpu.memory_space<vmem>>[vector<16xi32>, vector<16xi32>], vector<16xf32>,
      %parallel_loop3A_121 = arith.constant 4 : i32
      %parallel_loop3A_122 = arith.constant 0 : i32
      %parallel_loop3A_123 = arith.index_cast %parallel_loop3A_121 : i32 to index
      %parallel_loop3A_124 = arith.index_cast %parallel_loop3A_122 : i32 to index
      %parallel_loop3A_125 = arith.index_cast %parallel_loop3A_56 : i32 to index
      %parallel_loop3A_126 = tpu.vector_load %arg7[%parallel_loop3A_123, %parallel_loop3A_124, %parallel_loop3A_125] {strides = array<i32>} : memref<8x8x576xf32, #tpu.memory_space<vmem>>, vector<16xf32>,
      tpu.vector_store %arg7[%parallel_loop3A_123, %parallel_loop3A_124, %parallel_loop3A_125], %parallel_loop3A_120 {strides = array<i32>} : memref<8x8x576xf32, #tpu.memory_space<vmem>>, vector<16xf32>,
      %parallel_loop3A_127 = tpu.vector_load_idx %arg5[%broadcast_in_dim3A_5, %parallel_loop3A_119] : memref<8x1024xf32, #tpu.memory_space<vmem>>[vector<16xi32>, vector<16xi32>], vector<16xf32>,
      %parallel_loop3A_128 = arith.constant 4 : i32
      %parallel_loop3A_129 = arith.constant 1 : i32
      %parallel_loop3A_130 = arith.index_cast %parallel_loop3A_128 : i32 to index
      %parallel_loop3A_131 = arith.index_cast %parallel_loop3A_129 : i32 to index
      %parallel_loop3A_132 = arith.index_cast %parallel_loop3A_56 : i32 to index
      %parallel_loop3A_133 = tpu.vector_load %arg7[%parallel_loop3A_130, %parallel_loop3A_131, %parallel_loop3A_132] {strides = array<i32>} : memref<8x8x576xf32, #tpu.memory_space<vmem>>, vector<16xf32>,
      tpu.vector_store %arg7[%parallel_loop3A_130, %parallel_loop3A_131, %parallel_loop3A_132], %parallel_loop3A_127 {strides = array<i32>} : memref<8x8x576xf32, #tpu.memory_space<vmem>>, vector<16xf32>,
      %parallel_loop3A_134 = tpu.vector_load_idx %arg5[%broadcast_in_dim3A_7, %parallel_loop3A_119] : memref<8x1024xf32, #tpu.memory_space<vmem>>[vector<16xi32>, vector<16xi32>], vector<16xf32>,
      %parallel_loop3A_135 = arith.constant 4 : i32
      %parallel_loop3A_136 = arith.constant 2 : i32
      %parallel_loop3A_137 = arith.index_cast %parallel_loop3A_135 : i32 to index
      %parallel_loop3A_138 = arith.index_cast %parallel_loop3A_136 : i32 to index
      %parallel_loop3A_139 = arith.index_cast %parallel_loop3A_56 : i32 to index
      %parallel_loop3A_140 = tpu.vector_load %arg7[%parallel_loop3A_137, %parallel_loop3A_138, %parallel_loop3A_139] {strides = array<i32>} : memref<8x8x576xf32, #tpu.memory_space<vmem>>, vector<16xf32>,
      tpu.vector_store %arg7[%parallel_loop3A_137, %parallel_loop3A_138, %parallel_loop3A_139], %parallel_loop3A_134 {strides = array<i32>} : memref<8x8x576xf32, #tpu.memory_space<vmem>>, vector<16xf32>,
      %parallel_loop3A_141 = tpu.vector_load_idx %arg5[%broadcast_in_dim3A_9, %parallel_loop3A_119] : memref<8x1024xf32, #tpu.memory_space<vmem>>[vector<16xi32>, vector<16xi32>], vector<16xf32>,
      %parallel_loop3A_142 = arith.constant 4 : i32
      %parallel_loop3A_143 = arith.constant 3 : i32
      %parallel_loop3A_144 = arith.index_cast %parallel_loop3A_142 : i32 to index
      %parallel_loop3A_145 = arith.index_cast %parallel_loop3A_143 : i32 to index
      %parallel_loop3A_146 = arith.index_cast %parallel_loop3A_56 : i32 to index
      %parallel_loop3A_147 = tpu.vector_load %arg7[%parallel_loop3A_144, %parallel_loop3A_145, %parallel_loop3A_146] {strides = array<i32>} : memref<8x8x576xf32, #tpu.memory_space<vmem>>, vector<16xf32>,
      tpu.vector_store %arg7[%parallel_loop3A_144, %parallel_loop3A_145, %parallel_loop3A_146], %parallel_loop3A_141 {strides = array<i32>} : memref<8x8x576xf32, #tpu.memory_space<vmem>>, vector<16xf32>,
      %parallel_loop3A_148 = tpu.vector_load_idx %arg5[%broadcast_in_dim3A_11, %parallel_loop3A_119] : memref<8x1024xf32, #tpu.memory_space<vmem>>[vector<16xi32>, vector<16xi32>], vector<16xf32>,
      %parallel_loop3A_149 = arith.constant 4 : i32
      %parallel_loop3A_150 = arith.constant 4 : i32
      %parallel_loop3A_151 = arith.index_cast %parallel_loop3A_149 : i32 to index
      %parallel_loop3A_152 = arith.index_cast %parallel_loop3A_150 : i32 to index
      %parallel_loop3A_153 = arith.index_cast %parallel_loop3A_56 : i32 to index
      %parallel_loop3A_154 = tpu.vector_load %arg7[%parallel_loop3A_151, %parallel_loop3A_152, %parallel_loop3A_153] {strides = array<i32>} : memref<8x8x576xf32, #tpu.memory_space<vmem>>, vector<16xf32>,
      tpu.vector_store %arg7[%parallel_loop3A_151, %parallel_loop3A_152, %parallel_loop3A_153], %parallel_loop3A_148 {strides = array<i32>} : memref<8x8x576xf32, #tpu.memory_space<vmem>>, vector<16xf32>,
      %parallel_loop3A_155 = tpu.vector_load_idx %arg5[%broadcast_in_dim3A_13, %parallel_loop3A_119] : memref<8x1024xf32, #tpu.memory_space<vmem>>[vector<16xi32>, vector<16xi32>], vector<16xf32>,
      %parallel_loop3A_156 = arith.constant 4 : i32
      %parallel_loop3A_157 = arith.constant 5 : i32
      %parallel_loop3A_158 = arith.index_cast %parallel_loop3A_156 : i32 to index
      %parallel_loop3A_159 = arith.index_cast %parallel_loop3A_157 : i32 to index
      %parallel_loop3A_160 = arith.index_cast %parallel_loop3A_56 : i32 to index
      %parallel_loop3A_161 = tpu.vector_load %arg7[%parallel_loop3A_158, %parallel_loop3A_159, %parallel_loop3A_160] {strides = array<i32>} : memref<8x8x576xf32, #tpu.memory_space<vmem>>, vector<16xf32>,
      tpu.vector_store %arg7[%parallel_loop3A_158, %parallel_loop3A_159, %parallel_loop3A_160], %parallel_loop3A_155 {strides = array<i32>} : memref<8x8x576xf32, #tpu.memory_space<vmem>>, vector<16xf32>,
      %parallel_loop3A_162 = tpu.vector_load_idx %arg5[%broadcast_in_dim3A_15, %parallel_loop3A_119] : memref<8x1024xf32, #tpu.memory_space<vmem>>[vector<16xi32>, vector<16xi32>], vector<16xf32>,
      %parallel_loop3A_163 = arith.constant 4 : i32
      %parallel_loop3A_164 = arith.constant 6 : i32
      %parallel_loop3A_165 = arith.index_cast %parallel_loop3A_163 : i32 to index
      %parallel_loop3A_166 = arith.index_cast %parallel_loop3A_164 : i32 to index
      %parallel_loop3A_167 = arith.index_cast %parallel_loop3A_56 : i32 to index
      %parallel_loop3A_168 = tpu.vector_load %arg7[%parallel_loop3A_165, %parallel_loop3A_166, %parallel_loop3A_167] {strides = array<i32>} : memref<8x8x576xf32, #tpu.memory_space<vmem>>, vector<16xf32>,
      tpu.vector_store %arg7[%parallel_loop3A_165, %parallel_loop3A_166, %parallel_loop3A_167], %parallel_loop3A_162 {strides = array<i32>} : memref<8x8x576xf32, #tpu.memory_space<vmem>>, vector<16xf32>,
      %parallel_loop3A_169 = tpu.vector_load_idx %arg5[%broadcast_in_dim3A_17, %parallel_loop3A_119] : memref<8x1024xf32, #tpu.memory_space<vmem>>[vector<16xi32>, vector<16xi32>], vector<16xf32>,
      %parallel_loop3A_170 = arith.constant 4 : i32
      %parallel_loop3A_171 = arith.constant 7 : i32
      %parallel_loop3A_172 = arith.index_cast %parallel_loop3A_170 : i32 to index
      %parallel_loop3A_173 = arith.index_cast %parallel_loop3A_171 : i32 to index
      %parallel_loop3A_174 = arith.index_cast %parallel_loop3A_56 : i32 to index
      %parallel_loop3A_175 = tpu.vector_load %arg7[%parallel_loop3A_172, %parallel_loop3A_173, %parallel_loop3A_174] {strides = array<i32>} : memref<8x8x576xf32, #tpu.memory_space<vmem>>, vector<16xf32>,
      tpu.vector_store %arg7[%parallel_loop3A_172, %parallel_loop3A_173, %parallel_loop3A_174], %parallel_loop3A_169 {strides = array<i32>} : memref<8x8x576xf32, #tpu.memory_space<vmem>>, vector<16xf32>,
    } {sc.loop_unroll_factor = 2 : i64, sc.parallel_access}
    %parallel_loop3A_32 = arith.constant 0 : i32
    %parallel_loop3A_33 = arith.constant 576 : i32
    %parallel_loop3A_34 = arith.constant 16 : i32
    scf.for %parallel_loop3A_56 = %parallel_loop3A_32 to %parallel_loop3A_33 step %parallel_loop3A_34  : i32 {
      %parallel_loop3A_57 = vector.broadcast %parallel_loop3A_56 : i32 to vector<16xi32>
      %parallel_loop3A_58 = arith.addi %parallel_loop3A_57, %iota3A : vector<16xi32>
      %parallel_loop3A_59 = arith.constant 24 : i32
      %parallel_loop3A_60 = arith.constant 0 : i32
      %parallel_loop3A_61 = arith.cmpi eq, %parallel_loop3A_59, %parallel_loop3A_60 : i32
      %parallel_loop3A_62 = arith.constant 1 : i32
      %parallel_loop3A_63 = arith.select %parallel_loop3A_61, %parallel_loop3A_62, %parallel_loop3A_59 : i32
      %parallel_loop3A_64 = vector.broadcast %parallel_loop3A_63 : i32 to vector<16xi32>
      %parallel_loop3A_65 = arith.remsi %parallel_loop3A_58, %parallel_loop3A_64 : vector<16xi32>
      %parallel_loop3A_66 = arith.constant 0 : i32
      %parallel_loop3A_67 = vector.broadcast %parallel_loop3A_66 : i32 to vector<16xi32>
      %parallel_loop3A_68 = arith.cmpi ne, %parallel_loop3A_65, %parallel_loop3A_67 : vector<16xi32>
      %parallel_loop3A_69 = arith.constant 0 : i32
      %parallel_loop3A_70 = vector.broadcast %parallel_loop3A_69 : i32 to vector<16xi32>
      %parallel_loop3A_71 = arith.cmpi slt, %parallel_loop3A_65, %parallel_loop3A_70 : vector<16xi32>
      %parallel_loop3A_72 = arith.constant 0 : i32
      %parallel_loop3A_73 = arith.cmpi slt, %parallel_loop3A_63, %parallel_loop3A_72 : i32
      %parallel_loop3A_74 = vector.broadcast %parallel_loop3A_73 : i1 to vector<16xi1>
      %parallel_loop3A_75 = vector.broadcast %parallel_loop3A_74 : vector<16xi1> to vector<16xi1>
      %parallel_loop3A_76 = arith.xori %parallel_loop3A_71, %parallel_loop3A_75 : vector<16xi1>
      %parallel_loop3A_77 = arith.andi %parallel_loop3A_76, %parallel_loop3A_68 : vector<16xi1>
      %parallel_loop3A_78 = vector.broadcast %parallel_loop3A_63 : i32 to vector<16xi32>
      %parallel_loop3A_79 = arith.addi %parallel_loop3A_65, %parallel_loop3A_78 : vector<16xi32>
      %parallel_loop3A_80 = arith.select %parallel_loop3A_77, %parallel_loop3A_79, %parallel_loop3A_65 : vector<16xi1>, vector<16xi32>
      %parallel_loop3A_81 = arith.constant 24 : i32
      %parallel_loop3A_82 = vector.broadcast %parallel_loop3A_81 : i32 to vector<16xi32>
      %parallel_loop3A_83 = arith.muli %parallel_loop3A_80, %parallel_loop3A_82 : vector<16xi32>
      %parallel_loop3A_84 = arith.constant 24 : i32
      %parallel_loop3A_85 = vector.broadcast %parallel_loop3A_84 : i32 to vector<16xi32>
      %parallel_loop3A_86 = arith.divsi %parallel_loop3A_58, %parallel_loop3A_85 : vector<16xi32>
      %parallel_loop3A_87 = arith.constant 0 : i32
      %parallel_loop3A_88 = vector.broadcast %parallel_loop3A_87 : i32 to vector<16xi32>
      %parallel_loop3A_89 = arith.cmpi sgt, %parallel_loop3A_58, %parallel_loop3A_88 : vector<16xi32>
      %parallel_loop3A_90 = arith.extui %parallel_loop3A_89 : vector<16xi1> to vector<16xi32>
      %parallel_loop3A_91 = arith.constant 0 : i32
      %parallel_loop3A_92 = vector.broadcast %parallel_loop3A_91 : i32 to vector<16xi32>
      %parallel_loop3A_93 = arith.cmpi slt, %parallel_loop3A_58, %parallel_loop3A_92 : vector<16xi32>
      %parallel_loop3A_94 = arith.extui %parallel_loop3A_93 : vector<16xi1> to vector<16xi32>
      %parallel_loop3A_95 = arith.subi %parallel_loop3A_90, %parallel_loop3A_94 : vector<16xi32>
      %parallel_loop3A_96 = arith.constant 0 : i32
      %parallel_loop3A_97 = arith.cmpi sgt, %parallel_loop3A_84, %parallel_loop3A_96 : i32
      %parallel_loop3A_98 = arith.extui %parallel_loop3A_97 : i1 to i32
      %parallel_loop3A_99 = arith.constant 0 : i32
      %parallel_loop3A_100 = arith.cmpi slt, %parallel_loop3A_84, %parallel_loop3A_99 : i32
      %parallel_loop3A_101 = arith.extui %parallel_loop3A_100 : i1 to i32
      %parallel_loop3A_102 = arith.subi %parallel_loop3A_98, %parallel_loop3A_101 : i32
      %parallel_loop3A_103 = vector.broadcast %parallel_loop3A_102 : i32 to vector<16xi32>
      %parallel_loop3A_104 = arith.cmpi ne, %parallel_loop3A_95, %parallel_loop3A_103 : vector<16xi32>
      %parallel_loop3A_105 = vector.broadcast %parallel_loop3A_84 : i32 to vector<16xi32>
      %parallel_loop3A_106 = arith.remsi %parallel_loop3A_58, %parallel_loop3A_105 : vector<16xi32>
      %parallel_loop3A_107 = arith.constant 0 : i32
      %parallel_loop3A_108 = vector.broadcast %parallel_loop3A_107 : i32 to vector<16xi32>
      %parallel_loop3A_109 = arith.cmpi ne, %parallel_loop3A_106, %parallel_loop3A_108 : vector<16xi32>
      %parallel_loop3A_110 = arith.andi %parallel_loop3A_104, %parallel_loop3A_109 : vector<16xi1>
      %parallel_loop3A_111 = arith.constant 1 : i32
      %parallel_loop3A_112 = vector.broadcast %parallel_loop3A_111 : i32 to vector<16xi32>
      %parallel_loop3A_113 = arith.subi %parallel_loop3A_86, %parallel_loop3A_112 : vector<16xi32>
      %parallel_loop3A_114 = arith.select %parallel_loop3A_110, %parallel_loop3A_113, %parallel_loop3A_86 : vector<16xi1>, vector<16xi32>
      %parallel_loop3A_115 = arith.addi %parallel_loop3A_83, %parallel_loop3A_114 : vector<16xi32>
      %parallel_loop3A_116 = arith.constant 2880 : i32
      %parallel_loop3A_117 = vector.broadcast %parallel_loop3A_116 : i32 to vector<16xi32>
      %parallel_loop3A_118 = arith.addi %parallel_loop3A_115, %parallel_loop3A_117 : vector<16xi32>
      %parallel_loop3A_119 = tpu.vector_load_idx %arg6[%parallel_loop3A_118] : memref<4608xi32, #tpu.memory_space<vmem>>[vector<16xi32>], vector<16xi32>,
      %parallel_loop3A_120 = tpu.vector_load_idx %arg5[%broadcast_in_dim3A_3, %parallel_loop3A_119] : memref<8x1024xf32, #tpu.memory_space<vmem>>[vector<16xi32>, vector<16xi32>], vector<16xf32>,
      %parallel_loop3A_121 = arith.constant 5 : i32
      %parallel_loop3A_122 = arith.constant 0 : i32
      %parallel_loop3A_123 = arith.index_cast %parallel_loop3A_121 : i32 to index
      %parallel_loop3A_124 = arith.index_cast %parallel_loop3A_122 : i32 to index
      %parallel_loop3A_125 = arith.index_cast %parallel_loop3A_56 : i32 to index
      %parallel_loop3A_126 = tpu.vector_load %arg7[%parallel_loop3A_123, %parallel_loop3A_124, %parallel_loop3A_125] {strides = array<i32>} : memref<8x8x576xf32, #tpu.memory_space<vmem>>, vector<16xf32>,
      tpu.vector_store %arg7[%parallel_loop3A_123, %parallel_loop3A_124, %parallel_loop3A_125], %parallel_loop3A_120 {strides = array<i32>} : memref<8x8x576xf32, #tpu.memory_space<vmem>>, vector<16xf32>,
      %parallel_loop3A_127 = tpu.vector_load_idx %arg5[%broadcast_in_dim3A_5, %parallel_loop3A_119] : memref<8x1024xf32, #tpu.memory_space<vmem>>[vector<16xi32>, vector<16xi32>], vector<16xf32>,
      %parallel_loop3A_128 = arith.constant 5 : i32
      %parallel_loop3A_129 = arith.constant 1 : i32
      %parallel_loop3A_130 = arith.index_cast %parallel_loop3A_128 : i32 to index
      %parallel_loop3A_131 = arith.index_cast %parallel_loop3A_129 : i32 to index
      %parallel_loop3A_132 = arith.index_cast %parallel_loop3A_56 : i32 to index
      %parallel_loop3A_133 = tpu.vector_load %arg7[%parallel_loop3A_130, %parallel_loop3A_131, %parallel_loop3A_132] {strides = array<i32>} : memref<8x8x576xf32, #tpu.memory_space<vmem>>, vector<16xf32>,
      tpu.vector_store %arg7[%parallel_loop3A_130, %parallel_loop3A_131, %parallel_loop3A_132], %parallel_loop3A_127 {strides = array<i32>} : memref<8x8x576xf32, #tpu.memory_space<vmem>>, vector<16xf32>,
      %parallel_loop3A_134 = tpu.vector_load_idx %arg5[%broadcast_in_dim3A_7, %parallel_loop3A_119] : memref<8x1024xf32, #tpu.memory_space<vmem>>[vector<16xi32>, vector<16xi32>], vector<16xf32>,
      %parallel_loop3A_135 = arith.constant 5 : i32
      %parallel_loop3A_136 = arith.constant 2 : i32
      %parallel_loop3A_137 = arith.index_cast %parallel_loop3A_135 : i32 to index
      %parallel_loop3A_138 = arith.index_cast %parallel_loop3A_136 : i32 to index
      %parallel_loop3A_139 = arith.index_cast %parallel_loop3A_56 : i32 to index
      %parallel_loop3A_140 = tpu.vector_load %arg7[%parallel_loop3A_137, %parallel_loop3A_138, %parallel_loop3A_139] {strides = array<i32>} : memref<8x8x576xf32, #tpu.memory_space<vmem>>, vector<16xf32>,
      tpu.vector_store %arg7[%parallel_loop3A_137, %parallel_loop3A_138, %parallel_loop3A_139], %parallel_loop3A_134 {strides = array<i32>} : memref<8x8x576xf32, #tpu.memory_space<vmem>>, vector<16xf32>,
      %parallel_loop3A_141 = tpu.vector_load_idx %arg5[%broadcast_in_dim3A_9, %parallel_loop3A_119] : memref<8x1024xf32, #tpu.memory_space<vmem>>[vector<16xi32>, vector<16xi32>], vector<16xf32>,
      %parallel_loop3A_142 = arith.constant 5 : i32
      %parallel_loop3A_143 = arith.constant 3 : i32
      %parallel_loop3A_144 = arith.index_cast %parallel_loop3A_142 : i32 to index
      %parallel_loop3A_145 = arith.index_cast %parallel_loop3A_143 : i32 to index
      %parallel_loop3A_146 = arith.index_cast %parallel_loop3A_56 : i32 to index
      %parallel_loop3A_147 = tpu.vector_load %arg7[%parallel_loop3A_144, %parallel_loop3A_145, %parallel_loop3A_146] {strides = array<i32>} : memref<8x8x576xf32, #tpu.memory_space<vmem>>, vector<16xf32>,
      tpu.vector_store %arg7[%parallel_loop3A_144, %parallel_loop3A_145, %parallel_loop3A_146], %parallel_loop3A_141 {strides = array<i32>} : memref<8x8x576xf32, #tpu.memory_space<vmem>>, vector<16xf32>,
      %parallel_loop3A_148 = tpu.vector_load_idx %arg5[%broadcast_in_dim3A_11, %parallel_loop3A_119] : memref<8x1024xf32, #tpu.memory_space<vmem>>[vector<16xi32>, vector<16xi32>], vector<16xf32>,
      %parallel_loop3A_149 = arith.constant 5 : i32
      %parallel_loop3A_150 = arith.constant 4 : i32
      %parallel_loop3A_151 = arith.index_cast %parallel_loop3A_149 : i32 to index
      %parallel_loop3A_152 = arith.index_cast %parallel_loop3A_150 : i32 to index
      %parallel_loop3A_153 = arith.index_cast %parallel_loop3A_56 : i32 to index
      %parallel_loop3A_154 = tpu.vector_load %arg7[%parallel_loop3A_151, %parallel_loop3A_152, %parallel_loop3A_153] {strides = array<i32>} : memref<8x8x576xf32, #tpu.memory_space<vmem>>, vector<16xf32>,
      tpu.vector_store %arg7[%parallel_loop3A_151, %parallel_loop3A_152, %parallel_loop3A_153], %parallel_loop3A_148 {strides = array<i32>} : memref<8x8x576xf32, #tpu.memory_space<vmem>>, vector<16xf32>,
      %parallel_loop3A_155 = tpu.vector_load_idx %arg5[%broadcast_in_dim3A_13, %parallel_loop3A_119] : memref<8x1024xf32, #tpu.memory_space<vmem>>[vector<16xi32>, vector<16xi32>], vector<16xf32>,
      %parallel_loop3A_156 = arith.constant 5 : i32
      %parallel_loop3A_157 = arith.constant 5 : i32
      %parallel_loop3A_158 = arith.index_cast %parallel_loop3A_156 : i32 to index
      %parallel_loop3A_159 = arith.index_cast %parallel_loop3A_157 : i32 to index
      %parallel_loop3A_160 = arith.index_cast %parallel_loop3A_56 : i32 to index
      %parallel_loop3A_161 = tpu.vector_load %arg7[%parallel_loop3A_158, %parallel_loop3A_159, %parallel_loop3A_160] {strides = array<i32>} : memref<8x8x576xf32, #tpu.memory_space<vmem>>, vector<16xf32>,
      tpu.vector_store %arg7[%parallel_loop3A_158, %parallel_loop3A_159, %parallel_loop3A_160], %parallel_loop3A_155 {strides = array<i32>} : memref<8x8x576xf32, #tpu.memory_space<vmem>>, vector<16xf32>,
      %parallel_loop3A_162 = tpu.vector_load_idx %arg5[%broadcast_in_dim3A_15, %parallel_loop3A_119] : memref<8x1024xf32, #tpu.memory_space<vmem>>[vector<16xi32>, vector<16xi32>], vector<16xf32>,
      %parallel_loop3A_163 = arith.constant 5 : i32
      %parallel_loop3A_164 = arith.constant 6 : i32
      %parallel_loop3A_165 = arith.index_cast %parallel_loop3A_163 : i32 to index
      %parallel_loop3A_166 = arith.index_cast %parallel_loop3A_164 : i32 to index
      %parallel_loop3A_167 = arith.index_cast %parallel_loop3A_56 : i32 to index
      %parallel_loop3A_168 = tpu.vector_load %arg7[%parallel_loop3A_165, %parallel_loop3A_166, %parallel_loop3A_167] {strides = array<i32>} : memref<8x8x576xf32, #tpu.memory_space<vmem>>, vector<16xf32>,
      tpu.vector_store %arg7[%parallel_loop3A_165, %parallel_loop3A_166, %parallel_loop3A_167], %parallel_loop3A_162 {strides = array<i32>} : memref<8x8x576xf32, #tpu.memory_space<vmem>>, vector<16xf32>,
      %parallel_loop3A_169 = tpu.vector_load_idx %arg5[%broadcast_in_dim3A_17, %parallel_loop3A_119] : memref<8x1024xf32, #tpu.memory_space<vmem>>[vector<16xi32>, vector<16xi32>], vector<16xf32>,
      %parallel_loop3A_170 = arith.constant 5 : i32
      %parallel_loop3A_171 = arith.constant 7 : i32
      %parallel_loop3A_172 = arith.index_cast %parallel_loop3A_170 : i32 to index
      %parallel_loop3A_173 = arith.index_cast %parallel_loop3A_171 : i32 to index
      %parallel_loop3A_174 = arith.index_cast %parallel_loop3A_56 : i32 to index
      %parallel_loop3A_175 = tpu.vector_load %arg7[%parallel_loop3A_172, %parallel_loop3A_173, %parallel_loop3A_174] {strides = array<i32>} : memref<8x8x576xf32, #tpu.memory_space<vmem>>, vector<16xf32>,
      tpu.vector_store %arg7[%parallel_loop3A_172, %parallel_loop3A_173, %parallel_loop3A_174], %parallel_loop3A_169 {strides = array<i32>} : memref<8x8x576xf32, #tpu.memory_space<vmem>>, vector<16xf32>,
    } {sc.loop_unroll_factor = 2 : i64, sc.parallel_access}
    %parallel_loop3A_35 = arith.constant 0 : i32
    %parallel_loop3A_36 = arith.constant 576 : i32
    %parallel_loop3A_37 = arith.constant 16 : i32
    scf.for %parallel_loop3A_56 = %parallel_loop3A_35 to %parallel_loop3A_36 step %parallel_loop3A_37  : i32 {
      %parallel_loop3A_57 = vector.broadcast %parallel_loop3A_56 : i32 to vector<16xi32>
      %parallel_loop3A_58 = arith.addi %parallel_loop3A_57, %iota3A : vector<16xi32>
      %parallel_loop3A_59 = arith.constant 24 : i32
      %parallel_loop3A_60 = arith.constant 0 : i32
      %parallel_loop3A_61 = arith.cmpi eq, %parallel_loop3A_59, %parallel_loop3A_60 : i32
      %parallel_loop3A_62 = arith.constant 1 : i32
      %parallel_loop3A_63 = arith.select %parallel_loop3A_61, %parallel_loop3A_62, %parallel_loop3A_59 : i32
      %parallel_loop3A_64 = vector.broadcast %parallel_loop3A_63 : i32 to vector<16xi32>
      %parallel_loop3A_65 = arith.remsi %parallel_loop3A_58, %parallel_loop3A_64 : vector<16xi32>
      %parallel_loop3A_66 = arith.constant 0 : i32
      %parallel_loop3A_67 = vector.broadcast %parallel_loop3A_66 : i32 to vector<16xi32>
      %parallel_loop3A_68 = arith.cmpi ne, %parallel_loop3A_65, %parallel_loop3A_67 : vector<16xi32>
      %parallel_loop3A_69 = arith.constant 0 : i32
      %parallel_loop3A_70 = vector.broadcast %parallel_loop3A_69 : i32 to vector<16xi32>
      %parallel_loop3A_71 = arith.cmpi slt, %parallel_loop3A_65, %parallel_loop3A_70 : vector<16xi32>
      %parallel_loop3A_72 = arith.constant 0 : i32
      %parallel_loop3A_73 = arith.cmpi slt, %parallel_loop3A_63, %parallel_loop3A_72 : i32
      %parallel_loop3A_74 = vector.broadcast %parallel_loop3A_73 : i1 to vector<16xi1>
      %parallel_loop3A_75 = vector.broadcast %parallel_loop3A_74 : vector<16xi1> to vector<16xi1>
      %parallel_loop3A_76 = arith.xori %parallel_loop3A_71, %parallel_loop3A_75 : vector<16xi1>
      %parallel_loop3A_77 = arith.andi %parallel_loop3A_76, %parallel_loop3A_68 : vector<16xi1>
      %parallel_loop3A_78 = vector.broadcast %parallel_loop3A_63 : i32 to vector<16xi32>
      %parallel_loop3A_79 = arith.addi %parallel_loop3A_65, %parallel_loop3A_78 : vector<16xi32>
      %parallel_loop3A_80 = arith.select %parallel_loop3A_77, %parallel_loop3A_79, %parallel_loop3A_65 : vector<16xi1>, vector<16xi32>
      %parallel_loop3A_81 = arith.constant 24 : i32
      %parallel_loop3A_82 = vector.broadcast %parallel_loop3A_81 : i32 to vector<16xi32>
      %parallel_loop3A_83 = arith.muli %parallel_loop3A_80, %parallel_loop3A_82 : vector<16xi32>
      %parallel_loop3A_84 = arith.constant 24 : i32
      %parallel_loop3A_85 = vector.broadcast %parallel_loop3A_84 : i32 to vector<16xi32>
      %parallel_loop3A_86 = arith.divsi %parallel_loop3A_58, %parallel_loop3A_85 : vector<16xi32>
      %parallel_loop3A_87 = arith.constant 0 : i32
      %parallel_loop3A_88 = vector.broadcast %parallel_loop3A_87 : i32 to vector<16xi32>
      %parallel_loop3A_89 = arith.cmpi sgt, %parallel_loop3A_58, %parallel_loop3A_88 : vector<16xi32>
      %parallel_loop3A_90 = arith.extui %parallel_loop3A_89 : vector<16xi1> to vector<16xi32>
      %parallel_loop3A_91 = arith.constant 0 : i32
      %parallel_loop3A_92 = vector.broadcast %parallel_loop3A_91 : i32 to vector<16xi32>
      %parallel_loop3A_93 = arith.cmpi slt, %parallel_loop3A_58, %parallel_loop3A_92 : vector<16xi32>
      %parallel_loop3A_94 = arith.extui %parallel_loop3A_93 : vector<16xi1> to vector<16xi32>
      %parallel_loop3A_95 = arith.subi %parallel_loop3A_90, %parallel_loop3A_94 : vector<16xi32>
      %parallel_loop3A_96 = arith.constant 0 : i32
      %parallel_loop3A_97 = arith.cmpi sgt, %parallel_loop3A_84, %parallel_loop3A_96 : i32
      %parallel_loop3A_98 = arith.extui %parallel_loop3A_97 : i1 to i32
      %parallel_loop3A_99 = arith.constant 0 : i32
      %parallel_loop3A_100 = arith.cmpi slt, %parallel_loop3A_84, %parallel_loop3A_99 : i32
      %parallel_loop3A_101 = arith.extui %parallel_loop3A_100 : i1 to i32
      %parallel_loop3A_102 = arith.subi %parallel_loop3A_98, %parallel_loop3A_101 : i32
      %parallel_loop3A_103 = vector.broadcast %parallel_loop3A_102 : i32 to vector<16xi32>
      %parallel_loop3A_104 = arith.cmpi ne, %parallel_loop3A_95, %parallel_loop3A_103 : vector<16xi32>
      %parallel_loop3A_105 = vector.broadcast %parallel_loop3A_84 : i32 to vector<16xi32>
      %parallel_loop3A_106 = arith.remsi %parallel_loop3A_58, %parallel_loop3A_105 : vector<16xi32>
      %parallel_loop3A_107 = arith.constant 0 : i32
      %parallel_loop3A_108 = vector.broadcast %parallel_loop3A_107 : i32 to vector<16xi32>
      %parallel_loop3A_109 = arith.cmpi ne, %parallel_loop3A_106, %parallel_loop3A_108 : vector<16xi32>
      %parallel_loop3A_110 = arith.andi %parallel_loop3A_104, %parallel_loop3A_109 : vector<16xi1>
      %parallel_loop3A_111 = arith.constant 1 : i32
      %parallel_loop3A_112 = vector.broadcast %parallel_loop3A_111 : i32 to vector<16xi32>
      %parallel_loop3A_113 = arith.subi %parallel_loop3A_86, %parallel_loop3A_112 : vector<16xi32>
      %parallel_loop3A_114 = arith.select %parallel_loop3A_110, %parallel_loop3A_113, %parallel_loop3A_86 : vector<16xi1>, vector<16xi32>
      %parallel_loop3A_115 = arith.addi %parallel_loop3A_83, %parallel_loop3A_114 : vector<16xi32>
      %parallel_loop3A_116 = arith.constant 3456 : i32
      %parallel_loop3A_117 = vector.broadcast %parallel_loop3A_116 : i32 to vector<16xi32>
      %parallel_loop3A_118 = arith.addi %parallel_loop3A_115, %parallel_loop3A_117 : vector<16xi32>
      %parallel_loop3A_119 = tpu.vector_load_idx %arg6[%parallel_loop3A_118] : memref<4608xi32, #tpu.memory_space<vmem>>[vector<16xi32>], vector<16xi32>,
      %parallel_loop3A_120 = tpu.vector_load_idx %arg5[%broadcast_in_dim3A_3, %parallel_loop3A_119] : memref<8x1024xf32, #tpu.memory_space<vmem>>[vector<16xi32>, vector<16xi32>], vector<16xf32>,
      %parallel_loop3A_121 = arith.constant 6 : i32
      %parallel_loop3A_122 = arith.constant 0 : i32
      %parallel_loop3A_123 = arith.index_cast %parallel_loop3A_121 : i32 to index
      %parallel_loop3A_124 = arith.index_cast %parallel_loop3A_122 : i32 to index
      %parallel_loop3A_125 = arith.index_cast %parallel_loop3A_56 : i32 to index
      %parallel_loop3A_126 = tpu.vector_load %arg7[%parallel_loop3A_123, %parallel_loop3A_124, %parallel_loop3A_125] {strides = array<i32>} : memref<8x8x576xf32, #tpu.memory_space<vmem>>, vector<16xf32>,
      tpu.vector_store %arg7[%parallel_loop3A_123, %parallel_loop3A_124, %parallel_loop3A_125], %parallel_loop3A_120 {strides = array<i32>} : memref<8x8x576xf32, #tpu.memory_space<vmem>>, vector<16xf32>,
      %parallel_loop3A_127 = tpu.vector_load_idx %arg5[%broadcast_in_dim3A_5, %parallel_loop3A_119] : memref<8x1024xf32, #tpu.memory_space<vmem>>[vector<16xi32>, vector<16xi32>], vector<16xf32>,
      %parallel_loop3A_128 = arith.constant 6 : i32
      %parallel_loop3A_129 = arith.constant 1 : i32
      %parallel_loop3A_130 = arith.index_cast %parallel_loop3A_128 : i32 to index
      %parallel_loop3A_131 = arith.index_cast %parallel_loop3A_129 : i32 to index
      %parallel_loop3A_132 = arith.index_cast %parallel_loop3A_56 : i32 to index
      %parallel_loop3A_133 = tpu.vector_load %arg7[%parallel_loop3A_130, %parallel_loop3A_131, %parallel_loop3A_132] {strides = array<i32>} : memref<8x8x576xf32, #tpu.memory_space<vmem>>, vector<16xf32>,
      tpu.vector_store %arg7[%parallel_loop3A_130, %parallel_loop3A_131, %parallel_loop3A_132], %parallel_loop3A_127 {strides = array<i32>} : memref<8x8x576xf32, #tpu.memory_space<vmem>>, vector<16xf32>,
      %parallel_loop3A_134 = tpu.vector_load_idx %arg5[%broadcast_in_dim3A_7, %parallel_loop3A_119] : memref<8x1024xf32, #tpu.memory_space<vmem>>[vector<16xi32>, vector<16xi32>], vector<16xf32>,
      %parallel_loop3A_135 = arith.constant 6 : i32
      %parallel_loop3A_136 = arith.constant 2 : i32
      %parallel_loop3A_137 = arith.index_cast %parallel_loop3A_135 : i32 to index
      %parallel_loop3A_138 = arith.index_cast %parallel_loop3A_136 : i32 to index
      %parallel_loop3A_139 = arith.index_cast %parallel_loop3A_56 : i32 to index
      %parallel_loop3A_140 = tpu.vector_load %arg7[%parallel_loop3A_137, %parallel_loop3A_138, %parallel_loop3A_139] {strides = array<i32>} : memref<8x8x576xf32, #tpu.memory_space<vmem>>, vector<16xf32>,
      tpu.vector_store %arg7[%parallel_loop3A_137, %parallel_loop3A_138, %parallel_loop3A_139], %parallel_loop3A_134 {strides = array<i32>} : memref<8x8x576xf32, #tpu.memory_space<vmem>>, vector<16xf32>,
      %parallel_loop3A_141 = tpu.vector_load_idx %arg5[%broadcast_in_dim3A_9, %parallel_loop3A_119] : memref<8x1024xf32, #tpu.memory_space<vmem>>[vector<16xi32>, vector<16xi32>], vector<16xf32>,
      %parallel_loop3A_142 = arith.constant 6 : i32
      %parallel_loop3A_143 = arith.constant 3 : i32
      %parallel_loop3A_144 = arith.index_cast %parallel_loop3A_142 : i32 to index
      %parallel_loop3A_145 = arith.index_cast %parallel_loop3A_143 : i32 to index
      %parallel_loop3A_146 = arith.index_cast %parallel_loop3A_56 : i32 to index
      %parallel_loop3A_147 = tpu.vector_load %arg7[%parallel_loop3A_144, %parallel_loop3A_145, %parallel_loop3A_146] {strides = array<i32>} : memref<8x8x576xf32, #tpu.memory_space<vmem>>, vector<16xf32>,
      tpu.vector_store %arg7[%parallel_loop3A_144, %parallel_loop3A_145, %parallel_loop3A_146], %parallel_loop3A_141 {strides = array<i32>} : memref<8x8x576xf32, #tpu.memory_space<vmem>>, vector<16xf32>,
      %parallel_loop3A_148 = tpu.vector_load_idx %arg5[%broadcast_in_dim3A_11, %parallel_loop3A_119] : memref<8x1024xf32, #tpu.memory_space<vmem>>[vector<16xi32>, vector<16xi32>], vector<16xf32>,
      %parallel_loop3A_149 = arith.constant 6 : i32
      %parallel_loop3A_150 = arith.constant 4 : i32
      %parallel_loop3A_151 = arith.index_cast %parallel_loop3A_149 : i32 to index
      %parallel_loop3A_152 = arith.index_cast %parallel_loop3A_150 : i32 to index
      %parallel_loop3A_153 = arith.index_cast %parallel_loop3A_56 : i32 to index
      %parallel_loop3A_154 = tpu.vector_load %arg7[%parallel_loop3A_151, %parallel_loop3A_152, %parallel_loop3A_153] {strides = array<i32>} : memref<8x8x576xf32, #tpu.memory_space<vmem>>, vector<16xf32>,
      tpu.vector_store %arg7[%parallel_loop3A_151, %parallel_loop3A_152, %parallel_loop3A_153], %parallel_loop3A_148 {strides = array<i32>} : memref<8x8x576xf32, #tpu.memory_space<vmem>>, vector<16xf32>,
      %parallel_loop3A_155 = tpu.vector_load_idx %arg5[%broadcast_in_dim3A_13, %parallel_loop3A_119] : memref<8x1024xf32, #tpu.memory_space<vmem>>[vector<16xi32>, vector<16xi32>], vector<16xf32>,
      %parallel_loop3A_156 = arith.constant 6 : i32
      %parallel_loop3A_157 = arith.constant 5 : i32
      %parallel_loop3A_158 = arith.index_cast %parallel_loop3A_156 : i32 to index
      %parallel_loop3A_159 = arith.index_cast %parallel_loop3A_157 : i32 to index
      %parallel_loop3A_160 = arith.index_cast %parallel_loop3A_56 : i32 to index
      %parallel_loop3A_161 = tpu.vector_load %arg7[%parallel_loop3A_158, %parallel_loop3A_159, %parallel_loop3A_160] {strides = array<i32>} : memref<8x8x576xf32, #tpu.memory_space<vmem>>, vector<16xf32>,
      tpu.vector_store %arg7[%parallel_loop3A_158, %parallel_loop3A_159, %parallel_loop3A_160], %parallel_loop3A_155 {strides = array<i32>} : memref<8x8x576xf32, #tpu.memory_space<vmem>>, vector<16xf32>,
      %parallel_loop3A_162 = tpu.vector_load_idx %arg5[%broadcast_in_dim3A_15, %parallel_loop3A_119] : memref<8x1024xf32, #tpu.memory_space<vmem>>[vector<16xi32>, vector<16xi32>], vector<16xf32>,
      %parallel_loop3A_163 = arith.constant 6 : i32
      %parallel_loop3A_164 = arith.constant 6 : i32
      %parallel_loop3A_165 = arith.index_cast %parallel_loop3A_163 : i32 to index
      %parallel_loop3A_166 = arith.index_cast %parallel_loop3A_164 : i32 to index
      %parallel_loop3A_167 = arith.index_cast %parallel_loop3A_56 : i32 to index
      %parallel_loop3A_168 = tpu.vector_load %arg7[%parallel_loop3A_165, %parallel_loop3A_166, %parallel_loop3A_167] {strides = array<i32>} : memref<8x8x576xf32, #tpu.memory_space<vmem>>, vector<16xf32>,
      tpu.vector_store %arg7[%parallel_loop3A_165, %parallel_loop3A_166, %parallel_loop3A_167], %parallel_loop3A_162 {strides = array<i32>} : memref<8x8x576xf32, #tpu.memory_space<vmem>>, vector<16xf32>,
      %parallel_loop3A_169 = tpu.vector_load_idx %arg5[%broadcast_in_dim3A_17, %parallel_loop3A_119] : memref<8x1024xf32, #tpu.memory_space<vmem>>[vector<16xi32>, vector<16xi32>], vector<16xf32>,
      %parallel_loop3A_170 = arith.constant 6 : i32
      %parallel_loop3A_171 = arith.constant 7 : i32
      %parallel_loop3A_172 = arith.index_cast %parallel_loop3A_170 : i32 to index
      %parallel_loop3A_173 = arith.index_cast %parallel_loop3A_171 : i32 to index
      %parallel_loop3A_174 = arith.index_cast %parallel_loop3A_56 : i32 to index
      %parallel_loop3A_175 = tpu.vector_load %arg7[%parallel_loop3A_172, %parallel_loop3A_173, %parallel_loop3A_174] {strides = array<i32>} : memref<8x8x576xf32, #tpu.memory_space<vmem>>, vector<16xf32>,
      tpu.vector_store %arg7[%parallel_loop3A_172, %parallel_loop3A_173, %parallel_loop3A_174], %parallel_loop3A_169 {strides = array<i32>} : memref<8x8x576xf32, #tpu.memory_space<vmem>>, vector<16xf32>,
    } {sc.loop_unroll_factor = 2 : i64, sc.parallel_access}
    %parallel_loop3A_38 = arith.constant 0 : i32
    %parallel_loop3A_39 = arith.constant 576 : i32
    %parallel_loop3A_40 = arith.constant 16 : i32
    scf.for %parallel_loop3A_56 = %parallel_loop3A_38 to %parallel_loop3A_39 step %parallel_loop3A_40  : i32 {
      %parallel_loop3A_57 = vector.broadcast %parallel_loop3A_56 : i32 to vector<16xi32>
      %parallel_loop3A_58 = arith.addi %parallel_loop3A_57, %iota3A : vector<16xi32>
      %parallel_loop3A_59 = arith.constant 24 : i32
      %parallel_loop3A_60 = arith.constant 0 : i32
      %parallel_loop3A_61 = arith.cmpi eq, %parallel_loop3A_59, %parallel_loop3A_60 : i32
      %parallel_loop3A_62 = arith.constant 1 : i32
      %parallel_loop3A_63 = arith.select %parallel_loop3A_61, %parallel_loop3A_62, %parallel_loop3A_59 : i32
      %parallel_loop3A_64 = vector.broadcast %parallel_loop3A_63 : i32 to vector<16xi32>
      %parallel_loop3A_65 = arith.remsi %parallel_loop3A_58, %parallel_loop3A_64 : vector<16xi32>
      %parallel_loop3A_66 = arith.constant 0 : i32
      %parallel_loop3A_67 = vector.broadcast %parallel_loop3A_66 : i32 to vector<16xi32>
      %parallel_loop3A_68 = arith.cmpi ne, %parallel_loop3A_65, %parallel_loop3A_67 : vector<16xi32>
      %parallel_loop3A_69 = arith.constant 0 : i32
      %parallel_loop3A_70 = vector.broadcast %parallel_loop3A_69 : i32 to vector<16xi32>
      %parallel_loop3A_71 = arith.cmpi slt, %parallel_loop3A_65, %parallel_loop3A_70 : vector<16xi32>
      %parallel_loop3A_72 = arith.constant 0 : i32
      %parallel_loop3A_73 = arith.cmpi slt, %parallel_loop3A_63, %parallel_loop3A_72 : i32
      %parallel_loop3A_74 = vector.broadcast %parallel_loop3A_73 : i1 to vector<16xi1>
      %parallel_loop3A_75 = vector.broadcast %parallel_loop3A_74 : vector<16xi1> to vector<16xi1>
      %parallel_loop3A_76 = arith.xori %parallel_loop3A_71, %parallel_loop3A_75 : vector<16xi1>
      %parallel_loop3A_77 = arith.andi %parallel_loop3A_76, %parallel_loop3A_68 : vector<16xi1>
      %parallel_loop3A_78 = vector.broadcast %parallel_loop3A_63 : i32 to vector<16xi32>
      %parallel_loop3A_79 = arith.addi %parallel_loop3A_65, %parallel_loop3A_78 : vector<16xi32>
      %parallel_loop3A_80 = arith.select %parallel_loop3A_77, %parallel_loop3A_79, %parallel_loop3A_65 : vector<16xi1>, vector<16xi32>
      %parallel_loop3A_81 = arith.constant 24 : i32
      %parallel_loop3A_82 = vector.broadcast %parallel_loop3A_81 : i32 to vector<16xi32>
      %parallel_loop3A_83 = arith.muli %parallel_loop3A_80, %parallel_loop3A_82 : vector<16xi32>
      %parallel_loop3A_84 = arith.constant 24 : i32
      %parallel_loop3A_85 = vector.broadcast %parallel_loop3A_84 : i32 to vector<16xi32>
      %parallel_loop3A_86 = arith.divsi %parallel_loop3A_58, %parallel_loop3A_85 : vector<16xi32>
      %parallel_loop3A_87 = arith.constant 0 : i32
      %parallel_loop3A_88 = vector.broadcast %parallel_loop3A_87 : i32 to vector<16xi32>
      %parallel_loop3A_89 = arith.cmpi sgt, %parallel_loop3A_58, %parallel_loop3A_88 : vector<16xi32>
      %parallel_loop3A_90 = arith.extui %parallel_loop3A_89 : vector<16xi1> to vector<16xi32>
      %parallel_loop3A_91 = arith.constant 0 : i32
      %parallel_loop3A_92 = vector.broadcast %parallel_loop3A_91 : i32 to vector<16xi32>
      %parallel_loop3A_93 = arith.cmpi slt, %parallel_loop3A_58, %parallel_loop3A_92 : vector<16xi32>
      %parallel_loop3A_94 = arith.extui %parallel_loop3A_93 : vector<16xi1> to vector<16xi32>
      %parallel_loop3A_95 = arith.subi %parallel_loop3A_90, %parallel_loop3A_94 : vector<16xi32>
      %parallel_loop3A_96 = arith.constant 0 : i32
      %parallel_loop3A_97 = arith.cmpi sgt, %parallel_loop3A_84, %parallel_loop3A_96 : i32
      %parallel_loop3A_98 = arith.extui %parallel_loop3A_97 : i1 to i32
      %parallel_loop3A_99 = arith.constant 0 : i32
      %parallel_loop3A_100 = arith.cmpi slt, %parallel_loop3A_84, %parallel_loop3A_99 : i32
      %parallel_loop3A_101 = arith.extui %parallel_loop3A_100 : i1 to i32
      %parallel_loop3A_102 = arith.subi %parallel_loop3A_98, %parallel_loop3A_101 : i32
      %parallel_loop3A_103 = vector.broadcast %parallel_loop3A_102 : i32 to vector<16xi32>
      %parallel_loop3A_104 = arith.cmpi ne, %parallel_loop3A_95, %parallel_loop3A_103 : vector<16xi32>
      %parallel_loop3A_105 = vector.broadcast %parallel_loop3A_84 : i32 to vector<16xi32>
      %parallel_loop3A_106 = arith.remsi %parallel_loop3A_58, %parallel_loop3A_105 : vector<16xi32>
      %parallel_loop3A_107 = arith.constant 0 : i32
      %parallel_loop3A_108 = vector.broadcast %parallel_loop3A_107 : i32 to vector<16xi32>
      %parallel_loop3A_109 = arith.cmpi ne, %parallel_loop3A_106, %parallel_loop3A_108 : vector<16xi32>
      %parallel_loop3A_110 = arith.andi %parallel_loop3A_104, %parallel_loop3A_109 : vector<16xi1>
      %parallel_loop3A_111 = arith.constant 1 : i32
      %parallel_loop3A_112 = vector.broadcast %parallel_loop3A_111 : i32 to vector<16xi32>
      %parallel_loop3A_113 = arith.subi %parallel_loop3A_86, %parallel_loop3A_112 : vector<16xi32>
      %parallel_loop3A_114 = arith.select %parallel_loop3A_110, %parallel_loop3A_113, %parallel_loop3A_86 : vector<16xi1>, vector<16xi32>
      %parallel_loop3A_115 = arith.addi %parallel_loop3A_83, %parallel_loop3A_114 : vector<16xi32>
      %parallel_loop3A_116 = arith.constant 4032 : i32
      %parallel_loop3A_117 = vector.broadcast %parallel_loop3A_116 : i32 to vector<16xi32>
      %parallel_loop3A_118 = arith.addi %parallel_loop3A_115, %parallel_loop3A_117 : vector<16xi32>
      %parallel_loop3A_119 = tpu.vector_load_idx %arg6[%parallel_loop3A_118] : memref<4608xi32, #tpu.memory_space<vmem>>[vector<16xi32>], vector<16xi32>,
      %parallel_loop3A_120 = tpu.vector_load_idx %arg5[%broadcast_in_dim3A_3, %parallel_loop3A_119] : memref<8x1024xf32, #tpu.memory_space<vmem>>[vector<16xi32>, vector<16xi32>], vector<16xf32>,
      %parallel_loop3A_121 = arith.constant 7 : i32
      %parallel_loop3A_122 = arith.constant 0 : i32
      %parallel_loop3A_123 = arith.index_cast %parallel_loop3A_121 : i32 to index
      %parallel_loop3A_124 = arith.index_cast %parallel_loop3A_122 : i32 to index
      %parallel_loop3A_125 = arith.index_cast %parallel_loop3A_56 : i32 to index
      %parallel_loop3A_126 = tpu.vector_load %arg7[%parallel_loop3A_123, %parallel_loop3A_124, %parallel_loop3A_125] {strides = array<i32>} : memref<8x8x576xf32, #tpu.memory_space<vmem>>, vector<16xf32>,
      tpu.vector_store %arg7[%parallel_loop3A_123, %parallel_loop3A_124, %parallel_loop3A_125], %parallel_loop3A_120 {strides = array<i32>} : memref<8x8x576xf32, #tpu.memory_space<vmem>>, vector<16xf32>,
      %parallel_loop3A_127 = tpu.vector_load_idx %arg5[%broadcast_in_dim3A_5, %parallel_loop3A_119] : memref<8x1024xf32, #tpu.memory_space<vmem>>[vector<16xi32>, vector<16xi32>], vector<16xf32>,
      %parallel_loop3A_128 = arith.constant 7 : i32
      %parallel_loop3A_129 = arith.constant 1 : i32
      %parallel_loop3A_130 = arith.index_cast %parallel_loop3A_128 : i32 to index
      %parallel_loop3A_131 = arith.index_cast %parallel_loop3A_129 : i32 to index
      %parallel_loop3A_132 = arith.index_cast %parallel_loop3A_56 : i32 to index
      %parallel_loop3A_133 = tpu.vector_load %arg7[%parallel_loop3A_130, %parallel_loop3A_131, %parallel_loop3A_132] {strides = array<i32>} : memref<8x8x576xf32, #tpu.memory_space<vmem>>, vector<16xf32>,
      tpu.vector_store %arg7[%parallel_loop3A_130, %parallel_loop3A_131, %parallel_loop3A_132], %parallel_loop3A_127 {strides = array<i32>} : memref<8x8x576xf32, #tpu.memory_space<vmem>>, vector<16xf32>,
      %parallel_loop3A_134 = tpu.vector_load_idx %arg5[%broadcast_in_dim3A_7, %parallel_loop3A_119] : memref<8x1024xf32, #tpu.memory_space<vmem>>[vector<16xi32>, vector<16xi32>], vector<16xf32>,
      %parallel_loop3A_135 = arith.constant 7 : i32
      %parallel_loop3A_136 = arith.constant 2 : i32
      %parallel_loop3A_137 = arith.index_cast %parallel_loop3A_135 : i32 to index
      %parallel_loop3A_138 = arith.index_cast %parallel_loop3A_136 : i32 to index
      %parallel_loop3A_139 = arith.index_cast %parallel_loop3A_56 : i32 to index
      %parallel_loop3A_140 = tpu.vector_load %arg7[%parallel_loop3A_137, %parallel_loop3A_138, %parallel_loop3A_139] {strides = array<i32>} : memref<8x8x576xf32, #tpu.memory_space<vmem>>, vector<16xf32>,
      tpu.vector_store %arg7[%parallel_loop3A_137, %parallel_loop3A_138, %parallel_loop3A_139], %parallel_loop3A_134 {strides = array<i32>} : memref<8x8x576xf32, #tpu.memory_space<vmem>>, vector<16xf32>,
      %parallel_loop3A_141 = tpu.vector_load_idx %arg5[%broadcast_in_dim3A_9, %parallel_loop3A_119] : memref<8x1024xf32, #tpu.memory_space<vmem>>[vector<16xi32>, vector<16xi32>], vector<16xf32>,
      %parallel_loop3A_142 = arith.constant 7 : i32
      %parallel_loop3A_143 = arith.constant 3 : i32
      %parallel_loop3A_144 = arith.index_cast %parallel_loop3A_142 : i32 to index
      %parallel_loop3A_145 = arith.index_cast %parallel_loop3A_143 : i32 to index
      %parallel_loop3A_146 = arith.index_cast %parallel_loop3A_56 : i32 to index
      %parallel_loop3A_147 = tpu.vector_load %arg7[%parallel_loop3A_144, %parallel_loop3A_145, %parallel_loop3A_146] {strides = array<i32>} : memref<8x8x576xf32, #tpu.memory_space<vmem>>, vector<16xf32>,
      tpu.vector_store %arg7[%parallel_loop3A_144, %parallel_loop3A_145, %parallel_loop3A_146], %parallel_loop3A_141 {strides = array<i32>} : memref<8x8x576xf32, #tpu.memory_space<vmem>>, vector<16xf32>,
      %parallel_loop3A_148 = tpu.vector_load_idx %arg5[%broadcast_in_dim3A_11, %parallel_loop3A_119] : memref<8x1024xf32, #tpu.memory_space<vmem>>[vector<16xi32>, vector<16xi32>], vector<16xf32>,
      %parallel_loop3A_149 = arith.constant 7 : i32
      %parallel_loop3A_150 = arith.constant 4 : i32
      %parallel_loop3A_151 = arith.index_cast %parallel_loop3A_149 : i32 to index
      %parallel_loop3A_152 = arith.index_cast %parallel_loop3A_150 : i32 to index
      %parallel_loop3A_153 = arith.index_cast %parallel_loop3A_56 : i32 to index
      %parallel_loop3A_154 = tpu.vector_load %arg7[%parallel_loop3A_151, %parallel_loop3A_152, %parallel_loop3A_153] {strides = array<i32>} : memref<8x8x576xf32, #tpu.memory_space<vmem>>, vector<16xf32>,
      tpu.vector_store %arg7[%parallel_loop3A_151, %parallel_loop3A_152, %parallel_loop3A_153], %parallel_loop3A_148 {strides = array<i32>} : memref<8x8x576xf32, #tpu.memory_space<vmem>>, vector<16xf32>,
      %parallel_loop3A_155 = tpu.vector_load_idx %arg5[%broadcast_in_dim3A_13, %parallel_loop3A_119] : memref<8x1024xf32, #tpu.memory_space<vmem>>[vector<16xi32>, vector<16xi32>], vector<16xf32>,
      %parallel_loop3A_156 = arith.constant 7 : i32
      %parallel_loop3A_157 = arith.constant 5 : i32
      %parallel_loop3A_158 = arith.index_cast %parallel_loop3A_156 : i32 to index
      %parallel_loop3A_159 = arith.index_cast %parallel_loop3A_157 : i32 to index
      %parallel_loop3A_160 = arith.index_cast %parallel_loop3A_56 : i32 to index
      %parallel_loop3A_161 = tpu.vector_load %arg7[%parallel_loop3A_158, %parallel_loop3A_159, %parallel_loop3A_160] {strides = array<i32>} : memref<8x8x576xf32, #tpu.memory_space<vmem>>, vector<16xf32>,
      tpu.vector_store %arg7[%parallel_loop3A_158, %parallel_loop3A_159, %parallel_loop3A_160], %parallel_loop3A_155 {strides = array<i32>} : memref<8x8x576xf32, #tpu.memory_space<vmem>>, vector<16xf32>,
      %parallel_loop3A_162 = tpu.vector_load_idx %arg5[%broadcast_in_dim3A_15, %parallel_loop3A_119] : memref<8x1024xf32, #tpu.memory_space<vmem>>[vector<16xi32>, vector<16xi32>], vector<16xf32>,
      %parallel_loop3A_163 = arith.constant 7 : i32
      %parallel_loop3A_164 = arith.constant 6 : i32
      %parallel_loop3A_165 = arith.index_cast %parallel_loop3A_163 : i32 to index
      %parallel_loop3A_166 = arith.index_cast %parallel_loop3A_164 : i32 to index
      %parallel_loop3A_167 = arith.index_cast %parallel_loop3A_56 : i32 to index
      %parallel_loop3A_168 = tpu.vector_load %arg7[%parallel_loop3A_165, %parallel_loop3A_166, %parallel_loop3A_167] {strides = array<i32>} : memref<8x8x576xf32, #tpu.memory_space<vmem>>, vector<16xf32>,
      tpu.vector_store %arg7[%parallel_loop3A_165, %parallel_loop3A_166, %parallel_loop3A_167], %parallel_loop3A_162 {strides = array<i32>} : memref<8x8x576xf32, #tpu.memory_space<vmem>>, vector<16xf32>,
      %parallel_loop3A_169 = tpu.vector_load_idx %arg5[%broadcast_in_dim3A_17, %parallel_loop3A_119] : memref<8x1024xf32, #tpu.memory_space<vmem>>[vector<16xi32>, vector<16xi32>], vector<16xf32>,
      %parallel_loop3A_170 = arith.constant 7 : i32
      %parallel_loop3A_171 = arith.constant 7 : i32
      %parallel_loop3A_172 = arith.index_cast %parallel_loop3A_170 : i32 to index
      %parallel_loop3A_173 = arith.index_cast %parallel_loop3A_171 : i32 to index
      %parallel_loop3A_174 = arith.index_cast %parallel_loop3A_56 : i32 to index
      %parallel_loop3A_175 = tpu.vector_load %arg7[%parallel_loop3A_172, %parallel_loop3A_173, %parallel_loop3A_174] {strides = array<i32>} : memref<8x8x576xf32, #tpu.memory_space<vmem>>, vector<16xf32>,
      tpu.vector_store %arg7[%parallel_loop3A_172, %parallel_loop3A_173, %parallel_loop3A_174], %parallel_loop3A_169 {strides = array<i32>} : memref<8x8x576xf32, #tpu.memory_space<vmem>>, vector<16xf32>,
    } {sc.loop_unroll_factor = 2 : i64, sc.parallel_access}
    %run_scoped3A = arith.constant 0 : i32
    %run_scoped3A_41 = arith.constant 0 : i32
    "tpu.region"() ({
      %run_scoped3A_56 = tpu.sem_alloc : memref<!tpu.dma_semaphore, #tpu.memory_space<semaphore_mem>>
      %dma_start3A = arith.constant 0 : i32
      %dma_start3A_57 = arith.constant 0 : i32
      %dma_start3A_58 = tpu.memref_slice %arg7[%run_scoped3A, %dma_start3A, %dma_start3A_57] : memref<8x8x576xf32, #tpu.memory_space<vmem>> -> memref<1x8x576xf32, #tpu.memory_space<vmem>>
      %dma_start3A_59 = tpu.memref_squeeze %dma_start3A_58 : memref<1x8x576xf32, #tpu.memory_space<vmem>> -> memref<8x576xf32, #tpu.memory_space<vmem>>
      %dma_start3A_60 = arith.constant 0 : i32
      %dma_start3A_61 = tpu.memref_slice %arg4[%run_scoped3A_41, %mul3A_2, %dma_start3A_60] : memref<8x256x576xf32, #tpu.memory_space<hbm>> -> memref<1x8x576xf32, #tpu.memory_space<hbm>>
      %dma_start3A_62 = tpu.memref_squeeze %dma_start3A_61 : memref<1x8x576xf32, #tpu.memory_space<hbm>> -> memref<8x576xf32, #tpu.memory_space<hbm>>
      %dma_start3A_63 = arith.constant 0 : i32
      %dma_start3A_64 = tpu.memref_slice %arg4[%run_scoped3A_41, %mul3A_2, %dma_start3A_63] : memref<8x256x576xf32, #tpu.memory_space<hbm>> -> memref<1x8x576xf32, #tpu.memory_space<hbm>>
      %dma_start3A_65 = tpu.memref_squeeze %dma_start3A_64 : memref<1x8x576xf32, #tpu.memory_space<hbm>> -> memref<8x576xf32, #tpu.memory_space<hbm>>
      %dma_start3A_66 = arith.constant 0 : i32
      %dma_start3A_67 = arith.constant 0 : i32
      %dma_start3A_68 = tpu.memref_slice %arg7[%run_scoped3A, %dma_start3A_66, %dma_start3A_67] : memref<8x8x576xf32, #tpu.memory_space<vmem>> -> memref<1x8x576xf32, #tpu.memory_space<vmem>>
      %dma_start3A_69 = tpu.memref_squeeze %dma_start3A_68 : memref<1x8x576xf32, #tpu.memory_space<vmem>> -> memref<8x576xf32, #tpu.memory_space<vmem>>
      tpu.enqueue_dma source(%dma_start3A_69 : memref<8x576xf32, #tpu.memory_space<vmem>>) target(%dma_start3A_65 : memref<8x576xf32, #tpu.memory_space<hbm>>) target_semaphore(%run_scoped3A_56 : memref<!tpu.dma_semaphore, #tpu.memory_space<semaphore_mem>>)
      %dma_wait3A = arith.constant 0 : i32
      %dma_wait3A_70 = arith.constant 0 : i32
      %dma_wait3A_71 = tpu.memref_slice %arg7[%run_scoped3A, %dma_wait3A, %dma_wait3A_70] : memref<8x8x576xf32, #tpu.memory_space<vmem>> -> memref<1x8x576xf32, #tpu.memory_space<vmem>>
      %dma_wait3A_72 = tpu.memref_squeeze %dma_wait3A_71 : memref<1x8x576xf32, #tpu.memory_space<vmem>> -> memref<8x576xf32, #tpu.memory_space<vmem>>
      %dma_wait3A_73 = arith.constant 0 : i32
      %dma_wait3A_74 = tpu.memref_slice %arg4[%run_scoped3A_41, %mul3A_2, %dma_wait3A_73] : memref<8x256x576xf32, #tpu.memory_space<hbm>> -> memref<1x8x576xf32, #tpu.memory_space<hbm>>
      %dma_wait3A_75 = tpu.memref_squeeze %dma_wait3A_74 : memref<1x8x576xf32, #tpu.memory_space<hbm>> -> memref<8x576xf32, #tpu.memory_space<hbm>>
      %dma_wait3A_76 = arith.constant 0 : i32
      %dma_wait3A_77 = tpu.memref_slice %arg4[%run_scoped3A_41, %mul3A_2, %dma_wait3A_76] : memref<8x256x576xf32, #tpu.memory_space<hbm>> -> memref<1x8x576xf32, #tpu.memory_space<hbm>>
      %dma_wait3A_78 = tpu.memref_squeeze %dma_wait3A_77 : memref<1x8x576xf32, #tpu.memory_space<hbm>> -> memref<8x576xf32, #tpu.memory_space<hbm>>
      %dma_wait3A_79 = arith.constant 0 : i32
      %dma_wait3A_80 = arith.constant 0 : i32
      %dma_wait3A_81 = tpu.memref_slice %arg7[%run_scoped3A, %dma_wait3A_79, %dma_wait3A_80] : memref<8x8x576xf32, #tpu.memory_space<vmem>> -> memref<1x8x576xf32, #tpu.memory_space<vmem>>
      %dma_wait3A_82 = tpu.memref_squeeze %dma_wait3A_81 : memref<1x8x576xf32, #tpu.memory_space<vmem>> -> memref<8x576xf32, #tpu.memory_space<vmem>>
      tpu.wait_dma2 semaphore(%run_scoped3A_56 : memref<!tpu.dma_semaphore, #tpu.memory_space<semaphore_mem>>) src(%dma_wait3A_82 : memref<8x576xf32, #tpu.memory_space<vmem>>) dst(%dma_wait3A_78 : memref<8x576xf32, #tpu.memory_space<hbm>>)
      tpu.yield
    }) : () -> ()
    %run_scoped3A_42 = arith.constant 1 : i32
    %run_scoped3A_43 = arith.constant 1 : i32
    "tpu.region"() ({
      %run_scoped3A_56 = tpu.sem_alloc : memref<!tpu.dma_semaphore, #tpu.memory_space<semaphore_mem>>
      %dma_start3A = arith.constant 0 : i32
      %dma_start3A_57 = arith.constant 0 : i32
      %dma_start3A_58 = tpu.memref_slice %arg7[%run_scoped3A_42, %dma_start3A, %dma_start3A_57] : memref<8x8x576xf32, #tpu.memory_space<vmem>> -> memref<1x8x576xf32, #tpu.memory_space<vmem>>
      %dma_start3A_59 = tpu.memref_squeeze %dma_start3A_58 : memref<1x8x576xf32, #tpu.memory_space<vmem>> -> memref<8x576xf32, #tpu.memory_space<vmem>>
      %dma_start3A_60 = arith.constant 0 : i32
      %dma_start3A_61 = tpu.memref_slice %arg4[%run_scoped3A_43, %mul3A_2, %dma_start3A_60] : memref<8x256x576xf32, #tpu.memory_space<hbm>> -> memref<1x8x576xf32, #tpu.memory_space<hbm>>
      %dma_start3A_62 = tpu.memref_squeeze %dma_start3A_61 : memref<1x8x576xf32, #tpu.memory_space<hbm>> -> memref<8x576xf32, #tpu.memory_space<hbm>>
      %dma_start3A_63 = arith.constant 0 : i32
      %dma_start3A_64 = tpu.memref_slice %arg4[%run_scoped3A_43, %mul3A_2, %dma_start3A_63] : memref<8x256x576xf32, #tpu.memory_space<hbm>> -> memref<1x8x576xf32, #tpu.memory_space<hbm>>
      %dma_start3A_65 = tpu.memref_squeeze %dma_start3A_64 : memref<1x8x576xf32, #tpu.memory_space<hbm>> -> memref<8x576xf32, #tpu.memory_space<hbm>>
      %dma_start3A_66 = arith.constant 0 : i32
      %dma_start3A_67 = arith.constant 0 : i32
      %dma_start3A_68 = tpu.memref_slice %arg7[%run_scoped3A_42, %dma_start3A_66, %dma_start3A_67] : memref<8x8x576xf32, #tpu.memory_space<vmem>> -> memref<1x8x576xf32, #tpu.memory_space<vmem>>
      %dma_start3A_69 = tpu.memref_squeeze %dma_start3A_68 : memref<1x8x576xf32, #tpu.memory_space<vmem>> -> memref<8x576xf32, #tpu.memory_space<vmem>>
      tpu.enqueue_dma source(%dma_start3A_69 : memref<8x576xf32, #tpu.memory_space<vmem>>) target(%dma_start3A_65 : memref<8x576xf32, #tpu.memory_space<hbm>>) target_semaphore(%run_scoped3A_56 : memref<!tpu.dma_semaphore, #tpu.memory_space<semaphore_mem>>)
      %dma_wait3A = arith.constant 0 : i32
      %dma_wait3A_70 = arith.constant 0 : i32
      %dma_wait3A_71 = tpu.memref_slice %arg7[%run_scoped3A_42, %dma_wait3A, %dma_wait3A_70] : memref<8x8x576xf32, #tpu.memory_space<vmem>> -> memref<1x8x576xf32, #tpu.memory_space<vmem>>
      %dma_wait3A_72 = tpu.memref_squeeze %dma_wait3A_71 : memref<1x8x576xf32, #tpu.memory_space<vmem>> -> memref<8x576xf32, #tpu.memory_space<vmem>>
      %dma_wait3A_73 = arith.constant 0 : i32
      %dma_wait3A_74 = tpu.memref_slice %arg4[%run_scoped3A_43, %mul3A_2, %dma_wait3A_73] : memref<8x256x576xf32, #tpu.memory_space<hbm>> -> memref<1x8x576xf32, #tpu.memory_space<hbm>>
      %dma_wait3A_75 = tpu.memref_squeeze %dma_wait3A_74 : memref<1x8x576xf32, #tpu.memory_space<hbm>> -> memref<8x576xf32, #tpu.memory_space<hbm>>
      %dma_wait3A_76 = arith.constant 0 : i32
      %dma_wait3A_77 = tpu.memref_slice %arg4[%run_scoped3A_43, %mul3A_2, %dma_wait3A_76] : memref<8x256x576xf32, #tpu.memory_space<hbm>> -> memref<1x8x576xf32, #tpu.memory_space<hbm>>
      %dma_wait3A_78 = tpu.memref_squeeze %dma_wait3A_77 : memref<1x8x576xf32, #tpu.memory_space<hbm>> -> memref<8x576xf32, #tpu.memory_space<hbm>>
      %dma_wait3A_79 = arith.constant 0 : i32
      %dma_wait3A_80 = arith.constant 0 : i32
      %dma_wait3A_81 = tpu.memref_slice %arg7[%run_scoped3A_42, %dma_wait3A_79, %dma_wait3A_80] : memref<8x8x576xf32, #tpu.memory_space<vmem>> -> memref<1x8x576xf32, #tpu.memory_space<vmem>>
      %dma_wait3A_82 = tpu.memref_squeeze %dma_wait3A_81 : memref<1x8x576xf32, #tpu.memory_space<vmem>> -> memref<8x576xf32, #tpu.memory_space<vmem>>
      tpu.wait_dma2 semaphore(%run_scoped3A_56 : memref<!tpu.dma_semaphore, #tpu.memory_space<semaphore_mem>>) src(%dma_wait3A_82 : memref<8x576xf32, #tpu.memory_space<vmem>>) dst(%dma_wait3A_78 : memref<8x576xf32, #tpu.memory_space<hbm>>)
      tpu.yield
    }) : () -> ()
    %run_scoped3A_44 = arith.constant 2 : i32
    %run_scoped3A_45 = arith.constant 2 : i32
    "tpu.region"() ({
      %run_scoped3A_56 = tpu.sem_alloc : memref<!tpu.dma_semaphore, #tpu.memory_space<semaphore_mem>>
      %dma_start3A = arith.constant 0 : i32
      %dma_start3A_57 = arith.constant 0 : i32
      %dma_start3A_58 = tpu.memref_slice %arg7[%run_scoped3A_44, %dma_start3A, %dma_start3A_57] : memref<8x8x576xf32, #tpu.memory_space<vmem>> -> memref<1x8x576xf32, #tpu.memory_space<vmem>>
      %dma_start3A_59 = tpu.memref_squeeze %dma_start3A_58 : memref<1x8x576xf32, #tpu.memory_space<vmem>> -> memref<8x576xf32, #tpu.memory_space<vmem>>
      %dma_start3A_60 = arith.constant 0 : i32
      %dma_start3A_61 = tpu.memref_slice %arg4[%run_scoped3A_45, %mul3A_2, %dma_start3A_60] : memref<8x256x576xf32, #tpu.memory_space<hbm>> -> memref<1x8x576xf32, #tpu.memory_space<hbm>>
      %dma_start3A_62 = tpu.memref_squeeze %dma_start3A_61 : memref<1x8x576xf32, #tpu.memory_space<hbm>> -> memref<8x576xf32, #tpu.memory_space<hbm>>
      %dma_start3A_63 = arith.constant 0 : i32
      %dma_start3A_64 = tpu.memref_slice %arg4[%run_scoped3A_45, %mul3A_2, %dma_start3A_63] : memref<8x256x576xf32, #tpu.memory_space<hbm>> -> memref<1x8x576xf32, #tpu.memory_space<hbm>>
      %dma_start3A_65 = tpu.memref_squeeze %dma_start3A_64 : memref<1x8x576xf32, #tpu.memory_space<hbm>> -> memref<8x576xf32, #tpu.memory_space<hbm>>
      %dma_start3A_66 = arith.constant 0 : i32
      %dma_start3A_67 = arith.constant 0 : i32
      %dma_start3A_68 = tpu.memref_slice %arg7[%run_scoped3A_44, %dma_start3A_66, %dma_start3A_67] : memref<8x8x576xf32, #tpu.memory_space<vmem>> -> memref<1x8x576xf32, #tpu.memory_space<vmem>>
      %dma_start3A_69 = tpu.memref_squeeze %dma_start3A_68 : memref<1x8x576xf32, #tpu.memory_space<vmem>> -> memref<8x576xf32, #tpu.memory_space<vmem>>
      tpu.enqueue_dma source(%dma_start3A_69 : memref<8x576xf32, #tpu.memory_space<vmem>>) target(%dma_start3A_65 : memref<8x576xf32, #tpu.memory_space<hbm>>) target_semaphore(%run_scoped3A_56 : memref<!tpu.dma_semaphore, #tpu.memory_space<semaphore_mem>>)
      %dma_wait3A = arith.constant 0 : i32
      %dma_wait3A_70 = arith.constant 0 : i32
      %dma_wait3A_71 = tpu.memref_slice %arg7[%run_scoped3A_44, %dma_wait3A, %dma_wait3A_70] : memref<8x8x576xf32, #tpu.memory_space<vmem>> -> memref<1x8x576xf32, #tpu.memory_space<vmem>>
      %dma_wait3A_72 = tpu.memref_squeeze %dma_wait3A_71 : memref<1x8x576xf32, #tpu.memory_space<vmem>> -> memref<8x576xf32, #tpu.memory_space<vmem>>
      %dma_wait3A_73 = arith.constant 0 : i32
      %dma_wait3A_74 = tpu.memref_slice %arg4[%run_scoped3A_45, %mul3A_2, %dma_wait3A_73] : memref<8x256x576xf32, #tpu.memory_space<hbm>> -> memref<1x8x576xf32, #tpu.memory_space<hbm>>
      %dma_wait3A_75 = tpu.memref_squeeze %dma_wait3A_74 : memref<1x8x576xf32, #tpu.memory_space<hbm>> -> memref<8x576xf32, #tpu.memory_space<hbm>>
      %dma_wait3A_76 = arith.constant 0 : i32
      %dma_wait3A_77 = tpu.memref_slice %arg4[%run_scoped3A_45, %mul3A_2, %dma_wait3A_76] : memref<8x256x576xf32, #tpu.memory_space<hbm>> -> memref<1x8x576xf32, #tpu.memory_space<hbm>>
      %dma_wait3A_78 = tpu.memref_squeeze %dma_wait3A_77 : memref<1x8x576xf32, #tpu.memory_space<hbm>> -> memref<8x576xf32, #tpu.memory_space<hbm>>
      %dma_wait3A_79 = arith.constant 0 : i32
      %dma_wait3A_80 = arith.constant 0 : i32
      %dma_wait3A_81 = tpu.memref_slice %arg7[%run_scoped3A_44, %dma_wait3A_79, %dma_wait3A_80] : memref<8x8x576xf32, #tpu.memory_space<vmem>> -> memref<1x8x576xf32, #tpu.memory_space<vmem>>
      %dma_wait3A_82 = tpu.memref_squeeze %dma_wait3A_81 : memref<1x8x576xf32, #tpu.memory_space<vmem>> -> memref<8x576xf32, #tpu.memory_space<vmem>>
      tpu.wait_dma2 semaphore(%run_scoped3A_56 : memref<!tpu.dma_semaphore, #tpu.memory_space<semaphore_mem>>) src(%dma_wait3A_82 : memref<8x576xf32, #tpu.memory_space<vmem>>) dst(%dma_wait3A_78 : memref<8x576xf32, #tpu.memory_space<hbm>>)
      tpu.yield
    }) : () -> ()
    %run_scoped3A_46 = arith.constant 3 : i32
    %run_scoped3A_47 = arith.constant 3 : i32
    "tpu.region"() ({
      %run_scoped3A_56 = tpu.sem_alloc : memref<!tpu.dma_semaphore, #tpu.memory_space<semaphore_mem>>
      %dma_start3A = arith.constant 0 : i32
      %dma_start3A_57 = arith.constant 0 : i32
      %dma_start3A_58 = tpu.memref_slice %arg7[%run_scoped3A_46, %dma_start3A, %dma_start3A_57] : memref<8x8x576xf32, #tpu.memory_space<vmem>> -> memref<1x8x576xf32, #tpu.memory_space<vmem>>
      %dma_start3A_59 = tpu.memref_squeeze %dma_start3A_58 : memref<1x8x576xf32, #tpu.memory_space<vmem>> -> memref<8x576xf32, #tpu.memory_space<vmem>>
      %dma_start3A_60 = arith.constant 0 : i32
      %dma_start3A_61 = tpu.memref_slice %arg4[%run_scoped3A_47, %mul3A_2, %dma_start3A_60] : memref<8x256x576xf32, #tpu.memory_space<hbm>> -> memref<1x8x576xf32, #tpu.memory_space<hbm>>
      %dma_start3A_62 = tpu.memref_squeeze %dma_start3A_61 : memref<1x8x576xf32, #tpu.memory_space<hbm>> -> memref<8x576xf32, #tpu.memory_space<hbm>>
      %dma_start3A_63 = arith.constant 0 : i32
      %dma_start3A_64 = tpu.memref_slice %arg4[%run_scoped3A_47, %mul3A_2, %dma_start3A_63] : memref<8x256x576xf32, #tpu.memory_space<hbm>> -> memref<1x8x576xf32, #tpu.memory_space<hbm>>
      %dma_start3A_65 = tpu.memref_squeeze %dma_start3A_64 : memref<1x8x576xf32, #tpu.memory_space<hbm>> -> memref<8x576xf32, #tpu.memory_space<hbm>>
      %dma_start3A_66 = arith.constant 0 : i32
      %dma_start3A_67 = arith.constant 0 : i32
      %dma_start3A_68 = tpu.memref_slice %arg7[%run_scoped3A_46, %dma_start3A_66, %dma_start3A_67] : memref<8x8x576xf32, #tpu.memory_space<vmem>> -> memref<1x8x576xf32, #tpu.memory_space<vmem>>
      %dma_start3A_69 = tpu.memref_squeeze %dma_start3A_68 : memref<1x8x576xf32, #tpu.memory_space<vmem>> -> memref<8x576xf32, #tpu.memory_space<vmem>>
      tpu.enqueue_dma source(%dma_start3A_69 : memref<8x576xf32, #tpu.memory_space<vmem>>) target(%dma_start3A_65 : memref<8x576xf32, #tpu.memory_space<hbm>>) target_semaphore(%run_scoped3A_56 : memref<!tpu.dma_semaphore, #tpu.memory_space<semaphore_mem>>)
      %dma_wait3A = arith.constant 0 : i32
      %dma_wait3A_70 = arith.constant 0 : i32
      %dma_wait3A_71 = tpu.memref_slice %arg7[%run_scoped3A_46, %dma_wait3A, %dma_wait3A_70] : memref<8x8x576xf32, #tpu.memory_space<vmem>> -> memref<1x8x576xf32, #tpu.memory_space<vmem>>
      %dma_wait3A_72 = tpu.memref_squeeze %dma_wait3A_71 : memref<1x8x576xf32, #tpu.memory_space<vmem>> -> memref<8x576xf32, #tpu.memory_space<vmem>>
      %dma_wait3A_73 = arith.constant 0 : i32
      %dma_wait3A_74 = tpu.memref_slice %arg4[%run_scoped3A_47, %mul3A_2, %dma_wait3A_73] : memref<8x256x576xf32, #tpu.memory_space<hbm>> -> memref<1x8x576xf32, #tpu.memory_space<hbm>>
      %dma_wait3A_75 = tpu.memref_squeeze %dma_wait3A_74 : memref<1x8x576xf32, #tpu.memory_space<hbm>> -> memref<8x576xf32, #tpu.memory_space<hbm>>
      %dma_wait3A_76 = arith.constant 0 : i32
      %dma_wait3A_77 = tpu.memref_slice %arg4[%run_scoped3A_47, %mul3A_2, %dma_wait3A_76] : memref<8x256x576xf32, #tpu.memory_space<hbm>> -> memref<1x8x576xf32, #tpu.memory_space<hbm>>
      %dma_wait3A_78 = tpu.memref_squeeze %dma_wait3A_77 : memref<1x8x576xf32, #tpu.memory_space<hbm>> -> memref<8x576xf32, #tpu.memory_space<hbm>>
      %dma_wait3A_79 = arith.constant 0 : i32
      %dma_wait3A_80 = arith.constant 0 : i32
      %dma_wait3A_81 = tpu.memref_slice %arg7[%run_scoped3A_46, %dma_wait3A_79, %dma_wait3A_80] : memref<8x8x576xf32, #tpu.memory_space<vmem>> -> memref<1x8x576xf32, #tpu.memory_space<vmem>>
      %dma_wait3A_82 = tpu.memref_squeeze %dma_wait3A_81 : memref<1x8x576xf32, #tpu.memory_space<vmem>> -> memref<8x576xf32, #tpu.memory_space<vmem>>
      tpu.wait_dma2 semaphore(%run_scoped3A_56 : memref<!tpu.dma_semaphore, #tpu.memory_space<semaphore_mem>>) src(%dma_wait3A_82 : memref<8x576xf32, #tpu.memory_space<vmem>>) dst(%dma_wait3A_78 : memref<8x576xf32, #tpu.memory_space<hbm>>)
      tpu.yield
    }) : () -> ()
    %run_scoped3A_48 = arith.constant 4 : i32
    %run_scoped3A_49 = arith.constant 4 : i32
    "tpu.region"() ({
      %run_scoped3A_56 = tpu.sem_alloc : memref<!tpu.dma_semaphore, #tpu.memory_space<semaphore_mem>>
      %dma_start3A = arith.constant 0 : i32
      %dma_start3A_57 = arith.constant 0 : i32
      %dma_start3A_58 = tpu.memref_slice %arg7[%run_scoped3A_48, %dma_start3A, %dma_start3A_57] : memref<8x8x576xf32, #tpu.memory_space<vmem>> -> memref<1x8x576xf32, #tpu.memory_space<vmem>>
      %dma_start3A_59 = tpu.memref_squeeze %dma_start3A_58 : memref<1x8x576xf32, #tpu.memory_space<vmem>> -> memref<8x576xf32, #tpu.memory_space<vmem>>
      %dma_start3A_60 = arith.constant 0 : i32
      %dma_start3A_61 = tpu.memref_slice %arg4[%run_scoped3A_49, %mul3A_2, %dma_start3A_60] : memref<8x256x576xf32, #tpu.memory_space<hbm>> -> memref<1x8x576xf32, #tpu.memory_space<hbm>>
      %dma_start3A_62 = tpu.memref_squeeze %dma_start3A_61 : memref<1x8x576xf32, #tpu.memory_space<hbm>> -> memref<8x576xf32, #tpu.memory_space<hbm>>
      %dma_start3A_63 = arith.constant 0 : i32
      %dma_start3A_64 = tpu.memref_slice %arg4[%run_scoped3A_49, %mul3A_2, %dma_start3A_63] : memref<8x256x576xf32, #tpu.memory_space<hbm>> -> memref<1x8x576xf32, #tpu.memory_space<hbm>>
      %dma_start3A_65 = tpu.memref_squeeze %dma_start3A_64 : memref<1x8x576xf32, #tpu.memory_space<hbm>> -> memref<8x576xf32, #tpu.memory_space<hbm>>
      %dma_start3A_66 = arith.constant 0 : i32
      %dma_start3A_67 = arith.constant 0 : i32
      %dma_start3A_68 = tpu.memref_slice %arg7[%run_scoped3A_48, %dma_start3A_66, %dma_start3A_67] : memref<8x8x576xf32, #tpu.memory_space<vmem>> -> memref<1x8x576xf32, #tpu.memory_space<vmem>>
      %dma_start3A_69 = tpu.memref_squeeze %dma_start3A_68 : memref<1x8x576xf32, #tpu.memory_space<vmem>> -> memref<8x576xf32, #tpu.memory_space<vmem>>
      tpu.enqueue_dma source(%dma_start3A_69 : memref<8x576xf32, #tpu.memory_space<vmem>>) target(%dma_start3A_65 : memref<8x576xf32, #tpu.memory_space<hbm>>) target_semaphore(%run_scoped3A_56 : memref<!tpu.dma_semaphore, #tpu.memory_space<semaphore_mem>>)
      %dma_wait3A = arith.constant 0 : i32
      %dma_wait3A_70 = arith.constant 0 : i32
      %dma_wait3A_71 = tpu.memref_slice %arg7[%run_scoped3A_48, %dma_wait3A, %dma_wait3A_70] : memref<8x8x576xf32, #tpu.memory_space<vmem>> -> memref<1x8x576xf32, #tpu.memory_space<vmem>>
      %dma_wait3A_72 = tpu.memref_squeeze %dma_wait3A_71 : memref<1x8x576xf32, #tpu.memory_space<vmem>> -> memref<8x576xf32, #tpu.memory_space<vmem>>
      %dma_wait3A_73 = arith.constant 0 : i32
      %dma_wait3A_74 = tpu.memref_slice %arg4[%run_scoped3A_49, %mul3A_2, %dma_wait3A_73] : memref<8x256x576xf32, #tpu.memory_space<hbm>> -> memref<1x8x576xf32, #tpu.memory_space<hbm>>
      %dma_wait3A_75 = tpu.memref_squeeze %dma_wait3A_74 : memref<1x8x576xf32, #tpu.memory_space<hbm>> -> memref<8x576xf32, #tpu.memory_space<hbm>>
      %dma_wait3A_76 = arith.constant 0 : i32
      %dma_wait3A_77 = tpu.memref_slice %arg4[%run_scoped3A_49, %mul3A_2, %dma_wait3A_76] : memref<8x256x576xf32, #tpu.memory_space<hbm>> -> memref<1x8x576xf32, #tpu.memory_space<hbm>>
      %dma_wait3A_78 = tpu.memref_squeeze %dma_wait3A_77 : memref<1x8x576xf32, #tpu.memory_space<hbm>> -> memref<8x576xf32, #tpu.memory_space<hbm>>
      %dma_wait3A_79 = arith.constant 0 : i32
      %dma_wait3A_80 = arith.constant 0 : i32
      %dma_wait3A_81 = tpu.memref_slice %arg7[%run_scoped3A_48, %dma_wait3A_79, %dma_wait3A_80] : memref<8x8x576xf32, #tpu.memory_space<vmem>> -> memref<1x8x576xf32, #tpu.memory_space<vmem>>
      %dma_wait3A_82 = tpu.memref_squeeze %dma_wait3A_81 : memref<1x8x576xf32, #tpu.memory_space<vmem>> -> memref<8x576xf32, #tpu.memory_space<vmem>>
      tpu.wait_dma2 semaphore(%run_scoped3A_56 : memref<!tpu.dma_semaphore, #tpu.memory_space<semaphore_mem>>) src(%dma_wait3A_82 : memref<8x576xf32, #tpu.memory_space<vmem>>) dst(%dma_wait3A_78 : memref<8x576xf32, #tpu.memory_space<hbm>>)
      tpu.yield
    }) : () -> ()
    %run_scoped3A_50 = arith.constant 5 : i32
    %run_scoped3A_51 = arith.constant 5 : i32
    "tpu.region"() ({
      %run_scoped3A_56 = tpu.sem_alloc : memref<!tpu.dma_semaphore, #tpu.memory_space<semaphore_mem>>
      %dma_start3A = arith.constant 0 : i32
      %dma_start3A_57 = arith.constant 0 : i32
      %dma_start3A_58 = tpu.memref_slice %arg7[%run_scoped3A_50, %dma_start3A, %dma_start3A_57] : memref<8x8x576xf32, #tpu.memory_space<vmem>> -> memref<1x8x576xf32, #tpu.memory_space<vmem>>
      %dma_start3A_59 = tpu.memref_squeeze %dma_start3A_58 : memref<1x8x576xf32, #tpu.memory_space<vmem>> -> memref<8x576xf32, #tpu.memory_space<vmem>>
      %dma_start3A_60 = arith.constant 0 : i32
      %dma_start3A_61 = tpu.memref_slice %arg4[%run_scoped3A_51, %mul3A_2, %dma_start3A_60] : memref<8x256x576xf32, #tpu.memory_space<hbm>> -> memref<1x8x576xf32, #tpu.memory_space<hbm>>
      %dma_start3A_62 = tpu.memref_squeeze %dma_start3A_61 : memref<1x8x576xf32, #tpu.memory_space<hbm>> -> memref<8x576xf32, #tpu.memory_space<hbm>>
      %dma_start3A_63 = arith.constant 0 : i32
      %dma_start3A_64 = tpu.memref_slice %arg4[%run_scoped3A_51, %mul3A_2, %dma_start3A_63] : memref<8x256x576xf32, #tpu.memory_space<hbm>> -> memref<1x8x576xf32, #tpu.memory_space<hbm>>
      %dma_start3A_65 = tpu.memref_squeeze %dma_start3A_64 : memref<1x8x576xf32, #tpu.memory_space<hbm>> -> memref<8x576xf32, #tpu.memory_space<hbm>>
      %dma_start3A_66 = arith.constant 0 : i32
      %dma_start3A_67 = arith.constant 0 : i32
      %dma_start3A_68 = tpu.memref_slice %arg7[%run_scoped3A_50, %dma_start3A_66, %dma_start3A_67] : memref<8x8x576xf32, #tpu.memory_space<vmem>> -> memref<1x8x576xf32, #tpu.memory_space<vmem>>
      %dma_start3A_69 = tpu.memref_squeeze %dma_start3A_68 : memref<1x8x576xf32, #tpu.memory_space<vmem>> -> memref<8x576xf32, #tpu.memory_space<vmem>>
      tpu.enqueue_dma source(%dma_start3A_69 : memref<8x576xf32, #tpu.memory_space<vmem>>) target(%dma_start3A_65 : memref<8x576xf32, #tpu.memory_space<hbm>>) target_semaphore(%run_scoped3A_56 : memref<!tpu.dma_semaphore, #tpu.memory_space<semaphore_mem>>)
      %dma_wait3A = arith.constant 0 : i32
      %dma_wait3A_70 = arith.constant 0 : i32
      %dma_wait3A_71 = tpu.memref_slice %arg7[%run_scoped3A_50, %dma_wait3A, %dma_wait3A_70] : memref<8x8x576xf32, #tpu.memory_space<vmem>> -> memref<1x8x576xf32, #tpu.memory_space<vmem>>
      %dma_wait3A_72 = tpu.memref_squeeze %dma_wait3A_71 : memref<1x8x576xf32, #tpu.memory_space<vmem>> -> memref<8x576xf32, #tpu.memory_space<vmem>>
      %dma_wait3A_73 = arith.constant 0 : i32
      %dma_wait3A_74 = tpu.memref_slice %arg4[%run_scoped3A_51, %mul3A_2, %dma_wait3A_73] : memref<8x256x576xf32, #tpu.memory_space<hbm>> -> memref<1x8x576xf32, #tpu.memory_space<hbm>>
      %dma_wait3A_75 = tpu.memref_squeeze %dma_wait3A_74 : memref<1x8x576xf32, #tpu.memory_space<hbm>> -> memref<8x576xf32, #tpu.memory_space<hbm>>
      %dma_wait3A_76 = arith.constant 0 : i32
      %dma_wait3A_77 = tpu.memref_slice %arg4[%run_scoped3A_51, %mul3A_2, %dma_wait3A_76] : memref<8x256x576xf32, #tpu.memory_space<hbm>> -> memref<1x8x576xf32, #tpu.memory_space<hbm>>
      %dma_wait3A_78 = tpu.memref_squeeze %dma_wait3A_77 : memref<1x8x576xf32, #tpu.memory_space<hbm>> -> memref<8x576xf32, #tpu.memory_space<hbm>>
      %dma_wait3A_79 = arith.constant 0 : i32
      %dma_wait3A_80 = arith.constant 0 : i32
      %dma_wait3A_81 = tpu.memref_slice %arg7[%run_scoped3A_50, %dma_wait3A_79, %dma_wait3A_80] : memref<8x8x576xf32, #tpu.memory_space<vmem>> -> memref<1x8x576xf32, #tpu.memory_space<vmem>>
      %dma_wait3A_82 = tpu.memref_squeeze %dma_wait3A_81 : memref<1x8x576xf32, #tpu.memory_space<vmem>> -> memref<8x576xf32, #tpu.memory_space<vmem>>
      tpu.wait_dma2 semaphore(%run_scoped3A_56 : memref<!tpu.dma_semaphore, #tpu.memory_space<semaphore_mem>>) src(%dma_wait3A_82 : memref<8x576xf32, #tpu.memory_space<vmem>>) dst(%dma_wait3A_78 : memref<8x576xf32, #tpu.memory_space<hbm>>)
      tpu.yield
    }) : () -> ()
    %run_scoped3A_52 = arith.constant 6 : i32
    %run_scoped3A_53 = arith.constant 6 : i32
    "tpu.region"() ({
      %run_scoped3A_56 = tpu.sem_alloc : memref<!tpu.dma_semaphore, #tpu.memory_space<semaphore_mem>>
      %dma_start3A = arith.constant 0 : i32
      %dma_start3A_57 = arith.constant 0 : i32
      %dma_start3A_58 = tpu.memref_slice %arg7[%run_scoped3A_52, %dma_start3A, %dma_start3A_57] : memref<8x8x576xf32, #tpu.memory_space<vmem>> -> memref<1x8x576xf32, #tpu.memory_space<vmem>>
      %dma_start3A_59 = tpu.memref_squeeze %dma_start3A_58 : memref<1x8x576xf32, #tpu.memory_space<vmem>> -> memref<8x576xf32, #tpu.memory_space<vmem>>
      %dma_start3A_60 = arith.constant 0 : i32
      %dma_start3A_61 = tpu.memref_slice %arg4[%run_scoped3A_53, %mul3A_2, %dma_start3A_60] : memref<8x256x576xf32, #tpu.memory_space<hbm>> -> memref<1x8x576xf32, #tpu.memory_space<hbm>>
      %dma_start3A_62 = tpu.memref_squeeze %dma_start3A_61 : memref<1x8x576xf32, #tpu.memory_space<hbm>> -> memref<8x576xf32, #tpu.memory_space<hbm>>
      %dma_start3A_63 = arith.constant 0 : i32
      %dma_start3A_64 = tpu.memref_slice %arg4[%run_scoped3A_53, %mul3A_2, %dma_start3A_63] : memref<8x256x576xf32, #tpu.memory_space<hbm>> -> memref<1x8x576xf32, #tpu.memory_space<hbm>>
      %dma_start3A_65 = tpu.memref_squeeze %dma_start3A_64 : memref<1x8x576xf32, #tpu.memory_space<hbm>> -> memref<8x576xf32, #tpu.memory_space<hbm>>
      %dma_start3A_66 = arith.constant 0 : i32
      %dma_start3A_67 = arith.constant 0 : i32
      %dma_start3A_68 = tpu.memref_slice %arg7[%run_scoped3A_52, %dma_start3A_66, %dma_start3A_67] : memref<8x8x576xf32, #tpu.memory_space<vmem>> -> memref<1x8x576xf32, #tpu.memory_space<vmem>>
      %dma_start3A_69 = tpu.memref_squeeze %dma_start3A_68 : memref<1x8x576xf32, #tpu.memory_space<vmem>> -> memref<8x576xf32, #tpu.memory_space<vmem>>
      tpu.enqueue_dma source(%dma_start3A_69 : memref<8x576xf32, #tpu.memory_space<vmem>>) target(%dma_start3A_65 : memref<8x576xf32, #tpu.memory_space<hbm>>) target_semaphore(%run_scoped3A_56 : memref<!tpu.dma_semaphore, #tpu.memory_space<semaphore_mem>>)
      %dma_wait3A = arith.constant 0 : i32
      %dma_wait3A_70 = arith.constant 0 : i32
      %dma_wait3A_71 = tpu.memref_slice %arg7[%run_scoped3A_52, %dma_wait3A, %dma_wait3A_70] : memref<8x8x576xf32, #tpu.memory_space<vmem>> -> memref<1x8x576xf32, #tpu.memory_space<vmem>>
      %dma_wait3A_72 = tpu.memref_squeeze %dma_wait3A_71 : memref<1x8x576xf32, #tpu.memory_space<vmem>> -> memref<8x576xf32, #tpu.memory_space<vmem>>
      %dma_wait3A_73 = arith.constant 0 : i32
      %dma_wait3A_74 = tpu.memref_slice %arg4[%run_scoped3A_53, %mul3A_2, %dma_wait3A_73] : memref<8x256x576xf32, #tpu.memory_space<hbm>> -> memref<1x8x576xf32, #tpu.memory_space<hbm>>
      %dma_wait3A_75 = tpu.memref_squeeze %dma_wait3A_74 : memref<1x8x576xf32, #tpu.memory_space<hbm>> -> memref<8x576xf32, #tpu.memory_space<hbm>>
      %dma_wait3A_76 = arith.constant 0 : i32
      %dma_wait3A_77 = tpu.memref_slice %arg4[%run_scoped3A_53, %mul3A_2, %dma_wait3A_76] : memref<8x256x576xf32, #tpu.memory_space<hbm>> -> memref<1x8x576xf32, #tpu.memory_space<hbm>>
      %dma_wait3A_78 = tpu.memref_squeeze %dma_wait3A_77 : memref<1x8x576xf32, #tpu.memory_space<hbm>> -> memref<8x576xf32, #tpu.memory_space<hbm>>
      %dma_wait3A_79 = arith.constant 0 : i32
      %dma_wait3A_80 = arith.constant 0 : i32
      %dma_wait3A_81 = tpu.memref_slice %arg7[%run_scoped3A_52, %dma_wait3A_79, %dma_wait3A_80] : memref<8x8x576xf32, #tpu.memory_space<vmem>> -> memref<1x8x576xf32, #tpu.memory_space<vmem>>
      %dma_wait3A_82 = tpu.memref_squeeze %dma_wait3A_81 : memref<1x8x576xf32, #tpu.memory_space<vmem>> -> memref<8x576xf32, #tpu.memory_space<vmem>>
      tpu.wait_dma2 semaphore(%run_scoped3A_56 : memref<!tpu.dma_semaphore, #tpu.memory_space<semaphore_mem>>) src(%dma_wait3A_82 : memref<8x576xf32, #tpu.memory_space<vmem>>) dst(%dma_wait3A_78 : memref<8x576xf32, #tpu.memory_space<hbm>>)
      tpu.yield
    }) : () -> ()
    %run_scoped3A_54 = arith.constant 7 : i32
    %run_scoped3A_55 = arith.constant 7 : i32
    "tpu.region"() ({
      %run_scoped3A_56 = tpu.sem_alloc : memref<!tpu.dma_semaphore, #tpu.memory_space<semaphore_mem>>
      %dma_start3A = arith.constant 0 : i32
      %dma_start3A_57 = arith.constant 0 : i32
      %dma_start3A_58 = tpu.memref_slice %arg7[%run_scoped3A_54, %dma_start3A, %dma_start3A_57] : memref<8x8x576xf32, #tpu.memory_space<vmem>> -> memref<1x8x576xf32, #tpu.memory_space<vmem>>
      %dma_start3A_59 = tpu.memref_squeeze %dma_start3A_58 : memref<1x8x576xf32, #tpu.memory_space<vmem>> -> memref<8x576xf32, #tpu.memory_space<vmem>>
      %dma_start3A_60 = arith.constant 0 : i32
      %dma_start3A_61 = tpu.memref_slice %arg4[%run_scoped3A_55, %mul3A_2, %dma_start3A_60] : memref<8x256x576xf32, #tpu.memory_space<hbm>> -> memref<1x8x576xf32, #tpu.memory_space<hbm>>
      %dma_start3A_62 = tpu.memref_squeeze %dma_start3A_61 : memref<1x8x576xf32, #tpu.memory_space<hbm>> -> memref<8x576xf32, #tpu.memory_space<hbm>>
      %dma_start3A_63 = arith.constant 0 : i32
      %dma_start3A_64 = tpu.memref_slice %arg4[%run_scoped3A_55, %mul3A_2, %dma_start3A_63] : memref<8x256x576xf32, #tpu.memory_space<hbm>> -> memref<1x8x576xf32, #tpu.memory_space<hbm>>
      %dma_start3A_65 = tpu.memref_squeeze %dma_start3A_64 : memref<1x8x576xf32, #tpu.memory_space<hbm>> -> memref<8x576xf32, #tpu.memory_space<hbm>>
      %dma_start3A_66 = arith.constant 0 : i32
      %dma_start3A_67 = arith.constant 0 : i32
      %dma_start3A_68 = tpu.memref_slice %arg7[%run_scoped3A_54, %dma_start3A_66, %dma_start3A_67] : memref<8x8x576xf32, #tpu.memory_space<vmem>> -> memref<1x8x576xf32, #tpu.memory_space<vmem>>
      %dma_start3A_69 = tpu.memref_squeeze %dma_start3A_68 : memref<1x8x576xf32, #tpu.memory_space<vmem>> -> memref<8x576xf32, #tpu.memory_space<vmem>>
      tpu.enqueue_dma source(%dma_start3A_69 : memref<8x576xf32, #tpu.memory_space<vmem>>) target(%dma_start3A_65 : memref<8x576xf32, #tpu.memory_space<hbm>>) target_semaphore(%run_scoped3A_56 : memref<!tpu.dma_semaphore, #tpu.memory_space<semaphore_mem>>)
      %dma_wait3A = arith.constant 0 : i32
      %dma_wait3A_70 = arith.constant 0 : i32
      %dma_wait3A_71 = tpu.memref_slice %arg7[%run_scoped3A_54, %dma_wait3A, %dma_wait3A_70] : memref<8x8x576xf32, #tpu.memory_space<vmem>> -> memref<1x8x576xf32, #tpu.memory_space<vmem>>
      %dma_wait3A_72 = tpu.memref_squeeze %dma_wait3A_71 : memref<1x8x576xf32, #tpu.memory_space<vmem>> -> memref<8x576xf32, #tpu.memory_space<vmem>>
      %dma_wait3A_73 = arith.constant 0 : i32
      %dma_wait3A_74 = tpu.memref_slice %arg4[%run_scoped3A_55, %mul3A_2, %dma_wait3A_73] : memref<8x256x576xf32, #tpu.memory_space<hbm>> -> memref<1x8x576xf32, #tpu.memory_space<hbm>>
      %dma_wait3A_75 = tpu.memref_squeeze %dma_wait3A_74 : memref<1x8x576xf32, #tpu.memory_space<hbm>> -> memref<8x576xf32, #tpu.memory_space<hbm>>
      %dma_wait3A_76 = arith.constant 0 : i32
      %dma_wait3A_77 = tpu.memref_slice %arg4[%run_scoped3A_55, %mul3A_2, %dma_wait3A_76] : memref<8x256x576xf32, #tpu.memory_space<hbm>> -> memref<1x8x576xf32, #tpu.memory_space<hbm>>
      %dma_wait3A_78 = tpu.memref_squeeze %dma_wait3A_77 : memref<1x8x576xf32, #tpu.memory_space<hbm>> -> memref<8x576xf32, #tpu.memory_space<hbm>>
      %dma_wait3A_79 = arith.constant 0 : i32
      %dma_wait3A_80 = arith.constant 0 : i32
      %dma_wait3A_81 = tpu.memref_slice %arg7[%run_scoped3A_54, %dma_wait3A_79, %dma_wait3A_80] : memref<8x8x576xf32, #tpu.memory_space<vmem>> -> memref<1x8x576xf32, #tpu.memory_space<vmem>>
      %dma_wait3A_82 = tpu.memref_squeeze %dma_wait3A_81 : memref<1x8x576xf32, #tpu.memory_space<vmem>> -> memref<8x576xf32, #tpu.memory_space<vmem>>
      tpu.wait_dma2 semaphore(%run_scoped3A_56 : memref<!tpu.dma_semaphore, #tpu.memory_space<semaphore_mem>>) src(%dma_wait3A_82 : memref<8x576xf32, #tpu.memory_space<vmem>>) dst(%dma_wait3A_78 : memref<8x576xf32, #tpu.memory_space<hbm>>)
      tpu.yield
    }) : () -> ()
    return
  }
}

module attributes {stable_mosaic.version = 14 : i64} {
  func.func @_tc_body(%arg0: i32, %arg1: memref<512x256xf32, #tpu.memory_space<vmem>>, %arg2: memref<256x1024xf32, #tpu.memory_space<vmem>>, %arg3: memref<1x1x512xi32, #tpu.memory_space<vmem>>, %arg4: memref<1x1xf32, #tpu.memory_space<vmem>>) attributes {dimension_semantics = [#tpu.dimension_semantics<arbitrary>], iteration_bounds = array<i64: 9>, scalar_prefetch = 0 : i64, scratch_operands = 0 : i64, tpu.core_type = #tpu.core_type<tc>, window_params = [{transform_indices = @transform_0, window_bounds = array<i64: 512, 256>}, {pipeline_mode = #tpu.pipeline_mode<synchronous>, transform_indices = @transform_1, window_bounds = array<i64: 256, 1024>}, {transform_indices = @transform_2, window_bounds = array<i64: 1, 1, 512>}, {pipeline_mode = #tpu.pipeline_mode<synchronous>, transform_indices = @transform_3, window_bounds = array<i64: 1, 1>}]} {
    %get3A = arith.constant 0 : index
    %get3A_0 = arith.constant 0 : index
    %get3A_1 = vector.load %arg1[%get3A, %get3A_0] : memref<512x256xf32, #tpu.memory_space<vmem>>, vector<512x256xf32>
    %get3A_2 = arith.constant 0 : index
    %get3A_3 = arith.constant 0 : index
    %get3A_4 = vector.load %arg2[%get3A_2, %get3A_3] : memref<256x1024xf32, #tpu.memory_space<vmem>>, vector<256x1024xf32>
    %dot_general3A = arith.constant dense<0.000000e+00> : vector<512x1024xf32>
    %dot_general3A_5 = tpu.matmul %get3A_1, %get3A_4, %dot_general3A {dimension_numbers = #tpu.dot_dimension_numbers<[1], [0], [0], [1], [0, 0, 1, 1], [], []>, transpose_lhs_hint = false} : vector<512x256xf32>, vector<256x1024xf32>, vector<512x1024xf32> -> vector<512x1024xf32>
    %mul3A = arith.mulf %get3A_4, %get3A_4 : vector<256x1024xf32>
    %reduce_sum3A = arith.constant dense<0.000000e+00> : vector<1024xf32>
    %reduce_sum3A_6 = vector.multi_reduction <add>, %mul3A, %reduce_sum3A [0] : vector<256x1024xf32> to vector<1024xf32>
    %broadcast_in_dim3A = vector.shape_cast %reduce_sum3A_6 : vector<1024xf32> to vector<1x1024xf32>
    %mul3A_7 = arith.mulf %get3A_1, %get3A_1 : vector<512x256xf32>
    %reduce_sum3A_8 = arith.constant dense<0.000000e+00> : vector<512xf32>
    %reduce_sum3A_9 = vector.multi_reduction <add>, %mul3A_7, %reduce_sum3A_8 [1] : vector<512x256xf32> to vector<512xf32>
    %broadcast_in_dim3A_10 = vector.shape_cast %reduce_sum3A_9 : vector<512xf32> to vector<512x1xf32>
    %add3A = vector.broadcast %broadcast_in_dim3A : vector<1x1024xf32> to vector<512x1024xf32>
    %add3A_11 = vector.broadcast %broadcast_in_dim3A_10 : vector<512x1xf32> to vector<512x1024xf32>
    %add3A_12 = arith.addf %add3A, %add3A_11 : vector<512x1024xf32>
    %mul3A_13 = arith.constant 2.000000e+00 : f32
    %mul3A_14 = vector.broadcast %mul3A_13 : f32 to vector<512x1024xf32>
    %mul3A_15 = arith.mulf %mul3A_14, %dot_general3A_5 : vector<512x1024xf32>
    %sub3A = arith.subf %add3A_12, %mul3A_15 : vector<512x1024xf32>
    %reduce_min3A = arith.constant dense<0x7F800000> : vector<512xf32>
    %reduce_min3A_16 = vector.multi_reduction <minimumf>, %sub3A, %reduce_min3A [1] : vector<512x1024xf32> to vector<512xf32>
    %broadcast_in_dim3A_17 = vector.shape_cast %reduce_min3A_16 : vector<512xf32> to vector<512x1xf32>
    %iota3A = tpu.iota {dimensions = array<i32: 1>} : vector<512x1024xi32>
    %eq3A = vector.broadcast %broadcast_in_dim3A_17 : vector<512x1xf32> to vector<512x1024xf32>
    %eq3A_18 = arith.cmpf oeq, %sub3A, %eq3A : vector<512x1024xf32>
    %jit3A = arith.constant 1024 : i32
    %broadcast_in_dim3A_19 = vector.broadcast %jit3A : i32 to vector<512x1024xi32>
    %select_n3A = arith.select %eq3A_18, %iota3A, %broadcast_in_dim3A_19 : vector<512x1024xi1>, vector<512x1024xi32>
    %reduce_min3A_20 = arith.constant dense<2147483647> : vector<512xi32>
    %reduce_min3A_21 = vector.multi_reduction <minsi>, %select_n3A, %reduce_min3A_20 [1] : vector<512x1024xi32> to vector<512xi32>
    %swap3A = arith.constant 0 : index
    %swap3A_22 = arith.constant 0 : index
    %swap3A_23 = arith.constant 0 : index
    %swap3A_24 = vector.load %arg3[%swap3A, %swap3A_22, %swap3A_23] : memref<1x1x512xi32, #tpu.memory_space<vmem>>, vector<1x1x512xi32>
    %swap3A_25 = vector.shape_cast %swap3A_24 : vector<1x1x512xi32> to vector<512xi32>
    %swap3A_26 = vector.shape_cast %reduce_min3A_21 : vector<512xi32> to vector<1x1x512xi32>
    tpu.vector_store %arg3[%swap3A, %swap3A_22, %swap3A_23], %swap3A_26 {strides = array<i32>} : memref<1x1x512xi32, #tpu.memory_space<vmem>>, vector<1x1x512xi32>,
    %eq3A_27 = arith.constant 0 : i32
    %eq3A_28 = arith.cmpi eq, %arg0, %eq3A_27 : i32
    %convert_element_type3A = arith.extui %eq3A_28 : i1 to i32
    %cond3A = arith.constant 0 : i32
    %cond3A_29 = arith.cmpi ne, %convert_element_type3A, %cond3A : i32
    scf.if %cond3A_29 {
      %broadcast_in_dim3A_48 = arith.constant 0.000000e+00 : f32
      %broadcast_in_dim3A_49 = vector.broadcast %broadcast_in_dim3A_48 : f32 to vector<1x1xf32>
      %swap3A_50 = arith.constant 0 : index
      %swap3A_51 = arith.constant 0 : index
      %swap3A_52 = vector.load %arg4[%swap3A_50, %swap3A_51] : memref<1x1xf32, #tpu.memory_space<vmem>>, vector<1x1xf32>
      tpu.vector_store %arg4[%swap3A_50, %swap3A_51], %broadcast_in_dim3A_49 {strides = array<i32>} : memref<1x1xf32, #tpu.memory_space<vmem>>, vector<1x1xf32>,
    } else {
    }
    %get3A_30 = arith.constant 0 : index
    %get3A_31 = arith.constant 0 : index
    %get3A_32 = vector.load %arg4[%get3A_30, %get3A_31] : memref<1x1xf32, #tpu.memory_space<vmem>>, vector<1x1xf32>
    %reduce_sum3A_33 = vector.shape_cast %broadcast_in_dim3A_17 : vector<512x1xf32> to vector<1x512x1xf32>
    %reduce_sum3A_34 = arith.constant dense<0.000000e+00> : vector<1xf32>
    %reduce_sum3A_35 = vector.multi_reduction <add>, %reduce_sum3A_33, %reduce_sum3A_34 [1, 2] : vector<1x512x1xf32> to vector<1xf32>
    %reduce_sum3A_36 = vector.shape_cast %reduce_sum3A_35 : vector<1xf32> to vector<1x1x1xf32>
    %reduce_sum3A_37 = vector.extract %reduce_sum3A_36[0, 0, 0] : f32 from vector<1x1x1xf32>
    %broadcast_in_dim3A_38 = vector.broadcast %reduce_sum3A_37 : f32 to vector<1x1xf32>
    %add3A_39 = arith.addf %get3A_32, %broadcast_in_dim3A_38 : vector<1x1xf32>
    %swap3A_40 = arith.constant 0 : index
    %swap3A_41 = arith.constant 0 : index
    %swap3A_42 = vector.load %arg4[%swap3A_40, %swap3A_41] : memref<1x1xf32, #tpu.memory_space<vmem>>, vector<1x1xf32>
    tpu.vector_store %arg4[%swap3A_40, %swap3A_41], %add3A_39 {strides = array<i32>} : memref<1x1xf32, #tpu.memory_space<vmem>>, vector<1x1xf32>,
    %eq3A_43 = arith.constant 8 : i32
    %eq3A_44 = arith.cmpi eq, %arg0, %eq3A_43 : i32
    %convert_element_type3A_45 = arith.extui %eq3A_44 : i1 to i32
    %cond3A_46 = arith.constant 0 : i32
    %cond3A_47 = arith.cmpi ne, %convert_element_type3A_45, %cond3A_46 : i32
    scf.if %cond3A_47 {
      %get3A_48 = arith.constant 0 : index
      %get3A_49 = arith.constant 0 : index
      %get3A_50 = vector.load %arg4[%get3A_48, %get3A_49] : memref<1x1xf32, #tpu.memory_space<vmem>>, vector<1x1xf32>
      %mul3A_51 = arith.constant 8.4771051E-7 : f32
      %mul3A_52 = vector.broadcast %mul3A_51 : f32 to vector<1x1xf32>
      %mul3A_53 = arith.mulf %get3A_50, %mul3A_52 : vector<1x1xf32>
      %swap3A_54 = arith.constant 0 : index
      %swap3A_55 = arith.constant 0 : index
      %swap3A_56 = vector.load %arg4[%swap3A_54, %swap3A_55] : memref<1x1xf32, #tpu.memory_space<vmem>>, vector<1x1xf32>
      tpu.vector_store %arg4[%swap3A_54, %swap3A_55], %mul3A_53 {strides = array<i32>} : memref<1x1xf32, #tpu.memory_space<vmem>>, vector<1x1xf32>,
    } else {
    }
    return
  }
  func.func @transform_0(%arg0: i32) -> (i32, i32) {
    %c0_i32 = arith.constant 0 : i32
    %c0_i32_0 = arith.constant 0 : i32
    return %arg0, %c0_i32 : i32, i32
  }
  func.func @transform_1(%arg0: i32) -> (i32, i32) {
    %c0_i32 = arith.constant 0 : i32
    %c0_i32_0 = arith.constant 0 : i32
    %c0_i32_1 = arith.constant 0 : i32
    return %c0_i32, %c0_i32_0 : i32, i32
  }
  func.func @transform_2(%arg0: i32) -> (i32, i32, i32) {
    %c0_i32 = arith.constant 0 : i32
    %c0_i32_0 = arith.constant 0 : i32
    %c0_i32_1 = arith.constant 0 : i32
    return %arg0, %c0_i32, %c0_i32_0 : i32, i32, i32
  }
  func.func @transform_3(%arg0: i32) -> (i32, i32) {
    %c0_i32 = arith.constant 0 : i32
    %c0_i32_0 = arith.constant 0 : i32
    %c0_i32_1 = arith.constant 0 : i32
    return %c0_i32, %c0_i32_0 : i32, i32
  }
}

</mosaic_0001>

<sc_bundles>
// kernel: kernel.4.cloned.1.call-start
scs
__scs_entry_jumppad:
0x0: {  	(pc) =	sbr.rel $0x88, $3  }
0x1: {  	(tag) =	ssettag $0x0;
	lr =	simm.s32 $0x1  }
0x2: {  	[smem:$0x3F9F] =	sst lr;
	_ =	strace $0xD0000000  }
0x3: {  	_ = 	snop  }
0x4: {  	_ = 	snop  }
0x5: {  	_ = 	snop  }
0x6: {  	_ = 	snop  }
0x7: {  	_ = 	snop  }
__scs_overlays_trampoline_lowered:
0x8: {  	[smem:$0x3FAE] =	sst s0  }
0x9: {  	[smem:$0x3FAF] =	sst s1  }
0xa: {  	[smem:$0x3FB0] =	sst s2  }
0xb: {  	[smem:$0x3FB1] =	sst s3  }
0xc: {  	[smem:$0x3FB2] =	sst s4  }
0xd: {  	[smem:$0x3FB3] =	sst s5  }
0xe: {  	[smem:$0x3FB4] =	sst s6  }
0xf: {  	[smem:$0x3FB5] =	sst s7  }
0x10: {  	[smem:$0x3FB6] =	sst s8  }
0x11: {  	[smem:$0x3FB7] =	sst s9;
	s0 =	simm.s32 @!p0 $0x0  }
0x12: {  	s1 =	sld [smem:$0x3F9D];
	s0 =	simm.s32 @p0 $0x1  }
0x13: {  	[smem:$0x3FB8] =	sst s0;
	s0 =	simm.s32 @!p1 $0x0  }
0x14: {  	s2 =	sld [smem:$0x3F9C];
	s0 =	simm.s32 @p1 $0x1  }
0x15: {  	[smem:$0x3FB9] =	sst s0;
	s0 =	simm.s32 @!p2 $0x0  }
0x16: {  	s3 =	sld [smem:$0x3FDB];
	s0 =	simm.s32 @p2 $0x1  }
0x17: {  	s4 =	simm.s32 $0x1BF5;
	[smem:$0x3FBB] =	sst s0  }
0x18: {  	s0 =	sld [smem:$0x3F9E];
	_ =	swait.ge [sflag:s4], $0x0  }
0x19: {  	s7 =	sld [smem:$0x3F9F]  }
0x1a: {  	s8 =	sadd.s32 $0xFFFFE003, lr  }
0x1b: {  	s9 =	sadd.s32 $0xFFFFFEF7, lr;
	s5 =	simm.s32 $0xFFFFFFFF;
	p2 =	slt.u32 s8, $0xFFFFF086  }
0x1c: {  	p1 =	slt.u32 s9, $0xF7A;
	s5 =	simm.s32 @!p2 $0x0  }
0x1d: {  	s5 =	simm.s32 @p1 $0x1;
	p0 =	seq.s32 s7, s2  }
0x1e: {  	s7 =	smul.u32 @!p0 $0xF7A, s2;
	p2 =	seq.s32 @!p0 s5, $0x0  }
0x1f: {  	s9 =	smul.u32 $0xF7A, s1;
	s8 =	simm.s32 @!p0 $0x1BF5;
	p2 =	por !p2, p0  }
0x20: {  	[sflag:s8] =	ssyncset.s32 @!p0 $0xFFFFF086;
	s6 =	sadd.s32 @!p0 s3, s7;
	s7 =	simm.s32 @!p0 $0x108  }
0x21: {  	s3 =	sadd.s32 s3, s9;
	s6 =	sadd.s32 @!p0 $0x88, s6;
	s7 =	simm.s32 @p2 $0x1082  }
0x22: {  	[simem:s7], [sflag:s8] =	dma.local @!p0 [hbm:s6], $0xF7A  }
0x23: {  	s9 =	sor.u32 $0xD0000000, s2;
	s6 =	simm.s32 $0x108;
	_ =	swait.ge @!p0 [sflag:s8], $0x0  }
0x24: {  	s3 =	sadd.s32 $0x88, s3;
	s6 =	simm.s32 @!p1 $0x1082;
	[sflag:s4] =	ssyncset.s32 $0xFFFFF086  }
0x25: {  	[simem:s6], [sflag:s4] =	dma.local [hbm:s3], $0xF7A  }
0x26: {  	[smem:$0x3F9F] =	sst s1;
	(tag) =	ssettag s2;
	_ =	strace s9  }
0x27: {  	s1 =	sld [smem:$0x3FAF]  }
0x28: {  	s2 =	sld [smem:$0x3FB0]  }
0x29: {  	s4 =	sld [smem:$0x3FB2]  }
0x2a: {  	p0 =	seq.s32 s5, $0x0;
	s5 =	sld [smem:$0x3FB3]  }
0x2b: {  	s6 =	sld [smem:$0x3FB4]  }
0x2c: {  	s7 =	sld [smem:$0x3FB5]  }
0x2d: {  	s3 =	simm.s32 $0x108;
	s8 =	sld [smem:$0x3FB6]  }
0x2e: {  	s3 =	simm.s32 @!p0 $0x1082;
	s9 =	sld [smem:$0x3FB7]  }
0x2f: {  	lr =	sadd.s32 s0, s3;
	s0 =	sld [smem:$0x3FAE]  }
0x30: {  	s3 =	sld [smem:$0x3FB1]  }
0x31: {  	[smem:$0x3FBA] =	sst s10  }
0x32: {  	s10 =	sld [smem:$0x3FB8];
	_ =	sdelay $0x3  }
0x33: {  	p0 =	seq.s32 s10, $0x1;
	s10 =	sld [smem:$0x3FBA];
	_ =	sdelay $0x3  }
0x34: {  	[smem:$0x3FBA] =	sst s10  }
0x35: {  	s10 =	sld [smem:$0x3FB9];
	_ =	sdelay $0x3  }
0x36: {  	p1 =	seq.s32 s10, $0x1;
	s10 =	sld [smem:$0x3FBA];
	_ =	sdelay $0x3  }
0x37: {  	[smem:$0x3FBA] =	sst s10  }
0x38: {  	s10 =	sld [smem:$0x3FBB]  }
0x39: {  	_ = 	snop;
	(pc) =	sbr.ind lr, $3  }
0x3a: {  	_ = 	snop  }
0x3b: {  	_ = 	snop  }
0x3c: {  	p2 =	seq.s32 s10, $0x1;
	s10 =	sld [smem:$0x3FBA]  }
0x3d: {  	_ =	shalt  }
0x3e: {  	_ =	shalt  }
0x3f: {  	_ =	shalt  }
0x40: {  	_ =	shalt  }
0x41: {  	_ =	shalt  }
0x42: {  	_ =	shalt  }
0x43: {  	_ =	shalt  }
0x44: {  	_ =	shalt  }
0x45: {  	_ =	shalt  }
0x46: {  	_ =	shalt  }
0x47: {  	_ =	shalt  }
0x48: {  	_ =	shalt  }
0x49: {  	_ =	shalt  }
0x4a: {  	_ =	shalt  }
0x4b: {  	_ =	shalt  }
0x4c: {  	_ =	shalt  }
0x4d: {  	_ =	shalt  }
0x4e: {  	_ =	shalt  }
0x4f: {  	_ =	shalt  }
0x50: {  	_ =	shalt  }
0x51: {  	_ =	shalt  }
0x52: {  	_ =	shalt  }
0x53: {  	_ =	shalt  }
0x54: {  	_ =	shalt  }
0x55: {  	_ =	shalt  }
0x56: {  	_ =	shalt  }
0x57: {  	_ =	shalt  }
0x58: {  	_ =	shalt  }
0x59: {  	_ =	shalt  }
0x5a: {  	_ =	shalt  }
0x5b: {  	_ =	shalt  }
0x5c: {  	_ =	shalt  }
0x5d: {  	_ =	shalt  }
0x5e: {  	_ =	shalt  }
0x5f: {  	_ =	shalt  }
0x60: {  	_ =	shalt  }
0x61: {  	_ =	shalt  }
0x62: {  	_ =	shalt  }
0x63: {  	_ =	shalt  }
0x64: {  	_ =	shalt  }
0x65: {  	_ =	shalt  }
0x66: {  	_ =	shalt  }
0x67: {  	_ =	shalt  }
0x68: {  	_ =	shalt  }
0x69: {  	_ =	shalt  }
0x6a: {  	_ =	shalt  }
0x6b: {  	_ =	shalt  }
0x6c: {  	_ =	shalt  }
0x6d: {  	_ =	shalt  }
0x6e: {  	_ =	shalt  }
0x6f: {  	_ =	shalt  }
0x70: {  	_ =	shalt  }
0x71: {  	_ =	shalt  }
0x72: {  	_ =	shalt  }
0x73: {  	_ =	shalt  }
0x74: {  	_ =	shalt  }
0x75: {  	_ =	shalt  }
0x76: {  	_ =	shalt  }
0x77: {  	_ =	shalt  }
0x78: {  	_ =	shalt  }
0x79: {  	_ =	shalt  }
0x7a: {  	_ =	shalt  }
0x7b: {  	_ =	shalt  }
0x7c: {  	_ =	shalt  }
0x7d: {  	_ =	shalt  }
0x7e: {  	_ =	shalt  }
0x7f: {  	_ =	shalt  }
0x80: {  	_ =	shalt  }
0x81: {  	_ =	shalt  }
0x82: {  	_ =	shalt  }
0x83: {  	_ =	shalt  }
0x84: {  	_ =	shalt  }
0x85: {  	_ =	shalt  }
0x86: {  	_ =	shalt  }
0x87: {  	_ =	shalt  }
.Lfunc_end0:
.L_simem_size_0:
called_computation_lowered:
.L_overlay_start_0:
0x88: {  	s2 =	sld [smem:$0x3FD9]  }
0x89: {  	s3 =	sld [smem:$0x3FFE];
	_ =	sdelay $0x1  }
0x8a: {  	s1 =	srdreg.scid  }
0x8b: {  	s0 =	sand.u32 $0x1, s1  }
0x8c: {  	s14 =	sshll.u32 s0, $0xA;
	s2 =	sadd.s32 s3, s2  }
0x8d: {  	s2 =	sadd.s32 s2, s14  }
0x8e: {  	[smem:$0x3FC6] =	sst s2  }
0x8f: {  	_ = 	snop  }
0x90: {  	s2 =	sld [smem:$0x3FD0];
	_ =	sdelay $0x2  }
0x91: {  	s15 =	simm.s32 $0xA;
	s4 =	simm.s32 $0x10  }
0x92: {  	[smem:s4], [sflag:s15] =	dma.local [hbm:s2], $0x1  }
0x93: {  	_ =	swait.eq [sflag:s15], $0x1  }
0x94: {  	[sflag:s15] =	ssyncset.done $0x0  }
0x95: {  	[sflag:s15] =	ssyncadd.s32 $0xFFFFFFFF  }
0x96: {  	s16 =	sld [smem:$0x10];
	(tm) =	ssettm $0x1  }
0x97: {  	s17 =	sld [smem:$0x3FFB];
	_ =	sdelay $0x3  }
0x98: {  	_ =	strace s17  }
0x99: {  	s3 =	sld [smem:$0x3FFC];
	_ =	sdelay $0x3  }
0x9a: {  	_ =	strace s3  }
0x9b: {  	s3 =	sld [smem:$0x3FFD];
	_ =	sdelay $0x3  }
0x9c: {  	_ =	strace s3  }
0x9d: {  	_ =	strace $0x8FFFFFFF  }
0x9e: {  	s18 =	sld [smem:$0x3FDB];
	_ =	sdelay $0x1  }
0x9f: {  	s19 =	simm.s32 $_scs_section_size  }
0xa0: {  	s5 =	simm.s32 $_size__tile_overlayer_lowered;
	s6 =	simm.s32 $_tile_overlayer_lowered  }
0xa1: {  	s22 =	simm.s32 $0x1BFF;
	s21 =	sshll.u32 s6, $0x1;
	s3 =	sadd.s32 s19, s18  }
0xa2: {  	s7 =	simm.s32 $0x0;
	s20 =	sshll.u32 s5, $0x1;
	s5 =	sadd.s32 s21, s3  }
0xa3: {  	[timem:s7], [sflag:s22] =	dma.local [hbm:s5], s20  }
0xa4: {  	_ =	swait.ge [sflag:s22], s20  }
0xa5: {  	s4 =	ssub.s32 $0x0, s20;
	[sflag:s22] =	ssyncset.done $0x0  }
0xa6: {  	[sflag:s22] =	ssyncadd.s32 s4;
	_ =	sdelay $0x1  }
0xa7: {  	s23 =	simm.s32 $0x1B8B  }
0xa8: {  	_ =	swait.ge [sflag:s23], $0x1  }
0xa9: {  	[sflag:s23] =	ssyncset.done $0x0  }
0xaa: {  	s25 =	simm.s32 $0x1B8E;
	s24 =	sld [smem:$0x3FFE];
	[sflag:s23] =	ssyncadd.s32 $0xFFFFFFFF  }
0xab: {  	s26 =	simm.s32 $execute0_lowered;
	[smem:$0x3FD2] =	sst s25  }
0xac: {  	s5 =	sshll.u32 s26, $0x1;
	_ =	strace $0x80000046;
	[dreg:$0x1] =	wrdreg $0xFFFFFFFF  }
0xad: {  	s28 =	simm.s32 $_size_execute0_lowered;
	s3 =	sadd.s32 s3, s5;
	[dreg:$0x0] =	wrdreg $0x0  }
0xae: {  	s5 =	sshll.u32 s28, $0x1;
	[dreg:$0x2] =	wrdreg s3  }
0xaf: {  	[dreg:$0x3] =	wrdreg s5  }
0xb0: {  	[dreg:$0x4] =	wrdreg $0xC0  }
0xb1: {  	_ =	task [dreg:s7], $0x5FFFF  }
0xb2: {  	[dreg:$0x1] =	wrdreg $0xFFFFFFFF  }
0xb3: {  	[dreg:$0x0] =	wrdreg $0x60  }
0xb4: {  	[dreg:$0x2] =	wrdreg s24  }
0xb5: {  	[dreg:$0x3] =	wrdreg s16  }
0xb6: {  	[dreg:$0x4] =	wrdreg $0x9  }
0xb7: {  	_ =	task.clear_ibuf [dreg:s7], $0x5FFFF;
	_ =	strace $0x90000046  }
0xb8: {  	s29 =	simm.s32 $0x9;
	_ =	strace $0x80000048  }
0xb9: {  	_ =	swait.ge [sflag:s29], $0x1  }
0xba: {  	[sflag:s29] =	ssyncadd.s32 $0xFFFFFFFF  }
0xbb: {  	_ =	strace $0x90000048  }
0xbc: {  	_ =	sfence  }
0xbd: {  	s30 =	sld [smem:$0x0];
	_ =	sdelay $0x2  }
0xbe: {  	s31 =	sshll.u32 s1, $0xD;
	s1 =	sshrl.u32 s1, $0x2  }
0xbf: {  	s3 =	sand.u32 $0x4000, s31;
	s1 =	sadd.s32 s1, s30  }
0xc0: {  	s0 =	sor.u32 s3, s0;
	s1 =	sshll.u32 s1, $0x11  }
0xc1: {  	s0 =	sor.u32 s1, s0  }
0xc2: {  	s0 =	sadd.s32 $0x8F2B, s0  }
0xc3: {  	[sflag:s0] =	ssyncadd.remote.s32 $0x1  }
0xc4: {  	_ =	sfence.sel $0xFFFF  }
0xc5: {  	[dreg:$0x0] =	wrdreg $0xFFFFFFFF;
	(pc) =	sbr.abs _section_cstart, $3  }
0xc6: {  	[dreg:$0x1] =	wrdreg $0xFFFFFFFF  }
0xc7: {  	_ =	task.clear_ibuf [dreg:s7], $0x2FFFF;
	_ =	strace $0x9FFFFFFF  }
0xc8: {  	(tm) =	ssettm $0x7FFFFFFF  }
0xc9: {  	_ =	shalt  }
tec
execute0_lowered:
.L_overlay_start_1:
0x0: {  	(tag) =	ssettag $0x1  }
0x1: {  	s0 =	srdreg.scid  }
0x2: {  	s1 =	rddreg [dreg:$0x0];
	s2 =	stileid.u32  }
0x3: {  	s4 =	rddreg [dreg:$0x1];
	s14 =	simm.s32 $0x1;
	s0 =	sand.u32 $0x1, s0  }
0x4: {  	s15 =	simm.s32 $0x2000;
	s3 =	sshll.u32 s2, $0x4;
	s5 =	sshll.u32 s0, $0x3  }
0x5: {  	s23 =	simm.s32 $0xB000;
	s2 =	simm.s32 $0x0;
	s3 =	sor.u32 s5, s3  }
0x6: {  	[smem:$0x7FF] =	sst s2;
	s0 =	ssub.s32 $0x2, s0;
	s5 =	smul.u32 $0x240, s3  }
0x7: {  	s24 =	simm.s32 $0x0;
	_ =	strace $0x80000047;
	s31 =	sshrl.u32 s0, $0x1  }
0x8: {  	s3 =	sshll.u32 s3, $0x7;
	s0 =	ssub.s32 s0, s31;
	s5 =	sshrl.u32 s5, $0x3  }
0x9: {  	s6 =	sadd.s32 s3, s1;
	s3 =	sadd.s32 $0x8400, s1;
	s4 =	sadd.s32 s4, s5  }
0xa: {  	s13 =	smax.u32 s0, $0x1;
	s5 =	sadd.s32 $0x400, s6;
	s6 =	sadd.s32 $0x4800, s4  }
0xb: {  	s7 =	sadd.s32 $0x9000, s4;
	s8 =	sadd.s32 $0xD800, s4;
	s9 =	sadd.s32 $0x12000, s4  }
0xc: {  	v0 =	vlaneseq.u32;
	v1 =	vimm.s32 $0x0;
	s10 =	sadd.s32 $0x16800, s4;
	s11 =	sadd.s32 $0x1B000, s4;
	s12 =	sadd.s32 $0x1F800, s4  }
.LBB2_1:
0xd: {  	s0 =	simm.s32 $0x10  }
0xe: {  	v2 =	vor.u32 s0, v0  }
0xf: {  	v3 =	vor.u32 s2, v0;
	v4 =	vmulhi.u32 $0xAAAAAAAB, v2  }
0x10: {  	v5 =	vmulhi.u32 $0xAAAAAAAB, v3  }
0x11: {  	v4 =	vshrl.u32 v4, $0x4  }
0x12: {  	v5 =	vshrl.u32 v5, $0x4;
	v6 =	vmul.u32 $0xFFFFFFE8, v4  }
0x13: {  	v7 =	vmul.u32 $0xFFFFFFE8, v5  }
0x14: {  	[tilespmem:s2], [sflag:$0x1] =	stream.linear.gather [hbm4b:s5+s2], $0x2000, $0x38;
	v2 =	vadd.s32 v2, v6;
	[tilespmem:$0xC200] =	vst v63  }
0x15: {  	_ =	swait.ge [sflag:s14], $0x2000;
	v3 =	vadd.s32 v3, v7;
	v6 =	vmov s2;
	v2 =	vmul.u32 $0x18, v2  }
0x16: {  	[sflag:s14] =	ssyncset.done $0x0;
	vm1 =	vne.s32 v3, $0x0;
	v3 =	vmul.u32 $0x18, v3;
	vm0 =	veq.s32 v6, v0  }
0x17: {  	[sflag:s14] =	ssyncadd.s32 $0xFFFFE000;
	vm0 =	vmand vm0, vm1;
	v2 =	vadd.s32 v4, v2  }
0x18: {  	[tilespmem:s15], [sflag:$0x1] =	stream.linear.gather [hbm4b:s3+s2], $0x1200, $0x38;
	v3 =	vadd.s32 v5, v3;
	v4 =	vsel vm0, $0xFFFFFFFF, v1;
	[tilespmem:$0xC200] =	vst v63  }
0x19: {  	s22 =	simm.s32 $0x20;
	_ =	swait.ge [sflag:s14], $0x1200;
	v3 =	vadd.s32 v4, v3  }
0x1a: {  	[sflag:s14] =	ssyncset.done $0x0;
	v4 =	vor.u32 s22, v0  }
0x1b: {  	[sflag:s14] =	ssyncadd.s32 $0xFFFFEE00;
	v5 =	vmulhi.u32 $0xAAAAAAAB, v4  }
0x1c: {  	s1 =	simm.s32 $0x30;
	v8 =	vld.idx.msk [tilespmem:v2+s15+$0x0], $0xffff  }
0x1d: {  	v2 =	vshrl.u32 v5, $0x4;
	v5 =	vor.u32 s1, v0  }
0x1e: {  	v6 =	vld.idx.msk [tilespmem:v3+s15+$0x0], $0xffff;
	v3 =	vmul.u32 $0xFFFFFFE8, v2;
	v7 =	vmulhi.u32 $0xAAAAAAAB, v5  }
0x1f: {  	v9 =	vmov s22  }
0x20: {  	vm8 =	veq.s32 v9, v0;
	v3 =	vadd.s32 v4, v3;
	v4 =	vshrl.u32 v7, $0x4  }
0x21: {  	vm9 =	vne.s32 v3, $0x0;
	v3 =	vmul.u32 $0x18, v3;
	v7 =	vmul.u32 $0xFFFFFFE8, v4  }
0x22: {  	vm0 =	vmand vm8, vm9  }
0x23: {  	v9 =	vsel vm0, $0xFFFFFFFF, v1;
	v2 =	vadd.s32 v2, v3;
	v3 =	vadd.s32 v5, v7  }
0x24: {  	v2 =	vadd.s32 v9, v2;
	v3 =	vmul.u32 $0x18, v3;
	v5 =	vld.idx.msk [tilespmem:v8+s2+$0x0], $0xffff  }
0x25: {  	v7 =	vadd.s32 $0x400, v8  }
0x26: {  	s25 =	simm.s32 $0x40;
	v9 =	vld.idx.msk [tilespmem:v6+s2+$0x0], $0xffff;
	v3 =	vadd.s32 v4, v3  }
0x27: {  	v10 =	vor.u32 s25, v0;
	v11 =	vadd.s32 $0x400, v6  }
0x28: {  	s1 =	simm.s32 $0x3B00;
	v4 =	vmulhi.u32 $0xAAAAAAAB, v10  }
0x29: {  	v2 =	vld.idx.msk [tilespmem:v2+s15+$0x0], $0xffff;
	[tilespmem:s1+$0xFFFFF710] =	vst v5  }
0x2a: {  	v5 =	vshrl.u32 v4, $0x4;
	v7 =	vld.idx.msk [tilespmem:v7+s2+$0x0], $0xffff  }
0x2b: {  	s26 =	simm.s32 $0x50;
	v12 =	vmul.u32 $0xFFFFFFE8, v5;
	[tilespmem:s1+$0xFFFFF700] =	vst v9;
	v4 =	vld.idx.msk [tilespmem:v3+s15+$0x0], $0xffff;
	v3 =	vadd.s32 $0x800, v8  }
0x2c: {  	v13 =	vor.u32 s26, v0;
	v11 =	vld.idx.msk [tilespmem:v11+s2+$0x0], $0xffff  }
0x2d: {  	v9 =	vmov s25;
	v10 =	vadd.s32 v10, v12;
	v12 =	vadd.s32 $0x800, v6  }
0x2e: {  	vm10 =	veq.s32 v9, v0;
	v9 =	vmulhi.u32 $0xAAAAAAAB, v13;
	vm11 =	vne.s32 v10, $0x0  }
0x2f: {  	v10 =	vmul.u32 $0x18, v10;
	vm0 =	vmand vm10, vm11;
	[tilespmem:s1+$0xFFFFF950] =	vst v7  }
0x30: {  	v9 =	vshrl.u32 v9, $0x4;
	v7 =	vsel vm0, $0xFFFFFFFF, v1;
	v3 =	vld.idx.msk [tilespmem:v3+s2+$0x0], $0xffff  }
0x31: {  	v5 =	vadd.s32 v5, v10;
	v10 =	vadd.s32 $0xC00, v8;
	[tilespmem:s1+$0xFFFFF940] =	vst v11;
	v11 =	vmul.u32 $0xFFFFFFE8, v9  }
0x32: {  	s16 =	simm.s32 $0x60;
	v5 =	vadd.s32 v7, v5;
	v7 =	vld.idx.msk [tilespmem:v12+s2+$0x0], $0xffff  }
0x33: {  	v14 =	vadd.s32 $0xC00, v6;
	v12 =	vor.u32 s16, v0;
	v15 =	vld.idx.msk [tilespmem:v4+s2+$0x0], $0xffff;
	v11 =	vadd.s32 v13, v11  }
0x34: {  	v17 =	vadd.s32 $0x400, v4;
	v16 =	vld.idx.msk [tilespmem:v2+s2+$0x0], $0xffff;
	v13 =	vmulhi.u32 $0xAAAAAAAB, v12;
	v11 =	vmul.u32 $0x18, v11  }
0x35: {  	v18 =	vadd.s32 $0x400, v2;
	[tilespmem:s1+$0xFFFFFB90] =	vst v3  }
0x36: {  	v13 =	vshrl.u32 v13, $0x4;
	v9 =	vadd.s32 v9, v11;
	v10 =	vld.idx.msk [tilespmem:v10+s2+$0x0], $0xffff  }
0x37: {  	s0 =	simm.s32 $0x3B20;
	v11 =	vmul.u32 $0xFFFFFFE8, v13;
	v3 =	vld.idx.msk [tilespmem:v5+s15+$0x0], $0xffff;
	[tilespmem:s1+$0xFFFFFB80] =	vst v7;
	v7 =	vadd.s32 $0x1000, v8  }
0x38: {  	v5 =	vmov s16;
	v14 =	vld.idx.msk [tilespmem:v14+s2+$0x0], $0xffff;
	[tilespmem:s0+$0xFFFFF710] =	vst v15  }
0x39: {  	[tilespmem:s0+$0xFFFFF700] =	vst v16;
	vm12 =	veq.s32 v5, v0;
	v11 =	vadd.s32 v12, v11;
	v12 =	vld.idx.msk [tilespmem:v17+s2+$0x0], $0xffff  }
0x3a: {  	v16 =	vld.idx.msk [tilespmem:v18+s2+$0x0], $0xffff;
	v15 =	vadd.s32 $0x1000, v6;
	vm13 =	vne.s32 v11, $0x0;
	v11 =	vmul.u32 $0x18, v11  }
0x3b: {  	v17 =	vadd.s32 $0x800, v4;
	vm0 =	vmand vm12, vm13;
	v5 =	vld.idx.msk [tilespmem:v9+s15+$0x0], $0xffff;
	[tilespmem:s1+$0xFFFFFDD0] =	vst v10  }
0x3c: {  	s29 =	simm.s32 $0x70;
	v9 =	vsel vm0, $0xFFFFFFFF, v1;
	v10 =	vadd.s32 v13, v11;
	v11 =	vadd.s32 $0x800, v2;
	v13 =	vld.idx.msk [tilespmem:v7+s2+$0x0], $0xffff  }
0x3d: {  	v7 =	vadd.s32 v9, v10;
	[tilespmem:s1+$0xFFFFFDC0] =	vst v14;
	v9 =	vadd.s32 $0x1400, v8;
	v10 =	vor.u32 s29, v0  }
0x3e: {  	[tilespmem:s0+$0xFFFFF950] =	vst v12;
	v12 =	vmulhi.u32 $0xAAAAAAAB, v10  }
0x3f: {  	v14 =	vld.idx.msk [tilespmem:v15+s2+$0x0], $0xffff  }
0x40: {  	[tilespmem:s0+$0xFFFFF940] =	vst v16;
	v16 =	vadd.s32 $0x1400, v6;
	v15 =	vld.idx.msk [tilespmem:v17+s2+$0x0], $0xffff;
	v12 =	vshrl.u32 v12, $0x4  }
0x41: {  	v17 =	vadd.s32 $0xC00, v4;
	v11 =	vld.idx.msk [tilespmem:v11+s2+$0x0], $0xffff;
	[tilespmem:s1+$0x10] =	vst v13;
	v13 =	vmul.u32 $0xFFFFFFE8, v12  }
0x42: {  	v18 =	vadd.s32 $0xC00, v2;
	v9 =	vld.idx.msk [tilespmem:v9+s2+$0x0], $0xffff  }
0x43: {  	s30 =	simm.s32 $0x80;
	v19 =	vld.idx.msk [tilespmem:v5+s2+$0x0], $0xffff;
	v10 =	vadd.s32 v10, v13;
	v13 =	vadd.s32 $0x1800, v8  }
0x44: {  	v21 =	vor.u32 s30, v0;
	v20 =	vadd.s32 $0x400, v5;
	[tilespmem:s1+$0x0] =	vst v14;
	v14 =	vld.idx.msk [tilespmem:v3+s2+$0x0], $0xffff  }
0x45: {  	v22 =	vmulhi.u32 $0xAAAAAAAB, v21;
	[tilespmem:s0+$0xFFFFFB90] =	vst v15;
	v15 =	vld.idx.msk [tilespmem:v16+s2+$0x0], $0xffff;
	v16 =	vadd.s32 $0x400, v3;
	v10 =	vmul.u32 $0x18, v10  }
0x46: {  	[tilespmem:s0+$0xFFFFFB80] =	vst v11;
	v11 =	vld.idx.msk [tilespmem:v17+s2+$0x0], $0xffff  }
0x47: {  	s19 =	simm.s32 $0x3B40;
	v10 =	vadd.s32 v12, v10;
	v12 =	vld.idx.msk [tilespmem:v18+s2+$0x0], $0xffff;
	v18 =	vshrl.u32 v22, $0x4;
	[tilespmem:s1+$0x250] =	vst v9  }
0x48: {  	v17 =	vadd.s32 $0x1000, v4;
	[tilespmem:s19+$0xFFFFF710] =	vst v19;
	v63 =	vld.idx.msk [tilespmem:v13+s2+$0x0], $0xffff;
	v13 =	vmul.u32 $0xFFFFFFE8, v18  }
0x49: {  	v23 =	vadd.s32 $0x1C00, v8;
	v19 =	vadd.s32 $0x1000, v2;
	[tilespmem:s19+$0xFFFFF700] =	vst v14;
	v14 =	vld.idx.msk [tilespmem:v20+s2+$0x0], $0xffff  }
0x4a: {  	v20 =	vadd.s32 $0x1800, v6;
	v9 =	vld.idx.msk [tilespmem:v16+s2+$0x0], $0xffff;
	v16 =	vmov s30;
	v13 =	vadd.s32 v21, v13  }
0x4b: {  	v7 =	vld.idx.msk [tilespmem:v7+s15+$0x0], $0xffff;
	[tilespmem:s1+$0x240] =	vst v15;
	vm14 =	veq.s32 v16, v0;
	vm15 =	vne.s32 v13, $0x0;
	v13 =	vmul.u32 $0x18, v13  }
0x4c: {  	[tilespmem:s0+$0xFFFFFDD0] =	vst v11;
	v8 =	vld.idx.msk [tilespmem:v10+s15+$0x0], $0xffff;
	v10 =	vadd.s32 $0x800, v5;
	vm0 =	vmand vm14, vm15  }
0x4d: {  	v15 =	vadd.s32 $0x800, v3;
	[tilespmem:s0+$0xFFFFFDC0] =	vst v12;
	v11 =	vld.idx.msk [tilespmem:v17+s2+$0x0], $0xffff;
	v16 =	vsel vm0, $0xFFFFFFFF, v1;
	v17 =	vadd.s32 v18, v13  }
0x4e: {  	v12 =	vld.idx.msk [tilespmem:v19+s2+$0x0], $0xffff;
	v17 =	vadd.s32 v16, v17  }
0x4f: {  	s31 =	simm.s32 $0x90;
	s28 =	simm.s32 $0xA0;
	s17 =	simm.s32 $0x0;
	v13 =	vld.idx.msk [tilespmem:v20+s2+$0x0], $0xffff;
	[tilespmem:s1+$0x490] =	vst v63;
	v16 =	vadd.s32 $0x1400, v4  }
0x50: {  	s18 =	simm.s32 $0x0;
	s25 =	simm.s32 $0x0;
	s16 =	simm.s32 $0x3B40;
	v18 =	vor.u32 s31, v0;
	[tilespmem:s19+$0xFFFFF950] =	vst v14;
	v14 =	vld.idx.msk [tilespmem:v23+s2+$0x0], $0xffff  }
.LBB2_2:
0x51: {  	p0 =	slt.u32 s28, $0x220;
	v19 =	vmulhi.u32 $0xAAAAAAAB, v18;
	[tilespmem:s19+$0xFFFFF940] =	vst v9;
	v9 =	vld.idx.msk [tilespmem:v10+s17+$0x0], $0xffff  }
0x52: {  	v10 =	vld.idx.msk [tilespmem:v15+s17+$0x0], $0xffff;
	v15 =	vadd.s32 $0x1400, v2  }
0x53: {  	v20 =	vadd.s32 $0xC00, v5;
	v17 =	vld.idx.msk [tilespmem:v17+s15+$0x0], $0xffff;
	v19 =	vshrl.u32 v19, $0x4;
	[tilespmem:s0+$0x10] =	vst v11  }
0x54: {  	s20 =	simm.s32 $0x0;
	v21 =	vadd.s32 $0xC00, v3;
	v11 =	vmul.u32 $0xFFFFFFE8, v19;
	[tilespmem:s0+$0x0] =	vst v12;
	v12 =	vld.idx.msk [tilespmem:v16+s18+$0x0], $0xffff  }
0x55: {  	v16 =	vld.idx.msk [tilespmem:v8+s20+$0x0], $0xffff;
	[tilespmem:s1+$0x480] =	vst v13;
	v13 =	vadd.s32 $0x1C00, v6;
	v6 =	vmovc v2;
	v2 =	vmov v3;
	v3 =	vmov v7  }
0x56: {  	v22 =	vor.u32 s28, v0;
	v23 =	vadd.s32 $0x1800, v4;
	s26 =	simm.s32 $0x53D0;
	v11 =	vadd.s32 v18, v11;
	v18 =	vld.idx.msk [tilespmem:v7+s20+$0x0], $0xffff;
	[tilespmem:s1+$0x6D0] =	vst v14  }
0x57: {  	v25 =	vmulhi.u32 $0xAAAAAAAB, v22;
	v14 =	vadd.s32 $0x400, v8;
	v11 =	vmul.u32 $0x18, v11;
	[tilespmem:s19+$0xFFFFFB90] =	vst v9;
	v15 =	vld.idx.msk [tilespmem:v15+s18+$0x0], $0xffff  }
0x58: {  	v9 =	vadd.s32 $0x400, v3;
	[tilespmem:s19+$0xFFFFFB80] =	vst v10;
	v20 =	vld.idx.msk [tilespmem:v20+s17+$0x0], $0xffff  }
0x59: {  	v24 =	vshrl.u32 v25, $0x4;
	v7 =	vmov v17;
	v10 =	vadd.s32 v19, v11;
	v11 =	vld.idx.msk [tilespmem:v21+s17+$0x0], $0xffff  }
0x5a: {  	v17 =	vmul.u32 $0xFFFFFFE8, v24;
	s19 =	sadd.s32 $0x20, s19;
	v19 =	vadd.s32 $0x1000, v5;
	[tilespmem:s0+$0x250] =	vst v12;
	v13 =	vld.idx.msk [tilespmem:v13+s25+$0x0], $0xffff;
	s25 =	smov.u32 s18;
	s18 =	smov.u32 s17  }
0x5b: {  	v12 =	vmov s28;
	s17 =	smov.u32 s20;
	[tilespmem:s19+$0xFFFFF710] =	vst v16;
	v16 =	vadd.s32 $0x1000, v2;
	v21 =	vld.idx.msk [tilespmem:v23+s25+$0x0], $0xffff  }
0x5c: {  	v17 =	vadd.s32 v22, v17;
	vm0 =	veq.s32 v12, v0;
	[tilespmem:s19+$0xFFFFF700] =	vst v18;
	v14 =	vld.idx.msk [tilespmem:v14+s17+$0x0], $0xffff;
	v18 =	vadd.s32 $0x1800, v6  }
0x5d: {  	v22 =	vadd.s32 $0x1C00, v4;
	v4 =	vmovc v5;
	v5 =	vmovc v8;
	vm1 =	vne.s32 v17, $0x0;
	v12 =	vmul.u32 $0x18, v17;
	v9 =	vld.idx.msk [tilespmem:v9+s17+$0x0], $0xffff;
	[tilespmem:s0+$0x240] =	vst v15  }
.Ltmp0:
0x5e: {  	vm0 =	vmand vm0, vm1;
	v8 =	vld.idx.msk [tilespmem:v10+s15+$0x0], $0xffff;
	v10 =	vadd.s32 $0x800, v5;
	[tilespmem:s16+$0xFFFFFDD0] =	vst v20;
	(pc) =	sbr.rel @p0 .LBB2_2-.Ltmp0, $4  }
0x5f: {  	v17 =	vsel vm0, $0xFFFFFFFF, v1;
	v12 =	vadd.s32 v24, v12;
	v15 =	vadd.s32 $0x800, v3;
	[tilespmem:s16+$0xFFFFFDC0] =	vst v11;
	v11 =	vld.idx.msk [tilespmem:v19+s18+$0x0], $0xffff  }
0x60: {  	v17 =	vadd.s32 v17, v12;
	v12 =	vld.idx.msk [tilespmem:v16+s18+$0x0], $0xffff;
	[tilespmem:s1+$0x6C0] =	vst v13;
	s1 =	smov.u32 s0;
	s0 =	smov.u32 s16;
	s16 =	smov.u32 s19  }
0x61: {  	s29 =	sadd.s32 $0x10, s28;
	v16 =	vadd.s32 $0x1400, v4;
	v13 =	vld.idx.msk [tilespmem:v18+s25+$0x0], $0xffff;
	[tilespmem:s1+$0x490] =	vst v21  }
0x62: {  	s28 =	sadd.s32 $0x20, s28;
	v18 =	vor.u32 s29, v0;
	[tilespmem:s19+$0xFFFFF950] =	vst v14;
	v14 =	vld.idx.msk [tilespmem:v22+s25+$0x0], $0xffff  }
0x63: {  	v19 =	vmulhi.u32 $0xAAAAAAAB, v18;
	_ =	sdelay $0x1  }
0x64: {  	v19 =	vshrl.u32 v19, $0x4  }
0x65: {  	v20 =	vmul.u32 $0xFFFFFFE8, v19;
	_ =	sdelay $0x1  }
0x66: {  	v50 =	vadd.s32 v18, v20  }
0x67: {  	v18 =	vmul.u32 $0x18, v50;
	_ =	sdelay $0x1  }
0x68: {  	v18 =	vadd.s32 v19, v18;
	_ =	sdelay $0x1  }
0x69: {  	[tilespmem:s19+$0xFFFFF940] =	vst v9;
	v9 =	vld.idx.msk [tilespmem:v17+s15+$0x0], $0xffff  }
0x6a: {  	v51 =	vld.idx.msk [tilespmem:v10+s17+$0x0], $0xffff  }
0x6b: {  	v52 =	vadd.s32 $0x1400, v2;
	v54 =	vld.idx.msk [tilespmem:v8+s20+$0x0], $0xffff  }
0x6c: {  	[tilespmem:s0+$0x10] =	vst v11;
	v10 =	vld.idx.msk [tilespmem:v18+s15+$0x0], $0xffff  }
0x6d: {  	v56 =	vld.idx.msk [tilespmem:v7+s20+$0x0], $0xffff;
	v6 =	vadd.s32 $0x1C00, v6;
	[tilespmem:s0+$0x0] =	vst v12  }
0x6e: {  	v53 =	vadd.s32 $0xC00, v5;
	v15 =	vld.idx.msk [tilespmem:v15+s17+$0x0], $0xffff;
	[tilespmem:s1+$0x480] =	vst v13  }
0x6f: {  	v11 =	vld.idx.msk [tilespmem:v16+s18+$0x0], $0xffff;
	[tilespmem:s1+$0x6D0] =	vst v14  }
0x70: {  	v60 =	vadd.s32 $0x400, v7;
	s29 =	sadd.s32 $0x20, s19;
	[tilespmem:s19+$0xFFFFFB90] =	vst v51;
	v57 =	vld.idx.msk [tilespmem:v52+s18+$0x0], $0xffff  }
0x71: {  	v55 =	vadd.s32 $0xC00, v3;
	[tilespmem:s29+$0xFFFFF710] =	vst v54;
	v62 =	vld.idx.msk [tilespmem:v9+s20+$0x0], $0xffff  }
0x72: {  	[tilespmem:s29+$0xFFFFF700] =	vst v56;
	v24 =	vadd.s32 $0x400, v9;
	v6 =	vld.idx.msk [tilespmem:v6+s25+$0x0], $0xffff  }
0x73: {  	v58 =	vadd.s32 $0x400, v8;
	[tilespmem:s19+$0xFFFFFB80] =	vst v15;
	v59 =	vld.idx.msk [tilespmem:v53+s17+$0x0], $0xffff  }
0x74: {  	v25 =	vadd.s32 $0x1800, v4;
	[tilespmem:s0+$0x250] =	vst v11;
	v61 =	vld.idx.msk [tilespmem:v10+s20+$0x0], $0xffff  }
0x75: {  	s30 =	sadd.s32 $0x20, s29;
	v27 =	vld.idx.msk [tilespmem:v60+s20+$0x0], $0xffff;
	[tilespmem:s0+$0x240] =	vst v57;
	v63 =	vadd.s32 $0x400, v10  }
0x76: {  	v26 =	vadd.s32 $0x1000, v5;
	v13 =	vld.idx.msk [tilespmem:v55+s17+$0x0], $0xffff;
	[tilespmem:s30+$0xFFFFF700] =	vst v62  }
0x77: {  	v29 =	vadd.s32 $0x800, v7;
	[tilespmem:s1+$0x6C0] =	vst v6;
	v31 =	vld.idx.msk [tilespmem:v24+s20+$0x0], $0xffff  }
0x78: {  	v6 =	vadd.s32 $0x800, v9;
	[tilespmem:s16+$0xFFFFFDD0] =	vst v59;
	v18 =	vld.idx.msk [tilespmem:v58+s20+$0x0], $0xffff  }
0x79: {  	v28 =	vadd.s32 $0x800, v8;
	v33 =	vld.idx.msk [tilespmem:v25+s18+$0x0], $0xffff;
	[tilespmem:s30+$0xFFFFF710] =	vst v61  }
0x7a: {  	v34 =	vadd.s32 $0x1000, v3;
	[tilespmem:s29+$0xFFFFF940] =	vst v27;
	v30 =	vld.idx.msk [tilespmem:v63+s20+$0x0], $0xffff  }
0x7b: {  	[tilespmem:s16+$0xFFFFFDC0] =	vst v13;
	v14 =	vld.idx.msk [tilespmem:v26+s17+$0x0], $0xffff;
	v32 =	vadd.s32 $0x800, v10  }
0x7c: {  	v4 =	vadd.s32 $0x1C00, v4;
	v11 =	vld.idx.msk [tilespmem:v29+s20+$0x0], $0xffff;
	[tilespmem:s30+$0xFFFFF940] =	vst v31  }
0x7d: {  	v38 =	vadd.s32 $0xC00, v7;
	[tilespmem:s29+$0xFFFFF950] =	vst v18;
	v6 =	vld.idx.msk [tilespmem:v6+s20+$0x0], $0xffff  }
0x7e: {  	v42 =	vadd.s32 $0xC00, v9;
	[tilespmem:s0+$0x490] =	vst v33;
	v36 =	vld.idx.msk [tilespmem:v28+s20+$0x0], $0xffff  }
0x7f: {  	v37 =	vadd.s32 $0xC00, v8;
	v41 =	vld.idx.msk [tilespmem:v34+s17+$0x0], $0xffff;
	[tilespmem:s30+$0xFFFFF950] =	vst v30  }
0x80: {  	v35 =	vadd.s32 $0x1800, v2;
	[tilespmem:s16+$0x10] =	vst v14;
	v39 =	vld.idx.msk [tilespmem:v32+s20+$0x0], $0xffff  }
0x81: {  	v4 =	vld.idx.msk [tilespmem:v4+s18+$0x0], $0xffff;
	[tilespmem:s29+$0xFFFFFB80] =	vst v11;
	v40 =	vadd.s32 $0xC00, v10  }
0x82: {  	v43 =	vadd.s32 $0x1400, v5;
	v12 =	vld.idx.msk [tilespmem:v38+s20+$0x0], $0xffff;
	[tilespmem:s30+$0xFFFFFB80] =	vst v6  }
0x83: {  	v46 =	vadd.s32 $0x1000, v7;
	[tilespmem:s29+$0xFFFFFB90] =	vst v36;
	v14 =	vld.idx.msk [tilespmem:v42+s20+$0x0], $0xffff  }
0x84: {  	v48 =	vadd.s32 $0x1000, v9;
	[tilespmem:s16+$0x0] =	vst v41;
	v44 =	vld.idx.msk [tilespmem:v37+s20+$0x0], $0xffff  }
0x85: {  	v45 =	vadd.s32 $0x1000, v8;
	v18 =	vld.idx.msk [tilespmem:v35+s18+$0x0], $0xffff;
	[tilespmem:s30+$0xFFFFFB90] =	vst v39  }
0x86: {  	v2 =	vadd.s32 $0x1C00, v2;
	[tilespmem:s0+$0x6D0] =	vst v4;
	v6 =	vld.idx.msk [tilespmem:v40+s20+$0x0], $0xffff  }
0x87: {  	v47 =	vadd.s32 $0x1000, v10;
	v15 =	vld.idx.msk [tilespmem:v43+s17+$0x0], $0xffff;
	[tilespmem:s29+$0xFFFFFDC0] =	vst v12  }
0x88: {  	v55 =	vadd.s32 $0x1800, v5;
	v12 =	vld.idx.msk [tilespmem:v46+s20+$0x0], $0xffff;
	[tilespmem:s30+$0xFFFFFDC0] =	vst v14  }
0x89: {  	v49 =	vadd.s32 $0x1400, v3;
	[tilespmem:s29+$0xFFFFFDD0] =	vst v44;
	v4 =	vld.idx.msk [tilespmem:v48+s20+$0x0], $0xffff  }
0x8a: {  	v54 =	vadd.s32 $0x1400, v9;
	[tilespmem:s0+$0x480] =	vst v18;
	v11 =	vld.idx.msk [tilespmem:v45+s20+$0x0], $0xffff  }
0x8b: {  	v50 =	vadd.s32 $0x1400, v8;
	v2 =	vld.idx.msk [tilespmem:v2+s18+$0x0], $0xffff;
	[tilespmem:s30+$0xFFFFFDD0] =	vst v6  }
0x8c: {  	[tilespmem:s16+$0x250] =	vst v15;
	v6 =	vadd.s32 $0x1400, v7;
	v51 =	vld.idx.msk [tilespmem:v47+s20+$0x0], $0xffff  }
0x8d: {  	v52 =	vadd.s32 $0x1400, v10;
	v61 =	vld.idx.msk [tilespmem:v55+s17+$0x0], $0xffff;
	[tilespmem:s29+$0x0] =	vst v12  }
0x8e: {  	v5 =	vadd.s32 $0x1C00, v5;
	v53 =	vld.idx.msk [tilespmem:v49+s17+$0x0], $0xffff;
	[tilespmem:s30+$0x0] =	vst v4  }
0x8f: {  	v56 =	vadd.s32 $0x1800, v3;
	[tilespmem:s29+$0x10] =	vst v11;
	v15 =	vld.idx.msk [tilespmem:v54+s20+$0x0], $0xffff  }
0x90: {  	[tilespmem:s0+$0x6C0] =	vst v2;
	v2 =	vadd.s32 $0x1800, v9;
	v57 =	vld.idx.msk [tilespmem:v50+s20+$0x0], $0xffff  }
0x91: {  	v58 =	vadd.s32 $0x1800, v8;
	v6 =	vld.idx.msk [tilespmem:v6+s20+$0x0], $0xffff;
	[tilespmem:s30+$0x10] =	vst v51  }
0x92: {  	v59 =	vadd.s32 $0x1800, v7;
	[tilespmem:s16+$0x490] =	vst v61;
	v4 =	vld.idx.msk [tilespmem:v52+s20+$0x0], $0xffff  }
0x93: {  	v60 =	vadd.s32 $0x1800, v10;
	[tilespmem:s16+$0x240] =	vst v53;
	v5 =	vld.idx.msk [tilespmem:v5+s17+$0x0], $0xffff  }
0x94: {  	v11 =	vld.idx.msk [tilespmem:v56+s17+$0x0], $0xffff;
	[tilespmem:s30+$0x240] =	vst v15  }
0x95: {  	v3 =	vadd.s32 $0x1C00, v3;
	[tilespmem:s29+$0x250] =	vst v57;
	v2 =	vld.idx.msk [tilespmem:v2+s20+$0x0], $0xffff  }
0x96: {  	v9 =	vadd.s32 $0x1C00, v9;
	v12 =	vld.idx.msk [tilespmem:v58+s20+$0x0], $0xffff;
	[tilespmem:s29+$0x240] =	vst v6  }
0x97: {  	v6 =	vadd.s32 $0x1C00, v8;
	v62 =	vld.idx.msk [tilespmem:v59+s20+$0x0], $0xffff;
	[tilespmem:s30+$0x250] =	vst v4  }
0x98: {  	[tilespmem:s16+$0x6D0] =	vst v5;
	v4 =	vadd.s32 $0x1C00, v7;
	v7 =	vld.idx.msk [tilespmem:v60+s20+$0x0], $0xffff  }
0x99: {  	v10 =	vadd.s32 $0x1C00, v10;
	[tilespmem:s16+$0x480] =	vst v11  }
0x9a: {  	v3 =	vld.idx.msk [tilespmem:v3+s17+$0x0], $0xffff;
	[tilespmem:s30+$0x480] =	vst v2  }
0x9b: {  	[tilespmem:s29+$0x490] =	vst v12;
	v5 =	vld.idx.msk [tilespmem:v9+s20+$0x0], $0xffff  }
0x9c: {  	s31 =	simm.s32 $0x10;
	v6 =	vld.idx.msk [tilespmem:v6+s20+$0x0], $0xffff;
	[tilespmem:s29+$0x480] =	vst v62  }
0x9d: {  	v63 =	vor.u32 s31, v0;
	v8 =	vld.idx.msk [tilespmem:v4+s20+$0x0], $0xffff;
	[tilespmem:s30+$0x490] =	vst v7  }
0x9e: {  	p1 =	por $0x1, $0x1;
	v2 =	vmulhi.u32 $0xAAAAAAAB, v63;
	v7 =	vld.idx.msk [tilespmem:v10+s20+$0x0], $0xffff  }
.Ltmp1:
0x9f: {  	[tilespmem:s16+$0x6C0] =	vst v3;
	(pc) =	sbr.rel @!p1 .LBB2_4-.Ltmp1, $4  }
0xa0: {  	[tilespmem:s30+$0x6C0] =	vst v5;
	v4 =	vshrl.u32 v2, $0x4  }
0xa1: {  	[tilespmem:s29+$0x6D0] =	vst v6;
	v6 =	vmul.u32 $0x1FFFFFE8, v4  }
0xa2: {  	s28 =	simm.s32 $0x20;
	p2 =	por $0x0, $0x0;
	p3 =	por $0x0, $0x0;
	v2 =	vor.u32 s20, v0;
	[tilespmem:s29+$0x6C0] =	vst v8  }
0xa3: {  	p4 =	por $0x0, $0x0;
	p5 =	por $0x0, $0x0;
	p0 =	por $0x0, $0x0;
	v3 =	vmulhi.u32 $0xAAAAAAAB, v2;
	v5 =	vadd.s32 v63, v6;
	[tilespmem:s30+$0x6D0] =	vst v7  }
0xa4: {  	_ = 	snop  }
0xa5: {  	v6 =	vshrl.u32 v3, $0x4  }
0xa6: {  	v7 =	vmul.u32 $0xFFFFFFE8, v6;
	_ =	sdelay $0x1  }
0xa7: {  	v8 =	vmov s20;
	v7 =	vadd.s32 v2, v7  }
0xa8: {  	vm1 =	veq.s32 v8, v0;
	vm0 =	vne.s32 v7, $0x0  }
0xa9: {  	v8 =	vmul.u32 $0x18, v5;
	vm0 =	vmand vm1, vm0  }
0xaa: {  	v7 =	vmul.u32 $0x18, v7;
	v9 =	vsel vm0, $0xFFFFFFFF, v1  }
0xab: {  	v8 =	vadd.s32 v4, v8;
	v6 =	vadd.s32 v9, v6  }
0xac: {  	v62 =	vand.u32 $0x7, v4;
	v8 =	vand.u32 $0x1FFFFFF8, v8;
	v7 =	vadd.s32 v7, v6  }
0xad: {  	s0 =	simm.s32 $0x30;
	v8 =	vor.u32 v62, v8;
	v6 =	vand.u32 $0x7, v6;
	v7 =	vand.u32 $0xFFFFFFF8, v7  }
0xae: {  	v63 =	vor.u32 s0, v0;
	v8 =	vadd.s32 $0x240, v8;
	v6 =	vor.u32 v6, v7  }
0xaf: {  	p1 =	por $0x1, $0x1;
	v7 =	vmulhi.u32 $0xAAAAAAAB, v63;
	v10 =	vadd.s32 $0x240, v6  }
.Ltmp2:
0xb0: {  	_ = 	snop;
	(pc) =	sbr.rel @!p1 .LBB2_6-.Ltmp2, $4  }
0xb1: {  	v23 =	vshrl.u32 v7, $0x4  }
0xb2: {  	v7 =	vmul.u32 $0x1FFFFFE8, v23  }
0xb3: {  	v28 =	vor.u32 s28, v0;
	v6 =	vld.idx.msk [tilespmem:v8+s15+$0x0], $0xffff  }
0xb4: {  	s16 =	simm.s32 $0x40;
	p2 =	por $0x1, $0x1;
	v34 =	vmulhi.u32 $0xAAAAAAAB, v28;
	v33 =	vadd.s32 v63, v7;
	v7 =	vld.idx.msk [tilespmem:v10+s15+$0x0], $0xffff  }
0xb5: {  	_ = 	snop  }
0xb6: {  	v8 =	vshrl.u32 v34, $0x4  }
0xb7: {  	v9 =	vmul.u32 $0xFFFFFFE8, v8;
	_ =	sdelay $0x1  }
0xb8: {  	v11 =	vmov s28;
	v9 =	vadd.s32 v28, v9  }
0xb9: {  	v10 =	vmul.u32 $0x18, v33;
	vm1 =	veq.s32 v11, v0;
	vm0 =	vne.s32 v9, $0x0  }
0xba: {  	vm0 =	vmand vm1, vm0  }
0xbb: {  	v10 =	vadd.s32 v23, v10;
	v9 =	vmul.u32 $0x18, v9;
	v12 =	vsel vm0, $0xFFFFFFFF, v1  }
0xbc: {  	v11 =	vand.u32 $0x7, v23;
	v10 =	vand.u32 $0x1FFFFFF8, v10;
	v63 =	vld.idx.msk [tilespmem:v6+s20+$0x0], $0xffff;
	v8 =	vadd.s32 v12, v8  }
0xbd: {  	v15 =	vadd.s32 $0x400, v6;
	v10 =	vor.u32 v11, v10;
	v9 =	vadd.s32 v9, v8  }
0xbe: {  	s0 =	simm.s32 $0x50;
	v11 =	vld.idx.msk [tilespmem:v7+s20+$0x0], $0xffff;
	v10 =	vadd.s32 $0x240, v10;
	v8 =	vand.u32 $0x7, v8;
	v9 =	vand.u32 $0xFFFFFFF8, v9  }
0xbf: {  	v14 =	vor.u32 s0, v0;
	v13 =	vadd.s32 $0x400, v7;
	v8 =	vor.u32 v8, v9  }
0xc0: {  	p1 =	por $0x1, $0x1;
	v16 =	vmulhi.u32 $0xAAAAAAAB, v14;
	v8 =	vadd.s32 $0x240, v8  }
.Ltmp3:
0xc1: {  	[tilespmem:s26+$0xFFFFF040] =	vst v63;
	(pc) =	sbr.rel @!p1 .LBB2_8-.Ltmp3, $4  }
0xc2: {  	v23 =	vshrl.u32 v16, $0x4;
	v31 =	vld.idx.msk [tilespmem:v15+s20+$0x0], $0xffff  }
0xc3: {  	[tilespmem:s26+$0xFFFFF030] =	vst v11;
	v9 =	vld.idx.msk [tilespmem:v10+s15+$0x0], $0xffff;
	v10 =	vmul.u32 $0x1FFFFFE8, v23  }
0xc4: {  	v28 =	vor.u32 s16, v0;
	v30 =	vld.idx.msk [tilespmem:v13+s20+$0x0], $0xffff  }
0xc5: {  	p3 =	por $0x1, $0x1;
	s0 =	simm.s32 $0x60;
	v37 =	vadd.s32 $0x800, v7;
	v34 =	vmulhi.u32 $0xAAAAAAAB, v28;
	v33 =	vadd.s32 v14, v10;
	v8 =	vld.idx.msk [tilespmem:v8+s15+$0x0], $0xffff  }
0xc6: {  	_ =	sdelay $0x1  }
0xc7: {  	v10 =	vshrl.u32 v34, $0x4  }
0xc8: {  	v11 =	vadd.s32 $0x800, v6;
	v12 =	vmul.u32 $0xFFFFFFE8, v10;
	_ =	sdelay $0x1  }
0xc9: {  	v13 =	vmul.u32 $0x18, v33;
	v14 =	vmov s16;
	v12 =	vadd.s32 v28, v12  }
0xca: {  	v16 =	vadd.s32 $0xC00, v7;
	vm1 =	veq.s32 v14, v0;
	v18 =	vld.idx.msk [tilespmem:v9+s20+$0x0], $0xffff;
	[tilespmem:s26+$0xFFFFF270] =	vst v30;
	vm0 =	vne.s32 v12, $0x0  }
0xcb: {  	v14 =	vand.u32 $0x7, v23;
	[tilespmem:s26+$0xFFFFF280] =	vst v31;
	v13 =	vadd.s32 v23, v13;
	v15 =	vld.idx.msk [tilespmem:v37+s20+$0x0], $0xffff;
	vm0 =	vmand vm1, vm0  }
0xcc: {  	v13 =	vand.u32 $0x1FFFFFF8, v13;
	v11 =	vld.idx.msk [tilespmem:v11+s20+$0x0], $0xffff;
	v12 =	vmul.u32 $0x18, v12;
	v17 =	vsel vm0, $0xFFFFFFFF, v1  }
0xcd: {  	v20 =	vadd.s32 $0x400, v9;
	v13 =	vor.u32 v14, v13;
	v10 =	vadd.s32 v17, v10  }
0xce: {  	s29 =	simm.s32 $0x53F0;
	v13 =	vadd.s32 $0x240, v13;
	v12 =	vadd.s32 v12, v10  }
0xcf: {  	s1 =	simm.s32 $0x70;
	v14 =	vadd.s32 $0xC00, v6;
	v63 =	vld.idx.msk [tilespmem:v8+s20+$0x0], $0xffff;
	[tilespmem:s29+$0xFFFFF040] =	vst v18;
	v10 =	vand.u32 $0x7, v10;
	v12 =	vand.u32 $0xFFFFFFF8, v12  }
0xd0: {  	v19 =	vadd.s32 $0x400, v8;
	[tilespmem:s26+$0xFFFFF4B0] =	vst v15;
	v15 =	vor.u32 s1, v0;
	v10 =	vor.u32 v10, v12  }
0xd1: {  	p1 =	por $0x1, $0x1;
	v16 =	vld.idx.msk [tilespmem:v16+s20+$0x0], $0xffff;
	[tilespmem:s26+$0xFFFFF4C0] =	vst v11;
	v11 =	vmulhi.u32 $0xAAAAAAAB, v15;
	v21 =	vadd.s32 $0x240, v10  }
.Ltmp4:
0xd2: {  	v31 =	vld.idx.msk [tilespmem:v20+s20+$0x0], $0xffff;
	(pc) =	sbr.rel @!p1 .LBB2_10-.Ltmp4, $4  }
0xd3: {  	v13 =	vld.idx.msk [tilespmem:v13+s15+$0x0], $0xffff;
	v23 =	vshrl.u32 v11, $0x4  }
0xd4: {  	v28 =	vor.u32 s0, v0;
	[tilespmem:s29+$0xFFFFF030] =	vst v63;
	v10 =	vld.idx.msk [tilespmem:v14+s20+$0x0], $0xffff;
	v14 =	vmul.u32 $0x1FFFFFE8, v23  }
0xd5: {  	v37 =	vadd.s32 $0x800, v8;
	v34 =	vmulhi.u32 $0xAAAAAAAB, v28;
	v30 =	vld.idx.msk [tilespmem:v19+s20+$0x0], $0xffff  }
0xd6: {  	s16 =	simm.s32 $0x80;
	p4 =	por $0x1, $0x1;
	v12 =	vadd.s32 $0x1000, v6;
	v11 =	vadd.s32 $0x1000, v7;
	v33 =	vadd.s32 v15, v14;
	[tilespmem:s26+$0xFFFFF6F0] =	vst v16;
	v14 =	vld.idx.msk [tilespmem:v21+s15+$0x0], $0xffff  }
0xd7: {  	_ =	sdelay $0x2  }
0xd8: {  	v17 =	vshrl.u32 v34, $0x4  }
0xd9: {  	v15 =	vmul.u32 $0x18, v33;
	v16 =	vadd.s32 $0x800, v9;
	v18 =	vld.idx.msk [tilespmem:v11+s20+$0x0], $0xffff;
	v19 =	vmul.u32 $0xFFFFFFE8, v17  }
0xda: {  	v20 =	vadd.s32 $0x1400, v7;
	v22 =	vand.u32 $0x7, v23;
	v25 =	vadd.s32 $0x1400, v6;
	[tilespmem:s26+$0xFFFFF700] =	vst v10  }
0xdb: {  	v15 =	vadd.s32 v23, v15;
	v23 =	vmov s0;
	v21 =	vld.idx.msk [tilespmem:v12+s20+$0x0], $0xffff;
	[tilespmem:s29+$0xFFFFF270] =	vst v30;
	v19 =	vadd.s32 v28, v19  }
0xdc: {  	v15 =	vand.u32 $0x1FFFFFF8, v15;
	vm1 =	veq.s32 v23, v0;
	v24 =	vld.idx.msk [tilespmem:v37+s20+$0x0], $0xffff;
	vm0 =	vne.s32 v19, $0x0  }
0xdd: {  	[tilespmem:s29+$0xFFFFF280] =	vst v31;
	v26 =	vld.idx.msk [tilespmem:v13+s20+$0x0], $0xffff;
	v15 =	vor.u32 v22, v15;
	v22 =	vadd.s32 $0xC00, v8;
	vm0 =	vmand vm1, vm0  }
0xde: {  	v16 =	vld.idx.msk [tilespmem:v16+s20+$0x0], $0xffff;
	[tilespmem:s26+$0xFFFFF930] =	vst v18;
	v18 =	vmul.u32 $0x18, v19;
	v15 =	vadd.s32 $0x240, v15;
	v19 =	vsel vm0, $0xFFFFFFFF, v1  }
0xdf: {  	v23 =	vadd.s32 $0xC00, v9;
	v20 =	vld.idx.msk [tilespmem:v20+s20+$0x0], $0xffff;
	v17 =	vadd.s32 v19, v17  }
0xe0: {  	v19 =	vld.idx.msk [tilespmem:v14+s20+$0x0], $0xffff;
	[tilespmem:s26+$0xFFFFF940] =	vst v21;
	v18 =	vadd.s32 v18, v17;
	v21 =	vadd.s32 $0x1800, v7  }
0xe1: {  	s31 =	simm.s32 $0x90;
	v17 =	vand.u32 $0x7, v17;
	v27 =	vld.idx.msk [tilespmem:v25+s20+$0x0], $0xffff;
	v18 =	vand.u32 $0xFFFFFFF8, v18;
	v25 =	vadd.s32 $0x400, v14;
	[tilespmem:s29+$0xFFFFF4B0] =	vst v24  }
0xe2: {  	v29 =	vor.u32 s31, v0;
	v30 =	vadd.s32 $0x400, v13;
	v17 =	vor.u32 v17, v18;
	v31 =	vld.idx.msk [tilespmem:v22+s20+$0x0], $0xffff  }
0xe3: {  	p1 =	por $0x1, $0x1;
	[tilespmem:s29+$0xFFFFF4C0] =	vst v16;
	v22 =	vmulhi.u32 $0xAAAAAAAB, v29;
	v18 =	vld.idx.msk [tilespmem:v15+s15+$0x0], $0xffff;
	v17 =	vadd.s32 $0x240, v17  }
.Ltmp5:
0xe4: {  	s1 =	simm.s32 $0x5410;
	v16 =	vld.idx.msk [tilespmem:v23+s20+$0x0], $0xffff;
	[tilespmem:s26+$0xFFFFFB70] =	vst v20;
	(pc) =	sbr.rel @!p1 .LBB2_12-.Ltmp5, $4  }
0xe5: {  	v28 =	vor.u32 s16, v0;
	v23 =	vshrl.u32 v22, $0x4;
	[tilespmem:s1+$0xFFFFF030] =	vst v19;
	v15 =	vld.idx.msk [tilespmem:v21+s20+$0x0], $0xffff  }
0xe6: {  	v34 =	vmulhi.u32 $0xAAAAAAAB, v28;
	[tilespmem:s1+$0xFFFFF040] =	vst v26;
	v32 =	vmul.u32 $0x1FFFFFE8, v23;
	v24 =	vld.idx.msk [tilespmem:v25+s20+$0x0], $0xffff  }
0xe7: {  	v20 =	vadd.s32 $0x1800, v6;
	v19 =	vadd.s32 $0x1000, v8;
	v22 =	vadd.s32 $0x1000, v9;
	v25 =	vld.idx.msk [tilespmem:v30+s20+$0x0], $0xffff;
	[tilespmem:s26+$0xFFFFFB80] =	vst v27  }
0xe8: {  	s19 =	simm.s32 $0xA0;
	p5 =	por $0x1, $0x1;
	v21 =	vadd.s32 $0x1C00, v7;
	v27 =	vadd.s32 $0x800, v14;
	v33 =	vadd.s32 v29, v32;
	[tilespmem:s29+$0xFFFFF6F0] =	vst v31;
	v17 =	vld.idx.msk [tilespmem:v17+s15+$0x0], $0xffff  }
0xe9: {  	_ =	sdelay $0x3  }
0xea: {  	v29 =	vadd.s32 $0x800, v13;
	v30 =	vld.idx.msk [tilespmem:v19+s20+$0x0], $0xffff  }
0xeb: {  	v26 =	vmul.u32 $0x18, v33;
	[tilespmem:s29+$0xFFFFF700] =	vst v16;
	v31 =	vshrl.u32 v34, $0x4;
	v35 =	vld.idx.msk [tilespmem:v20+s20+$0x0], $0xffff  }
0xec: {  	v58 =	vadd.s32 $0x1400, v8;
	v37 =	vmov s16;
	v32 =	vld.idx.msk [tilespmem:v22+s20+$0x0], $0xffff;
	v57 =	vmul.u32 $0xFFFFFFE8, v31;
	[tilespmem:s26+$0xFFFFFDB0] =	vst v15  }
0xed: {  	v60 =	vadd.s32 $0x1C00, v6;
	vm1 =	veq.s32 v37, v0;
	[tilespmem:s1+$0xFFFFF270] =	vst v24;
	v36 =	vld.idx.msk [tilespmem:v21+s20+$0x0], $0xffff  }
0xee: {  	v38 =	vadd.s32 $0x1400, v9;
	v26 =	vadd.s32 v23, v26;
	v28 =	vadd.s32 v28, v57;
	v59 =	vld.idx.msk [tilespmem:v27+s20+$0x0], $0xffff;
	[tilespmem:s1+$0xFFFFF280] =	vst v25  }
0xef: {  	v23 =	vand.u32 $0x7, v23;
	v26 =	vand.u32 $0x1FFFFFF8, v26;
	vm0 =	vne.s32 v28, $0x0;
	v29 =	vld.idx.msk [tilespmem:v29+s20+$0x0], $0xffff  }
0xf0: {  	v39 =	vadd.s32 $0xC00, v14;
	v23 =	vor.u32 v23, v26;
	v26 =	vld.idx.msk [tilespmem:v18+s20+$0x0], $0xffff;
	vm0 =	vmand vm1, vm0;
	[tilespmem:s29+$0xFFFFF930] =	vst v30  }
0xf1: {  	v28 =	vmul.u32 $0x18, v28;
	v23 =	vadd.s32 $0x240, v23;
	[tilespmem:s26+$0xFFFFFDC0] =	vst v35;
	v30 =	vsel vm0, $0xFFFFFFFF, v1;
	v34 =	vld.idx.msk [tilespmem:v58+s20+$0x0], $0xffff  }
0xf2: {  	v40 =	vadd.s32 $0xC00, v13;
	v61 =	vadd.s32 $0x1800, v8;
	s0 =	simm.s32 $0xB0;
	[tilespmem:s29+$0xFFFFF940] =	vst v32;
	v32 =	vld.idx.msk [tilespmem:v60+s20+$0x0], $0xffff;
	v30 =	vadd.s32 v30, v31  }
0xf3: {  	v62 =	vor.u32 s0, v0;
	v43 =	vadd.s32 $0x400, v17;
	v31 =	vld.idx.msk [tilespmem:v17+s20+$0x0], $0xffff;
	v28 =	vadd.s32 v28, v30;
	[tilespmem:s1+$0xFFFFF4B0] =	vst v59  }
0xf4: {  	v45 =	vld.idx.msk [tilespmem:v38+s20+$0x0], $0xffff;
	v30 =	vand.u32 $0x7, v30;
	v28 =	vand.u32 $0xFFFFFFF8, v28;
	[tilespmem:s1+$0xFFFFF4C0] =	vst v29;
	v29 =	vmulhi.u32 $0xAAAAAAAB, v62  }
0xf5: {  	v63 =	vadd.s32 $0x400, v18;
	v39 =	vld.idx.msk [tilespmem:v39+s20+$0x0], $0xffff;
	v28 =	vor.u32 v30, v28  }
0xf6: {  	p1 =	por $0x1, $0x1;
	[tilespmem:s26+$0xFFFFFFF0] =	vst v36;
	v46 =	vld.idx.msk [tilespmem:v23+s15+$0x0], $0xffff;
	v47 =	vadd.s32 $0x240, v28;
	v23 =	vshrl.u32 v29, $0x4  }
.Ltmp6:
0xf7: {  	s16 =	simm.s32 $0x5430;
	v38 =	vadd.s32 $0x1000, v14;
	v36 =	vld.idx.msk [tilespmem:v40+s20+$0x0], $0xffff;
	[tilespmem:s29+$0xFFFFFB70] =	vst v34;
	v29 =	vmul.u32 $0x1FFFFFE8, v23;
	(pc) =	sbr.rel @!p1 .LBB2_14-.Ltmp6, $4  }
0xf8: {  	v41 =	vadd.s32 $0x1000, v13;
	[tilespmem:s16+$0xFFFFF030] =	vst v31;
	v42 =	vld.idx.msk [tilespmem:v61+s20+$0x0], $0xffff  }
0xf9: {  	[tilespmem:s16+$0xFFFFF040] =	vst v26;
	v30 =	vld.idx.msk [tilespmem:v43+s20+$0x0], $0xffff;
	v43 =	vadd.s32 $0x1800, v9  }
0xfa: {  	v44 =	vadd.s32 $0x1C00, v8;
	s18 =	simm.s32 $0xC0;
	v37 =	vadd.s32 $0x800, v17;
	v35 =	vmovc v9;
	v28 =	vor.u32 s19, v0;
	v31 =	vld.idx.msk [tilespmem:v63+s20+$0x0], $0xffff;
	[tilespmem:s29+$0xFFFFFB80] =	vst v45  }
0xfb: {  	p6 =	por $0x1, $0x1;
	s17 =	simm.s32 $0x53F0;
	s0 =	simm.s32 $0x53D0;
	v26 =	vmovc v14;
	v34 =	vmulhi.u32 $0xAAAAAAAB, v28;
	[tilespmem:s1+$0xFFFFF6F0] =	vst v39;
	v33 =	vadd.s32 v62, v29;
	v45 =	vld.idx.msk [tilespmem:v47+s15+$0x0], $0xffff;
	v29 =	vmov v13  }
.LBB2_15:
0xfc: {  	p1 =	slt.u32 s18, $0x220;
	v33 =	vmul.u32 $0x18, v33;
	v39 =	vadd.s32 $0x800, v18;
	v38 =	vld.idx.msk [tilespmem:v38+s20+$0x0], $0xffff;
	[tilespmem:s1+$0xFFFFF700] =	vst v36  }
0xfd: {  	v34 =	vshrl.u32 v34, $0x4;
	v36 =	vld.idx.msk [tilespmem:v41+s20+$0x0], $0xffff;
	[tilespmem:s0+$0x0] =	vst v32;
	s0 =	smov.u32 s17;
	s17 =	smov.u32 s1;
	s1 =	smov.u32 s16  }
0xfe: {  	v40 =	vadd.s32 $0x1400, v26;
	v32 =	vmul.u32 $0xFFFFFFE8, v34;
	v33 =	vadd.s32 v23, v33;
	[tilespmem:s0+$0xFFFFFDB0] =	vst v42;
	v41 =	vld.idx.msk [tilespmem:v43+s20+$0x0], $0xffff  }
0xff: {  	v23 =	vand.u32 $0x7, v23;
	v33 =	vand.u32 $0x1FFFFFF8, v33;
	[tilespmem:s16+$0xFFFFF270] =	vst v30;
	v30 =	vld.idx.msk [tilespmem:v44+s20+$0x0], $0xffff  }
0x100: {  	v42 =	vmov s19;
	s19 =	smov.u32 s18;
	v28 =	vadd.s32 v28, v32;
	v32 =	vld.idx.msk [tilespmem:v37+s20+$0x0], $0xffff;
	[tilespmem:s16+$0xFFFFF280] =	vst v31;
	v31 =	vadd.s32 $0x1400, v29  }
0x101: {  	vm1 =	veq.s32 v42, v0;
	vm0 =	vne.s32 v28, $0x0;
	v37 =	vld.idx.msk [tilespmem:v39+s20+$0x0], $0xffff;
	v39 =	vadd.s32 $0x1C00, v35;
	v35 =	vmovc v29;
	v29 =	vmovc v18  }
0x102: {  	v42 =	vadd.s32 $0xC00, v17;
	v23 =	vor.u32 v23, v33;
	v18 =	vmovc v46;
	vm0 =	vmand vm1, vm0;
	v33 =	vld.idx.msk [tilespmem:v46+s20+$0x0], $0xffff;
	[tilespmem:s17+$0xFFFFF930] =	vst v38  }
0x103: {  	v28 =	vmul.u32 $0x18, v28;
	v43 =	vadd.s32 $0xC00, v29;
	v38 =	vsel vm0, $0xFFFFFFFF, v1;
	v40 =	vld.idx.msk [tilespmem:v40+s20+$0x0], $0xffff;
	[tilespmem:s17+$0xFFFFF940] =	vst v36  }
0x104: {  	v23 =	vadd.s32 $0x240, v23;
	v34 =	vadd.s32 v38, v34;
	v44 =	vld.idx.msk [tilespmem:v45+s20+$0x0], $0xffff;
	[tilespmem:s0+$0xFFFFFDC0] =	vst v41  }
0x105: {  	v47 =	vadd.s32 $0x1800, v26;
	v28 =	vadd.s32 v28, v34;
	v48 =	vld.idx.msk [tilespmem:v31+s20+$0x0], $0xffff;
	[tilespmem:s0+$0xFFFFFFF0] =	vst v30  }
0x106: {  	s25 =	sadd.s32 $0x10, s18;
	v30 =	vand.u32 $0x7, v34;
	v31 =	vadd.s32 $0x400, v45;
	v28 =	vand.u32 $0xFFFFFFF8, v28;
	[tilespmem:s16+$0xFFFFF4B0] =	vst v32;
	v32 =	vld.idx.msk [tilespmem:v39+s20+$0x0], $0xffff  }
0x107: {  	v34 =	vadd.s32 $0x400, v18;
	v39 =	vor.u32 s25, v0;
	v28 =	vor.u32 v30, v28;
	v49 =	vld.idx.msk [tilespmem:v42+s20+$0x0], $0xffff;
	[tilespmem:s16+$0xFFFFF4C0] =	vst v37  }
0x108: {  	v30 =	vmulhi.u32 $0xAAAAAAAB, v39;
	v37 =	vadd.s32 $0x240, v28;
	v36 =	vld.idx.msk [tilespmem:v43+s20+$0x0], $0xffff  }
.Ltmp7:
0x109: {  	v38 =	vadd.s32 $0x1000, v17;
	s16 =	sadd.s32 $0x20, s16;
	v46 =	vld.idx.msk [tilespmem:v23+s15+$0x0], $0xffff;
	[tilespmem:s17+$0xFFFFFB70] =	vst v40;
	(pc) =	sbr.rel @p1 .LBB2_15-.Ltmp7, $4  }
0x10a: {  	v41 =	vadd.s32 $0x1000, v29;
	v23 =	vshrl.u32 v30, $0x4;
	[tilespmem:s16+$0xFFFFF030] =	vst v44;
	v42 =	vld.idx.msk [tilespmem:v47+s20+$0x0], $0xffff  }
0x10b: {  	v43 =	vadd.s32 $0x1800, v35;
	v40 =	vmul.u32 $0x1FFFFFE8, v23;
	v30 =	vld.idx.msk [tilespmem:v31+s20+$0x0], $0xffff;
	[tilespmem:s16+$0xFFFFF040] =	vst v33  }
0x10c: {  	v28 =	vor.u32 s18, v0;
	v44 =	vadd.s32 $0x1C00, v26;
	v26 =	vmovc v17;
	v17 =	vmov v45;
	v31 =	vld.idx.msk [tilespmem:v34+s20+$0x0], $0xffff;
	[tilespmem:s17+$0xFFFFFB80] =	vst v48  }
0x10d: {  	s18 =	sadd.s32 $0x20, s18;
	v34 =	vmulhi.u32 $0xAAAAAAAB, v28;
	v33 =	vadd.s32 v39, v40;
	v45 =	vld.idx.msk [tilespmem:v37+s15+$0x0], $0xffff;
	v37 =	vadd.s32 $0x800, v17;
	[tilespmem:s1+$0xFFFFF6F0] =	vst v49  }
0x10e: {  	_ =	sdelay $0x2  }
0x10f: {  	s18 =	smov.u32 s1  }
0x110: {  	v40 =	vmovc v18;
	v39 =	vmov v17;
	s1 =	smov.u32 s16;
	s16 =	smov.u32 s19;
	v18 =	vmov v46;
	p1 =	por $0x1, $0x1;
	v17 =	vmov v45  }
.LBB2_17:
0x111: {  	v34 =	vshrl.u32 v34, $0x4  }
0x112: {  	v45 =	vmul.u32 $0xFFFFFFE8, v34  }
0x113: {  	v33 =	vmul.u32 $0x18, v33  }
0x114: {  	v59 =	vmov s16;
	v61 =	vand.u32 $0x7, v23;
	v28 =	vadd.s32 v28, v45  }
0x115: {  	[tilespmem:s18+$0xFFFFF700] =	vst @p4 v36;
	vm1 =	veq.s32 v59, v0;
	v33 =	vadd.s32 v23, v33;
	vm0 =	vne.s32 v28, $0x0  }
0x116: {  	v38 =	vld.idx.msk @p4 [tilespmem:v38+s20+$0x0], $0xffff;
	v36 =	vadd.s32 @p3 $0x800, v40;
	[tilespmem:s1+$0xFFFFF270] =	vst @p3 v30;
	v33 =	vand.u32 $0x1FFFFFF8, v33;
	vm0 =	vmand vm1, vm0  }
0x117: {  	v37 =	vld.idx.msk @p3 [tilespmem:v37+s20+$0x0], $0xffff;
	v28 =	vmul.u32 $0x18, v28;
	v23 =	vor.u32 v61, v33;
	v60 =	vsel vm0, $0xFFFFFFFF, v1  }
0x118: {  	s19 =	smov.u32 @p5 s17;
	v33 =	vld.idx.msk @p5 [tilespmem:v43+s20+$0x0], $0xffff;
	v23 =	vadd.s32 $0x240, v23;
	v34 =	vadd.s32 v60, v34  }
0x119: {  	[tilespmem:s19+$0xFFFFFDB0] =	vst @p5 v42;
	v42 =	vld.idx.msk @p2 [tilespmem:v17+s20+$0x0], $0xffff;
	v28 =	vadd.s32 v28, v34  }
0x11a: {  	[tilespmem:s1+$0xFFFFF280] =	vst @p3 v31;
	v31 =	vadd.s32 @p3 $0xC00, v39;
	v30 =	vld.idx.msk @p5 [tilespmem:v44+s20+$0x0], $0xffff;
	v34 =	vand.u32 $0x7, v34;
	v28 =	vand.u32 $0xFFFFFFF8, v28  }
0x11b: {  	[tilespmem:s0+$0x0] =	vst @p6 v32;
	s17 =	smov.u32 @p4 s18;
	v28 =	vor.u32 v34, v28;
	v34 =	vld.idx.msk @p4 [tilespmem:v41+s20+$0x0], $0xffff;
	v41 =	vadd.s32 @p4 $0x1400, v26  }
0x11c: {  	v36 =	vld.idx.msk @p3 [tilespmem:v36+s20+$0x0], $0xffff;
	[tilespmem:s17+$0xFFFFF930] =	vst @p4 v38;
	v28 =	vadd.s32 $0x240, v28  }
0x11d: {  	s0 =	sadd.s32 @p3 $0x20, s1;
	s16 =	smov.u32 s26;
	v38 =	vadd.s32 @p2 $0x400, v17;
	[tilespmem:s19+$0xFFFFFDC0] =	vst @p5 v33;
	v33 =	vmov @p3 v40;
	v23 =	vld.idx.msk [tilespmem:v23+s15+$0x0], $0xffff  }
0x11e: {  	s16 =	smov.u32 @p3 s0;
	v43 =	vld.idx.msk @p2 [tilespmem:v18+s20+$0x0], $0xffff;
	[tilespmem:s1+$0xFFFFF4B0] =	vst @p3 v37;
	v40 =	vadd.s32 @p3 $0xC00, v33  }
0x11f: {  	v32 =	vadd.s32 @p4 $0x1400, v29;
	[tilespmem:s16+$0xFFFFF030] =	vst @p2 v42;
	v31 =	vld.idx.msk @p3 [tilespmem:v31+s20+$0x0], $0xffff  }
0x120: {  	[tilespmem:s17+$0xFFFFF940] =	vst @p4 v34;
	v34 =	vld.idx.msk @p4 [tilespmem:v41+s20+$0x0], $0xffff  }
0x121: {  	v37 =	vadd.s32 @p2 $0x400, v18;
	[tilespmem:s19+$0xFFFFFFF0] =	vst @p5 v30;
	v28 =	vld.idx.msk [tilespmem:v28+s15+$0x0], $0xffff  }
0x122: {  	v30 =	vld.idx.msk @p2 [tilespmem:v38+s20+$0x0], $0xffff;
	[tilespmem:s1+$0xFFFFF4C0] =	vst @p3 v36  }
0x123: {  	v35 =	vadd.s32 @p5 $0x1C00, v35;
	v40 =	vld.idx.msk @p3 [tilespmem:v40+s20+$0x0], $0xffff  }
0x124: {  	v32 =	vld.idx.msk @p4 [tilespmem:v32+s20+$0x0], $0xffff  }
0x125: {  	[tilespmem:s16+$0xFFFFF040] =	vst @p2 v43;
	v38 =	vadd.s32 @p4 $0x1800, v26;
	v63 =	vld.idx.msk [tilespmem:v23+s20+$0x0], $0xffff  }
0x126: {  	v46 =	vadd.s32 $0x400, v23;
	[tilespmem:s17+$0xFFFFFB70] =	vst @p4 v34;
	v34 =	vld.idx.msk @p2 [tilespmem:v37+s20+$0x0], $0xffff  }
0x127: {  	v13 =	vpsel p2, v18, v13;
	v37 =	vadd.s32 @p2 $0x800, v17  }
0x128: {  	s0 =	smov.u32 s26;
	s18 =	sadd.s32 @p2 $0x20, s16;
	[tilespmem:s1+$0xFFFFF6F0] =	vst @p3 v31;
	v24 =	vpsel p2, v30, v24;
	v18 =	vpsel p2, v37, v27;
	v27 =	vld.idx.msk @p5 [tilespmem:v35+s20+$0x0], $0xffff  }
0x129: {  	s0 =	smov.u32 @p2 s18;
	v31 =	vadd.s32 @p2 $0x800, v13;
	[tilespmem:s16+$0xFFFFF270] =	vst @p2 v24;
	v62 =	vld.idx.msk [tilespmem:v28+s20+$0x0], $0xffff  }
0x12a: {  	v45 =	vadd.s32 $0x400, v28;
	v37 =	vld.idx.msk @p4 [tilespmem:v38+s20+$0x0], $0xffff;
	[tilespmem:s0+$0xFFFFF040] =	vst v63  }
0x12b: {  	s29 =	smov.u32 @p3 s1;
	v16 =	vpsel p3, v40, v16;
	[tilespmem:s17+$0xFFFFFB80] =	vst @p4 v32;
	v32 =	vadd.s32 @p3 $0x1000, v39;
	v24 =	vld.idx.msk [tilespmem:v46+s20+$0x0], $0xffff;
	v25 =	vpsel p2, v34, v25  }
0x12c: {  	[tilespmem:s29+$0xFFFFF700] =	vst @p3 v16;
	v19 =	vpsel p3, v32, v19  }
0x12d: {  	v14 =	vpsel p2, v17, v14;
	v49 =	vadd.s32 $0x800, v23;
	v17 =	vld.idx.msk @p2 [tilespmem:v18+s20+$0x0], $0xffff;
	[tilespmem:s16+$0xFFFFF280] =	vst @p2 v25  }
0x12e: {  	s1 =	smov.u32 @p5 s19;
	v27 =	vpsel p5, v27, v0;
	v16 =	vld.idx.msk @p2 [tilespmem:v31+s20+$0x0], $0xffff;
	v25 =	vmov @p4 v29;
	v29 =	vadd.s32 @p2 $0xC00, v14;
	[tilespmem:s0+$0xFFFFF030] =	vst v62  }
0x12f: {  	[tilespmem:s1+$0x0] =	vst @p5 v27;
	v27 =	vadd.s32 @p2 $0xC00, v13;
	s1 =	smov.u32 s26;
	v47 =	vld.idx.msk [tilespmem:v45+s20+$0x0], $0xffff  }
0x130: {  	v48 =	vadd.s32 $0x800, v28;
	v15 =	vpsel p4, v37, v15;
	s1 =	smov.u32 @p4 s17;
	[tilespmem:s0+$0xFFFFF280] =	vst v24  }
0x131: {  	v35 =	vadd.s32 @p3 $0x1000, v33;
	v19 =	vld.idx.msk @p3 [tilespmem:v19+s20+$0x0], $0xffff;
	[tilespmem:s1+$0xFFFFFDB0] =	vst @p4 v15  }
0x132: {  	v22 =	vpsel p3, v35, v22;
	v31 =	vadd.s32 @p4 $0x1800, v25;
	v50 =	vld.idx.msk [tilespmem:v49+s20+$0x0], $0xffff;
	[tilespmem:s16+$0xFFFFF4B0] =	vst @p2 v17  }
0x133: {  	v20 =	vpsel p4, v31, v20;
	[tilespmem:s16+$0xFFFFF4C0] =	vst @p2 v16;
	v29 =	vld.idx.msk @p2 [tilespmem:v29+s20+$0x0], $0xffff  }
0x134: {  	v26 =	vadd.s32 @p4 $0x1C00, v26;
	v52 =	vadd.s32 $0xC00, v23;
	v16 =	vadd.s32 @p2 $0x1000, v14;
	v15 =	vld.idx.msk @p2 [tilespmem:v27+s20+$0x0], $0xffff;
	[tilespmem:s0+$0xFFFFF270] =	vst v47  }
0x135: {  	v21 =	vpsel p4, v26, v21;
	s17 =	smov.u32 @p3 s29;
	v11 =	vpsel p2, v16, v11;
	v26 =	vld.idx.msk [tilespmem:v48+s20+$0x0], $0xffff  }
0x136: {  	v51 =	vadd.s32 $0xC00, v28;
	v24 =	vmov @p3 v39;
	[tilespmem:s17+$0xFFFFF930] =	vst @p3 v19;
	v19 =	vadd.s32 @p2 $0x1000, v13  }
0x137: {  	v22 =	vld.idx.msk @p3 [tilespmem:v22+s20+$0x0], $0xffff;
	v8 =	vpsel p3, v24, v8;
	v12 =	vpsel p2, v19, v12  }
0x138: {  	v9 =	vpsel p3, v33, v9;
	v16 =	vadd.s32 @p3 $0x1400, v8;
	v20 =	vld.idx.msk @p4 [tilespmem:v20+s20+$0x0], $0xffff;
	[tilespmem:s0+$0xFFFFF4C0] =	vst v50  }
0x139: {  	v19 =	vadd.s32 @p3 $0x1400, v9;
	v17 =	vld.idx.msk [tilespmem:v52+s20+$0x0], $0xffff;
	[tilespmem:s16+$0xFFFFF6F0] =	vst @p2 v29  }
0x13a: {  	v7 =	vpsel p2, v14, v7;
	v53 =	vadd.s32 $0x1000, v23;
	s26 =	smov.u32 @p2 s16;
	v10 =	vpsel p2, v15, v10;
	v11 =	vld.idx.msk @p2 [tilespmem:v11+s20+$0x0], $0xffff;
	[tilespmem:s0+$0xFFFFF4B0] =	vst v26  }
0x13b: {  	[tilespmem:s26+$0xFFFFF700] =	vst @p2 v10;
	v10 =	vadd.s32 @p2 $0x1400, v7;
	v18 =	vld.idx.msk [tilespmem:v51+s20+$0x0], $0xffff  }
0x13c: {  	v24 =	vadd.s32 $0x1000, v28;
	[tilespmem:s17+$0xFFFFF940] =	vst @p3 v22;
	v12 =	vld.idx.msk @p2 [tilespmem:v12+s20+$0x0], $0xffff  }
0x13d: {  	v15 =	vld.idx.msk @p3 [tilespmem:v16+s20+$0x0], $0xffff;
	[tilespmem:s1+$0xFFFFFDC0] =	vst @p4 v20  }
0x13e: {  	v13 =	vpsel p2, v13, v6;
	v16 =	vadd.s32 @p3 $0x1800, v8;
	v19 =	vld.idx.msk @p3 [tilespmem:v19+s20+$0x0], $0xffff;
	s16 =	smov.u32 @p2 s26;
	[tilespmem:s0+$0xFFFFF700] =	vst v17  }
0x13f: {  	v22 =	vadd.s32 @p2 $0x1400, v13;
	v55 =	vld.idx.msk [tilespmem:v53+s20+$0x0], $0xffff;
	[tilespmem:s16+$0xFFFFF930] =	vst @p2 v11  }
0x140: {  	v57 =	vadd.s32 $0x1400, v23;
	v10 =	vld.idx.msk @p2 [tilespmem:v10+s20+$0x0], $0xffff;
	[tilespmem:s0+$0xFFFFF6F0] =	vst v18  }
0x141: {  	[tilespmem:s16+$0xFFFFF940] =	vst @p2 v12;
	v12 =	vadd.s32 @p2 $0x1800, v7;
	v54 =	vld.idx.msk [tilespmem:v24+s20+$0x0], $0xffff  }
0x142: {  	v56 =	vadd.s32 $0x1400, v28;
	v21 =	vld.idx.msk @p4 [tilespmem:v21+s20+$0x0], $0xffff;
	v20 =	vadd.s32 @p3 $0x1800, v9;
	[tilespmem:s17+$0xFFFFFB70] =	vst @p3 v15  }
0x143: {  	v6 =	vpsel p4, v25, v6;
	[tilespmem:s17+$0xFFFFFB80] =	vst @p3 v19;
	v16 =	vld.idx.msk @p3 [tilespmem:v16+s20+$0x0], $0xffff;
	v18 =	vpsel p3, v20, v0  }
0x144: {  	v6 =	vadd.s32 @p4 $0x1C00, v6;
	v19 =	vadd.s32 @p2 $0x1800, v13;
	v17 =	vld.idx.msk @p2 [tilespmem:v22+s20+$0x0], $0xffff;
	[tilespmem:s0+$0xFFFFF940] =	vst v55  }
0x145: {  	v8 =	vadd.s32 @p3 $0x1C00, v8;
	v19 =	vpsel p2, v19, v0;
	v11 =	vld.idx.msk [tilespmem:v57+s20+$0x0], $0xffff;
	[tilespmem:s16+$0xFFFFFB70] =	vst @p2 v10  }
0x146: {  	v8 =	vpsel p3, v8, v0;
	v12 =	vld.idx.msk @p2 [tilespmem:v12+s20+$0x0], $0xffff;
	[tilespmem:s0+$0xFFFFF930] =	vst v54  }
0x147: {  	v59 =	vadd.s32 $0x1800, v23;
	v14 =	vld.idx.msk [tilespmem:v56+s20+$0x0], $0xffff  }
0x148: {  	v58 =	vadd.s32 $0x1800, v28;
	[tilespmem:s1+$0xFFFFFFF0] =	vst @p4 v21;
	v9 =	vpsel p3, v9, v0;
	v18 =	vld.idx.msk @p3 [tilespmem:v18+s20+$0x0], $0xffff  }
0x149: {  	v6 =	vld.idx.msk @p4 [tilespmem:v6+s20+$0x0], $0xffff;
	v9 =	vadd.s32 @p3 $0x1C00, v9;
	s17 =	smov.u32 @p3 s17;
	v7 =	vadd.s32 @p2 $0x1C00, v7;
	v16 =	vpsel p3, v16, v0;
	[tilespmem:s16+$0xFFFFFB80] =	vst @p2 v17  }
0x14a: {  	v13 =	vpsel p2, v13, v0;
	v7 =	vpsel p2, v7, v0;
	[tilespmem:s17+$0xFFFFFDB0] =	vst @p3 v16;
	v16 =	vld.idx.msk @p2 [tilespmem:v19+s20+$0x0], $0xffff  }
0x14b: {  	v13 =	vadd.s32 @p2 $0x1C00, v13;
	v8 =	vld.idx.msk @p3 [tilespmem:v8+s20+$0x0], $0xffff;
	[tilespmem:s0+$0xFFFFFB80] =	vst v11  }
0x14c: {  	v61 =	vld.idx.msk [tilespmem:v59+s20+$0x0], $0xffff;
	[tilespmem:s0+$0xFFFFFB70] =	vst v14  }
0x14d: {  	v62 =	vadd.s32 $0x1C00, v23;
	s16 =	smov.u32 @p2 s16;
	v11 =	vpsel p2, v12, v0;
	[tilespmem:s17+$0xFFFFFDC0] =	vst @p3 v18;
	v10 =	vld.idx.msk [tilespmem:v58+s20+$0x0], $0xffff  }
0x14e: {  	v60 =	vadd.s32 $0x1C00, v28;
	[tilespmem:s16+$0xFFFFFDB0] =	vst @p2 v11;
	v9 =	vld.idx.msk @p3 [tilespmem:v9+s20+$0x0], $0xffff  }
0x14f: {  	s1 =	smov.u32 @p4 s1;
	v6 =	vpsel p4, v6, v0;
	[tilespmem:s16+$0xFFFFFDC0] =	vst @p2 v16;
	v7 =	vld.idx.msk @p2 [tilespmem:v7+s20+$0x0], $0xffff  }
0x150: {  	[tilespmem:s1+$0x0] =	vst @p4 v6;
	v6 =	vld.idx.msk @p2 [tilespmem:v13+s20+$0x0], $0xffff  }
0x151: {  	[tilespmem:s0+$0xFFFFFDC0] =	vst v61  }
0x152: {  	v63 =	vld.idx.msk [tilespmem:v62+s20+$0x0], $0xffff;
	[tilespmem:s0+$0xFFFFFDB0] =	vst v10  }
0x153: {  	[tilespmem:s17+$0xFFFFFFF0] =	vst @p3 v8;
	v10 =	vld.idx.msk [tilespmem:v60+s20+$0x0], $0xffff  }
.Ltmp8:
0x154: {  	s1 =	smov.u32 @p3 s17;
	v8 =	vpsel p3, v9, v0;
	[tilespmem:s16+$0xFFFFFFF0] =	vst @p2 v7;
	(pc) =	sbr.rel @!p1 .LBB2_18-.Ltmp8, $4  }
0x155: {  	v5 =	vmul.u32 $0x18, v5;
	v6 =	vpsel p2, v6, v0;
	[tilespmem:s1+$0x0] =	vst @p3 v8;
	s1 =	smov.u32 @p2 s16  }
0x156: {  	[tilespmem:s1+$0x0] =	vst @p2 v6  }
0x157: {  	v5 =	vadd.s32 v4, v5;
	[tilespmem:s0+$0x0] =	vst v63  }
0x158: {  	v27 =	vand.u32 $0x1FFFFFF8, v5;
	s26 =	simm.s32 $0x65D0;
	v24 =	vand.u32 $0x7, v4;
	[tilespmem:s0+$0xFFFFFFF0] =	vst v10  }
0x159: {  	v3 =	vshrl.u32 v3, $0x4  }
0x15a: {  	v4 =	vmul.u32 $0xFFFFFFE8, v3;
	_ =	sdelay $0x1  }
0x15b: {  	v5 =	vmov s20;
	v2 =	vadd.s32 v2, v4  }
0x15c: {  	vm1 =	veq.s32 v5, v0;
	vm0 =	vne.s32 v2, $0x0  }
0x15d: {  	s0 =	simm.s32 $0x30;
	vm0 =	vmand vm1, vm0  }
0x15e: {  	v4 =	vor.u32 s0, v0;
	v2 =	vmul.u32 $0x18, v2;
	v5 =	vsel vm0, $0xFFFFFFFF, v1  }
0x15f: {  	v3 =	vadd.s32 v5, v3;
	v5 =	vmulhi.u32 $0xAAAAAAAB, v4  }
0x160: {  	v6 =	vor.u32 v24, v27;
	v2 =	vadd.s32 v2, v3  }
0x161: {  	v3 =	vand.u32 $0x7, v3;
	v5 =	vshrl.u32 v5, $0x4;
	v2 =	vand.u32 $0xFFFFFFF8, v2  }
0x162: {  	v6 =	vadd.s32 $0x480, v6;
	v7 =	vmul.u32 $0x1FFFFFE8, v5;
	v2 =	vor.u32 v3, v2  }
0x163: {  	p2 =	por $0x1, $0x1;
	v8 =	vadd.s32 $0x480, v2  }
.Ltmp9:
0x164: {  	v2 =	vadd.s32 v4, v7;
	(pc) =	sbr.rel @!p2 .LBB2_20-.Ltmp9, $3  }
0x165: {  	v3 =	vmul.u32 $0x18, v2;
	_ =	sdelay $0x1  }
0x166: {  	v4 =	vld.idx.msk [tilespmem:v6+s15+$0x0], $0xffff;
	v2 =	vor.u32 s28, v0;
	v6 =	vadd.s32 v5, v3  }
0x167: {  	s20 =	simm.s32 $0x40;
	p1 =	por $0x1, $0x1;
	v24 =	vand.u32 $0x7, v5;
	v3 =	vmulhi.u32 $0xAAAAAAAB, v2;
	v27 =	vand.u32 $0x1FFFFFF8, v6;
	v5 =	vld.idx.msk [tilespmem:v8+s15+$0x0], $0xffff  }
0x168: {  	_ = 	snop  }
0x169: {  	v3 =	vshrl.u32 v3, $0x4  }
0x16a: {  	v6 =	vmul.u32 $0xFFFFFFE8, v3;
	_ =	sdelay $0x1  }
0x16b: {  	v7 =	vmov s28;
	v2 =	vadd.s32 v2, v6  }
0x16c: {  	s0 =	simm.s32 $0x50;
	vm1 =	veq.s32 v7, v0;
	vm0 =	vne.s32 v2, $0x0  }
0x16d: {  	v6 =	vor.u32 s0, v0;
	vm0 =	vmand vm1, vm0  }
0x16e: {  	s28 =	simm.s32 $0x0;
	v7 =	vmulhi.u32 $0xAAAAAAAB, v6;
	v2 =	vmul.u32 $0x18, v2;
	v8 =	vsel vm0, $0xFFFFFFFF, v1  }
0x16f: {  	v9 =	vor.u32 v24, v27;
	v63 =	vld.idx.msk [tilespmem:v5+s28+$0x0], $0xffff;
	v3 =	vadd.s32 v8, v3  }
0x170: {  	v12 =	vadd.s32 $0x400, v5;
	v10 =	vshrl.u32 v7, $0x4;
	v2 =	vadd.s32 v2, v3  }
0x171: {  	v11 =	vld.idx.msk [tilespmem:v4+s28+$0x0], $0xffff;
	v8 =	vadd.s32 $0x480, v9;
	v3 =	vand.u32 $0x7, v3;
	v2 =	vand.u32 $0xFFFFFFF8, v2  }
0x172: {  	v7 =	vmul.u32 $0x1FFFFFE8, v10;
	v2 =	vor.u32 v3, v2;
	v3 =	vadd.s32 $0x400, v4  }
0x173: {  	p3 =	por $0x1, $0x1;
	v13 =	vadd.s32 $0x480, v2  }
.Ltmp10:
0x174: {  	[tilespmem:s26+$0xFFFFF030] =	vst v63;
	v2 =	vadd.s32 v6, v7;
	(pc) =	sbr.rel @!p3 .LBB2_22-.Ltmp10, $4  }
0x175: {  	v28 =	vld.idx.msk [tilespmem:v12+s28+$0x0], $0xffff;
	v6 =	vmul.u32 $0x18, v2  }
0x176: {  	[tilespmem:s26+$0xFFFFF040] =	vst v11;
	v7 =	vld.idx.msk [tilespmem:v8+s15+$0x0], $0xffff  }
0x177: {  	v34 =	vadd.s32 $0x800, v5;
	v2 =	vor.u32 s20, v0;
	v6 =	vadd.s32 v10, v6;
	v29 =	vld.idx.msk [tilespmem:v3+s28+$0x0], $0xffff  }
0x178: {  	p2 =	por $0x1, $0x1;
	s0 =	simm.s32 $0x60;
	v24 =	vand.u32 $0x7, v10;
	v3 =	vmulhi.u32 $0xAAAAAAAB, v2;
	v27 =	vand.u32 $0x1FFFFFF8, v6;
	v6 =	vld.idx.msk [tilespmem:v13+s15+$0x0], $0xffff  }
0x179: {  	_ = 	snop  }
0x17a: {  	v3 =	vshrl.u32 v3, $0x4  }
0x17b: {  	v8 =	vmul.u32 $0xFFFFFFE8, v3  }
0x17c: {  	v9 =	vadd.s32 $0x800, v4  }
0x17d: {  	v10 =	vmov s20;
	v2 =	vadd.s32 v2, v8  }
0x17e: {  	[tilespmem:s26+$0xFFFFF270] =	vst v28;
	vm1 =	veq.s32 v10, v0;
	vm0 =	vne.s32 v2, $0x0  }
0x17f: {  	s1 =	simm.s32 $0x70;
	v13 =	vadd.s32 $0xC00, v5;
	v10 =	vor.u32 v24, v27;
	v11 =	vld.idx.msk [tilespmem:v34+s28+$0x0], $0xffff;
	vm0 =	vmand vm1, vm0  }
0x180: {  	[tilespmem:s26+$0xFFFFF280] =	vst v29;
	v8 =	vor.u32 s1, v0;
	v2 =	vmul.u32 $0x18, v2;
	v14 =	vsel vm0, $0xFFFFFFFF, v1  }
0x181: {  	v10 =	vadd.s32 $0x480, v10;
	v12 =	vmulhi.u32 $0xAAAAAAAB, v8;
	v9 =	vld.idx.msk [tilespmem:v9+s28+$0x0], $0xffff;
	v3 =	vadd.s32 v14, v3  }
0x182: {  	v15 =	vld.idx.msk [tilespmem:v6+s28+$0x0], $0xffff;
	v17 =	vadd.s32 $0x400, v6;
	v14 =	vadd.s32 $0xC00, v4;
	v2 =	vadd.s32 v2, v3  }
0x183: {  	v16 =	vld.idx.msk [tilespmem:v7+s28+$0x0], $0xffff;
	v12 =	vshrl.u32 v12, $0x4;
	v3 =	vand.u32 $0x7, v3;
	v2 =	vand.u32 $0xFFFFFFF8, v2  }
0x184: {  	[tilespmem:s26+$0xFFFFF4B0] =	vst v11;
	v18 =	vmul.u32 $0x1FFFFFE8, v12;
	v2 =	vor.u32 v3, v2;
	v3 =	vadd.s32 $0x400, v7  }
0x185: {  	p4 =	por $0x1, $0x1;
	v13 =	vld.idx.msk [tilespmem:v13+s28+$0x0], $0xffff;
	v19 =	vadd.s32 $0x480, v2  }
.Ltmp11:
0x186: {  	s29 =	simm.s32 $0x65F0;
	v11 =	vld.idx.msk [tilespmem:v10+s15+$0x0], $0xffff;
	[tilespmem:s26+$0xFFFFF4C0] =	vst v9;
	v2 =	vadd.s32 v8, v18;
	(pc) =	sbr.rel @!p4 .LBB2_24-.Ltmp11, $4  }
0x187: {  	[tilespmem:s29+$0xFFFFF030] =	vst v15;
	v8 =	vld.idx.msk [tilespmem:v14+s28+$0x0], $0xffff;
	v14 =	vmul.u32 $0x18, v2  }
0x188: {  	v34 =	vadd.s32 $0x800, v6;
	v10 =	vadd.s32 $0x1000, v4;
	[tilespmem:s29+$0xFFFFF040] =	vst v16;
	v28 =	vld.idx.msk [tilespmem:v17+s28+$0x0], $0xffff  }
0x189: {  	v24 =	vand.u32 $0x7, v12;
	v2 =	vor.u32 s0, v0;
	v12 =	vadd.s32 v12, v14;
	v29 =	vld.idx.msk [tilespmem:v3+s28+$0x0], $0xffff  }
0x18a: {  	s20 =	simm.s32 $0x80;
	p3 =	por $0x1, $0x1;
	v9 =	vadd.s32 $0x1000, v5;
	[tilespmem:s26+$0xFFFFF6F0] =	vst v13;
	v3 =	vmulhi.u32 $0xAAAAAAAB, v2;
	v27 =	vand.u32 $0x1FFFFFF8, v12;
	v14 =	vld.idx.msk [tilespmem:v19+s15+$0x0], $0xffff  }
0x18b: {  	_ =	sdelay $0x2  }
0x18c: {  	v12 =	vor.u32 v24, v27;
	v13 =	vadd.s32 $0x800, v7;
	v3 =	vshrl.u32 v3, $0x4  }
0x18d: {  	v15 =	vld.idx.msk [tilespmem:v9+s28+$0x0], $0xffff;
	v12 =	vadd.s32 $0x480, v12;
	v16 =	vmul.u32 $0xFFFFFFE8, v3  }
0x18e: {  	v17 =	vadd.s32 $0x1400, v5;
	[tilespmem:s26+$0xFFFFF700] =	vst v8  }
0x18f: {  	s1 =	simm.s32 $0x90;
	v19 =	vmov s0;
	v18 =	vld.idx.msk [tilespmem:v10+s28+$0x0], $0xffff;
	[tilespmem:s29+$0xFFFFF270] =	vst v28;
	v2 =	vadd.s32 v2, v16  }
0x190: {  	v20 =	vor.u32 s1, v0;
	vm1 =	veq.s32 v19, v0;
	[tilespmem:s29+$0xFFFFF280] =	vst v29;
	v16 =	vld.idx.msk [tilespmem:v34+s28+$0x0], $0xffff;
	vm0 =	vne.s32 v2, $0x0  }
0x191: {  	v21 =	vadd.s32 $0x1400, v4;
	v22 =	vmulhi.u32 $0xAAAAAAAB, v20;
	v19 =	vld.idx.msk [tilespmem:v13+s28+$0x0], $0xffff;
	vm0 =	vmand vm1, vm0  }
0x192: {  	[tilespmem:s26+$0xFFFFF930] =	vst v15;
	v2 =	vmul.u32 $0x18, v2;
	v13 =	vld.idx.msk [tilespmem:v12+s15+$0x0], $0xffff;
	v12 =	vadd.s32 $0xC00, v6;
	v15 =	vsel vm0, $0xFFFFFFFF, v1  }
0x193: {  	s31 =	simm.s32 $0x0;
	v23 =	vadd.s32 $0xC00, v7;
	v17 =	vld.idx.msk [tilespmem:v17+s28+$0x0], $0xffff;
	v3 =	vadd.s32 v15, v3  }
0x194: {  	v24 =	vadd.s32 $0x1800, v5;
	v22 =	vshrl.u32 v22, $0x4;
	v15 =	vld.idx.msk [tilespmem:v14+s31+$0x0], $0xffff;
	v2 =	vadd.s32 v2, v3  }
0x195: {  	v25 =	vadd.s32 $0x400, v14;
	[tilespmem:s26+$0xFFFFF940] =	vst v18;
	v18 =	vld.idx.msk [tilespmem:v11+s31+$0x0], $0xffff;
	v3 =	vand.u32 $0x7, v3;
	v2 =	vand.u32 $0xFFFFFFF8, v2  }
0x196: {  	v26 =	vld.idx.msk [tilespmem:v21+s28+$0x0], $0xffff;
	v21 =	vmul.u32 $0x1FFFFFE8, v22;
	[tilespmem:s29+$0xFFFFF4B0] =	vst v16;
	v2 =	vor.u32 v3, v2;
	v3 =	vadd.s32 $0x400, v11  }
0x197: {  	p5 =	por $0x1, $0x1;
	[tilespmem:s29+$0xFFFFF4C0] =	vst v19;
	v28 =	vld.idx.msk [tilespmem:v12+s28+$0x0], $0xffff;
	v12 =	vadd.s32 $0x480, v2  }
.Ltmp12:
0x198: {  	s30 =	simm.s32 $0x6610;
	v16 =	vld.idx.msk [tilespmem:v23+s28+$0x0], $0xffff;
	[tilespmem:s26+$0xFFFFFB70] =	vst v17;
	v2 =	vadd.s32 v20, v21;
	(pc) =	sbr.rel @!p5 .LBB2_26-.Ltmp12, $4  }
0x199: {  	v17 =	vadd.s32 $0x1000, v6;
	v19 =	vmul.u32 $0x18, v2;
	[tilespmem:s30+$0xFFFFF030] =	vst v15;
	v15 =	vld.idx.msk [tilespmem:v24+s28+$0x0], $0xffff  }
0x19a: {  	v20 =	vadd.s32 $0x1000, v7;
	[tilespmem:s30+$0xFFFFF040] =	vst v18;
	v18 =	vadd.s32 $0x1800, v4;
	v24 =	vand.u32 $0x7, v22;
	v21 =	vld.idx.msk [tilespmem:v25+s31+$0x0], $0xffff  }
0x19b: {  	s25 =	simm.s32 $0xA0;
	v2 =	vor.u32 s20, v0;
	[tilespmem:s26+$0xFFFFFB80] =	vst v26;
	v25 =	vadd.s32 $0x800, v14;
	v22 =	vadd.s32 v22, v19;
	v23 =	vld.idx.msk [tilespmem:v3+s31+$0x0], $0xffff  }
0x19c: {  	p4 =	por $0x1, $0x1;
	v19 =	vadd.s32 $0x1C00, v5;
	v3 =	vmulhi.u32 $0xAAAAAAAB, v2;
	v27 =	vand.u32 $0x1FFFFFF8, v22;
	[tilespmem:s29+$0xFFFFF6F0] =	vst v28;
	v12 =	vld.idx.msk [tilespmem:v12+s15+$0x0], $0xffff  }
0x19d: {  	_ =	sdelay $0x3  }
0x19e: {  	v22 =	vor.u32 v24, v27;
	v26 =	vld.idx.msk [tilespmem:v17+s28+$0x0], $0xffff;
	v3 =	vshrl.u32 v3, $0x4  }
0x19f: {  	[tilespmem:s29+$0xFFFFF700] =	vst v16;
	v30 =	vld.idx.msk [tilespmem:v18+s28+$0x0], $0xffff;
	v22 =	vadd.s32 $0x480, v22;
	v28 =	vmul.u32 $0xFFFFFFE8, v3  }
0x1a0: {  	v24 =	vadd.s32 $0x800, v11;
	v27 =	vld.idx.msk [tilespmem:v20+s28+$0x0], $0xffff  }
0x1a1: {  	v29 =	vadd.s32 $0x1400, v6;
	s0 =	simm.s32 $0xB0;
	v33 =	vmov s20;
	v63 =	vld.idx.msk [tilespmem:v13+s31+$0x0], $0xffff;
	[tilespmem:s30+$0xFFFFF270] =	vst v21;
	v2 =	vadd.s32 v2, v28  }
0x1a2: {  	[tilespmem:s26+$0xFFFFFDB0] =	vst v15;
	v32 =	vor.u32 s0, v0;
	vm1 =	veq.s32 v33, v0;
	v28 =	vld.idx.msk [tilespmem:v25+s31+$0x0], $0xffff;
	vm0 =	vne.s32 v2, $0x0  }
0x1a3: {  	v62 =	vadd.s32 $0x1400, v7;
	v31 =	vld.idx.msk [tilespmem:v19+s28+$0x0], $0xffff;
	v34 =	vmulhi.u32 $0xAAAAAAAB, v32;
	[tilespmem:s30+$0xFFFFF280] =	vst v23;
	vm0 =	vmand vm1, vm0  }
0x1a4: {  	[tilespmem:s29+$0xFFFFF930] =	vst v26;
	v2 =	vmul.u32 $0x18, v2;
	v41 =	vld.idx.msk [tilespmem:v22+s15+$0x0], $0xffff;
	v22 =	vadd.s32 $0xC00, v14;
	v26 =	vsel vm0, $0xFFFFFFFF, v1  }
0x1a5: {  	v35 =	vadd.s32 $0xC00, v11;
	v24 =	vld.idx.msk [tilespmem:v24+s31+$0x0], $0xffff;
	[tilespmem:s29+$0xFFFFF940] =	vst v27;
	v27 =	vadd.s32 $0x1C00, v4;
	v3 =	vadd.s32 v26, v3  }
0x1a6: {  	v36 =	vadd.s32 $0x1800, v6;
	[tilespmem:s26+$0xFFFFFDC0] =	vst v30;
	v30 =	vshrl.u32 v34, $0x4;
	v29 =	vld.idx.msk [tilespmem:v29+s28+$0x0], $0xffff;
	v2 =	vadd.s32 v2, v3  }
0x1a7: {  	v26 =	vld.idx.msk [tilespmem:v12+s31+$0x0], $0xffff;
	v3 =	vand.u32 $0x7, v3;
	[tilespmem:s30+$0xFFFFF4B0] =	vst v28;
	v28 =	vmul.u32 $0x1FFFFFE8, v30;
	v2 =	vand.u32 $0xFFFFFFF8, v2  }
0x1a8: {  	v39 =	vadd.s32 $0x400, v12;
	v40 =	vld.idx.msk [tilespmem:v62+s28+$0x0], $0xffff;
	v2 =	vor.u32 v3, v2  }
0x1a9: {  	[tilespmem:s26+$0xFFFFFFF0] =	vst v31;
	v3 =	vadd.s32 $0x400, v13;
	v22 =	vld.idx.msk [tilespmem:v22+s31+$0x0], $0xffff;
	v42 =	vadd.s32 $0x480, v2;
	v2 =	vadd.s32 v32, v28  }
0x1aa: {  	p5 =	por $0x1, $0x1;
	[tilespmem:s30+$0xFFFFF4C0] =	vst v24;
	v33 =	vld.idx.msk [tilespmem:v27+s28+$0x0], $0xffff;
	v27 =	vmul.u32 $0x18, v2  }
.Ltmp13:
0x1ab: {  	s20 =	simm.s32 $0x6630;
	v31 =	vld.idx.msk [tilespmem:v35+s31+$0x0], $0xffff;
	[tilespmem:s29+$0xFFFFFB70] =	vst v29;
	v32 =	vadd.s32 $0x1000, v14;
	(pc) =	sbr.rel @!p5 .LBB2_28-.Ltmp13, $4  }
0x1ac: {  	v37 =	vadd.s32 $0x1000, v11;
	v38 =	vld.idx.msk [tilespmem:v36+s28+$0x0], $0xffff;
	[tilespmem:s20+$0xFFFFF030] =	vst v26;
	v26 =	vadd.s32 v30, v27  }
0x1ad: {  	s19 =	simm.s32 $0xC0;
	[tilespmem:s20+$0xFFFFF040] =	vst v63;
	v34 =	vadd.s32 $0x800, v12;
	v28 =	vld.idx.msk [tilespmem:v39+s31+$0x0], $0xffff;
	v39 =	vadd.s32 $0x1800, v7  }
0x1ae: {  	p0 =	por $0x1, $0x1;
	s17 =	simm.s32 $0x65D0;
	s18 =	simm.s32 $0x65F0;
	v24 =	vand.u32 $0x7, v30;
	[tilespmem:s29+$0xFFFFFB80] =	vst v40;
	v40 =	vadd.s32 $0x1C00, v6;
	v2 =	vor.u32 s25, v0;
	v29 =	vld.idx.msk [tilespmem:v3+s31+$0x0], $0xffff  }
0x1af: {  	s1 =	simm.s32 $0x0;
	s16 =	simm.s32 $0x0;
	s0 =	simm.s32 $0x0;
	v36 =	vmovc v7;
	v3 =	vmulhi.u32 $0xAAAAAAAB, v2;
	v27 =	vand.u32 $0x1FFFFFF8, v26;
	[tilespmem:s30+$0xFFFFF6F0] =	vst v22;
	v22 =	vmovc v14;
	v42 =	vld.idx.msk [tilespmem:v42+s15+$0x0], $0xffff;
	v26 =	vmov v11  }
.LBB2_29:
0x1b0: {  	p5 =	slt.u32 s19, $0x220;
	v24 =	vor.u32 v24, v27;
	v27 =	vadd.s32 $0x800, v13;
	v30 =	vld.idx.msk [tilespmem:v32+s1+$0x0], $0xffff;
	[tilespmem:s30+$0xFFFFF700] =	vst v31  }
0x1b1: {  	v3 =	vshrl.u32 v3, $0x4;
	v24 =	vadd.s32 $0x480, v24;
	v31 =	vld.idx.msk [tilespmem:v37+s1+$0x0], $0xffff;
	[tilespmem:s17+$0x0] =	vst v33;
	s17 =	smov.u32 s18;
	s18 =	smov.u32 s30;
	s30 =	smov.u32 s20  }
0x1b2: {  	v33 =	vadd.s32 $0x1400, v22;
	v32 =	vmul.u32 $0xFFFFFFE8, v3;
	[tilespmem:s17+$0xFFFFFDB0] =	vst v38;
	v35 =	vld.idx.msk [tilespmem:v39+s16+$0x0], $0xffff  }
0x1b3: {  	s21 =	sadd.s32 $0x10, s19;
	[tilespmem:s20+$0xFFFFF270] =	vst v28;
	v28 =	vld.idx.msk [tilespmem:v40+s16+$0x0], $0xffff  }
0x1b4: {  	v37 =	vor.u32 s21, v0;
	v38 =	vmov s25;
	s25 =	smov.u32 s19;
	v2 =	vadd.s32 v2, v32;
	v32 =	vld.idx.msk [tilespmem:v34+s0+$0x0], $0xffff;
	[tilespmem:s20+$0xFFFFF280] =	vst v29  }
0x1b5: {  	vm1 =	veq.s32 v38, v0;
	v29 =	vadd.s32 $0x1400, v26;
	vm0 =	vne.s32 v2, $0x0;
	v27 =	vld.idx.msk [tilespmem:v27+s0+$0x0], $0xffff  }
0x1b6: {  	v38 =	vadd.s32 $0xC00, v12;
	v34 =	vmulhi.u32 $0xAAAAAAAB, v37;
	vm0 =	vmand vm1, vm0;
	v24 =	vld.idx.msk [tilespmem:v24+s15+$0x0], $0xffff;
	[tilespmem:s18+$0xFFFFF930] =	vst v30  }
0x1b7: {  	s21 =	simm.s32 $0x0;
	v39 =	vadd.s32 $0xC00, v13;
	v2 =	vmul.u32 $0x18, v2;
	v30 =	vsel vm0, $0xFFFFFFFF, v1;
	v33 =	vld.idx.msk [tilespmem:v33+s1+$0x0], $0xffff;
	[tilespmem:s18+$0xFFFFF940] =	vst v31  }
0x1b8: {  	v3 =	vadd.s32 v30, v3;
	v30 =	vld.idx.msk [tilespmem:v42+s21+$0x0], $0xffff;
	[tilespmem:s17+$0xFFFFFDC0] =	vst v35;
	v35 =	vadd.s32 $0x1C00, v36;
	v36 =	vmovc v26;
	v26 =	vmov v13  }
0x1b9: {  	v43 =	vadd.s32 $0x1800, v22;
	v34 =	vshrl.u32 v34, $0x4;
	v13 =	vmovc v41;
	v2 =	vadd.s32 v2, v3;
	v40 =	vld.idx.msk [tilespmem:v41+s21+$0x0], $0xffff;
	[tilespmem:s17+$0xFFFFFFF0] =	vst v28  }
0x1ba: {  	v3 =	vand.u32 $0x7, v3;
	v28 =	vadd.s32 $0x400, v42;
	v2 =	vand.u32 $0xFFFFFFF8, v2;
	[tilespmem:s20+$0xFFFFF4B0] =	vst v32;
	v44 =	vld.idx.msk [tilespmem:v29+s1+$0x0], $0xffff  }
0x1bb: {  	v29 =	vmul.u32 $0x1FFFFFE8, v34;
	v2 =	vor.u32 v3, v2;
	v3 =	vadd.s32 $0x400, v13;
	v45 =	vld.idx.msk [tilespmem:v38+s0+$0x0], $0xffff;
	[tilespmem:s20+$0xFFFFF4C0] =	vst v27  }
0x1bc: {  	v41 =	vmov v24;
	v46 =	vadd.s32 $0x480, v2;
	v31 =	vld.idx.msk [tilespmem:v39+s0+$0x0], $0xffff  }
.Ltmp14:
0x1bd: {  	v32 =	vadd.s32 $0x1000, v12;
	s20 =	sadd.s32 $0x20, s20;
	v2 =	vadd.s32 v37, v29;
	[tilespmem:s18+$0xFFFFFB70] =	vst v33;
	v33 =	vld.idx.msk [tilespmem:v35+s16+$0x0], $0xffff;
	s16 =	smov.u32 s1;
	(pc) =	sbr.rel @p5 .LBB2_29-.Ltmp14, $4  }
0x1be: {  	v37 =	vadd.s32 $0x1000, v26;
	v27 =	vmul.u32 $0x18, v2;
	s1 =	smov.u32 s0;
	s0 =	smov.u32 s21;
	[tilespmem:s20+$0xFFFFF030] =	vst v30;
	v38 =	vld.idx.msk [tilespmem:v43+s16+$0x0], $0xffff  }
0x1bf: {  	v24 =	vand.u32 $0x7, v34;
	v39 =	vadd.s32 $0x1800, v36;
	v28 =	vld.idx.msk [tilespmem:v28+s0+$0x0], $0xffff;
	[tilespmem:s20+$0xFFFFF040] =	vst v40  }
0x1c0: {  	v2 =	vor.u32 s19, v0;
	v27 =	vadd.s32 v34, v27;
	v40 =	vadd.s32 $0x1C00, v22;
	v22 =	vmovc v12;
	v29 =	vld.idx.msk [tilespmem:v3+s0+$0x0], $0xffff;
	[tilespmem:s18+$0xFFFFFB80] =	vst v44  }
0x1c1: {  	s19 =	sadd.s32 $0x20, s19;
	v34 =	vadd.s32 $0x800, v42;
	v12 =	vmovc v42;
	v3 =	vmulhi.u32 $0xAAAAAAAB, v2;
	v27 =	vand.u32 $0x1FFFFFF8, v27;
	[tilespmem:s30+$0xFFFFF6F0] =	vst v45;
	v42 =	vld.idx.msk [tilespmem:v46+s15+$0x0], $0xffff  }
0x1c2: {  	_ =	sdelay $0x3  }
0x1c3: {  	v30 =	vmovc v13;
	s19 =	smov.u32 s30;
	v35 =	vmov v12;
	s30 =	smov.u32 s20;
	s20 =	smov.u32 s25;
	v13 =	vmov v41;
	v12 =	vmov v42  }
.LBB2_31:
0x1c4: {  	_ = 	snop  }
0x1c5: {  	v3 =	vshrl.u32 v3, $0x4  }
0x1c6: {  	v41 =	vmul.u32 $0xFFFFFFE8, v3;
	_ =	sdelay $0x1  }
0x1c7: {  	v62 =	vmov s20;
	v24 =	vor.u32 v24, v27;
	v27 =	vld.idx.msk @p3 [tilespmem:v32+s1+$0x0], $0xffff;
	[tilespmem:s19+$0xFFFFF700] =	vst @p3 v31;
	v2 =	vadd.s32 v2, v41  }
0x1c8: {  	s20 =	smov.u32 @p4 s18;
	[tilespmem:s30+$0xFFFFF270] =	vst @p2 v28;
	vm1 =	veq.s32 v62, v0;
	v31 =	vld.idx.msk @p3 [tilespmem:v37+s1+$0x0], $0xffff;
	vm0 =	vne.s32 v2, $0x0  }
0x1c9: {  	v32 =	vld.idx.msk @p4 [tilespmem:v39+s16+$0x0], $0xffff;
	[tilespmem:s20+$0xFFFFFDB0] =	vst @p4 v38;
	v38 =	vadd.s32 @p3 $0x1400, v22;
	vm0 =	vmand vm1, vm0  }
0x1ca: {  	[tilespmem:s17+$0x0] =	vst @p0 v33;
	s17 =	simm.s32 @p1 $0x0;
	v24 =	vadd.s32 $0x480, v24;
	v34 =	vld.idx.msk @p2 [tilespmem:v34+s0+$0x0], $0xffff;
	v2 =	vmul.u32 $0x18, v2;
	v63 =	vsel vm0, $0xFFFFFFFF, v1  }
0x1cb: {  	[tilespmem:s30+$0xFFFFF280] =	vst @p2 v29;
	v37 =	vadd.s32 @p2 $0x800, v30;
	v33 =	vld.idx.msk @p1 [tilespmem:v12+s17+$0x0], $0xffff;
	v3 =	vadd.s32 v63, v3  }
0x1cc: {  	v29 =	vadd.s32 @p2 $0xC00, v35;
	v28 =	vld.idx.msk @p4 [tilespmem:v40+s16+$0x0], $0xffff;
	[tilespmem:s19+$0xFFFFF930] =	vst @p3 v27;
	v2 =	vadd.s32 v2, v3  }
0x1cd: {  	v27 =	vadd.s32 @p1 $0x400, v12;
	[tilespmem:s19+$0xFFFFF940] =	vst @p3 v31;
	v31 =	vld.idx.msk @p1 [tilespmem:v13+s17+$0x0], $0xffff;
	v3 =	vand.u32 $0x7, v3;
	v2 =	vand.u32 $0xFFFFFFF8, v2  }
0x1ce: {  	[tilespmem:s20+$0xFFFFFDC0] =	vst @p4 v32;
	v32 =	vadd.s32 @p1 $0x400, v13;
	v38 =	vld.idx.msk @p3 [tilespmem:v38+s1+$0x0], $0xffff;
	v2 =	vor.u32 v3, v2  }
0x1cf: {  	s21 =	sadd.s32 @p2 $0x20, s30;
	s18 =	smov.u32 s26;
	v3 =	vadd.s32 $0x480, v2;
	v2 =	vld.idx.msk [tilespmem:v24+s15+$0x0], $0xffff  }
0x1d0: {  	s18 =	smov.u32 @p2 s21;
	v37 =	vld.idx.msk @p2 [tilespmem:v37+s0+$0x0], $0xffff;
	[tilespmem:s30+$0xFFFFF4B0] =	vst @p2 v34;
	v24 =	vadd.s32 @p3 $0x1400, v26  }
0x1d1: {  	s21 =	smov.u32 @p1 s17;
	[tilespmem:s18+$0xFFFFF030] =	vst @p1 v33;
	v29 =	vld.idx.msk @p2 [tilespmem:v29+s0+$0x0], $0xffff  }
0x1d2: {  	v27 =	vld.idx.msk @p1 [tilespmem:v27+s21+$0x0], $0xffff;
	[tilespmem:s18+$0xFFFFF040] =	vst @p1 v31  }
0x1d3: {  	v34 =	vadd.s32 @p2 $0xC00, v30;
	[tilespmem:s19+$0xFFFFFB70] =	vst @p3 v38;
	v38 =	vadd.s32 @p1 $0x800, v12;
	v32 =	vld.idx.msk @p1 [tilespmem:v32+s21+$0x0], $0xffff  }
0x1d4: {  	v11 =	vpsel p1, v13, v11;
	v13 =	vpsel p1, v38, v25;
	v3 =	vld.idx.msk [tilespmem:v3+s15+$0x0], $0xffff  }
0x1d5: {  	v33 =	vadd.s32 @p4 $0x1C00, v36;
	v24 =	vld.idx.msk @p3 [tilespmem:v24+s1+$0x0], $0xffff  }
0x1d6: {  	s25 =	simm.s32 $0x0;
	[tilespmem:s20+$0xFFFFFFF0] =	vst @p4 v28  }
0x1d7: {  	[tilespmem:s30+$0xFFFFF4C0] =	vst @p2 v37;
	v21 =	vpsel p1, v27, v21;
	v43 =	vld.idx.msk [tilespmem:v2+s25+$0x0], $0xffff  }
0x1d8: {  	s31 =	smov.u32 @p1 s21;
	v34 =	vld.idx.msk @p2 [tilespmem:v34+s0+$0x0], $0xffff;
	v45 =	vadd.s32 $0x400, v2;
	[tilespmem:s18+$0xFFFFF270] =	vst @p1 v21  }
0x1d9: {  	v28 =	vadd.s32 @p3 $0x1800, v22;
	[tilespmem:s30+$0xFFFFF6F0] =	vst @p2 v29;
	v23 =	vpsel p1, v32, v23;
	v13 =	vld.idx.msk @p1 [tilespmem:v13+s31+$0x0], $0xffff  }
0x1da: {  	s22 =	sadd.s32 @p1 $0x20, s18;
	s17 =	smov.u32 s26;
	v25 =	vmov @p2 v30;
	v30 =	vadd.s32 @p2 $0x1000, v35;
	v29 =	vadd.s32 @p1 $0x800, v11;
	[tilespmem:s19+$0xFFFFFB80] =	vst @p3 v24;
	v24 =	vld.idx.msk @p4 [tilespmem:v33+s16+$0x0], $0xffff  }
0x1db: {  	s17 =	smov.u32 @p1 s22;
	v12 =	vpsel p1, v12, v14;
	v17 =	vpsel p2, v30, v17;
	[tilespmem:s18+$0xFFFFF280] =	vst @p1 v23  }
0x1dc: {  	v23 =	vmov @p3 v26;
	v26 =	vadd.s32 @p1 $0xC00, v12;
	v42 =	vld.idx.msk [tilespmem:v3+s25+$0x0], $0xffff;
	[tilespmem:s17+$0xFFFFF040] =	vst v43  }
0x1dd: {  	s29 =	smov.u32 @p2 s30;
	s22 =	smov.u32 @p3 s1;
	v16 =	vpsel p2, v34, v16;
	v44 =	vadd.s32 $0x400, v3;
	v47 =	vld.idx.msk [tilespmem:v45+s25+$0x0], $0xffff  }
0x1de: {  	v28 =	vld.idx.msk @p3 [tilespmem:v28+s22+$0x0], $0xffff;
	s1 =	smov.u32 s28;
	v49 =	vadd.s32 $0x800, v2;
	[tilespmem:s29+$0xFFFFF700] =	vst @p2 v16;
	v33 =	vadd.s32 @p2 $0x1000, v25  }
0x1df: {  	s1 =	smov.u32 @p2 s0;
	s0 =	smov.u32 @p4 s20;
	v16 =	vld.idx.msk @p1 [tilespmem:v29+s31+$0x0], $0xffff;
	v20 =	vpsel p2, v33, v20;
	[tilespmem:s18+$0xFFFFF4B0] =	vst @p1 v13;
	v24 =	vpsel p4, v24, v0  }
0x1e0: {  	v17 =	vld.idx.msk @p2 [tilespmem:v17+s1+$0x0], $0xffff;
	v29 =	vadd.s32 @p3 $0x1800, v23;
	[tilespmem:s0+$0x0] =	vst @p4 v24;
	v24 =	vadd.s32 @p1 $0xC00, v11  }
0x1e1: {  	v22 =	vadd.s32 @p3 $0x1C00, v22;
	v18 =	vpsel p3, v29, v18;
	v26 =	vld.idx.msk @p1 [tilespmem:v26+s31+$0x0], $0xffff;
	[tilespmem:s17+$0xFFFFF030] =	vst v42  }
0x1e2: {  	v19 =	vpsel p3, v22, v19;
	v46 =	vld.idx.msk [tilespmem:v44+s25+$0x0], $0xffff;
	[tilespmem:s17+$0xFFFFF280] =	vst v47  }
0x1e3: {  	v48 =	vadd.s32 $0x800, v3;
	s0 =	smov.u32 s26;
	v51 =	vld.idx.msk [tilespmem:v49+s25+$0x0], $0xffff  }
0x1e4: {  	v53 =	vadd.s32 $0xC00, v2;
	v15 =	vpsel p3, v28, v15;
	v21 =	vmovc @p2 v35;
	s16 =	smov.u32 s28;
	[tilespmem:s18+$0xFFFFF4C0] =	vst @p1 v16;
	v16 =	vadd.s32 @p1 $0x1000, v12;
	v20 =	vld.idx.msk @p2 [tilespmem:v20+s1+$0x0], $0xffff;
	s0 =	smov.u32 @p3 s19  }
0x1e5: {  	v6 =	vpsel p2, v21, v6;
	s16 =	smov.u32 @p3 s22;
	v9 =	vpsel p1, v16, v9;
	s19 =	smov.u32 @p2 s29;
	[tilespmem:s0+$0xFFFFFDB0] =	vst @p3 v15;
	v15 =	vld.idx.msk @p1 [tilespmem:v24+s31+$0x0], $0xffff  }
0x1e6: {  	v16 =	vadd.s32 @p2 $0x1400, v6;
	v18 =	vld.idx.msk @p3 [tilespmem:v18+s16+$0x0], $0xffff;
	[tilespmem:s19+$0xFFFFF930] =	vst @p2 v17;
	v17 =	vadd.s32 @p1 $0x1000, v11  }
0x1e7: {  	v7 =	vpsel p2, v25, v7;
	v19 =	vld.idx.msk @p3 [tilespmem:v19+s16+$0x0], $0xffff;
	v10 =	vpsel p1, v17, v10;
	[tilespmem:s17+$0xFFFFF270] =	vst v46  }
0x1e8: {  	s20 =	smov.u32 @p1 s31;
	v17 =	vadd.s32 @p2 $0x1400, v7;
	v50 =	vld.idx.msk [tilespmem:v48+s25+$0x0], $0xffff;
	[tilespmem:s17+$0xFFFFF4C0] =	vst v51  }
0x1e9: {  	v52 =	vadd.s32 $0xC00, v3;
	s28 =	smov.u32 @p1 s20;
	[tilespmem:s18+$0xFFFFF6F0] =	vst @p1 v26;
	v13 =	vld.idx.msk [tilespmem:v53+s25+$0x0], $0xffff  }
0x1ea: {  	v5 =	vpsel p1, v12, v5;
	v55 =	vadd.s32 $0x1000, v2;
	s26 =	smov.u32 @p1 s18;
	v9 =	vld.idx.msk @p1 [tilespmem:v9+s28+$0x0], $0xffff;
	[tilespmem:s19+$0xFFFFF940] =	vst @p2 v20;
	v8 =	vpsel p1, v15, v8  }
0x1eb: {  	v15 =	vld.idx.msk @p2 [tilespmem:v16+s1+$0x0], $0xffff;
	[tilespmem:s26+$0xFFFFF700] =	vst @p1 v8;
	v8 =	vadd.s32 @p1 $0x1400, v5  }
0x1ec: {  	v11 =	vpsel p1, v11, v4;
	v4 =	vpsel p3, v23, v4;
	[tilespmem:s0+$0xFFFFFDC0] =	vst @p3 v18;
	v16 =	vadd.s32 @p2 $0x1800, v6;
	v10 =	vld.idx.msk @p1 [tilespmem:v10+s28+$0x0], $0xffff  }
0x1ed: {  	v4 =	vadd.s32 @p3 $0x1C00, v4;
	v17 =	vld.idx.msk @p2 [tilespmem:v17+s1+$0x0], $0xffff;
	[tilespmem:s17+$0xFFFFF4B0] =	vst v50  }
0x1ee: {  	s18 =	smov.u32 @p1 s26;
	v20 =	vadd.s32 @p1 $0x1400, v11;
	v14 =	vld.idx.msk [tilespmem:v52+s25+$0x0], $0xffff;
	[tilespmem:s17+$0xFFFFF700] =	vst v13  }
0x1ef: {  	v54 =	vadd.s32 $0x1000, v3;
	[tilespmem:s18+$0xFFFFF930] =	vst @p1 v9;
	v57 =	vld.idx.msk [tilespmem:v55+s25+$0x0], $0xffff  }
0x1f0: {  	v59 =	vadd.s32 $0x1400, v2;
	[tilespmem:s19+$0xFFFFFB70] =	vst @p2 v15;
	v8 =	vld.idx.msk @p1 [tilespmem:v8+s28+$0x0], $0xffff  }
0x1f1: {  	v15 =	vld.idx.msk @p2 [tilespmem:v16+s1+$0x0], $0xffff;
	[tilespmem:s18+$0xFFFFF940] =	vst @p1 v10;
	v10 =	vmov @p1 v11;
	v11 =	vadd.s32 @p1 $0x1800, v5  }
0x1f2: {  	v18 =	vadd.s32 @p2 $0x1800, v7;
	v4 =	vld.idx.msk @p3 [tilespmem:v4+s16+$0x0], $0xffff;
	[tilespmem:s19+$0xFFFFFB80] =	vst @p2 v17  }
0x1f3: {  	v16 =	vld.idx.msk @p1 [tilespmem:v20+s28+$0x0], $0xffff;
	v17 =	vadd.s32 @p1 $0x1800, v10;
	[tilespmem:s17+$0xFFFFF6F0] =	vst v14;
	v14 =	vpsel p2, v18, v0  }
0x1f4: {  	v17 =	vpsel p1, v17, v0;
	v56 =	vld.idx.msk [tilespmem:v54+s25+$0x0], $0xffff;
	[tilespmem:s17+$0xFFFFF940] =	vst v57  }
0x1f5: {  	v58 =	vadd.s32 $0x1400, v3;
	s20 =	smov.u32 @p1 s28;
	v6 =	vadd.s32 @p2 $0x1C00, v6;
	s19 =	smov.u32 @p2 s19;
	[tilespmem:s18+$0xFFFFFB70] =	vst @p1 v8;
	v9 =	vld.idx.msk [tilespmem:v59+s25+$0x0], $0xffff  }
0x1f6: {  	[tilespmem:s0+$0xFFFFFFF0] =	vst @p3 v19;
	v6 =	vpsel p2, v6, v0;
	s16 =	smov.u32 @p2 s19;
	v15 =	vpsel p2, v15, v0;
	v11 =	vld.idx.msk @p1 [tilespmem:v11+s20+$0x0], $0xffff  }
0x1f7: {  	v61 =	vadd.s32 $0x1800, v2;
	s1 =	smov.u32 @p2 s1;
	v5 =	vadd.s32 @p1 $0x1C00, v5;
	[tilespmem:s16+$0xFFFFFDB0] =	vst @p2 v15  }
0x1f8: {  	v7 =	vpsel p2, v7, v0;
	s19 =	smov.u32 @p1 s20;
	v5 =	vpsel p1, v5, v0;
	[tilespmem:s18+$0xFFFFFB80] =	vst @p1 v16;
	v14 =	vld.idx.msk @p2 [tilespmem:v14+s1+$0x0], $0xffff  }
0x1f9: {  	v7 =	vadd.s32 @p2 $0x1C00, v7;
	s0 =	smov.u32 @p3 s0;
	v4 =	vpsel p3, v4, v0;
	v10 =	vpsel p1, v10, v0;
	v15 =	vld.idx.msk @p1 [tilespmem:v17+s19+$0x0], $0xffff;
	[tilespmem:s17+$0xFFFFF930] =	vst v56  }
0x1fa: {  	[tilespmem:s0+$0x0] =	vst @p3 v4;
	v10 =	vadd.s32 @p1 $0x1C00, v10;
	v12 =	vld.idx.msk [tilespmem:v58+s25+$0x0], $0xffff  }
0x1fb: {  	v60 =	vadd.s32 $0x1800, v3;
	v6 =	vld.idx.msk @p2 [tilespmem:v6+s1+$0x0], $0xffff;
	s18 =	smov.u32 @p1 s18;
	[tilespmem:s17+$0xFFFFFB80] =	vst v9;
	v9 =	vpsel p1, v11, v0  }
0x1fc: {  	v62 =	vld.idx.msk [tilespmem:v61+s25+$0x0], $0xffff;
	[tilespmem:s18+$0xFFFFFDB0] =	vst @p1 v9  }
0x1fd: {  	v5 =	vld.idx.msk @p1 [tilespmem:v5+s19+$0x0], $0xffff;
	[tilespmem:s16+$0xFFFFFDC0] =	vst @p2 v14  }
0x1fe: {  	[tilespmem:s18+$0xFFFFFDC0] =	vst @p1 v15;
	v7 =	vld.idx.msk @p2 [tilespmem:v7+s1+$0x0], $0xffff  }
0x1ff: {  	v4 =	vld.idx.msk @p1 [tilespmem:v10+s19+$0x0], $0xffff;
	[tilespmem:s17+$0xFFFFFB70] =	vst v12  }
0x200: {  	v2 =	vadd.s32 $0x1C00, v2;
	v8 =	vld.idx.msk [tilespmem:v60+s25+$0x0], $0xffff  }
0x201: {  	v3 =	vadd.s32 $0x1C00, v3;
	[tilespmem:s16+$0xFFFFFFF0] =	vst @p2 v6  }
0x202: {  	s0 =	simm.s32 $0x10;
	[tilespmem:s17+$0xFFFFFDC0] =	vst v62  }
0x203: {  	v63 =	vor.u32 s0, v0;
	s0 =	smov.u32 @p2 s16;
	[tilespmem:s18+$0xFFFFFFF0] =	vst @p1 v5;
	v6 =	vpsel p2, v7, v0  }
0x204: {  	[tilespmem:s0+$0x0] =	vst @p2 v6  }
0x205: {  	v5 =	vpsel p1, v4, v0;
	v7 =	vld.idx.msk [tilespmem:v2+s25+$0x0], $0xffff;
	s0 =	smov.u32 @p1 s18;
	[tilespmem:s17+$0xFFFFFDB0] =	vst v8  }
0x206: {  	v2 =	vmulhi.u32 $0xAAAAAAAB, v63;
	[tilespmem:s0+$0x0] =	vst @p1 v5;
	p1 =	por $0x1, $0x1;
	v3 =	vld.idx.msk [tilespmem:v3+s25+$0x0], $0xffff  }
.Ltmp15:
0x207: {  	_ = 	snop;
	(pc) =	sbr.rel @!p1 .LBB2_32-.Ltmp15, $4  }
0x208: {  	v4 =	vshrl.u32 v2, $0x4  }
0x209: {  	p5 =	por $0x0, $0x0;
	v5 =	vmul.u32 $0x1FFFFFE8, v4  }
0x20a: {  	p0 =	por $0x0, $0x0;
	p4 =	por $0x0, $0x0;
	s26 =	simm.s32 $0x20;
	v2 =	vor.u32 s25, v0;
	[tilespmem:s17+$0x0] =	vst v7  }
0x20b: {  	p3 =	por $0x0, $0x0;
	s28 =	simm.s32 $0x77D0;
	p2 =	por $0x0, $0x0;
	v5 =	vadd.s32 v63, v5;
	[tilespmem:s17+$0xFFFFFFF0] =	vst v3;
	v3 =	vmulhi.u32 $0xAAAAAAAB, v2  }
0x20c: {  	_ = 	snop  }
0x20d: {  	v6 =	vshrl.u32 v3, $0x4  }
0x20e: {  	v7 =	vmul.u32 $0xFFFFFFE8, v6;
	_ =	sdelay $0x1  }
0x20f: {  	v8 =	vmov s25;
	v7 =	vadd.s32 v2, v7  }
0x210: {  	vm1 =	veq.s32 v8, v0;
	vm0 =	vne.s32 v7, $0x0  }
0x211: {  	v8 =	vmul.u32 $0x18, v5;
	vm0 =	vmand vm1, vm0  }
0x212: {  	v7 =	vmul.u32 $0x18, v7;
	v9 =	vsel vm0, $0xFFFFFFFF, v1  }
0x213: {  	v8 =	vadd.s32 v4, v8;
	v6 =	vadd.s32 v9, v6  }
0x214: {  	v62 =	vand.u32 $0x7, v4;
	v8 =	vand.u32 $0x1FFFFFF8, v8;
	v7 =	vadd.s32 v7, v6  }
0x215: {  	s0 =	simm.s32 $0x30;
	v8 =	vor.u32 v62, v8;
	v6 =	vand.u32 $0x7, v6;
	v7 =	vand.u32 $0xFFFFFFF8, v7  }
0x216: {  	v63 =	vor.u32 s0, v0;
	v8 =	vadd.s32 $0x6C0, v8;
	v6 =	vor.u32 v6, v7  }
0x217: {  	p1 =	por $0x1, $0x1;
	v7 =	vmulhi.u32 $0xAAAAAAAB, v63;
	v10 =	vadd.s32 $0x6C0, v6  }
.Ltmp16:
0x218: {  	_ = 	snop;
	(pc) =	sbr.rel @!p1 .LBB2_34-.Ltmp16, $4  }
0x219: {  	v23 =	vshrl.u32 v7, $0x4  }
0x21a: {  	v7 =	vmul.u32 $0x1FFFFFE8, v23  }
0x21b: {  	v28 =	vor.u32 s26, v0;
	v6 =	vld.idx.msk [tilespmem:v8+s15+$0x0], $0xffff  }
0x21c: {  	s16 =	simm.s32 $0x40;
	p2 =	por $0x1, $0x1;
	v34 =	vmulhi.u32 $0xAAAAAAAB, v28;
	v33 =	vadd.s32 v63, v7;
	v7 =	vld.idx.msk [tilespmem:v10+s15+$0x0], $0xffff  }
0x21d: {  	_ = 	snop  }
0x21e: {  	v8 =	vshrl.u32 v34, $0x4  }
0x21f: {  	v9 =	vmul.u32 $0xFFFFFFE8, v8;
	_ =	sdelay $0x1  }
0x220: {  	v11 =	vmov s26;
	v9 =	vadd.s32 v28, v9  }
0x221: {  	v10 =	vmul.u32 $0x18, v33;
	vm1 =	veq.s32 v11, v0;
	vm0 =	vne.s32 v9, $0x0  }
0x222: {  	vm0 =	vmand vm1, vm0  }
0x223: {  	v10 =	vadd.s32 v23, v10;
	v9 =	vmul.u32 $0x18, v9;
	v12 =	vsel vm0, $0xFFFFFFFF, v1  }
0x224: {  	v11 =	vand.u32 $0x7, v23;
	v10 =	vand.u32 $0x1FFFFFF8, v10;
	v63 =	vld.idx.msk [tilespmem:v6+s25+$0x0], $0xffff;
	v8 =	vadd.s32 v12, v8  }
0x225: {  	v15 =	vadd.s32 $0x400, v6;
	v10 =	vor.u32 v11, v10;
	v9 =	vadd.s32 v9, v8  }
0x226: {  	s0 =	simm.s32 $0x50;
	v11 =	vld.idx.msk [tilespmem:v7+s25+$0x0], $0xffff;
	v10 =	vadd.s32 $0x6C0, v10;
	v8 =	vand.u32 $0x7, v8;
	v9 =	vand.u32 $0xFFFFFFF8, v9  }
0x227: {  	v14 =	vor.u32 s0, v0;
	v13 =	vadd.s32 $0x400, v7;
	v8 =	vor.u32 v8, v9  }
0x228: {  	p1 =	por $0x1, $0x1;
	v16 =	vmulhi.u32 $0xAAAAAAAB, v14;
	v8 =	vadd.s32 $0x6C0, v8  }
.Ltmp17:
0x229: {  	[tilespmem:s28+$0xFFFFF040] =	vst v63;
	(pc) =	sbr.rel @!p1 .LBB2_36-.Ltmp17, $4  }
0x22a: {  	v23 =	vshrl.u32 v16, $0x4;
	v31 =	vld.idx.msk [tilespmem:v15+s25+$0x0], $0xffff  }
0x22b: {  	[tilespmem:s28+$0xFFFFF030] =	vst v11;
	v9 =	vld.idx.msk [tilespmem:v10+s15+$0x0], $0xffff;
	v10 =	vmul.u32 $0x1FFFFFE8, v23  }
0x22c: {  	v28 =	vor.u32 s16, v0;
	v30 =	vld.idx.msk [tilespmem:v13+s25+$0x0], $0xffff  }
0x22d: {  	p3 =	por $0x1, $0x1;
	s0 =	simm.s32 $0x60;
	v37 =	vadd.s32 $0x800, v7;
	v34 =	vmulhi.u32 $0xAAAAAAAB, v28;
	v33 =	vadd.s32 v14, v10;
	v8 =	vld.idx.msk [tilespmem:v8+s15+$0x0], $0xffff  }
0x22e: {  	_ =	sdelay $0x1  }
0x22f: {  	v10 =	vshrl.u32 v34, $0x4  }
0x230: {  	v11 =	vadd.s32 $0x800, v6;
	v12 =	vmul.u32 $0xFFFFFFE8, v10;
	_ =	sdelay $0x1  }
0x231: {  	v13 =	vmul.u32 $0x18, v33;
	v14 =	vmov s16;
	v12 =	vadd.s32 v28, v12  }
0x232: {  	v16 =	vadd.s32 $0xC00, v7;
	vm1 =	veq.s32 v14, v0;
	v18 =	vld.idx.msk [tilespmem:v9+s25+$0x0], $0xffff;
	[tilespmem:s28+$0xFFFFF270] =	vst v30;
	vm0 =	vne.s32 v12, $0x0  }
0x233: {  	v14 =	vand.u32 $0x7, v23;
	[tilespmem:s28+$0xFFFFF280] =	vst v31;
	v13 =	vadd.s32 v23, v13;
	v15 =	vld.idx.msk [tilespmem:v37+s25+$0x0], $0xffff;
	vm0 =	vmand vm1, vm0  }
0x234: {  	v13 =	vand.u32 $0x1FFFFFF8, v13;
	v11 =	vld.idx.msk [tilespmem:v11+s25+$0x0], $0xffff;
	v12 =	vmul.u32 $0x18, v12;
	v17 =	vsel vm0, $0xFFFFFFFF, v1  }
0x235: {  	v20 =	vadd.s32 $0x400, v9;
	v13 =	vor.u32 v14, v13;
	v10 =	vadd.s32 v17, v10  }
0x236: {  	s29 =	simm.s32 $0x77F0;
	v13 =	vadd.s32 $0x6C0, v13;
	v12 =	vadd.s32 v12, v10  }
0x237: {  	s1 =	simm.s32 $0x70;
	v14 =	vadd.s32 $0xC00, v6;
	v63 =	vld.idx.msk [tilespmem:v8+s25+$0x0], $0xffff;
	[tilespmem:s29+$0xFFFFF040] =	vst v18;
	v10 =	vand.u32 $0x7, v10;
	v12 =	vand.u32 $0xFFFFFFF8, v12  }
0x238: {  	v19 =	vadd.s32 $0x400, v8;
	[tilespmem:s28+$0xFFFFF4B0] =	vst v15;
	v15 =	vor.u32 s1, v0;
	v10 =	vor.u32 v10, v12  }
0x239: {  	p1 =	por $0x1, $0x1;
	v16 =	vld.idx.msk [tilespmem:v16+s25+$0x0], $0xffff;
	[tilespmem:s28+$0xFFFFF4C0] =	vst v11;
	v11 =	vmulhi.u32 $0xAAAAAAAB, v15;
	v21 =	vadd.s32 $0x6C0, v10  }
.Ltmp18:
0x23a: {  	v31 =	vld.idx.msk [tilespmem:v20+s25+$0x0], $0xffff;
	(pc) =	sbr.rel @!p1 .LBB2_38-.Ltmp18, $4  }
0x23b: {  	v13 =	vld.idx.msk [tilespmem:v13+s15+$0x0], $0xffff;
	v23 =	vshrl.u32 v11, $0x4  }
0x23c: {  	v28 =	vor.u32 s0, v0;
	[tilespmem:s29+$0xFFFFF030] =	vst v63;
	v10 =	vld.idx.msk [tilespmem:v14+s25+$0x0], $0xffff;
	v14 =	vmul.u32 $0x1FFFFFE8, v23  }
0x23d: {  	v37 =	vadd.s32 $0x800, v8;
	v34 =	vmulhi.u32 $0xAAAAAAAB, v28;
	v30 =	vld.idx.msk [tilespmem:v19+s25+$0x0], $0xffff  }
0x23e: {  	s16 =	simm.s32 $0x80;
	p4 =	por $0x1, $0x1;
	v12 =	vadd.s32 $0x1000, v6;
	v11 =	vadd.s32 $0x1000, v7;
	v33 =	vadd.s32 v15, v14;
	[tilespmem:s28+$0xFFFFF6F0] =	vst v16;
	v14 =	vld.idx.msk [tilespmem:v21+s15+$0x0], $0xffff  }
0x23f: {  	_ =	sdelay $0x2  }
0x240: {  	v17 =	vshrl.u32 v34, $0x4  }
0x241: {  	v15 =	vmul.u32 $0x18, v33;
	v16 =	vadd.s32 $0x800, v9;
	v18 =	vld.idx.msk [tilespmem:v11+s25+$0x0], $0xffff;
	v19 =	vmul.u32 $0xFFFFFFE8, v17  }
0x242: {  	v20 =	vadd.s32 $0x1400, v7;
	v22 =	vand.u32 $0x7, v23;
	v25 =	vadd.s32 $0x1400, v6;
	[tilespmem:s28+$0xFFFFF700] =	vst v10  }
0x243: {  	v15 =	vadd.s32 v23, v15;
	v23 =	vmov s0;
	v21 =	vld.idx.msk [tilespmem:v12+s25+$0x0], $0xffff;
	[tilespmem:s29+$0xFFFFF270] =	vst v30;
	v19 =	vadd.s32 v28, v19  }
0x244: {  	v15 =	vand.u32 $0x1FFFFFF8, v15;
	vm1 =	veq.s32 v23, v0;
	v24 =	vld.idx.msk [tilespmem:v37+s25+$0x0], $0xffff;
	vm0 =	vne.s32 v19, $0x0  }
0x245: {  	[tilespmem:s29+$0xFFFFF280] =	vst v31;
	v26 =	vld.idx.msk [tilespmem:v13+s25+$0x0], $0xffff;
	v15 =	vor.u32 v22, v15;
	v22 =	vadd.s32 $0xC00, v8;
	vm0 =	vmand vm1, vm0  }
0x246: {  	v16 =	vld.idx.msk [tilespmem:v16+s25+$0x0], $0xffff;
	[tilespmem:s28+$0xFFFFF930] =	vst v18;
	v18 =	vmul.u32 $0x18, v19;
	v15 =	vadd.s32 $0x6C0, v15;
	v19 =	vsel vm0, $0xFFFFFFFF, v1  }
0x247: {  	v23 =	vadd.s32 $0xC00, v9;
	v20 =	vld.idx.msk [tilespmem:v20+s25+$0x0], $0xffff;
	v17 =	vadd.s32 v19, v17  }
0x248: {  	v19 =	vld.idx.msk [tilespmem:v14+s25+$0x0], $0xffff;
	[tilespmem:s28+$0xFFFFF940] =	vst v21;
	v18 =	vadd.s32 v18, v17;
	v21 =	vadd.s32 $0x1800, v7  }
0x249: {  	s31 =	simm.s32 $0x90;
	v17 =	vand.u32 $0x7, v17;
	v27 =	vld.idx.msk [tilespmem:v25+s25+$0x0], $0xffff;
	v18 =	vand.u32 $0xFFFFFFF8, v18;
	v25 =	vadd.s32 $0x400, v14;
	[tilespmem:s29+$0xFFFFF4B0] =	vst v24  }
0x24a: {  	v29 =	vor.u32 s31, v0;
	v30 =	vadd.s32 $0x400, v13;
	v17 =	vor.u32 v17, v18;
	v31 =	vld.idx.msk [tilespmem:v22+s25+$0x0], $0xffff  }
0x24b: {  	p1 =	por $0x1, $0x1;
	[tilespmem:s29+$0xFFFFF4C0] =	vst v16;
	v22 =	vmulhi.u32 $0xAAAAAAAB, v29;
	v18 =	vld.idx.msk [tilespmem:v15+s15+$0x0], $0xffff;
	v17 =	vadd.s32 $0x6C0, v17  }
.Ltmp19:
0x24c: {  	s1 =	simm.s32 $0x7810;
	v16 =	vld.idx.msk [tilespmem:v23+s25+$0x0], $0xffff;
	[tilespmem:s28+$0xFFFFFB70] =	vst v20;
	(pc) =	sbr.rel @!p1 .LBB2_40-.Ltmp19, $4  }
0x24d: {  	v28 =	vor.u32 s16, v0;
	v23 =	vshrl.u32 v22, $0x4;
	[tilespmem:s1+$0xFFFFF030] =	vst v19;
	v15 =	vld.idx.msk [tilespmem:v21+s25+$0x0], $0xffff  }
0x24e: {  	v34 =	vmulhi.u32 $0xAAAAAAAB, v28;
	[tilespmem:s1+$0xFFFFF040] =	vst v26;
	v32 =	vmul.u32 $0x1FFFFFE8, v23;
	v24 =	vld.idx.msk [tilespmem:v25+s25+$0x0], $0xffff  }
0x24f: {  	v20 =	vadd.s32 $0x1800, v6;
	v19 =	vadd.s32 $0x1000, v8;
	v22 =	vadd.s32 $0x1000, v9;
	v25 =	vld.idx.msk [tilespmem:v30+s25+$0x0], $0xffff;
	[tilespmem:s28+$0xFFFFFB80] =	vst v27  }
0x250: {  	s19 =	simm.s32 $0xA0;
	p5 =	por $0x1, $0x1;
	v21 =	vadd.s32 $0x1C00, v7;
	v27 =	vadd.s32 $0x800, v14;
	v33 =	vadd.s32 v29, v32;
	[tilespmem:s29+$0xFFFFF6F0] =	vst v31;
	v17 =	vld.idx.msk [tilespmem:v17+s15+$0x0], $0xffff  }
0x251: {  	_ =	sdelay $0x3  }
0x252: {  	v29 =	vadd.s32 $0x800, v13;
	v30 =	vld.idx.msk [tilespmem:v19+s25+$0x0], $0xffff  }
0x253: {  	v26 =	vmul.u32 $0x18, v33;
	[tilespmem:s29+$0xFFFFF700] =	vst v16;
	v31 =	vshrl.u32 v34, $0x4;
	v35 =	vld.idx.msk [tilespmem:v20+s25+$0x0], $0xffff  }
0x254: {  	v58 =	vadd.s32 $0x1400, v8;
	v37 =	vmov s16;
	v32 =	vld.idx.msk [tilespmem:v22+s25+$0x0], $0xffff;
	v57 =	vmul.u32 $0xFFFFFFE8, v31;
	[tilespmem:s28+$0xFFFFFDB0] =	vst v15  }
0x255: {  	v60 =	vadd.s32 $0x1C00, v6;
	vm1 =	veq.s32 v37, v0;
	[tilespmem:s1+$0xFFFFF270] =	vst v24;
	v36 =	vld.idx.msk [tilespmem:v21+s25+$0x0], $0xffff  }
0x256: {  	v38 =	vadd.s32 $0x1400, v9;
	v26 =	vadd.s32 v23, v26;
	v28 =	vadd.s32 v28, v57;
	v59 =	vld.idx.msk [tilespmem:v27+s25+$0x0], $0xffff;
	[tilespmem:s1+$0xFFFFF280] =	vst v25  }
0x257: {  	v23 =	vand.u32 $0x7, v23;
	v26 =	vand.u32 $0x1FFFFFF8, v26;
	vm0 =	vne.s32 v28, $0x0;
	v29 =	vld.idx.msk [tilespmem:v29+s25+$0x0], $0xffff  }
0x258: {  	v39 =	vadd.s32 $0xC00, v14;
	v23 =	vor.u32 v23, v26;
	v26 =	vld.idx.msk [tilespmem:v18+s25+$0x0], $0xffff;
	vm0 =	vmand vm1, vm0;
	[tilespmem:s29+$0xFFFFF930] =	vst v30  }
0x259: {  	v28 =	vmul.u32 $0x18, v28;
	v23 =	vadd.s32 $0x6C0, v23;
	[tilespmem:s28+$0xFFFFFDC0] =	vst v35;
	v30 =	vsel vm0, $0xFFFFFFFF, v1;
	v34 =	vld.idx.msk [tilespmem:v58+s25+$0x0], $0xffff  }
0x25a: {  	v40 =	vadd.s32 $0xC00, v13;
	v61 =	vadd.s32 $0x1800, v8;
	s0 =	simm.s32 $0xB0;
	[tilespmem:s29+$0xFFFFF940] =	vst v32;
	v32 =	vld.idx.msk [tilespmem:v60+s25+$0x0], $0xffff;
	v30 =	vadd.s32 v30, v31  }
0x25b: {  	v62 =	vor.u32 s0, v0;
	v43 =	vadd.s32 $0x400, v17;
	v31 =	vld.idx.msk [tilespmem:v17+s25+$0x0], $0xffff;
	v28 =	vadd.s32 v28, v30;
	[tilespmem:s1+$0xFFFFF4B0] =	vst v59  }
0x25c: {  	v45 =	vld.idx.msk [tilespmem:v38+s25+$0x0], $0xffff;
	v30 =	vand.u32 $0x7, v30;
	v28 =	vand.u32 $0xFFFFFFF8, v28;
	[tilespmem:s1+$0xFFFFF4C0] =	vst v29;
	v29 =	vmulhi.u32 $0xAAAAAAAB, v62  }
0x25d: {  	v63 =	vadd.s32 $0x400, v18;
	v39 =	vld.idx.msk [tilespmem:v39+s25+$0x0], $0xffff;
	v28 =	vor.u32 v30, v28  }
0x25e: {  	p1 =	por $0x1, $0x1;
	[tilespmem:s28+$0xFFFFFFF0] =	vst v36;
	v46 =	vld.idx.msk [tilespmem:v23+s15+$0x0], $0xffff;
	v47 =	vadd.s32 $0x6C0, v28;
	v23 =	vshrl.u32 v29, $0x4  }
.Ltmp20:
0x25f: {  	s16 =	simm.s32 $0x7830;
	v38 =	vadd.s32 $0x1000, v14;
	v36 =	vld.idx.msk [tilespmem:v40+s25+$0x0], $0xffff;
	[tilespmem:s29+$0xFFFFFB70] =	vst v34;
	v29 =	vmul.u32 $0x1FFFFFE8, v23;
	(pc) =	sbr.rel @!p1 .LBB2_42-.Ltmp20, $4  }
0x260: {  	v41 =	vadd.s32 $0x1000, v13;
	[tilespmem:s16+$0xFFFFF030] =	vst v31;
	v42 =	vld.idx.msk [tilespmem:v61+s25+$0x0], $0xffff  }
0x261: {  	[tilespmem:s16+$0xFFFFF040] =	vst v26;
	v30 =	vld.idx.msk [tilespmem:v43+s25+$0x0], $0xffff;
	v43 =	vadd.s32 $0x1800, v9  }
0x262: {  	v44 =	vadd.s32 $0x1C00, v8;
	s18 =	simm.s32 $0xC0;
	v37 =	vadd.s32 $0x800, v17;
	v35 =	vmovc v9;
	v28 =	vor.u32 s19, v0;
	v31 =	vld.idx.msk [tilespmem:v63+s25+$0x0], $0xffff;
	[tilespmem:s29+$0xFFFFFB80] =	vst v45  }
0x263: {  	p6 =	por $0x1, $0x1;
	s17 =	simm.s32 $0x77F0;
	s0 =	simm.s32 $0x77D0;
	v26 =	vmovc v14;
	v34 =	vmulhi.u32 $0xAAAAAAAB, v28;
	[tilespmem:s1+$0xFFFFF6F0] =	vst v39;
	v33 =	vadd.s32 v62, v29;
	v45 =	vld.idx.msk [tilespmem:v47+s15+$0x0], $0xffff;
	v29 =	vmov v13  }
.LBB2_43:
0x264: {  	p1 =	slt.u32 s18, $0x220;
	v33 =	vmul.u32 $0x18, v33;
	v39 =	vadd.s32 $0x800, v18;
	v38 =	vld.idx.msk [tilespmem:v38+s25+$0x0], $0xffff;
	[tilespmem:s1+$0xFFFFF700] =	vst v36  }
0x265: {  	v34 =	vshrl.u32 v34, $0x4;
	v36 =	vld.idx.msk [tilespmem:v41+s25+$0x0], $0xffff;
	[tilespmem:s0+$0x0] =	vst v32;
	s0 =	smov.u32 s17;
	s17 =	smov.u32 s1;
	s1 =	smov.u32 s16  }
0x266: {  	v40 =	vadd.s32 $0x1400, v26;
	v32 =	vmul.u32 $0xFFFFFFE8, v34;
	v33 =	vadd.s32 v23, v33;
	[tilespmem:s0+$0xFFFFFDB0] =	vst v42;
	v41 =	vld.idx.msk [tilespmem:v43+s25+$0x0], $0xffff  }
0x267: {  	v23 =	vand.u32 $0x7, v23;
	v33 =	vand.u32 $0x1FFFFFF8, v33;
	[tilespmem:s16+$0xFFFFF270] =	vst v30;
	v30 =	vld.idx.msk [tilespmem:v44+s25+$0x0], $0xffff  }
0x268: {  	v42 =	vmov s19;
	s19 =	smov.u32 s18;
	v28 =	vadd.s32 v28, v32;
	v32 =	vld.idx.msk [tilespmem:v37+s25+$0x0], $0xffff;
	[tilespmem:s16+$0xFFFFF280] =	vst v31;
	v31 =	vadd.s32 $0x1400, v29  }
0x269: {  	vm1 =	veq.s32 v42, v0;
	vm0 =	vne.s32 v28, $0x0;
	v37 =	vld.idx.msk [tilespmem:v39+s25+$0x0], $0xffff;
	v39 =	vadd.s32 $0x1C00, v35;
	v35 =	vmovc v29;
	v29 =	vmovc v18  }
0x26a: {  	v42 =	vadd.s32 $0xC00, v17;
	v23 =	vor.u32 v23, v33;
	v18 =	vmovc v46;
	vm0 =	vmand vm1, vm0;
	v33 =	vld.idx.msk [tilespmem:v46+s25+$0x0], $0xffff;
	[tilespmem:s17+$0xFFFFF930] =	vst v38  }
0x26b: {  	v28 =	vmul.u32 $0x18, v28;
	v43 =	vadd.s32 $0xC00, v29;
	v38 =	vsel vm0, $0xFFFFFFFF, v1;
	v40 =	vld.idx.msk [tilespmem:v40+s25+$0x0], $0xffff;
	[tilespmem:s17+$0xFFFFF940] =	vst v36  }
0x26c: {  	v23 =	vadd.s32 $0x6C0, v23;
	v34 =	vadd.s32 v38, v34;
	v44 =	vld.idx.msk [tilespmem:v45+s25+$0x0], $0xffff;
	[tilespmem:s0+$0xFFFFFDC0] =	vst v41  }
0x26d: {  	v47 =	vadd.s32 $0x1800, v26;
	v28 =	vadd.s32 v28, v34;
	v48 =	vld.idx.msk [tilespmem:v31+s25+$0x0], $0xffff;
	[tilespmem:s0+$0xFFFFFFF0] =	vst v30  }
0x26e: {  	s20 =	sadd.s32 $0x10, s18;
	v30 =	vand.u32 $0x7, v34;
	v31 =	vadd.s32 $0x400, v45;
	v28 =	vand.u32 $0xFFFFFFF8, v28;
	[tilespmem:s16+$0xFFFFF4B0] =	vst v32;
	v32 =	vld.idx.msk [tilespmem:v39+s25+$0x0], $0xffff  }
0x26f: {  	v34 =	vadd.s32 $0x400, v18;
	v39 =	vor.u32 s20, v0;
	v28 =	vor.u32 v30, v28;
	v49 =	vld.idx.msk [tilespmem:v42+s25+$0x0], $0xffff;
	[tilespmem:s16+$0xFFFFF4C0] =	vst v37  }
0x270: {  	v30 =	vmulhi.u32 $0xAAAAAAAB, v39;
	v37 =	vadd.s32 $0x6C0, v28;
	v36 =	vld.idx.msk [tilespmem:v43+s25+$0x0], $0xffff  }
.Ltmp21:
0x271: {  	v38 =	vadd.s32 $0x1000, v17;
	s16 =	sadd.s32 $0x20, s16;
	v46 =	vld.idx.msk [tilespmem:v23+s15+$0x0], $0xffff;
	[tilespmem:s17+$0xFFFFFB70] =	vst v40;
	(pc) =	sbr.rel @p1 .LBB2_43-.Ltmp21, $4  }
0x272: {  	v41 =	vadd.s32 $0x1000, v29;
	v23 =	vshrl.u32 v30, $0x4;
	[tilespmem:s16+$0xFFFFF030] =	vst v44;
	v42 =	vld.idx.msk [tilespmem:v47+s25+$0x0], $0xffff  }
0x273: {  	v43 =	vadd.s32 $0x1800, v35;
	v40 =	vmul.u32 $0x1FFFFFE8, v23;
	v30 =	vld.idx.msk [tilespmem:v31+s25+$0x0], $0xffff;
	[tilespmem:s16+$0xFFFFF040] =	vst v33  }
0x274: {  	v28 =	vor.u32 s18, v0;
	v44 =	vadd.s32 $0x1C00, v26;
	v26 =	vmovc v17;
	v17 =	vmov v45;
	v31 =	vld.idx.msk [tilespmem:v34+s25+$0x0], $0xffff;
	[tilespmem:s17+$0xFFFFFB80] =	vst v48  }
0x275: {  	s18 =	sadd.s32 $0x20, s18;
	v34 =	vmulhi.u32 $0xAAAAAAAB, v28;
	v33 =	vadd.s32 v39, v40;
	v45 =	vld.idx.msk [tilespmem:v37+s15+$0x0], $0xffff;
	v37 =	vadd.s32 $0x800, v17;
	[tilespmem:s1+$0xFFFFF6F0] =	vst v49  }
0x276: {  	_ =	sdelay $0x2  }
0x277: {  	s18 =	smov.u32 s1  }
0x278: {  	v40 =	vmovc v18;
	v39 =	vmov v17;
	s1 =	smov.u32 s16;
	s16 =	smov.u32 s19;
	v18 =	vmov v46;
	p1 =	por $0x1, $0x1;
	v17 =	vmov v45  }
.LBB2_45:
0x279: {  	v34 =	vshrl.u32 v34, $0x4  }
0x27a: {  	v45 =	vmul.u32 $0xFFFFFFE8, v34  }
0x27b: {  	v33 =	vmul.u32 $0x18, v33  }
0x27c: {  	v59 =	vmov s16;
	v61 =	vand.u32 $0x7, v23;
	v28 =	vadd.s32 v28, v45  }
0x27d: {  	[tilespmem:s18+$0xFFFFF700] =	vst @p4 v36;
	vm1 =	veq.s32 v59, v0;
	v33 =	vadd.s32 v23, v33;
	vm0 =	vne.s32 v28, $0x0  }
0x27e: {  	v38 =	vld.idx.msk @p4 [tilespmem:v38+s25+$0x0], $0xffff;
	v36 =	vadd.s32 @p3 $0x800, v40;
	[tilespmem:s1+$0xFFFFF270] =	vst @p3 v30;
	v33 =	vand.u32 $0x1FFFFFF8, v33;
	vm0 =	vmand vm1, vm0  }
0x27f: {  	v37 =	vld.idx.msk @p3 [tilespmem:v37+s25+$0x0], $0xffff;
	v28 =	vmul.u32 $0x18, v28;
	v23 =	vor.u32 v61, v33;
	v60 =	vsel vm0, $0xFFFFFFFF, v1  }
0x280: {  	s19 =	smov.u32 @p5 s17;
	v33 =	vld.idx.msk @p5 [tilespmem:v43+s25+$0x0], $0xffff;
	v23 =	vadd.s32 $0x6C0, v23;
	v34 =	vadd.s32 v60, v34  }
0x281: {  	[tilespmem:s19+$0xFFFFFDB0] =	vst @p5 v42;
	v42 =	vld.idx.msk @p2 [tilespmem:v17+s25+$0x0], $0xffff;
	v28 =	vadd.s32 v28, v34  }
0x282: {  	[tilespmem:s1+$0xFFFFF280] =	vst @p3 v31;
	v31 =	vadd.s32 @p3 $0xC00, v39;
	v30 =	vld.idx.msk @p5 [tilespmem:v44+s25+$0x0], $0xffff;
	v34 =	vand.u32 $0x7, v34;
	v28 =	vand.u32 $0xFFFFFFF8, v28  }
0x283: {  	[tilespmem:s0+$0x0] =	vst @p6 v32;
	s17 =	smov.u32 @p4 s18;
	v28 =	vor.u32 v34, v28;
	v34 =	vld.idx.msk @p4 [tilespmem:v41+s25+$0x0], $0xffff;
	v41 =	vadd.s32 @p4 $0x1400, v26  }
0x284: {  	v36 =	vld.idx.msk @p3 [tilespmem:v36+s25+$0x0], $0xffff;
	[tilespmem:s17+$0xFFFFF930] =	vst @p4 v38;
	v28 =	vadd.s32 $0x6C0, v28  }
0x285: {  	s0 =	sadd.s32 @p3 $0x20, s1;
	s16 =	smov.u32 s28;
	v38 =	vadd.s32 @p2 $0x400, v17;
	[tilespmem:s19+$0xFFFFFDC0] =	vst @p5 v33;
	v33 =	vmov @p3 v40;
	v23 =	vld.idx.msk [tilespmem:v23+s15+$0x0], $0xffff  }
0x286: {  	s16 =	smov.u32 @p3 s0;
	v43 =	vld.idx.msk @p2 [tilespmem:v18+s25+$0x0], $0xffff;
	[tilespmem:s1+$0xFFFFF4B0] =	vst @p3 v37;
	v40 =	vadd.s32 @p3 $0xC00, v33  }
0x287: {  	v32 =	vadd.s32 @p4 $0x1400, v29;
	[tilespmem:s16+$0xFFFFF030] =	vst @p2 v42;
	v31 =	vld.idx.msk @p3 [tilespmem:v31+s25+$0x0], $0xffff  }
0x288: {  	[tilespmem:s17+$0xFFFFF940] =	vst @p4 v34;
	v34 =	vld.idx.msk @p4 [tilespmem:v41+s25+$0x0], $0xffff  }
0x289: {  	v37 =	vadd.s32 @p2 $0x400, v18;
	[tilespmem:s19+$0xFFFFFFF0] =	vst @p5 v30;
	v28 =	vld.idx.msk [tilespmem:v28+s15+$0x0], $0xffff  }
0x28a: {  	v30 =	vld.idx.msk @p2 [tilespmem:v38+s25+$0x0], $0xffff;
	[tilespmem:s1+$0xFFFFF4C0] =	vst @p3 v36  }
0x28b: {  	v35 =	vadd.s32 @p5 $0x1C00, v35;
	v40 =	vld.idx.msk @p3 [tilespmem:v40+s25+$0x0], $0xffff  }
0x28c: {  	v32 =	vld.idx.msk @p4 [tilespmem:v32+s25+$0x0], $0xffff  }
0x28d: {  	[tilespmem:s16+$0xFFFFF040] =	vst @p2 v43;
	v38 =	vadd.s32 @p4 $0x1800, v26;
	v63 =	vld.idx.msk [tilespmem:v23+s25+$0x0], $0xffff  }
0x28e: {  	v46 =	vadd.s32 $0x400, v23;
	[tilespmem:s17+$0xFFFFFB70] =	vst @p4 v34;
	v34 =	vld.idx.msk @p2 [tilespmem:v37+s25+$0x0], $0xffff  }
0x28f: {  	v13 =	vpsel p2, v18, v13;
	v37 =	vadd.s32 @p2 $0x800, v17  }
0x290: {  	s0 =	smov.u32 s28;
	s18 =	sadd.s32 @p2 $0x20, s16;
	[tilespmem:s1+$0xFFFFF6F0] =	vst @p3 v31;
	v24 =	vpsel p2, v30, v24;
	v18 =	vpsel p2, v37, v27;
	v27 =	vld.idx.msk @p5 [tilespmem:v35+s25+$0x0], $0xffff  }
0x291: {  	s0 =	smov.u32 @p2 s18;
	v31 =	vadd.s32 @p2 $0x800, v13;
	[tilespmem:s16+$0xFFFFF270] =	vst @p2 v24;
	v62 =	vld.idx.msk [tilespmem:v28+s25+$0x0], $0xffff  }
0x292: {  	v45 =	vadd.s32 $0x400, v28;
	v37 =	vld.idx.msk @p4 [tilespmem:v38+s25+$0x0], $0xffff;
	[tilespmem:s0+$0xFFFFF040] =	vst v63  }
0x293: {  	s29 =	smov.u32 @p3 s1;
	v16 =	vpsel p3, v40, v16;
	[tilespmem:s17+$0xFFFFFB80] =	vst @p4 v32;
	v32 =	vadd.s32 @p3 $0x1000, v39;
	v24 =	vld.idx.msk [tilespmem:v46+s25+$0x0], $0xffff;
	v25 =	vpsel p2, v34, v25  }
0x294: {  	[tilespmem:s29+$0xFFFFF700] =	vst @p3 v16;
	v19 =	vpsel p3, v32, v19  }
0x295: {  	v14 =	vpsel p2, v17, v14;
	v49 =	vadd.s32 $0x800, v23;
	v17 =	vld.idx.msk @p2 [tilespmem:v18+s25+$0x0], $0xffff;
	[tilespmem:s16+$0xFFFFF280] =	vst @p2 v25  }
0x296: {  	s1 =	smov.u32 @p5 s19;
	v27 =	vpsel p5, v27, v0;
	v16 =	vld.idx.msk @p2 [tilespmem:v31+s25+$0x0], $0xffff;
	v25 =	vmov @p4 v29;
	v29 =	vadd.s32 @p2 $0xC00, v14;
	[tilespmem:s0+$0xFFFFF030] =	vst v62  }
0x297: {  	[tilespmem:s1+$0x0] =	vst @p5 v27;
	v27 =	vadd.s32 @p2 $0xC00, v13;
	s1 =	smov.u32 s28;
	v47 =	vld.idx.msk [tilespmem:v45+s25+$0x0], $0xffff  }
0x298: {  	v48 =	vadd.s32 $0x800, v28;
	v15 =	vpsel p4, v37, v15;
	s1 =	smov.u32 @p4 s17;
	[tilespmem:s0+$0xFFFFF280] =	vst v24  }
0x299: {  	v35 =	vadd.s32 @p3 $0x1000, v33;
	v19 =	vld.idx.msk @p3 [tilespmem:v19+s25+$0x0], $0xffff;
	[tilespmem:s1+$0xFFFFFDB0] =	vst @p4 v15  }
0x29a: {  	v22 =	vpsel p3, v35, v22;
	v31 =	vadd.s32 @p4 $0x1800, v25;
	v50 =	vld.idx.msk [tilespmem:v49+s25+$0x0], $0xffff;
	[tilespmem:s16+$0xFFFFF4B0] =	vst @p2 v17  }
0x29b: {  	v20 =	vpsel p4, v31, v20;
	[tilespmem:s16+$0xFFFFF4C0] =	vst @p2 v16;
	v29 =	vld.idx.msk @p2 [tilespmem:v29+s25+$0x0], $0xffff  }
0x29c: {  	v26 =	vadd.s32 @p4 $0x1C00, v26;
	v52 =	vadd.s32 $0xC00, v23;
	v16 =	vadd.s32 @p2 $0x1000, v14;
	v15 =	vld.idx.msk @p2 [tilespmem:v27+s25+$0x0], $0xffff;
	[tilespmem:s0+$0xFFFFF270] =	vst v47  }
0x29d: {  	v21 =	vpsel p4, v26, v21;
	s17 =	smov.u32 @p3 s29;
	v11 =	vpsel p2, v16, v11;
	v26 =	vld.idx.msk [tilespmem:v48+s25+$0x0], $0xffff  }
0x29e: {  	v51 =	vadd.s32 $0xC00, v28;
	v24 =	vmov @p3 v39;
	[tilespmem:s17+$0xFFFFF930] =	vst @p3 v19;
	v19 =	vadd.s32 @p2 $0x1000, v13  }
0x29f: {  	v22 =	vld.idx.msk @p3 [tilespmem:v22+s25+$0x0], $0xffff;
	v8 =	vpsel p3, v24, v8;
	v12 =	vpsel p2, v19, v12  }
0x2a0: {  	v9 =	vpsel p3, v33, v9;
	v16 =	vadd.s32 @p3 $0x1400, v8;
	v20 =	vld.idx.msk @p4 [tilespmem:v20+s25+$0x0], $0xffff;
	[tilespmem:s0+$0xFFFFF4C0] =	vst v50  }
0x2a1: {  	v19 =	vadd.s32 @p3 $0x1400, v9;
	v17 =	vld.idx.msk [tilespmem:v52+s25+$0x0], $0xffff;
	[tilespmem:s16+$0xFFFFF6F0] =	vst @p2 v29  }
0x2a2: {  	v7 =	vpsel p2, v14, v7;
	v53 =	vadd.s32 $0x1000, v23;
	s28 =	smov.u32 @p2 s16;
	v10 =	vpsel p2, v15, v10;
	v11 =	vld.idx.msk @p2 [tilespmem:v11+s25+$0x0], $0xffff;
	[tilespmem:s0+$0xFFFFF4B0] =	vst v26  }
0x2a3: {  	[tilespmem:s28+$0xFFFFF700] =	vst @p2 v10;
	v10 =	vadd.s32 @p2 $0x1400, v7;
	v18 =	vld.idx.msk [tilespmem:v51+s25+$0x0], $0xffff  }
0x2a4: {  	v24 =	vadd.s32 $0x1000, v28;
	[tilespmem:s17+$0xFFFFF940] =	vst @p3 v22;
	v12 =	vld.idx.msk @p2 [tilespmem:v12+s25+$0x0], $0xffff  }
0x2a5: {  	v15 =	vld.idx.msk @p3 [tilespmem:v16+s25+$0x0], $0xffff;
	[tilespmem:s1+$0xFFFFFDC0] =	vst @p4 v20  }
0x2a6: {  	v13 =	vpsel p2, v13, v6;
	v16 =	vadd.s32 @p3 $0x1800, v8;
	v19 =	vld.idx.msk @p3 [tilespmem:v19+s25+$0x0], $0xffff;
	s16 =	smov.u32 @p2 s28;
	[tilespmem:s0+$0xFFFFF700] =	vst v17  }
0x2a7: {  	v22 =	vadd.s32 @p2 $0x1400, v13;
	v55 =	vld.idx.msk [tilespmem:v53+s25+$0x0], $0xffff;
	[tilespmem:s16+$0xFFFFF930] =	vst @p2 v11  }
0x2a8: {  	v57 =	vadd.s32 $0x1400, v23;
	v10 =	vld.idx.msk @p2 [tilespmem:v10+s25+$0x0], $0xffff;
	[tilespmem:s0+$0xFFFFF6F0] =	vst v18  }
0x2a9: {  	[tilespmem:s16+$0xFFFFF940] =	vst @p2 v12;
	v12 =	vadd.s32 @p2 $0x1800, v7;
	v54 =	vld.idx.msk [tilespmem:v24+s25+$0x0], $0xffff  }
0x2aa: {  	v56 =	vadd.s32 $0x1400, v28;
	v21 =	vld.idx.msk @p4 [tilespmem:v21+s25+$0x0], $0xffff;
	v20 =	vadd.s32 @p3 $0x1800, v9;
	[tilespmem:s17+$0xFFFFFB70] =	vst @p3 v15  }
0x2ab: {  	v6 =	vpsel p4, v25, v6;
	[tilespmem:s17+$0xFFFFFB80] =	vst @p3 v19;
	v16 =	vld.idx.msk @p3 [tilespmem:v16+s25+$0x0], $0xffff;
	v18 =	vpsel p3, v20, v0  }
0x2ac: {  	v6 =	vadd.s32 @p4 $0x1C00, v6;
	v19 =	vadd.s32 @p2 $0x1800, v13;
	v17 =	vld.idx.msk @p2 [tilespmem:v22+s25+$0x0], $0xffff;
	[tilespmem:s0+$0xFFFFF940] =	vst v55  }
0x2ad: {  	v8 =	vadd.s32 @p3 $0x1C00, v8;
	v19 =	vpsel p2, v19, v0;
	v11 =	vld.idx.msk [tilespmem:v57+s25+$0x0], $0xffff;
	[tilespmem:s16+$0xFFFFFB70] =	vst @p2 v10  }
0x2ae: {  	v8 =	vpsel p3, v8, v0;
	v12 =	vld.idx.msk @p2 [tilespmem:v12+s25+$0x0], $0xffff;
	[tilespmem:s0+$0xFFFFF930] =	vst v54  }
0x2af: {  	v59 =	vadd.s32 $0x1800, v23;
	v14 =	vld.idx.msk [tilespmem:v56+s25+$0x0], $0xffff  }
0x2b0: {  	v58 =	vadd.s32 $0x1800, v28;
	[tilespmem:s1+$0xFFFFFFF0] =	vst @p4 v21;
	v9 =	vpsel p3, v9, v0;
	v18 =	vld.idx.msk @p3 [tilespmem:v18+s25+$0x0], $0xffff  }
0x2b1: {  	v6 =	vld.idx.msk @p4 [tilespmem:v6+s25+$0x0], $0xffff;
	v9 =	vadd.s32 @p3 $0x1C00, v9;
	s17 =	smov.u32 @p3 s17;
	v7 =	vadd.s32 @p2 $0x1C00, v7;
	v16 =	vpsel p3, v16, v0;
	[tilespmem:s16+$0xFFFFFB80] =	vst @p2 v17  }
0x2b2: {  	v13 =	vpsel p2, v13, v0;
	v7 =	vpsel p2, v7, v0;
	[tilespmem:s17+$0xFFFFFDB0] =	vst @p3 v16;
	v16 =	vld.idx.msk @p2 [tilespmem:v19+s25+$0x0], $0xffff  }
0x2b3: {  	v13 =	vadd.s32 @p2 $0x1C00, v13;
	v8 =	vld.idx.msk @p3 [tilespmem:v8+s25+$0x0], $0xffff;
	[tilespmem:s0+$0xFFFFFB80] =	vst v11  }
0x2b4: {  	v61 =	vld.idx.msk [tilespmem:v59+s25+$0x0], $0xffff;
	[tilespmem:s0+$0xFFFFFB70] =	vst v14  }
0x2b5: {  	v62 =	vadd.s32 $0x1C00, v23;
	s16 =	smov.u32 @p2 s16;
	v11 =	vpsel p2, v12, v0;
	[tilespmem:s17+$0xFFFFFDC0] =	vst @p3 v18;
	v10 =	vld.idx.msk [tilespmem:v58+s25+$0x0], $0xffff  }
0x2b6: {  	v60 =	vadd.s32 $0x1C00, v28;
	[tilespmem:s16+$0xFFFFFDB0] =	vst @p2 v11;
	v9 =	vld.idx.msk @p3 [tilespmem:v9+s25+$0x0], $0xffff  }
0x2b7: {  	s1 =	smov.u32 @p4 s1;
	v6 =	vpsel p4, v6, v0;
	[tilespmem:s16+$0xFFFFFDC0] =	vst @p2 v16;
	v7 =	vld.idx.msk @p2 [tilespmem:v7+s25+$0x0], $0xffff  }
0x2b8: {  	[tilespmem:s1+$0x0] =	vst @p4 v6;
	v6 =	vld.idx.msk @p2 [tilespmem:v13+s25+$0x0], $0xffff  }
0x2b9: {  	[tilespmem:s0+$0xFFFFFDC0] =	vst v61  }
0x2ba: {  	v63 =	vld.idx.msk [tilespmem:v62+s25+$0x0], $0xffff;
	[tilespmem:s0+$0xFFFFFDB0] =	vst v10  }
0x2bb: {  	[tilespmem:s17+$0xFFFFFFF0] =	vst @p3 v8;
	v10 =	vld.idx.msk [tilespmem:v60+s25+$0x0], $0xffff  }
.Ltmp22:
0x2bc: {  	s1 =	smov.u32 @p3 s17;
	v8 =	vpsel p3, v9, v0;
	[tilespmem:s16+$0xFFFFFFF0] =	vst @p2 v7;
	(pc) =	sbr.rel @!p1 .LBB2_46-.Ltmp22, $4  }
0x2bd: {  	v5 =	vmul.u32 $0x18, v5;
	v6 =	vpsel p2, v6, v0;
	[tilespmem:s1+$0x0] =	vst @p3 v8;
	s1 =	smov.u32 @p2 s16  }
0x2be: {  	[tilespmem:s1+$0x0] =	vst @p2 v6  }
0x2bf: {  	v5 =	vadd.s32 v4, v5;
	[tilespmem:s0+$0x0] =	vst v63  }
0x2c0: {  	v27 =	vand.u32 $0x1FFFFFF8, v5;
	s28 =	simm.s32 $0x89D0;
	v24 =	vand.u32 $0x7, v4;
	[tilespmem:s0+$0xFFFFFFF0] =	vst v10  }
0x2c1: {  	v3 =	vshrl.u32 v3, $0x4  }
0x2c2: {  	v4 =	vmul.u32 $0xFFFFFFE8, v3;
	_ =	sdelay $0x1  }
0x2c3: {  	v5 =	vmov s25;
	v2 =	vadd.s32 v2, v4  }
0x2c4: {  	vm1 =	veq.s32 v5, v0;
	vm0 =	vne.s32 v2, $0x0  }
0x2c5: {  	s0 =	simm.s32 $0x30;
	vm0 =	vmand vm1, vm0  }
0x2c6: {  	v4 =	vor.u32 s0, v0;
	v2 =	vmul.u32 $0x18, v2;
	v5 =	vsel vm0, $0xFFFFFFFF, v1  }
0x2c7: {  	v3 =	vadd.s32 v5, v3;
	v5 =	vmulhi.u32 $0xAAAAAAAB, v4  }
0x2c8: {  	v6 =	vor.u32 v24, v27;
	v2 =	vadd.s32 v2, v3  }
0x2c9: {  	v3 =	vand.u32 $0x7, v3;
	v5 =	vshrl.u32 v5, $0x4;
	v2 =	vand.u32 $0xFFFFFFF8, v2  }
0x2ca: {  	v6 =	vadd.s32 $0x900, v6;
	v7 =	vmul.u32 $0x1FFFFFE8, v5;
	v2 =	vor.u32 v3, v2  }
0x2cb: {  	p2 =	por $0x1, $0x1;
	v8 =	vadd.s32 $0x900, v2  }
.Ltmp23:
0x2cc: {  	v2 =	vadd.s32 v4, v7;
	(pc) =	sbr.rel @!p2 .LBB2_48-.Ltmp23, $3  }
0x2cd: {  	v3 =	vmul.u32 $0x18, v2;
	_ =	sdelay $0x1  }
0x2ce: {  	v4 =	vld.idx.msk [tilespmem:v6+s15+$0x0], $0xffff;
	v2 =	vor.u32 s26, v0;
	v6 =	vadd.s32 v5, v3  }
0x2cf: {  	s25 =	simm.s32 $0x40;
	p1 =	por $0x1, $0x1;
	v24 =	vand.u32 $0x7, v5;
	v3 =	vmulhi.u32 $0xAAAAAAAB, v2;
	v27 =	vand.u32 $0x1FFFFFF8, v6;
	v5 =	vld.idx.msk [tilespmem:v8+s15+$0x0], $0xffff  }
0x2d0: {  	_ = 	snop  }
0x2d1: {  	v3 =	vshrl.u32 v3, $0x4  }
0x2d2: {  	v6 =	vmul.u32 $0xFFFFFFE8, v3;
	_ =	sdelay $0x1  }
0x2d3: {  	v7 =	vmov s26;
	v2 =	vadd.s32 v2, v6  }
0x2d4: {  	s0 =	simm.s32 $0x50;
	vm1 =	veq.s32 v7, v0;
	vm0 =	vne.s32 v2, $0x0  }
0x2d5: {  	v6 =	vor.u32 s0, v0;
	vm0 =	vmand vm1, vm0  }
0x2d6: {  	s26 =	simm.s32 $0x0;
	v7 =	vmulhi.u32 $0xAAAAAAAB, v6;
	v2 =	vmul.u32 $0x18, v2;
	v8 =	vsel vm0, $0xFFFFFFFF, v1  }
0x2d7: {  	v9 =	vor.u32 v24, v27;
	v63 =	vld.idx.msk [tilespmem:v5+s26+$0x0], $0xffff;
	v3 =	vadd.s32 v8, v3  }
0x2d8: {  	v12 =	vadd.s32 $0x400, v5;
	v10 =	vshrl.u32 v7, $0x4;
	v2 =	vadd.s32 v2, v3  }
0x2d9: {  	v11 =	vld.idx.msk [tilespmem:v4+s26+$0x0], $0xffff;
	v8 =	vadd.s32 $0x900, v9;
	v3 =	vand.u32 $0x7, v3;
	v2 =	vand.u32 $0xFFFFFFF8, v2  }
0x2da: {  	v7 =	vmul.u32 $0x1FFFFFE8, v10;
	v2 =	vor.u32 v3, v2;
	v3 =	vadd.s32 $0x400, v4  }
0x2db: {  	p3 =	por $0x1, $0x1;
	v13 =	vadd.s32 $0x900, v2  }
.Ltmp24:
0x2dc: {  	[tilespmem:s28+$0xFFFFF030] =	vst v63;
	v2 =	vadd.s32 v6, v7;
	(pc) =	sbr.rel @!p3 .LBB2_50-.Ltmp24, $4  }
0x2dd: {  	v28 =	vld.idx.msk [tilespmem:v12+s26+$0x0], $0xffff;
	v6 =	vmul.u32 $0x18, v2  }
0x2de: {  	[tilespmem:s28+$0xFFFFF040] =	vst v11;
	v7 =	vld.idx.msk [tilespmem:v8+s15+$0x0], $0xffff  }
0x2df: {  	v34 =	vadd.s32 $0x800, v5;
	v2 =	vor.u32 s25, v0;
	v6 =	vadd.s32 v10, v6;
	v29 =	vld.idx.msk [tilespmem:v3+s26+$0x0], $0xffff  }
0x2e0: {  	p2 =	por $0x1, $0x1;
	s0 =	simm.s32 $0x60;
	v24 =	vand.u32 $0x7, v10;
	v3 =	vmulhi.u32 $0xAAAAAAAB, v2;
	v27 =	vand.u32 $0x1FFFFFF8, v6;
	v6 =	vld.idx.msk [tilespmem:v13+s15+$0x0], $0xffff  }
0x2e1: {  	_ = 	snop  }
0x2e2: {  	v3 =	vshrl.u32 v3, $0x4  }
0x2e3: {  	v8 =	vmul.u32 $0xFFFFFFE8, v3  }
0x2e4: {  	v9 =	vadd.s32 $0x800, v4  }
0x2e5: {  	v10 =	vmov s25;
	v2 =	vadd.s32 v2, v8  }
0x2e6: {  	[tilespmem:s28+$0xFFFFF270] =	vst v28;
	vm1 =	veq.s32 v10, v0;
	vm0 =	vne.s32 v2, $0x0  }
0x2e7: {  	s1 =	simm.s32 $0x70;
	v13 =	vadd.s32 $0xC00, v5;
	v10 =	vor.u32 v24, v27;
	v11 =	vld.idx.msk [tilespmem:v34+s26+$0x0], $0xffff;
	vm0 =	vmand vm1, vm0  }
0x2e8: {  	[tilespmem:s28+$0xFFFFF280] =	vst v29;
	v8 =	vor.u32 s1, v0;
	v2 =	vmul.u32 $0x18, v2;
	v14 =	vsel vm0, $0xFFFFFFFF, v1  }
0x2e9: {  	v10 =	vadd.s32 $0x900, v10;
	v12 =	vmulhi.u32 $0xAAAAAAAB, v8;
	v9 =	vld.idx.msk [tilespmem:v9+s26+$0x0], $0xffff;
	v3 =	vadd.s32 v14, v3  }
0x2ea: {  	v15 =	vld.idx.msk [tilespmem:v6+s26+$0x0], $0xffff;
	v17 =	vadd.s32 $0x400, v6;
	v14 =	vadd.s32 $0xC00, v4;
	v2 =	vadd.s32 v2, v3  }
0x2eb: {  	v16 =	vld.idx.msk [tilespmem:v7+s26+$0x0], $0xffff;
	v12 =	vshrl.u32 v12, $0x4;
	v3 =	vand.u32 $0x7, v3;
	v2 =	vand.u32 $0xFFFFFFF8, v2  }
0x2ec: {  	[tilespmem:s28+$0xFFFFF4B0] =	vst v11;
	v18 =	vmul.u32 $0x1FFFFFE8, v12;
	v2 =	vor.u32 v3, v2;
	v3 =	vadd.s32 $0x400, v7  }
0x2ed: {  	p4 =	por $0x1, $0x1;
	v13 =	vld.idx.msk [tilespmem:v13+s26+$0x0], $0xffff;
	v19 =	vadd.s32 $0x900, v2  }
.Ltmp25:
0x2ee: {  	s29 =	simm.s32 $0x89F0;
	v11 =	vld.idx.msk [tilespmem:v10+s15+$0x0], $0xffff;
	[tilespmem:s28+$0xFFFFF4C0] =	vst v9;
	v2 =	vadd.s32 v8, v18;
	(pc) =	sbr.rel @!p4 .LBB2_52-.Ltmp25, $4  }
0x2ef: {  	[tilespmem:s29+$0xFFFFF030] =	vst v15;
	v8 =	vld.idx.msk [tilespmem:v14+s26+$0x0], $0xffff;
	v14 =	vmul.u32 $0x18, v2  }
0x2f0: {  	v34 =	vadd.s32 $0x800, v6;
	v10 =	vadd.s32 $0x1000, v4;
	[tilespmem:s29+$0xFFFFF040] =	vst v16;
	v28 =	vld.idx.msk [tilespmem:v17+s26+$0x0], $0xffff  }
0x2f1: {  	v24 =	vand.u32 $0x7, v12;
	v2 =	vor.u32 s0, v0;
	v12 =	vadd.s32 v12, v14;
	v29 =	vld.idx.msk [tilespmem:v3+s26+$0x0], $0xffff  }
0x2f2: {  	s25 =	simm.s32 $0x80;
	p3 =	por $0x1, $0x1;
	v9 =	vadd.s32 $0x1000, v5;
	[tilespmem:s28+$0xFFFFF6F0] =	vst v13;
	v3 =	vmulhi.u32 $0xAAAAAAAB, v2;
	v27 =	vand.u32 $0x1FFFFFF8, v12;
	v14 =	vld.idx.msk [tilespmem:v19+s15+$0x0], $0xffff  }
0x2f3: {  	_ =	sdelay $0x2  }
0x2f4: {  	v12 =	vor.u32 v24, v27;
	v13 =	vadd.s32 $0x800, v7;
	v3 =	vshrl.u32 v3, $0x4  }
0x2f5: {  	v15 =	vld.idx.msk [tilespmem:v9+s26+$0x0], $0xffff;
	v12 =	vadd.s32 $0x900, v12;
	v16 =	vmul.u32 $0xFFFFFFE8, v3  }
0x2f6: {  	v17 =	vadd.s32 $0x1400, v5;
	[tilespmem:s28+$0xFFFFF700] =	vst v8  }
0x2f7: {  	s1 =	simm.s32 $0x90;
	v19 =	vmov s0;
	v18 =	vld.idx.msk [tilespmem:v10+s26+$0x0], $0xffff;
	[tilespmem:s29+$0xFFFFF270] =	vst v28;
	v2 =	vadd.s32 v2, v16  }
0x2f8: {  	v20 =	vor.u32 s1, v0;
	vm1 =	veq.s32 v19, v0;
	[tilespmem:s29+$0xFFFFF280] =	vst v29;
	v16 =	vld.idx.msk [tilespmem:v34+s26+$0x0], $0xffff;
	vm0 =	vne.s32 v2, $0x0  }
0x2f9: {  	v21 =	vadd.s32 $0x1400, v4;
	v22 =	vmulhi.u32 $0xAAAAAAAB, v20;
	v19 =	vld.idx.msk [tilespmem:v13+s26+$0x0], $0xffff;
	vm0 =	vmand vm1, vm0  }
0x2fa: {  	[tilespmem:s28+$0xFFFFF930] =	vst v15;
	v2 =	vmul.u32 $0x18, v2;
	v13 =	vld.idx.msk [tilespmem:v12+s15+$0x0], $0xffff;
	v12 =	vadd.s32 $0xC00, v6;
	v15 =	vsel vm0, $0xFFFFFFFF, v1  }
0x2fb: {  	s31 =	simm.s32 $0x0;
	v23 =	vadd.s32 $0xC00, v7;
	v17 =	vld.idx.msk [tilespmem:v17+s26+$0x0], $0xffff;
	v3 =	vadd.s32 v15, v3  }
0x2fc: {  	v24 =	vadd.s32 $0x1800, v5;
	v22 =	vshrl.u32 v22, $0x4;
	v15 =	vld.idx.msk [tilespmem:v14+s31+$0x0], $0xffff;
	v2 =	vadd.s32 v2, v3  }
0x2fd: {  	v25 =	vadd.s32 $0x400, v14;
	[tilespmem:s28+$0xFFFFF940] =	vst v18;
	v18 =	vld.idx.msk [tilespmem:v11+s31+$0x0], $0xffff;
	v3 =	vand.u32 $0x7, v3;
	v2 =	vand.u32 $0xFFFFFFF8, v2  }
0x2fe: {  	v26 =	vld.idx.msk [tilespmem:v21+s26+$0x0], $0xffff;
	v21 =	vmul.u32 $0x1FFFFFE8, v22;
	[tilespmem:s29+$0xFFFFF4B0] =	vst v16;
	v2 =	vor.u32 v3, v2;
	v3 =	vadd.s32 $0x400, v11  }
0x2ff: {  	p5 =	por $0x1, $0x1;
	[tilespmem:s29+$0xFFFFF4C0] =	vst v19;
	v28 =	vld.idx.msk [tilespmem:v12+s26+$0x0], $0xffff;
	v12 =	vadd.s32 $0x900, v2  }
.Ltmp26:
0x300: {  	s30 =	simm.s32 $0x8A10;
	v16 =	vld.idx.msk [tilespmem:v23+s26+$0x0], $0xffff;
	[tilespmem:s28+$0xFFFFFB70] =	vst v17;
	v2 =	vadd.s32 v20, v21;
	(pc) =	sbr.rel @!p5 .LBB2_54-.Ltmp26, $4  }
0x301: {  	v17 =	vadd.s32 $0x1000, v6;
	v19 =	vmul.u32 $0x18, v2;
	[tilespmem:s30+$0xFFFFF030] =	vst v15;
	v15 =	vld.idx.msk [tilespmem:v24+s26+$0x0], $0xffff  }
0x302: {  	v20 =	vadd.s32 $0x1000, v7;
	[tilespmem:s30+$0xFFFFF040] =	vst v18;
	v18 =	vadd.s32 $0x1800, v4;
	v24 =	vand.u32 $0x7, v22;
	v21 =	vld.idx.msk [tilespmem:v25+s31+$0x0], $0xffff  }
0x303: {  	s20 =	simm.s32 $0xA0;
	v2 =	vor.u32 s25, v0;
	[tilespmem:s28+$0xFFFFFB80] =	vst v26;
	v25 =	vadd.s32 $0x800, v14;
	v22 =	vadd.s32 v22, v19;
	v23 =	vld.idx.msk [tilespmem:v3+s31+$0x0], $0xffff  }
0x304: {  	p4 =	por $0x1, $0x1;
	v19 =	vadd.s32 $0x1C00, v5;
	v3 =	vmulhi.u32 $0xAAAAAAAB, v2;
	v27 =	vand.u32 $0x1FFFFFF8, v22;
	[tilespmem:s29+$0xFFFFF6F0] =	vst v28;
	v12 =	vld.idx.msk [tilespmem:v12+s15+$0x0], $0xffff  }
0x305: {  	_ =	sdelay $0x3  }
0x306: {  	v22 =	vor.u32 v24, v27;
	v26 =	vld.idx.msk [tilespmem:v17+s26+$0x0], $0xffff;
	v3 =	vshrl.u32 v3, $0x4  }
0x307: {  	[tilespmem:s29+$0xFFFFF700] =	vst v16;
	v30 =	vld.idx.msk [tilespmem:v18+s26+$0x0], $0xffff;
	v22 =	vadd.s32 $0x900, v22;
	v28 =	vmul.u32 $0xFFFFFFE8, v3  }
0x308: {  	v24 =	vadd.s32 $0x800, v11;
	v27 =	vld.idx.msk [tilespmem:v20+s26+$0x0], $0xffff  }
0x309: {  	v29 =	vadd.s32 $0x1400, v6;
	s0 =	simm.s32 $0xB0;
	v33 =	vmov s25;
	v63 =	vld.idx.msk [tilespmem:v13+s31+$0x0], $0xffff;
	[tilespmem:s30+$0xFFFFF270] =	vst v21;
	v2 =	vadd.s32 v2, v28  }
0x30a: {  	[tilespmem:s28+$0xFFFFFDB0] =	vst v15;
	v32 =	vor.u32 s0, v0;
	vm1 =	veq.s32 v33, v0;
	v28 =	vld.idx.msk [tilespmem:v25+s31+$0x0], $0xffff;
	vm0 =	vne.s32 v2, $0x0  }
0x30b: {  	v62 =	vadd.s32 $0x1400, v7;
	v31 =	vld.idx.msk [tilespmem:v19+s26+$0x0], $0xffff;
	v34 =	vmulhi.u32 $0xAAAAAAAB, v32;
	[tilespmem:s30+$0xFFFFF280] =	vst v23;
	vm0 =	vmand vm1, vm0  }
0x30c: {  	[tilespmem:s29+$0xFFFFF930] =	vst v26;
	v2 =	vmul.u32 $0x18, v2;
	v41 =	vld.idx.msk [tilespmem:v22+s15+$0x0], $0xffff;
	v22 =	vadd.s32 $0xC00, v14;
	v26 =	vsel vm0, $0xFFFFFFFF, v1  }
0x30d: {  	v35 =	vadd.s32 $0xC00, v11;
	v24 =	vld.idx.msk [tilespmem:v24+s31+$0x0], $0xffff;
	[tilespmem:s29+$0xFFFFF940] =	vst v27;
	v27 =	vadd.s32 $0x1C00, v4;
	v3 =	vadd.s32 v26, v3  }
0x30e: {  	v36 =	vadd.s32 $0x1800, v6;
	[tilespmem:s28+$0xFFFFFDC0] =	vst v30;
	v30 =	vshrl.u32 v34, $0x4;
	v29 =	vld.idx.msk [tilespmem:v29+s26+$0x0], $0xffff;
	v2 =	vadd.s32 v2, v3  }
0x30f: {  	v26 =	vld.idx.msk [tilespmem:v12+s31+$0x0], $0xffff;
	v3 =	vand.u32 $0x7, v3;
	[tilespmem:s30+$0xFFFFF4B0] =	vst v28;
	v28 =	vmul.u32 $0x1FFFFFE8, v30;
	v2 =	vand.u32 $0xFFFFFFF8, v2  }
0x310: {  	v39 =	vadd.s32 $0x400, v12;
	v40 =	vld.idx.msk [tilespmem:v62+s26+$0x0], $0xffff;
	v2 =	vor.u32 v3, v2  }
0x311: {  	[tilespmem:s28+$0xFFFFFFF0] =	vst v31;
	v3 =	vadd.s32 $0x400, v13;
	v22 =	vld.idx.msk [tilespmem:v22+s31+$0x0], $0xffff;
	v42 =	vadd.s32 $0x900, v2;
	v2 =	vadd.s32 v32, v28  }
0x312: {  	p5 =	por $0x1, $0x1;
	[tilespmem:s30+$0xFFFFF4C0] =	vst v24;
	v33 =	vld.idx.msk [tilespmem:v27+s26+$0x0], $0xffff;
	v27 =	vmul.u32 $0x18, v2  }
.Ltmp27:
0x313: {  	s25 =	simm.s32 $0x8A30;
	v31 =	vld.idx.msk [tilespmem:v35+s31+$0x0], $0xffff;
	[tilespmem:s29+$0xFFFFFB70] =	vst v29;
	v32 =	vadd.s32 $0x1000, v14;
	(pc) =	sbr.rel @!p5 .LBB2_56-.Ltmp27, $4  }
0x314: {  	v37 =	vadd.s32 $0x1000, v11;
	v38 =	vld.idx.msk [tilespmem:v36+s26+$0x0], $0xffff;
	[tilespmem:s25+$0xFFFFF030] =	vst v26;
	v26 =	vadd.s32 v30, v27  }
0x315: {  	s19 =	simm.s32 $0xC0;
	[tilespmem:s25+$0xFFFFF040] =	vst v63;
	v34 =	vadd.s32 $0x800, v12;
	v28 =	vld.idx.msk [tilespmem:v39+s31+$0x0], $0xffff;
	v39 =	vadd.s32 $0x1800, v7  }
0x316: {  	p0 =	por $0x1, $0x1;
	s17 =	simm.s32 $0x89D0;
	s18 =	simm.s32 $0x89F0;
	v24 =	vand.u32 $0x7, v30;
	[tilespmem:s29+$0xFFFFFB80] =	vst v40;
	v40 =	vadd.s32 $0x1C00, v6;
	v2 =	vor.u32 s20, v0;
	v29 =	vld.idx.msk [tilespmem:v3+s31+$0x0], $0xffff  }
0x317: {  	s1 =	simm.s32 $0x0;
	s16 =	simm.s32 $0x0;
	s0 =	simm.s32 $0x0;
	v36 =	vmovc v7;
	v3 =	vmulhi.u32 $0xAAAAAAAB, v2;
	v27 =	vand.u32 $0x1FFFFFF8, v26;
	[tilespmem:s30+$0xFFFFF6F0] =	vst v22;
	v22 =	vmovc v14;
	v42 =	vld.idx.msk [tilespmem:v42+s15+$0x0], $0xffff;
	v26 =	vmov v11  }
.LBB2_57:
0x318: {  	p5 =	slt.u32 s19, $0x220;
	v24 =	vor.u32 v24, v27;
	v27 =	vadd.s32 $0x800, v13;
	v30 =	vld.idx.msk [tilespmem:v32+s1+$0x0], $0xffff;
	[tilespmem:s30+$0xFFFFF700] =	vst v31  }
0x319: {  	v3 =	vshrl.u32 v3, $0x4;
	v24 =	vadd.s32 $0x900, v24;
	v31 =	vld.idx.msk [tilespmem:v37+s1+$0x0], $0xffff;
	[tilespmem:s17+$0x0] =	vst v33;
	s17 =	smov.u32 s18;
	s18 =	smov.u32 s30;
	s30 =	smov.u32 s25  }
0x31a: {  	v33 =	vadd.s32 $0x1400, v22;
	v32 =	vmul.u32 $0xFFFFFFE8, v3;
	[tilespmem:s17+$0xFFFFFDB0] =	vst v38;
	v35 =	vld.idx.msk [tilespmem:v39+s16+$0x0], $0xffff  }
0x31b: {  	s21 =	sadd.s32 $0x10, s19;
	[tilespmem:s25+$0xFFFFF270] =	vst v28;
	v28 =	vld.idx.msk [tilespmem:v40+s16+$0x0], $0xffff  }
0x31c: {  	v37 =	vor.u32 s21, v0;
	v38 =	vmov s20;
	s20 =	smov.u32 s19;
	v2 =	vadd.s32 v2, v32;
	v32 =	vld.idx.msk [tilespmem:v34+s0+$0x0], $0xffff;
	[tilespmem:s25+$0xFFFFF280] =	vst v29  }
0x31d: {  	vm1 =	veq.s32 v38, v0;
	v29 =	vadd.s32 $0x1400, v26;
	vm0 =	vne.s32 v2, $0x0;
	v27 =	vld.idx.msk [tilespmem:v27+s0+$0x0], $0xffff  }
0x31e: {  	v38 =	vadd.s32 $0xC00, v12;
	v34 =	vmulhi.u32 $0xAAAAAAAB, v37;
	vm0 =	vmand vm1, vm0;
	v24 =	vld.idx.msk [tilespmem:v24+s15+$0x0], $0xffff;
	[tilespmem:s18+$0xFFFFF930] =	vst v30  }
0x31f: {  	s21 =	simm.s32 $0x0;
	v39 =	vadd.s32 $0xC00, v13;
	v2 =	vmul.u32 $0x18, v2;
	v30 =	vsel vm0, $0xFFFFFFFF, v1;
	v33 =	vld.idx.msk [tilespmem:v33+s1+$0x0], $0xffff;
	[tilespmem:s18+$0xFFFFF940] =	vst v31  }
0x320: {  	v3 =	vadd.s32 v30, v3;
	v30 =	vld.idx.msk [tilespmem:v42+s21+$0x0], $0xffff;
	[tilespmem:s17+$0xFFFFFDC0] =	vst v35;
	v35 =	vadd.s32 $0x1C00, v36;
	v36 =	vmovc v26;
	v26 =	vmov v13  }
0x321: {  	v43 =	vadd.s32 $0x1800, v22;
	v34 =	vshrl.u32 v34, $0x4;
	v13 =	vmovc v41;
	v2 =	vadd.s32 v2, v3;
	v40 =	vld.idx.msk [tilespmem:v41+s21+$0x0], $0xffff;
	[tilespmem:s17+$0xFFFFFFF0] =	vst v28  }
0x322: {  	v3 =	vand.u32 $0x7, v3;
	v28 =	vadd.s32 $0x400, v42;
	v2 =	vand.u32 $0xFFFFFFF8, v2;
	[tilespmem:s25+$0xFFFFF4B0] =	vst v32;
	v44 =	vld.idx.msk [tilespmem:v29+s1+$0x0], $0xffff  }
0x323: {  	v29 =	vmul.u32 $0x1FFFFFE8, v34;
	v2 =	vor.u32 v3, v2;
	v3 =	vadd.s32 $0x400, v13;
	v45 =	vld.idx.msk [tilespmem:v38+s0+$0x0], $0xffff;
	[tilespmem:s25+$0xFFFFF4C0] =	vst v27  }
0x324: {  	v41 =	vmov v24;
	v46 =	vadd.s32 $0x900, v2;
	v31 =	vld.idx.msk [tilespmem:v39+s0+$0x0], $0xffff  }
.Ltmp28:
0x325: {  	v32 =	vadd.s32 $0x1000, v12;
	s25 =	sadd.s32 $0x20, s25;
	v2 =	vadd.s32 v37, v29;
	[tilespmem:s18+$0xFFFFFB70] =	vst v33;
	v33 =	vld.idx.msk [tilespmem:v35+s16+$0x0], $0xffff;
	s16 =	smov.u32 s1;
	(pc) =	sbr.rel @p5 .LBB2_57-.Ltmp28, $4  }
0x326: {  	v37 =	vadd.s32 $0x1000, v26;
	v27 =	vmul.u32 $0x18, v2;
	s1 =	smov.u32 s0;
	s0 =	smov.u32 s21;
	[tilespmem:s25+$0xFFFFF030] =	vst v30;
	v38 =	vld.idx.msk [tilespmem:v43+s16+$0x0], $0xffff  }
0x327: {  	v24 =	vand.u32 $0x7, v34;
	v39 =	vadd.s32 $0x1800, v36;
	v28 =	vld.idx.msk [tilespmem:v28+s0+$0x0], $0xffff;
	[tilespmem:s25+$0xFFFFF040] =	vst v40  }
0x328: {  	v2 =	vor.u32 s19, v0;
	v27 =	vadd.s32 v34, v27;
	v40 =	vadd.s32 $0x1C00, v22;
	v22 =	vmovc v12;
	v29 =	vld.idx.msk [tilespmem:v3+s0+$0x0], $0xffff;
	[tilespmem:s18+$0xFFFFFB80] =	vst v44  }
0x329: {  	s19 =	sadd.s32 $0x20, s19;
	v34 =	vadd.s32 $0x800, v42;
	v12 =	vmovc v42;
	v3 =	vmulhi.u32 $0xAAAAAAAB, v2;
	v27 =	vand.u32 $0x1FFFFFF8, v27;
	[tilespmem:s30+$0xFFFFF6F0] =	vst v45;
	v42 =	vld.idx.msk [tilespmem:v46+s15+$0x0], $0xffff  }
0x32a: {  	_ =	sdelay $0x3  }
0x32b: {  	v30 =	vmovc v13;
	s19 =	smov.u32 s30;
	v35 =	vmov v12;
	s30 =	smov.u32 s25;
	s25 =	smov.u32 s20;
	v13 =	vmov v41;
	v12 =	vmov v42  }
.LBB2_59:
0x32c: {  	_ = 	snop  }
0x32d: {  	v3 =	vshrl.u32 v3, $0x4  }
0x32e: {  	v41 =	vmul.u32 $0xFFFFFFE8, v3;
	_ =	sdelay $0x1  }
0x32f: {  	v62 =	vmov s25;
	v24 =	vor.u32 v24, v27;
	v27 =	vld.idx.msk @p3 [tilespmem:v32+s1+$0x0], $0xffff;
	[tilespmem:s19+$0xFFFFF700] =	vst @p3 v31;
	v2 =	vadd.s32 v2, v41  }
0x330: {  	s20 =	smov.u32 @p4 s18;
	[tilespmem:s30+$0xFFFFF270] =	vst @p2 v28;
	vm1 =	veq.s32 v62, v0;
	v31 =	vld.idx.msk @p3 [tilespmem:v37+s1+$0x0], $0xffff;
	vm0 =	vne.s32 v2, $0x0  }
0x331: {  	v32 =	vld.idx.msk @p4 [tilespmem:v39+s16+$0x0], $0xffff;
	[tilespmem:s20+$0xFFFFFDB0] =	vst @p4 v38;
	v38 =	vadd.s32 @p3 $0x1400, v22;
	vm0 =	vmand vm1, vm0  }
0x332: {  	[tilespmem:s17+$0x0] =	vst @p0 v33;
	s17 =	simm.s32 @p1 $0x0;
	v24 =	vadd.s32 $0x900, v24;
	v34 =	vld.idx.msk @p2 [tilespmem:v34+s0+$0x0], $0xffff;
	v2 =	vmul.u32 $0x18, v2;
	v63 =	vsel vm0, $0xFFFFFFFF, v1  }
0x333: {  	[tilespmem:s30+$0xFFFFF280] =	vst @p2 v29;
	v37 =	vadd.s32 @p2 $0x800, v30;
	v33 =	vld.idx.msk @p1 [tilespmem:v12+s17+$0x0], $0xffff;
	v3 =	vadd.s32 v63, v3  }
0x334: {  	v29 =	vadd.s32 @p2 $0xC00, v35;
	v28 =	vld.idx.msk @p4 [tilespmem:v40+s16+$0x0], $0xffff;
	[tilespmem:s19+$0xFFFFF930] =	vst @p3 v27;
	v2 =	vadd.s32 v2, v3  }
0x335: {  	v27 =	vadd.s32 @p1 $0x400, v12;
	[tilespmem:s19+$0xFFFFF940] =	vst @p3 v31;
	v31 =	vld.idx.msk @p1 [tilespmem:v13+s17+$0x0], $0xffff;
	v3 =	vand.u32 $0x7, v3;
	v2 =	vand.u32 $0xFFFFFFF8, v2  }
0x336: {  	[tilespmem:s20+$0xFFFFFDC0] =	vst @p4 v32;
	v32 =	vadd.s32 @p1 $0x400, v13;
	v38 =	vld.idx.msk @p3 [tilespmem:v38+s1+$0x0], $0xffff;
	v2 =	vor.u32 v3, v2  }
0x337: {  	s21 =	sadd.s32 @p2 $0x20, s30;
	s18 =	smov.u32 s28;
	v3 =	vadd.s32 $0x900, v2;
	v2 =	vld.idx.msk [tilespmem:v24+s15+$0x0], $0xffff  }
0x338: {  	s18 =	smov.u32 @p2 s21;
	v37 =	vld.idx.msk @p2 [tilespmem:v37+s0+$0x0], $0xffff;
	[tilespmem:s30+$0xFFFFF4B0] =	vst @p2 v34;
	v24 =	vadd.s32 @p3 $0x1400, v26  }
0x339: {  	s21 =	smov.u32 @p1 s17;
	[tilespmem:s18+$0xFFFFF030] =	vst @p1 v33;
	v29 =	vld.idx.msk @p2 [tilespmem:v29+s0+$0x0], $0xffff  }
0x33a: {  	v27 =	vld.idx.msk @p1 [tilespmem:v27+s21+$0x0], $0xffff;
	[tilespmem:s18+$0xFFFFF040] =	vst @p1 v31  }
0x33b: {  	v34 =	vadd.s32 @p2 $0xC00, v30;
	[tilespmem:s19+$0xFFFFFB70] =	vst @p3 v38;
	v38 =	vadd.s32 @p1 $0x800, v12;
	v32 =	vld.idx.msk @p1 [tilespmem:v32+s21+$0x0], $0xffff  }
0x33c: {  	v11 =	vpsel p1, v13, v11;
	v13 =	vpsel p1, v38, v25;
	v3 =	vld.idx.msk [tilespmem:v3+s15+$0x0], $0xffff  }
0x33d: {  	v33 =	vadd.s32 @p4 $0x1C00, v36;
	v24 =	vld.idx.msk @p3 [tilespmem:v24+s1+$0x0], $0xffff  }
0x33e: {  	s25 =	simm.s32 $0x0;
	[tilespmem:s20+$0xFFFFFFF0] =	vst @p4 v28  }
0x33f: {  	[tilespmem:s30+$0xFFFFF4C0] =	vst @p2 v37;
	v21 =	vpsel p1, v27, v21;
	v43 =	vld.idx.msk [tilespmem:v2+s25+$0x0], $0xffff  }
0x340: {  	s22 =	smov.u32 @p2 s30;
	s31 =	smov.u32 @p1 s21;
	v34 =	vld.idx.msk @p2 [tilespmem:v34+s0+$0x0], $0xffff;
	v45 =	vadd.s32 $0x400, v2;
	[tilespmem:s18+$0xFFFFF270] =	vst @p1 v21  }
0x341: {  	v28 =	vadd.s32 @p3 $0x1800, v22;
	[tilespmem:s22+$0xFFFFF6F0] =	vst @p2 v29;
	v23 =	vpsel p1, v32, v23;
	v13 =	vld.idx.msk @p1 [tilespmem:v13+s31+$0x0], $0xffff  }
0x342: {  	s17 =	smov.u32 s28;
	s30 =	sadd.s32 @p1 $0x20, s18;
	v25 =	vmov @p2 v30;
	v30 =	vadd.s32 @p2 $0x1000, v35;
	v29 =	vadd.s32 @p1 $0x800, v11;
	[tilespmem:s19+$0xFFFFFB80] =	vst @p3 v24;
	v24 =	vld.idx.msk @p4 [tilespmem:v33+s16+$0x0], $0xffff  }
0x343: {  	v12 =	vpsel p1, v12, v14;
	s17 =	smov.u32 @p1 s30;
	v17 =	vpsel p2, v30, v17;
	[tilespmem:s18+$0xFFFFF280] =	vst @p1 v23  }
0x344: {  	v23 =	vmov @p3 v26;
	v26 =	vadd.s32 @p1 $0xC00, v12;
	v42 =	vld.idx.msk [tilespmem:v3+s25+$0x0], $0xffff;
	[tilespmem:s17+$0xFFFFF040] =	vst v43  }
0x345: {  	s29 =	smov.u32 @p2 s22;
	s30 =	smov.u32 @p3 s1;
	v16 =	vpsel p2, v34, v16;
	v44 =	vadd.s32 $0x400, v3;
	v47 =	vld.idx.msk [tilespmem:v45+s25+$0x0], $0xffff  }
0x346: {  	v28 =	vld.idx.msk @p3 [tilespmem:v28+s30+$0x0], $0xffff;
	s1 =	smov.u32 s26;
	v49 =	vadd.s32 $0x800, v2;
	[tilespmem:s29+$0xFFFFF700] =	vst @p2 v16;
	v33 =	vadd.s32 @p2 $0x1000, v25  }
0x347: {  	s1 =	smov.u32 @p2 s0;
	s0 =	smov.u32 @p4 s20;
	v16 =	vld.idx.msk @p1 [tilespmem:v29+s31+$0x0], $0xffff;
	v20 =	vpsel p2, v33, v20;
	[tilespmem:s18+$0xFFFFF4B0] =	vst @p1 v13;
	v24 =	vpsel p4, v24, v0  }
0x348: {  	v17 =	vld.idx.msk @p2 [tilespmem:v17+s1+$0x0], $0xffff;
	v29 =	vadd.s32 @p3 $0x1800, v23;
	[tilespmem:s0+$0x0] =	vst @p4 v24;
	v24 =	vadd.s32 @p1 $0xC00, v11  }
0x349: {  	v22 =	vadd.s32 @p3 $0x1C00, v22;
	v18 =	vpsel p3, v29, v18;
	v26 =	vld.idx.msk @p1 [tilespmem:v26+s31+$0x0], $0xffff;
	[tilespmem:s17+$0xFFFFF030] =	vst v42  }
0x34a: {  	v19 =	vpsel p3, v22, v19;
	v46 =	vld.idx.msk [tilespmem:v44+s25+$0x0], $0xffff;
	[tilespmem:s17+$0xFFFFF280] =	vst v47  }
0x34b: {  	v48 =	vadd.s32 $0x800, v3;
	s0 =	smov.u32 s28;
	v51 =	vld.idx.msk [tilespmem:v49+s25+$0x0], $0xffff  }
0x34c: {  	v53 =	vadd.s32 $0xC00, v2;
	v21 =	vmovc @p2 v35;
	v15 =	vpsel p3, v28, v15;
	s16 =	smov.u32 s26;
	[tilespmem:s18+$0xFFFFF4C0] =	vst @p1 v16;
	v16 =	vadd.s32 @p1 $0x1000, v12;
	v20 =	vld.idx.msk @p2 [tilespmem:v20+s1+$0x0], $0xffff;
	s0 =	smov.u32 @p3 s19  }
0x34d: {  	v6 =	vpsel p2, v21, v6;
	s16 =	smov.u32 @p3 s30;
	v9 =	vpsel p1, v16, v9;
	s19 =	smov.u32 @p2 s29;
	[tilespmem:s0+$0xFFFFFDB0] =	vst @p3 v15;
	v15 =	vld.idx.msk @p1 [tilespmem:v24+s31+$0x0], $0xffff  }
0x34e: {  	v16 =	vadd.s32 @p2 $0x1400, v6;
	v18 =	vld.idx.msk @p3 [tilespmem:v18+s16+$0x0], $0xffff;
	[tilespmem:s19+$0xFFFFF930] =	vst @p2 v17;
	v17 =	vadd.s32 @p1 $0x1000, v11  }
0x34f: {  	v7 =	vpsel p2, v25, v7;
	v19 =	vld.idx.msk @p3 [tilespmem:v19+s16+$0x0], $0xffff;
	v10 =	vpsel p1, v17, v10;
	[tilespmem:s17+$0xFFFFF270] =	vst v46  }
0x350: {  	s20 =	smov.u32 @p1 s31;
	v17 =	vadd.s32 @p2 $0x1400, v7;
	v50 =	vld.idx.msk [tilespmem:v48+s25+$0x0], $0xffff;
	[tilespmem:s17+$0xFFFFF4C0] =	vst v51  }
0x351: {  	v52 =	vadd.s32 $0xC00, v3;
	s26 =	smov.u32 @p1 s20;
	[tilespmem:s18+$0xFFFFF6F0] =	vst @p1 v26;
	v13 =	vld.idx.msk [tilespmem:v53+s25+$0x0], $0xffff  }
0x352: {  	v5 =	vpsel p1, v12, v5;
	v55 =	vadd.s32 $0x1000, v2;
	s28 =	smov.u32 @p1 s18;
	v9 =	vld.idx.msk @p1 [tilespmem:v9+s26+$0x0], $0xffff;
	[tilespmem:s19+$0xFFFFF940] =	vst @p2 v20;
	v8 =	vpsel p1, v15, v8  }
0x353: {  	v15 =	vld.idx.msk @p2 [tilespmem:v16+s1+$0x0], $0xffff;
	[tilespmem:s28+$0xFFFFF700] =	vst @p1 v8;
	v8 =	vadd.s32 @p1 $0x1400, v5  }
0x354: {  	v11 =	vpsel p1, v11, v4;
	v4 =	vpsel p3, v23, v4;
	[tilespmem:s0+$0xFFFFFDC0] =	vst @p3 v18;
	v16 =	vadd.s32 @p2 $0x1800, v6;
	v10 =	vld.idx.msk @p1 [tilespmem:v10+s26+$0x0], $0xffff  }
0x355: {  	v4 =	vadd.s32 @p3 $0x1C00, v4;
	v17 =	vld.idx.msk @p2 [tilespmem:v17+s1+$0x0], $0xffff;
	[tilespmem:s17+$0xFFFFF4B0] =	vst v50  }
0x356: {  	s18 =	smov.u32 @p1 s28;
	v20 =	vadd.s32 @p1 $0x1400, v11;
	v14 =	vld.idx.msk [tilespmem:v52+s25+$0x0], $0xffff;
	[tilespmem:s17+$0xFFFFF700] =	vst v13  }
0x357: {  	v54 =	vadd.s32 $0x1000, v3;
	[tilespmem:s18+$0xFFFFF930] =	vst @p1 v9;
	v57 =	vld.idx.msk [tilespmem:v55+s25+$0x0], $0xffff  }
0x358: {  	v59 =	vadd.s32 $0x1400, v2;
	[tilespmem:s19+$0xFFFFFB70] =	vst @p2 v15;
	v8 =	vld.idx.msk @p1 [tilespmem:v8+s26+$0x0], $0xffff  }
0x359: {  	v15 =	vld.idx.msk @p2 [tilespmem:v16+s1+$0x0], $0xffff;
	[tilespmem:s18+$0xFFFFF940] =	vst @p1 v10;
	v10 =	vmov @p1 v11;
	v11 =	vadd.s32 @p1 $0x1800, v5  }
0x35a: {  	v18 =	vadd.s32 @p2 $0x1800, v7;
	v4 =	vld.idx.msk @p3 [tilespmem:v4+s16+$0x0], $0xffff;
	[tilespmem:s19+$0xFFFFFB80] =	vst @p2 v17  }
0x35b: {  	v16 =	vld.idx.msk @p1 [tilespmem:v20+s26+$0x0], $0xffff;
	v17 =	vadd.s32 @p1 $0x1800, v10;
	[tilespmem:s17+$0xFFFFF6F0] =	vst v14;
	v14 =	vpsel p2, v18, v0  }
0x35c: {  	v17 =	vpsel p1, v17, v0;
	v56 =	vld.idx.msk [tilespmem:v54+s25+$0x0], $0xffff;
	[tilespmem:s17+$0xFFFFF940] =	vst v57  }
0x35d: {  	v58 =	vadd.s32 $0x1400, v3;
	s20 =	smov.u32 @p1 s26;
	v6 =	vadd.s32 @p2 $0x1C00, v6;
	s19 =	smov.u32 @p2 s19;
	[tilespmem:s18+$0xFFFFFB70] =	vst @p1 v8;
	v9 =	vld.idx.msk [tilespmem:v59+s25+$0x0], $0xffff  }
0x35e: {  	[tilespmem:s0+$0xFFFFFFF0] =	vst @p3 v19;
	v6 =	vpsel p2, v6, v0;
	s16 =	smov.u32 @p2 s19;
	v15 =	vpsel p2, v15, v0;
	v11 =	vld.idx.msk @p1 [tilespmem:v11+s20+$0x0], $0xffff  }
0x35f: {  	v61 =	vadd.s32 $0x1800, v2;
	s1 =	smov.u32 @p2 s1;
	v5 =	vadd.s32 @p1 $0x1C00, v5;
	[tilespmem:s16+$0xFFFFFDB0] =	vst @p2 v15  }
0x360: {  	v7 =	vpsel p2, v7, v0;
	s19 =	smov.u32 @p1 s20;
	v5 =	vpsel p1, v5, v0;
	[tilespmem:s18+$0xFFFFFB80] =	vst @p1 v16;
	v14 =	vld.idx.msk @p2 [tilespmem:v14+s1+$0x0], $0xffff  }
0x361: {  	v7 =	vadd.s32 @p2 $0x1C00, v7;
	s0 =	smov.u32 @p3 s0;
	v4 =	vpsel p3, v4, v0;
	v10 =	vpsel p1, v10, v0;
	v15 =	vld.idx.msk @p1 [tilespmem:v17+s19+$0x0], $0xffff;
	[tilespmem:s17+$0xFFFFF930] =	vst v56  }
0x362: {  	[tilespmem:s0+$0x0] =	vst @p3 v4;
	v10 =	vadd.s32 @p1 $0x1C00, v10;
	v12 =	vld.idx.msk [tilespmem:v58+s25+$0x0], $0xffff  }
0x363: {  	v60 =	vadd.s32 $0x1800, v3;
	v6 =	vld.idx.msk @p2 [tilespmem:v6+s1+$0x0], $0xffff;
	s18 =	smov.u32 @p1 s18;
	[tilespmem:s17+$0xFFFFFB80] =	vst v9;
	v9 =	vpsel p1, v11, v0  }
0x364: {  	v62 =	vld.idx.msk [tilespmem:v61+s25+$0x0], $0xffff;
	[tilespmem:s18+$0xFFFFFDB0] =	vst @p1 v9  }
0x365: {  	v5 =	vld.idx.msk @p1 [tilespmem:v5+s19+$0x0], $0xffff;
	[tilespmem:s16+$0xFFFFFDC0] =	vst @p2 v14  }
0x366: {  	[tilespmem:s18+$0xFFFFFDC0] =	vst @p1 v15;
	v7 =	vld.idx.msk @p2 [tilespmem:v7+s1+$0x0], $0xffff  }
0x367: {  	v4 =	vld.idx.msk @p1 [tilespmem:v10+s19+$0x0], $0xffff;
	[tilespmem:s17+$0xFFFFFB70] =	vst v12  }
0x368: {  	v2 =	vadd.s32 $0x1C00, v2;
	v8 =	vld.idx.msk [tilespmem:v60+s25+$0x0], $0xffff  }
0x369: {  	v3 =	vadd.s32 $0x1C00, v3;
	[tilespmem:s16+$0xFFFFFFF0] =	vst @p2 v6  }
0x36a: {  	s0 =	simm.s32 $0x10;
	[tilespmem:s17+$0xFFFFFDC0] =	vst v62  }
0x36b: {  	v63 =	vor.u32 s0, v0;
	s0 =	smov.u32 @p2 s16;
	[tilespmem:s18+$0xFFFFFFF0] =	vst @p1 v5;
	v6 =	vpsel p2, v7, v0  }
0x36c: {  	[tilespmem:s0+$0x0] =	vst @p2 v6  }
0x36d: {  	v5 =	vpsel p1, v4, v0;
	v7 =	vld.idx.msk [tilespmem:v2+s25+$0x0], $0xffff;
	s0 =	smov.u32 @p1 s18;
	[tilespmem:s17+$0xFFFFFDB0] =	vst v8  }
0x36e: {  	v2 =	vmulhi.u32 $0xAAAAAAAB, v63;
	[tilespmem:s0+$0x0] =	vst @p1 v5;
	p1 =	por $0x1, $0x1;
	v3 =	vld.idx.msk [tilespmem:v3+s25+$0x0], $0xffff  }
.Ltmp29:
0x36f: {  	_ = 	snop;
	(pc) =	sbr.rel @!p1 .LBB2_60-.Ltmp29, $4  }
0x370: {  	v4 =	vshrl.u32 v2, $0x4  }
0x371: {  	p5 =	por $0x0, $0x0;
	v5 =	vmul.u32 $0x1FFFFFE8, v4  }
0x372: {  	p0 =	por $0x0, $0x0;
	p4 =	por $0x0, $0x0;
	s28 =	simm.s32 $0x9BD0;
	v2 =	vor.u32 s25, v0;
	[tilespmem:s17+$0x0] =	vst v7  }
0x373: {  	p3 =	por $0x0, $0x0;
	s26 =	simm.s32 $0x20;
	p2 =	por $0x0, $0x0;
	v5 =	vadd.s32 v63, v5;
	[tilespmem:s17+$0xFFFFFFF0] =	vst v3;
	v3 =	vmulhi.u32 $0xAAAAAAAB, v2  }
0x374: {  	_ = 	snop  }
0x375: {  	v6 =	vshrl.u32 v3, $0x4  }
0x376: {  	v7 =	vmul.u32 $0xFFFFFFE8, v6;
	_ =	sdelay $0x1  }
0x377: {  	v8 =	vmov s25;
	v7 =	vadd.s32 v2, v7  }
0x378: {  	vm1 =	veq.s32 v8, v0;
	vm0 =	vne.s32 v7, $0x0  }
0x379: {  	v8 =	vmul.u32 $0x18, v5;
	vm0 =	vmand vm1, vm0  }
0x37a: {  	v7 =	vmul.u32 $0x18, v7;
	v9 =	vsel vm0, $0xFFFFFFFF, v1  }
0x37b: {  	v8 =	vadd.s32 v4, v8;
	v6 =	vadd.s32 v9, v6  }
0x37c: {  	v62 =	vand.u32 $0x7, v4;
	v8 =	vand.u32 $0x1FFFFFF8, v8;
	v7 =	vadd.s32 v7, v6  }
0x37d: {  	s0 =	simm.s32 $0x30;
	v8 =	vor.u32 v62, v8;
	v6 =	vand.u32 $0x7, v6;
	v7 =	vand.u32 $0xFFFFFFF8, v7  }
0x37e: {  	v63 =	vor.u32 s0, v0;
	v8 =	vadd.s32 $0xB40, v8;
	v6 =	vor.u32 v6, v7  }
0x37f: {  	p1 =	por $0x1, $0x1;
	v7 =	vmulhi.u32 $0xAAAAAAAB, v63;
	v10 =	vadd.s32 $0xB40, v6  }
.Ltmp30:
0x380: {  	_ = 	snop;
	(pc) =	sbr.rel @!p1 .LBB2_62-.Ltmp30, $4  }
0x381: {  	v23 =	vshrl.u32 v7, $0x4  }
0x382: {  	v7 =	vmul.u32 $0x1FFFFFE8, v23  }
0x383: {  	v28 =	vor.u32 s26, v0;
	v6 =	vld.idx.msk [tilespmem:v8+s15+$0x0], $0xffff  }
0x384: {  	s16 =	simm.s32 $0x40;
	p2 =	por $0x1, $0x1;
	v34 =	vmulhi.u32 $0xAAAAAAAB, v28;
	v33 =	vadd.s32 v63, v7;
	v7 =	vld.idx.msk [tilespmem:v10+s15+$0x0], $0xffff  }
0x385: {  	_ = 	snop  }
0x386: {  	v8 =	vshrl.u32 v34, $0x4  }
0x387: {  	v9 =	vmul.u32 $0xFFFFFFE8, v8;
	_ =	sdelay $0x1  }
0x388: {  	v11 =	vmov s26;
	v9 =	vadd.s32 v28, v9  }
0x389: {  	v10 =	vmul.u32 $0x18, v33;
	vm1 =	veq.s32 v11, v0;
	vm0 =	vne.s32 v9, $0x0  }
0x38a: {  	vm0 =	vmand vm1, vm0  }
0x38b: {  	v10 =	vadd.s32 v23, v10;
	v9 =	vmul.u32 $0x18, v9;
	v12 =	vsel vm0, $0xFFFFFFFF, v1  }
0x38c: {  	v11 =	vand.u32 $0x7, v23;
	v10 =	vand.u32 $0x1FFFFFF8, v10;
	v63 =	vld.idx.msk [tilespmem:v6+s25+$0x0], $0xffff;
	v8 =	vadd.s32 v12, v8  }
0x38d: {  	v15 =	vadd.s32 $0x400, v6;
	v10 =	vor.u32 v11, v10;
	v9 =	vadd.s32 v9, v8  }
0x38e: {  	s0 =	simm.s32 $0x50;
	v11 =	vld.idx.msk [tilespmem:v7+s25+$0x0], $0xffff;
	v10 =	vadd.s32 $0xB40, v10;
	v8 =	vand.u32 $0x7, v8;
	v9 =	vand.u32 $0xFFFFFFF8, v9  }
0x38f: {  	v14 =	vor.u32 s0, v0;
	v13 =	vadd.s32 $0x400, v7;
	v8 =	vor.u32 v8, v9  }
0x390: {  	p1 =	por $0x1, $0x1;
	v16 =	vmulhi.u32 $0xAAAAAAAB, v14;
	v8 =	vadd.s32 $0xB40, v8  }
.Ltmp31:
0x391: {  	[tilespmem:s28+$0xFFFFF040] =	vst v63;
	(pc) =	sbr.rel @!p1 .LBB2_64-.Ltmp31, $4  }
0x392: {  	v23 =	vshrl.u32 v16, $0x4;
	v31 =	vld.idx.msk [tilespmem:v15+s25+$0x0], $0xffff  }
0x393: {  	[tilespmem:s28+$0xFFFFF030] =	vst v11;
	v9 =	vld.idx.msk [tilespmem:v10+s15+$0x0], $0xffff;
	v10 =	vmul.u32 $0x1FFFFFE8, v23  }
0x394: {  	v28 =	vor.u32 s16, v0;
	v30 =	vld.idx.msk [tilespmem:v13+s25+$0x0], $0xffff  }
0x395: {  	p3 =	por $0x1, $0x1;
	s0 =	simm.s32 $0x60;
	v37 =	vadd.s32 $0x800, v7;
	v34 =	vmulhi.u32 $0xAAAAAAAB, v28;
	v33 =	vadd.s32 v14, v10;
	v8 =	vld.idx.msk [tilespmem:v8+s15+$0x0], $0xffff  }
0x396: {  	_ =	sdelay $0x1  }
0x397: {  	v10 =	vshrl.u32 v34, $0x4  }
0x398: {  	v11 =	vadd.s32 $0x800, v6;
	v12 =	vmul.u32 $0xFFFFFFE8, v10;
	_ =	sdelay $0x1  }
0x399: {  	v13 =	vmul.u32 $0x18, v33;
	v14 =	vmov s16;
	v12 =	vadd.s32 v28, v12  }
0x39a: {  	v16 =	vadd.s32 $0xC00, v7;
	vm1 =	veq.s32 v14, v0;
	v18 =	vld.idx.msk [tilespmem:v9+s25+$0x0], $0xffff;
	[tilespmem:s28+$0xFFFFF270] =	vst v30;
	vm0 =	vne.s32 v12, $0x0  }
0x39b: {  	v14 =	vand.u32 $0x7, v23;
	[tilespmem:s28+$0xFFFFF280] =	vst v31;
	v13 =	vadd.s32 v23, v13;
	v15 =	vld.idx.msk [tilespmem:v37+s25+$0x0], $0xffff;
	vm0 =	vmand vm1, vm0  }
0x39c: {  	v13 =	vand.u32 $0x1FFFFFF8, v13;
	v11 =	vld.idx.msk [tilespmem:v11+s25+$0x0], $0xffff;
	v12 =	vmul.u32 $0x18, v12;
	v17 =	vsel vm0, $0xFFFFFFFF, v1  }
0x39d: {  	v20 =	vadd.s32 $0x400, v9;
	v13 =	vor.u32 v14, v13;
	v10 =	vadd.s32 v17, v10  }
0x39e: {  	s29 =	simm.s32 $0x9BF0;
	v13 =	vadd.s32 $0xB40, v13;
	v12 =	vadd.s32 v12, v10  }
0x39f: {  	s1 =	simm.s32 $0x70;
	v14 =	vadd.s32 $0xC00, v6;
	v63 =	vld.idx.msk [tilespmem:v8+s25+$0x0], $0xffff;
	[tilespmem:s29+$0xFFFFF040] =	vst v18;
	v10 =	vand.u32 $0x7, v10;
	v12 =	vand.u32 $0xFFFFFFF8, v12  }
0x3a0: {  	v19 =	vadd.s32 $0x400, v8;
	[tilespmem:s28+$0xFFFFF4B0] =	vst v15;
	v15 =	vor.u32 s1, v0;
	v10 =	vor.u32 v10, v12  }
0x3a1: {  	p1 =	por $0x1, $0x1;
	v16 =	vld.idx.msk [tilespmem:v16+s25+$0x0], $0xffff;
	[tilespmem:s28+$0xFFFFF4C0] =	vst v11;
	v11 =	vmulhi.u32 $0xAAAAAAAB, v15;
	v21 =	vadd.s32 $0xB40, v10  }
.Ltmp32:
0x3a2: {  	v31 =	vld.idx.msk [tilespmem:v20+s25+$0x0], $0xffff;
	(pc) =	sbr.rel @!p1 .LBB2_66-.Ltmp32, $4  }
0x3a3: {  	v13 =	vld.idx.msk [tilespmem:v13+s15+$0x0], $0xffff;
	v23 =	vshrl.u32 v11, $0x4  }
0x3a4: {  	v28 =	vor.u32 s0, v0;
	[tilespmem:s29+$0xFFFFF030] =	vst v63;
	v10 =	vld.idx.msk [tilespmem:v14+s25+$0x0], $0xffff;
	v14 =	vmul.u32 $0x1FFFFFE8, v23  }
0x3a5: {  	v37 =	vadd.s32 $0x800, v8;
	v34 =	vmulhi.u32 $0xAAAAAAAB, v28;
	v30 =	vld.idx.msk [tilespmem:v19+s25+$0x0], $0xffff  }
0x3a6: {  	s16 =	simm.s32 $0x80;
	p4 =	por $0x1, $0x1;
	v12 =	vadd.s32 $0x1000, v6;
	v11 =	vadd.s32 $0x1000, v7;
	v33 =	vadd.s32 v15, v14;
	[tilespmem:s28+$0xFFFFF6F0] =	vst v16;
	v14 =	vld.idx.msk [tilespmem:v21+s15+$0x0], $0xffff  }
0x3a7: {  	_ =	sdelay $0x2  }
0x3a8: {  	v17 =	vshrl.u32 v34, $0x4  }
0x3a9: {  	v15 =	vmul.u32 $0x18, v33;
	v16 =	vadd.s32 $0x800, v9;
	v18 =	vld.idx.msk [tilespmem:v11+s25+$0x0], $0xffff;
	v19 =	vmul.u32 $0xFFFFFFE8, v17  }
0x3aa: {  	v20 =	vadd.s32 $0x1400, v7;
	v22 =	vand.u32 $0x7, v23;
	v25 =	vadd.s32 $0x1400, v6;
	[tilespmem:s28+$0xFFFFF700] =	vst v10  }
0x3ab: {  	v15 =	vadd.s32 v23, v15;
	v23 =	vmov s0;
	v21 =	vld.idx.msk [tilespmem:v12+s25+$0x0], $0xffff;
	[tilespmem:s29+$0xFFFFF270] =	vst v30;
	v19 =	vadd.s32 v28, v19  }
0x3ac: {  	v15 =	vand.u32 $0x1FFFFFF8, v15;
	vm1 =	veq.s32 v23, v0;
	v24 =	vld.idx.msk [tilespmem:v37+s25+$0x0], $0xffff;
	vm0 =	vne.s32 v19, $0x0  }
0x3ad: {  	[tilespmem:s29+$0xFFFFF280] =	vst v31;
	v26 =	vld.idx.msk [tilespmem:v13+s25+$0x0], $0xffff;
	v15 =	vor.u32 v22, v15;
	v22 =	vadd.s32 $0xC00, v8;
	vm0 =	vmand vm1, vm0  }
0x3ae: {  	v16 =	vld.idx.msk [tilespmem:v16+s25+$0x0], $0xffff;
	[tilespmem:s28+$0xFFFFF930] =	vst v18;
	v18 =	vmul.u32 $0x18, v19;
	v15 =	vadd.s32 $0xB40, v15;
	v19 =	vsel vm0, $0xFFFFFFFF, v1  }
0x3af: {  	v23 =	vadd.s32 $0xC00, v9;
	v20 =	vld.idx.msk [tilespmem:v20+s25+$0x0], $0xffff;
	v17 =	vadd.s32 v19, v17  }
0x3b0: {  	v19 =	vld.idx.msk [tilespmem:v14+s25+$0x0], $0xffff;
	[tilespmem:s28+$0xFFFFF940] =	vst v21;
	v18 =	vadd.s32 v18, v17;
	v21 =	vadd.s32 $0x1800, v7  }
0x3b1: {  	s31 =	simm.s32 $0x90;
	v17 =	vand.u32 $0x7, v17;
	v27 =	vld.idx.msk [tilespmem:v25+s25+$0x0], $0xffff;
	v18 =	vand.u32 $0xFFFFFFF8, v18;
	v25 =	vadd.s32 $0x400, v14;
	[tilespmem:s29+$0xFFFFF4B0] =	vst v24  }
0x3b2: {  	v29 =	vor.u32 s31, v0;
	v30 =	vadd.s32 $0x400, v13;
	v17 =	vor.u32 v17, v18;
	v31 =	vld.idx.msk [tilespmem:v22+s25+$0x0], $0xffff  }
0x3b3: {  	p1 =	por $0x1, $0x1;
	[tilespmem:s29+$0xFFFFF4C0] =	vst v16;
	v22 =	vmulhi.u32 $0xAAAAAAAB, v29;
	v18 =	vld.idx.msk [tilespmem:v15+s15+$0x0], $0xffff;
	v17 =	vadd.s32 $0xB40, v17  }
.Ltmp33:
0x3b4: {  	s1 =	simm.s32 $0x9C10;
	v16 =	vld.idx.msk [tilespmem:v23+s25+$0x0], $0xffff;
	[tilespmem:s28+$0xFFFFFB70] =	vst v20;
	(pc) =	sbr.rel @!p1 .LBB2_68-.Ltmp33, $4  }
0x3b5: {  	v28 =	vor.u32 s16, v0;
	v23 =	vshrl.u32 v22, $0x4;
	[tilespmem:s1+$0xFFFFF030] =	vst v19;
	v15 =	vld.idx.msk [tilespmem:v21+s25+$0x0], $0xffff  }
0x3b6: {  	v34 =	vmulhi.u32 $0xAAAAAAAB, v28;
	[tilespmem:s1+$0xFFFFF040] =	vst v26;
	v32 =	vmul.u32 $0x1FFFFFE8, v23;
	v24 =	vld.idx.msk [tilespmem:v25+s25+$0x0], $0xffff  }
0x3b7: {  	v20 =	vadd.s32 $0x1800, v6;
	v19 =	vadd.s32 $0x1000, v8;
	v22 =	vadd.s32 $0x1000, v9;
	v25 =	vld.idx.msk [tilespmem:v30+s25+$0x0], $0xffff;
	[tilespmem:s28+$0xFFFFFB80] =	vst v27  }
0x3b8: {  	s19 =	simm.s32 $0xA0;
	p5 =	por $0x1, $0x1;
	v21 =	vadd.s32 $0x1C00, v7;
	v27 =	vadd.s32 $0x800, v14;
	v33 =	vadd.s32 v29, v32;
	[tilespmem:s29+$0xFFFFF6F0] =	vst v31;
	v17 =	vld.idx.msk [tilespmem:v17+s15+$0x0], $0xffff  }
0x3b9: {  	_ =	sdelay $0x3  }
0x3ba: {  	v29 =	vadd.s32 $0x800, v13;
	v30 =	vld.idx.msk [tilespmem:v19+s25+$0x0], $0xffff  }
0x3bb: {  	v26 =	vmul.u32 $0x18, v33;
	[tilespmem:s29+$0xFFFFF700] =	vst v16;
	v31 =	vshrl.u32 v34, $0x4;
	v35 =	vld.idx.msk [tilespmem:v20+s25+$0x0], $0xffff  }
0x3bc: {  	v58 =	vadd.s32 $0x1400, v8;
	v37 =	vmov s16;
	v32 =	vld.idx.msk [tilespmem:v22+s25+$0x0], $0xffff;
	v57 =	vmul.u32 $0xFFFFFFE8, v31;
	[tilespmem:s28+$0xFFFFFDB0] =	vst v15  }
0x3bd: {  	v60 =	vadd.s32 $0x1C00, v6;
	vm1 =	veq.s32 v37, v0;
	[tilespmem:s1+$0xFFFFF270] =	vst v24;
	v36 =	vld.idx.msk [tilespmem:v21+s25+$0x0], $0xffff  }
0x3be: {  	v38 =	vadd.s32 $0x1400, v9;
	v26 =	vadd.s32 v23, v26;
	v28 =	vadd.s32 v28, v57;
	v59 =	vld.idx.msk [tilespmem:v27+s25+$0x0], $0xffff;
	[tilespmem:s1+$0xFFFFF280] =	vst v25  }
0x3bf: {  	v23 =	vand.u32 $0x7, v23;
	v26 =	vand.u32 $0x1FFFFFF8, v26;
	vm0 =	vne.s32 v28, $0x0;
	v29 =	vld.idx.msk [tilespmem:v29+s25+$0x0], $0xffff  }
0x3c0: {  	v39 =	vadd.s32 $0xC00, v14;
	v23 =	vor.u32 v23, v26;
	v26 =	vld.idx.msk [tilespmem:v18+s25+$0x0], $0xffff;
	vm0 =	vmand vm1, vm0;
	[tilespmem:s29+$0xFFFFF930] =	vst v30  }
0x3c1: {  	v28 =	vmul.u32 $0x18, v28;
	v23 =	vadd.s32 $0xB40, v23;
	[tilespmem:s28+$0xFFFFFDC0] =	vst v35;
	v30 =	vsel vm0, $0xFFFFFFFF, v1;
	v34 =	vld.idx.msk [tilespmem:v58+s25+$0x0], $0xffff  }
0x3c2: {  	v40 =	vadd.s32 $0xC00, v13;
	v61 =	vadd.s32 $0x1800, v8;
	s0 =	simm.s32 $0xB0;
	[tilespmem:s29+$0xFFFFF940] =	vst v32;
	v32 =	vld.idx.msk [tilespmem:v60+s25+$0x0], $0xffff;
	v30 =	vadd.s32 v30, v31  }
0x3c3: {  	v62 =	vor.u32 s0, v0;
	v43 =	vadd.s32 $0x400, v17;
	v31 =	vld.idx.msk [tilespmem:v17+s25+$0x0], $0xffff;
	v28 =	vadd.s32 v28, v30;
	[tilespmem:s1+$0xFFFFF4B0] =	vst v59  }
0x3c4: {  	v45 =	vld.idx.msk [tilespmem:v38+s25+$0x0], $0xffff;
	v30 =	vand.u32 $0x7, v30;
	v28 =	vand.u32 $0xFFFFFFF8, v28;
	[tilespmem:s1+$0xFFFFF4C0] =	vst v29;
	v29 =	vmulhi.u32 $0xAAAAAAAB, v62  }
0x3c5: {  	v63 =	vadd.s32 $0x400, v18;
	v39 =	vld.idx.msk [tilespmem:v39+s25+$0x0], $0xffff;
	v28 =	vor.u32 v30, v28  }
0x3c6: {  	p1 =	por $0x1, $0x1;
	[tilespmem:s28+$0xFFFFFFF0] =	vst v36;
	v46 =	vld.idx.msk [tilespmem:v23+s15+$0x0], $0xffff;
	v47 =	vadd.s32 $0xB40, v28;
	v23 =	vshrl.u32 v29, $0x4  }
.Ltmp34:
0x3c7: {  	s16 =	simm.s32 $0x9C30;
	v38 =	vadd.s32 $0x1000, v14;
	v36 =	vld.idx.msk [tilespmem:v40+s25+$0x0], $0xffff;
	[tilespmem:s29+$0xFFFFFB70] =	vst v34;
	v29 =	vmul.u32 $0x1FFFFFE8, v23;
	(pc) =	sbr.rel @!p1 .LBB2_70-.Ltmp34, $4  }
0x3c8: {  	v41 =	vadd.s32 $0x1000, v13;
	[tilespmem:s16+$0xFFFFF030] =	vst v31;
	v42 =	vld.idx.msk [tilespmem:v61+s25+$0x0], $0xffff  }
0x3c9: {  	[tilespmem:s16+$0xFFFFF040] =	vst v26;
	v30 =	vld.idx.msk [tilespmem:v43+s25+$0x0], $0xffff;
	v43 =	vadd.s32 $0x1800, v9  }
0x3ca: {  	v44 =	vadd.s32 $0x1C00, v8;
	s18 =	simm.s32 $0xC0;
	v37 =	vadd.s32 $0x800, v17;
	v35 =	vmovc v9;
	v28 =	vor.u32 s19, v0;
	v31 =	vld.idx.msk [tilespmem:v63+s25+$0x0], $0xffff;
	[tilespmem:s29+$0xFFFFFB80] =	vst v45  }
0x3cb: {  	p6 =	por $0x1, $0x1;
	s17 =	simm.s32 $0x9BF0;
	s0 =	simm.s32 $0x9BD0;
	v26 =	vmovc v14;
	v34 =	vmulhi.u32 $0xAAAAAAAB, v28;
	[tilespmem:s1+$0xFFFFF6F0] =	vst v39;
	v33 =	vadd.s32 v62, v29;
	v45 =	vld.idx.msk [tilespmem:v47+s15+$0x0], $0xffff;
	v29 =	vmov v13  }
.LBB2_71:
0x3cc: {  	p1 =	slt.u32 s18, $0x220;
	v33 =	vmul.u32 $0x18, v33;
	v39 =	vadd.s32 $0x800, v18;
	v38 =	vld.idx.msk [tilespmem:v38+s25+$0x0], $0xffff;
	[tilespmem:s1+$0xFFFFF700] =	vst v36  }
0x3cd: {  	v34 =	vshrl.u32 v34, $0x4;
	v36 =	vld.idx.msk [tilespmem:v41+s25+$0x0], $0xffff;
	[tilespmem:s0+$0x0] =	vst v32;
	s0 =	smov.u32 s17;
	s17 =	smov.u32 s1;
	s1 =	smov.u32 s16  }
0x3ce: {  	v40 =	vadd.s32 $0x1400, v26;
	v32 =	vmul.u32 $0xFFFFFFE8, v34;
	v33 =	vadd.s32 v23, v33;
	[tilespmem:s0+$0xFFFFFDB0] =	vst v42;
	v41 =	vld.idx.msk [tilespmem:v43+s25+$0x0], $0xffff  }
0x3cf: {  	v23 =	vand.u32 $0x7, v23;
	v33 =	vand.u32 $0x1FFFFFF8, v33;
	[tilespmem:s16+$0xFFFFF270] =	vst v30;
	v30 =	vld.idx.msk [tilespmem:v44+s25+$0x0], $0xffff  }
0x3d0: {  	v42 =	vmov s19;
	s19 =	smov.u32 s18;
	v28 =	vadd.s32 v28, v32;
	v32 =	vld.idx.msk [tilespmem:v37+s25+$0x0], $0xffff;
	[tilespmem:s16+$0xFFFFF280] =	vst v31;
	v31 =	vadd.s32 $0x1400, v29  }
0x3d1: {  	vm1 =	veq.s32 v42, v0;
	vm0 =	vne.s32 v28, $0x0;
	v37 =	vld.idx.msk [tilespmem:v39+s25+$0x0], $0xffff;
	v39 =	vadd.s32 $0x1C00, v35;
	v35 =	vmovc v29;
	v29 =	vmovc v18  }
0x3d2: {  	v42 =	vadd.s32 $0xC00, v17;
	v23 =	vor.u32 v23, v33;
	v18 =	vmovc v46;
	vm0 =	vmand vm1, vm0;
	v33 =	vld.idx.msk [tilespmem:v46+s25+$0x0], $0xffff;
	[tilespmem:s17+$0xFFFFF930] =	vst v38  }
0x3d3: {  	v28 =	vmul.u32 $0x18, v28;
	v43 =	vadd.s32 $0xC00, v29;
	v38 =	vsel vm0, $0xFFFFFFFF, v1;
	v40 =	vld.idx.msk [tilespmem:v40+s25+$0x0], $0xffff;
	[tilespmem:s17+$0xFFFFF940] =	vst v36  }
0x3d4: {  	v23 =	vadd.s32 $0xB40, v23;
	v34 =	vadd.s32 v38, v34;
	v44 =	vld.idx.msk [tilespmem:v45+s25+$0x0], $0xffff;
	[tilespmem:s0+$0xFFFFFDC0] =	vst v41  }
0x3d5: {  	v47 =	vadd.s32 $0x1800, v26;
	v28 =	vadd.s32 v28, v34;
	v48 =	vld.idx.msk [tilespmem:v31+s25+$0x0], $0xffff;
	[tilespmem:s0+$0xFFFFFFF0] =	vst v30  }
0x3d6: {  	s20 =	sadd.s32 $0x10, s18;
	v30 =	vand.u32 $0x7, v34;
	v31 =	vadd.s32 $0x400, v45;
	v28 =	vand.u32 $0xFFFFFFF8, v28;
	[tilespmem:s16+$0xFFFFF4B0] =	vst v32;
	v32 =	vld.idx.msk [tilespmem:v39+s25+$0x0], $0xffff  }
0x3d7: {  	v34 =	vadd.s32 $0x400, v18;
	v39 =	vor.u32 s20, v0;
	v28 =	vor.u32 v30, v28;
	v49 =	vld.idx.msk [tilespmem:v42+s25+$0x0], $0xffff;
	[tilespmem:s16+$0xFFFFF4C0] =	vst v37  }
0x3d8: {  	v30 =	vmulhi.u32 $0xAAAAAAAB, v39;
	v37 =	vadd.s32 $0xB40, v28;
	v36 =	vld.idx.msk [tilespmem:v43+s25+$0x0], $0xffff  }
.Ltmp35:
0x3d9: {  	v38 =	vadd.s32 $0x1000, v17;
	s16 =	sadd.s32 $0x20, s16;
	v46 =	vld.idx.msk [tilespmem:v23+s15+$0x0], $0xffff;
	[tilespmem:s17+$0xFFFFFB70] =	vst v40;
	(pc) =	sbr.rel @p1 .LBB2_71-.Ltmp35, $4  }
0x3da: {  	v41 =	vadd.s32 $0x1000, v29;
	v23 =	vshrl.u32 v30, $0x4;
	[tilespmem:s16+$0xFFFFF030] =	vst v44;
	v42 =	vld.idx.msk [tilespmem:v47+s25+$0x0], $0xffff  }
0x3db: {  	v43 =	vadd.s32 $0x1800, v35;
	v40 =	vmul.u32 $0x1FFFFFE8, v23;
	v30 =	vld.idx.msk [tilespmem:v31+s25+$0x0], $0xffff;
	[tilespmem:s16+$0xFFFFF040] =	vst v33  }
0x3dc: {  	v28 =	vor.u32 s18, v0;
	v44 =	vadd.s32 $0x1C00, v26;
	v26 =	vmovc v17;
	v17 =	vmov v45;
	v31 =	vld.idx.msk [tilespmem:v34+s25+$0x0], $0xffff;
	[tilespmem:s17+$0xFFFFFB80] =	vst v48  }
0x3dd: {  	s18 =	sadd.s32 $0x20, s18;
	v34 =	vmulhi.u32 $0xAAAAAAAB, v28;
	v33 =	vadd.s32 v39, v40;
	v45 =	vld.idx.msk [tilespmem:v37+s15+$0x0], $0xffff;
	v37 =	vadd.s32 $0x800, v17;
	[tilespmem:s1+$0xFFFFF6F0] =	vst v49  }
0x3de: {  	_ =	sdelay $0x2  }
0x3df: {  	s18 =	smov.u32 s1  }
0x3e0: {  	v40 =	vmovc v18;
	v39 =	vmov v17;
	s1 =	smov.u32 s16;
	s16 =	smov.u32 s19;
	v18 =	vmov v46;
	p1 =	por $0x1, $0x1;
	v17 =	vmov v45  }
.LBB2_73:
0x3e1: {  	v34 =	vshrl.u32 v34, $0x4  }
0x3e2: {  	v45 =	vmul.u32 $0xFFFFFFE8, v34  }
0x3e3: {  	v33 =	vmul.u32 $0x18, v33  }
0x3e4: {  	v59 =	vmov s16;
	v61 =	vand.u32 $0x7, v23;
	v28 =	vadd.s32 v28, v45  }
0x3e5: {  	[tilespmem:s18+$0xFFFFF700] =	vst @p4 v36;
	vm1 =	veq.s32 v59, v0;
	v33 =	vadd.s32 v23, v33;
	vm0 =	vne.s32 v28, $0x0  }
0x3e6: {  	v38 =	vld.idx.msk @p4 [tilespmem:v38+s25+$0x0], $0xffff;
	v36 =	vadd.s32 @p3 $0x800, v40;
	[tilespmem:s1+$0xFFFFF270] =	vst @p3 v30;
	v33 =	vand.u32 $0x1FFFFFF8, v33;
	vm0 =	vmand vm1, vm0  }
0x3e7: {  	v37 =	vld.idx.msk @p3 [tilespmem:v37+s25+$0x0], $0xffff;
	v28 =	vmul.u32 $0x18, v28;
	v23 =	vor.u32 v61, v33;
	v60 =	vsel vm0, $0xFFFFFFFF, v1  }
0x3e8: {  	s19 =	smov.u32 @p5 s17;
	v33 =	vld.idx.msk @p5 [tilespmem:v43+s25+$0x0], $0xffff;
	v23 =	vadd.s32 $0xB40, v23;
	v34 =	vadd.s32 v60, v34  }
0x3e9: {  	[tilespmem:s19+$0xFFFFFDB0] =	vst @p5 v42;
	v42 =	vld.idx.msk @p2 [tilespmem:v17+s25+$0x0], $0xffff;
	v28 =	vadd.s32 v28, v34  }
0x3ea: {  	[tilespmem:s1+$0xFFFFF280] =	vst @p3 v31;
	v31 =	vadd.s32 @p3 $0xC00, v39;
	v30 =	vld.idx.msk @p5 [tilespmem:v44+s25+$0x0], $0xffff;
	v34 =	vand.u32 $0x7, v34;
	v28 =	vand.u32 $0xFFFFFFF8, v28  }
0x3eb: {  	[tilespmem:s0+$0x0] =	vst @p6 v32;
	s17 =	smov.u32 @p4 s18;
	v28 =	vor.u32 v34, v28;
	v34 =	vld.idx.msk @p4 [tilespmem:v41+s25+$0x0], $0xffff;
	v41 =	vadd.s32 @p4 $0x1400, v26  }
0x3ec: {  	v36 =	vld.idx.msk @p3 [tilespmem:v36+s25+$0x0], $0xffff;
	[tilespmem:s17+$0xFFFFF930] =	vst @p4 v38;
	v28 =	vadd.s32 $0xB40, v28  }
0x3ed: {  	s0 =	sadd.s32 @p3 $0x20, s1;
	s16 =	smov.u32 s28;
	v38 =	vadd.s32 @p2 $0x400, v17;
	[tilespmem:s19+$0xFFFFFDC0] =	vst @p5 v33;
	v33 =	vmov @p3 v40;
	v23 =	vld.idx.msk [tilespmem:v23+s15+$0x0], $0xffff  }
0x3ee: {  	s16 =	smov.u32 @p3 s0;
	v43 =	vld.idx.msk @p2 [tilespmem:v18+s25+$0x0], $0xffff;
	[tilespmem:s1+$0xFFFFF4B0] =	vst @p3 v37;
	v40 =	vadd.s32 @p3 $0xC00, v33  }
0x3ef: {  	v32 =	vadd.s32 @p4 $0x1400, v29;
	[tilespmem:s16+$0xFFFFF030] =	vst @p2 v42;
	v31 =	vld.idx.msk @p3 [tilespmem:v31+s25+$0x0], $0xffff  }
0x3f0: {  	[tilespmem:s17+$0xFFFFF940] =	vst @p4 v34;
	v34 =	vld.idx.msk @p4 [tilespmem:v41+s25+$0x0], $0xffff  }
0x3f1: {  	v37 =	vadd.s32 @p2 $0x400, v18;
	[tilespmem:s19+$0xFFFFFFF0] =	vst @p5 v30;
	v28 =	vld.idx.msk [tilespmem:v28+s15+$0x0], $0xffff  }
0x3f2: {  	v30 =	vld.idx.msk @p2 [tilespmem:v38+s25+$0x0], $0xffff;
	[tilespmem:s1+$0xFFFFF4C0] =	vst @p3 v36  }
0x3f3: {  	v35 =	vadd.s32 @p5 $0x1C00, v35;
	v40 =	vld.idx.msk @p3 [tilespmem:v40+s25+$0x0], $0xffff  }
0x3f4: {  	v32 =	vld.idx.msk @p4 [tilespmem:v32+s25+$0x0], $0xffff  }
0x3f5: {  	[tilespmem:s16+$0xFFFFF040] =	vst @p2 v43;
	v38 =	vadd.s32 @p4 $0x1800, v26;
	v63 =	vld.idx.msk [tilespmem:v23+s25+$0x0], $0xffff  }
0x3f6: {  	v46 =	vadd.s32 $0x400, v23;
	[tilespmem:s17+$0xFFFFFB70] =	vst @p4 v34;
	v34 =	vld.idx.msk @p2 [tilespmem:v37+s25+$0x0], $0xffff  }
0x3f7: {  	v13 =	vpsel p2, v18, v13;
	v37 =	vadd.s32 @p2 $0x800, v17  }
0x3f8: {  	s0 =	smov.u32 s28;
	s18 =	sadd.s32 @p2 $0x20, s16;
	[tilespmem:s1+$0xFFFFF6F0] =	vst @p3 v31;
	v24 =	vpsel p2, v30, v24;
	v18 =	vpsel p2, v37, v27;
	v27 =	vld.idx.msk @p5 [tilespmem:v35+s25+$0x0], $0xffff  }
0x3f9: {  	s0 =	smov.u32 @p2 s18;
	v31 =	vadd.s32 @p2 $0x800, v13;
	[tilespmem:s16+$0xFFFFF270] =	vst @p2 v24;
	v62 =	vld.idx.msk [tilespmem:v28+s25+$0x0], $0xffff  }
0x3fa: {  	v45 =	vadd.s32 $0x400, v28;
	v37 =	vld.idx.msk @p4 [tilespmem:v38+s25+$0x0], $0xffff;
	[tilespmem:s0+$0xFFFFF040] =	vst v63  }
0x3fb: {  	s29 =	smov.u32 @p3 s1;
	v16 =	vpsel p3, v40, v16;
	[tilespmem:s17+$0xFFFFFB80] =	vst @p4 v32;
	v32 =	vadd.s32 @p3 $0x1000, v39;
	v24 =	vld.idx.msk [tilespmem:v46+s25+$0x0], $0xffff;
	v25 =	vpsel p2, v34, v25  }
0x3fc: {  	[tilespmem:s29+$0xFFFFF700] =	vst @p3 v16;
	v19 =	vpsel p3, v32, v19  }
0x3fd: {  	v14 =	vpsel p2, v17, v14;
	v49 =	vadd.s32 $0x800, v23;
	v17 =	vld.idx.msk @p2 [tilespmem:v18+s25+$0x0], $0xffff;
	[tilespmem:s16+$0xFFFFF280] =	vst @p2 v25  }
0x3fe: {  	s1 =	smov.u32 @p5 s19;
	v27 =	vpsel p5, v27, v0;
	v16 =	vld.idx.msk @p2 [tilespmem:v31+s25+$0x0], $0xffff;
	v25 =	vmov @p4 v29;
	v29 =	vadd.s32 @p2 $0xC00, v14;
	[tilespmem:s0+$0xFFFFF030] =	vst v62  }
0x3ff: {  	[tilespmem:s1+$0x0] =	vst @p5 v27;
	v27 =	vadd.s32 @p2 $0xC00, v13;
	s1 =	smov.u32 s28;
	v47 =	vld.idx.msk [tilespmem:v45+s25+$0x0], $0xffff  }
0x400: {  	v48 =	vadd.s32 $0x800, v28;
	v15 =	vpsel p4, v37, v15;
	s1 =	smov.u32 @p4 s17;
	[tilespmem:s0+$0xFFFFF280] =	vst v24  }
0x401: {  	v35 =	vadd.s32 @p3 $0x1000, v33;
	v19 =	vld.idx.msk @p3 [tilespmem:v19+s25+$0x0], $0xffff;
	[tilespmem:s1+$0xFFFFFDB0] =	vst @p4 v15  }
0x402: {  	v22 =	vpsel p3, v35, v22;
	v31 =	vadd.s32 @p4 $0x1800, v25;
	v50 =	vld.idx.msk [tilespmem:v49+s25+$0x0], $0xffff;
	[tilespmem:s16+$0xFFFFF4B0] =	vst @p2 v17  }
0x403: {  	v20 =	vpsel p4, v31, v20;
	[tilespmem:s16+$0xFFFFF4C0] =	vst @p2 v16;
	v29 =	vld.idx.msk @p2 [tilespmem:v29+s25+$0x0], $0xffff  }
0x404: {  	v26 =	vadd.s32 @p4 $0x1C00, v26;
	v52 =	vadd.s32 $0xC00, v23;
	v16 =	vadd.s32 @p2 $0x1000, v14;
	v15 =	vld.idx.msk @p2 [tilespmem:v27+s25+$0x0], $0xffff;
	[tilespmem:s0+$0xFFFFF270] =	vst v47  }
0x405: {  	v21 =	vpsel p4, v26, v21;
	s17 =	smov.u32 @p3 s29;
	v11 =	vpsel p2, v16, v11;
	v26 =	vld.idx.msk [tilespmem:v48+s25+$0x0], $0xffff  }
0x406: {  	v51 =	vadd.s32 $0xC00, v28;
	v24 =	vmov @p3 v39;
	[tilespmem:s17+$0xFFFFF930] =	vst @p3 v19;
	v19 =	vadd.s32 @p2 $0x1000, v13  }
0x407: {  	v22 =	vld.idx.msk @p3 [tilespmem:v22+s25+$0x0], $0xffff;
	v8 =	vpsel p3, v24, v8;
	v12 =	vpsel p2, v19, v12  }
0x408: {  	v9 =	vpsel p3, v33, v9;
	v16 =	vadd.s32 @p3 $0x1400, v8;
	v20 =	vld.idx.msk @p4 [tilespmem:v20+s25+$0x0], $0xffff;
	[tilespmem:s0+$0xFFFFF4C0] =	vst v50  }
0x409: {  	v19 =	vadd.s32 @p3 $0x1400, v9;
	v17 =	vld.idx.msk [tilespmem:v52+s25+$0x0], $0xffff;
	[tilespmem:s16+$0xFFFFF6F0] =	vst @p2 v29  }
0x40a: {  	v7 =	vpsel p2, v14, v7;
	v53 =	vadd.s32 $0x1000, v23;
	s28 =	smov.u32 @p2 s16;
	v10 =	vpsel p2, v15, v10;
	v11 =	vld.idx.msk @p2 [tilespmem:v11+s25+$0x0], $0xffff;
	[tilespmem:s0+$0xFFFFF4B0] =	vst v26  }
0x40b: {  	[tilespmem:s28+$0xFFFFF700] =	vst @p2 v10;
	v10 =	vadd.s32 @p2 $0x1400, v7;
	v18 =	vld.idx.msk [tilespmem:v51+s25+$0x0], $0xffff  }
0x40c: {  	v24 =	vadd.s32 $0x1000, v28;
	[tilespmem:s17+$0xFFFFF940] =	vst @p3 v22;
	v12 =	vld.idx.msk @p2 [tilespmem:v12+s25+$0x0], $0xffff  }
0x40d: {  	v15 =	vld.idx.msk @p3 [tilespmem:v16+s25+$0x0], $0xffff;
	[tilespmem:s1+$0xFFFFFDC0] =	vst @p4 v20  }
0x40e: {  	v13 =	vpsel p2, v13, v6;
	v16 =	vadd.s32 @p3 $0x1800, v8;
	v19 =	vld.idx.msk @p3 [tilespmem:v19+s25+$0x0], $0xffff;
	s16 =	smov.u32 @p2 s28;
	[tilespmem:s0+$0xFFFFF700] =	vst v17  }
0x40f: {  	v22 =	vadd.s32 @p2 $0x1400, v13;
	v55 =	vld.idx.msk [tilespmem:v53+s25+$0x0], $0xffff;
	[tilespmem:s16+$0xFFFFF930] =	vst @p2 v11  }
0x410: {  	v57 =	vadd.s32 $0x1400, v23;
	v10 =	vld.idx.msk @p2 [tilespmem:v10+s25+$0x0], $0xffff;
	[tilespmem:s0+$0xFFFFF6F0] =	vst v18  }
0x411: {  	[tilespmem:s16+$0xFFFFF940] =	vst @p2 v12;
	v12 =	vadd.s32 @p2 $0x1800, v7;
	v54 =	vld.idx.msk [tilespmem:v24+s25+$0x0], $0xffff  }
0x412: {  	v56 =	vadd.s32 $0x1400, v28;
	v21 =	vld.idx.msk @p4 [tilespmem:v21+s25+$0x0], $0xffff;
	v20 =	vadd.s32 @p3 $0x1800, v9;
	[tilespmem:s17+$0xFFFFFB70] =	vst @p3 v15  }
0x413: {  	v6 =	vpsel p4, v25, v6;
	[tilespmem:s17+$0xFFFFFB80] =	vst @p3 v19;
	v16 =	vld.idx.msk @p3 [tilespmem:v16+s25+$0x0], $0xffff;
	v18 =	vpsel p3, v20, v0  }
0x414: {  	v6 =	vadd.s32 @p4 $0x1C00, v6;
	v19 =	vadd.s32 @p2 $0x1800, v13;
	v17 =	vld.idx.msk @p2 [tilespmem:v22+s25+$0x0], $0xffff;
	[tilespmem:s0+$0xFFFFF940] =	vst v55  }
0x415: {  	v8 =	vadd.s32 @p3 $0x1C00, v8;
	v19 =	vpsel p2, v19, v0;
	v11 =	vld.idx.msk [tilespmem:v57+s25+$0x0], $0xffff;
	[tilespmem:s16+$0xFFFFFB70] =	vst @p2 v10  }
0x416: {  	v8 =	vpsel p3, v8, v0;
	v12 =	vld.idx.msk @p2 [tilespmem:v12+s25+$0x0], $0xffff;
	[tilespmem:s0+$0xFFFFF930] =	vst v54  }
0x417: {  	v59 =	vadd.s32 $0x1800, v23;
	v14 =	vld.idx.msk [tilespmem:v56+s25+$0x0], $0xffff  }
0x418: {  	v58 =	vadd.s32 $0x1800, v28;
	[tilespmem:s1+$0xFFFFFFF0] =	vst @p4 v21;
	v9 =	vpsel p3, v9, v0;
	v18 =	vld.idx.msk @p3 [tilespmem:v18+s25+$0x0], $0xffff  }
0x419: {  	v6 =	vld.idx.msk @p4 [tilespmem:v6+s25+$0x0], $0xffff;
	v9 =	vadd.s32 @p3 $0x1C00, v9;
	s17 =	smov.u32 @p3 s17;
	v7 =	vadd.s32 @p2 $0x1C00, v7;
	v16 =	vpsel p3, v16, v0;
	[tilespmem:s16+$0xFFFFFB80] =	vst @p2 v17  }
0x41a: {  	v13 =	vpsel p2, v13, v0;
	v7 =	vpsel p2, v7, v0;
	[tilespmem:s17+$0xFFFFFDB0] =	vst @p3 v16;
	v16 =	vld.idx.msk @p2 [tilespmem:v19+s25+$0x0], $0xffff  }
0x41b: {  	v13 =	vadd.s32 @p2 $0x1C00, v13;
	v8 =	vld.idx.msk @p3 [tilespmem:v8+s25+$0x0], $0xffff;
	[tilespmem:s0+$0xFFFFFB80] =	vst v11  }
0x41c: {  	v61 =	vld.idx.msk [tilespmem:v59+s25+$0x0], $0xffff;
	[tilespmem:s0+$0xFFFFFB70] =	vst v14  }
0x41d: {  	v62 =	vadd.s32 $0x1C00, v23;
	s16 =	smov.u32 @p2 s16;
	v11 =	vpsel p2, v12, v0;
	[tilespmem:s17+$0xFFFFFDC0] =	vst @p3 v18;
	v10 =	vld.idx.msk [tilespmem:v58+s25+$0x0], $0xffff  }
0x41e: {  	v60 =	vadd.s32 $0x1C00, v28;
	[tilespmem:s16+$0xFFFFFDB0] =	vst @p2 v11;
	v9 =	vld.idx.msk @p3 [tilespmem:v9+s25+$0x0], $0xffff  }
0x41f: {  	s1 =	smov.u32 @p4 s1;
	v6 =	vpsel p4, v6, v0;
	[tilespmem:s16+$0xFFFFFDC0] =	vst @p2 v16;
	v7 =	vld.idx.msk @p2 [tilespmem:v7+s25+$0x0], $0xffff  }
0x420: {  	[tilespmem:s1+$0x0] =	vst @p4 v6;
	v6 =	vld.idx.msk @p2 [tilespmem:v13+s25+$0x0], $0xffff  }
0x421: {  	[tilespmem:s0+$0xFFFFFDC0] =	vst v61  }
0x422: {  	v63 =	vld.idx.msk [tilespmem:v62+s25+$0x0], $0xffff;
	[tilespmem:s0+$0xFFFFFDB0] =	vst v10  }
0x423: {  	[tilespmem:s17+$0xFFFFFFF0] =	vst @p3 v8;
	v10 =	vld.idx.msk [tilespmem:v60+s25+$0x0], $0xffff  }
.Ltmp36:
0x424: {  	s1 =	smov.u32 @p3 s17;
	v8 =	vpsel p3, v9, v0;
	[tilespmem:s16+$0xFFFFFFF0] =	vst @p2 v7;
	(pc) =	sbr.rel @!p1 .LBB2_74-.Ltmp36, $4  }
0x425: {  	v5 =	vmul.u32 $0x18, v5;
	v6 =	vpsel p2, v6, v0;
	[tilespmem:s1+$0x0] =	vst @p3 v8;
	s1 =	smov.u32 @p2 s16  }
0x426: {  	[tilespmem:s1+$0x0] =	vst @p2 v6  }
0x427: {  	v5 =	vadd.s32 v4, v5;
	[tilespmem:s0+$0x0] =	vst v63  }
0x428: {  	v27 =	vand.u32 $0x1FFFFFF8, v5;
	s28 =	simm.s32 $0xADD0;
	v24 =	vand.u32 $0x7, v4;
	[tilespmem:s0+$0xFFFFFFF0] =	vst v10  }
0x429: {  	v3 =	vshrl.u32 v3, $0x4  }
0x42a: {  	v4 =	vmul.u32 $0xFFFFFFE8, v3;
	_ =	sdelay $0x1  }
0x42b: {  	v5 =	vmov s25;
	v2 =	vadd.s32 v2, v4  }
0x42c: {  	vm1 =	veq.s32 v5, v0;
	vm0 =	vne.s32 v2, $0x0  }
0x42d: {  	s0 =	simm.s32 $0x30;
	vm0 =	vmand vm1, vm0  }
0x42e: {  	v4 =	vor.u32 s0, v0;
	v2 =	vmul.u32 $0x18, v2;
	v5 =	vsel vm0, $0xFFFFFFFF, v1  }
0x42f: {  	v3 =	vadd.s32 v5, v3;
	v5 =	vmulhi.u32 $0xAAAAAAAB, v4  }
0x430: {  	v6 =	vor.u32 v24, v27;
	v2 =	vadd.s32 v2, v3  }
0x431: {  	v3 =	vand.u32 $0x7, v3;
	v5 =	vshrl.u32 v5, $0x4;
	v2 =	vand.u32 $0xFFFFFFF8, v2  }
0x432: {  	v6 =	vadd.s32 $0xD80, v6;
	v7 =	vmul.u32 $0x1FFFFFE8, v5;
	v2 =	vor.u32 v3, v2  }
0x433: {  	p2 =	por $0x1, $0x1;
	v8 =	vadd.s32 $0xD80, v2  }
.Ltmp37:
0x434: {  	v2 =	vadd.s32 v4, v7;
	(pc) =	sbr.rel @!p2 .LBB2_76-.Ltmp37, $3  }
0x435: {  	v3 =	vmul.u32 $0x18, v2;
	_ =	sdelay $0x1  }
0x436: {  	v4 =	vld.idx.msk [tilespmem:v6+s15+$0x0], $0xffff;
	v2 =	vor.u32 s26, v0;
	v6 =	vadd.s32 v5, v3  }
0x437: {  	s25 =	simm.s32 $0x40;
	p1 =	por $0x1, $0x1;
	v24 =	vand.u32 $0x7, v5;
	v3 =	vmulhi.u32 $0xAAAAAAAB, v2;
	v27 =	vand.u32 $0x1FFFFFF8, v6;
	v5 =	vld.idx.msk [tilespmem:v8+s15+$0x0], $0xffff  }
0x438: {  	_ = 	snop  }
0x439: {  	v3 =	vshrl.u32 v3, $0x4  }
0x43a: {  	v6 =	vmul.u32 $0xFFFFFFE8, v3;
	_ =	sdelay $0x1  }
0x43b: {  	v7 =	vmov s26;
	v2 =	vadd.s32 v2, v6  }
0x43c: {  	s0 =	simm.s32 $0x50;
	vm1 =	veq.s32 v7, v0;
	vm0 =	vne.s32 v2, $0x0  }
0x43d: {  	v6 =	vor.u32 s0, v0;
	vm0 =	vmand vm1, vm0  }
0x43e: {  	s26 =	simm.s32 $0x0;
	v7 =	vmulhi.u32 $0xAAAAAAAB, v6;
	v2 =	vmul.u32 $0x18, v2;
	v8 =	vsel vm0, $0xFFFFFFFF, v1  }
0x43f: {  	v9 =	vor.u32 v24, v27;
	v63 =	vld.idx.msk [tilespmem:v5+s26+$0x0], $0xffff;
	v3 =	vadd.s32 v8, v3  }
0x440: {  	v12 =	vadd.s32 $0x400, v5;
	v10 =	vshrl.u32 v7, $0x4;
	v2 =	vadd.s32 v2, v3  }
0x441: {  	v11 =	vld.idx.msk [tilespmem:v4+s26+$0x0], $0xffff;
	v8 =	vadd.s32 $0xD80, v9;
	v3 =	vand.u32 $0x7, v3;
	v2 =	vand.u32 $0xFFFFFFF8, v2  }
0x442: {  	v7 =	vmul.u32 $0x1FFFFFE8, v10;
	v2 =	vor.u32 v3, v2;
	v3 =	vadd.s32 $0x400, v4  }
0x443: {  	p3 =	por $0x1, $0x1;
	v13 =	vadd.s32 $0xD80, v2  }
.Ltmp38:
0x444: {  	[tilespmem:s28+$0xFFFFF030] =	vst v63;
	v2 =	vadd.s32 v6, v7;
	(pc) =	sbr.rel @!p3 .LBB2_78-.Ltmp38, $4  }
0x445: {  	v28 =	vld.idx.msk [tilespmem:v12+s26+$0x0], $0xffff;
	v6 =	vmul.u32 $0x18, v2  }
0x446: {  	[tilespmem:s28+$0xFFFFF040] =	vst v11;
	v7 =	vld.idx.msk [tilespmem:v8+s15+$0x0], $0xffff  }
0x447: {  	v34 =	vadd.s32 $0x800, v5;
	v2 =	vor.u32 s25, v0;
	v6 =	vadd.s32 v10, v6;
	v29 =	vld.idx.msk [tilespmem:v3+s26+$0x0], $0xffff  }
0x448: {  	p2 =	por $0x1, $0x1;
	s0 =	simm.s32 $0x60;
	v24 =	vand.u32 $0x7, v10;
	v3 =	vmulhi.u32 $0xAAAAAAAB, v2;
	v27 =	vand.u32 $0x1FFFFFF8, v6;
	v6 =	vld.idx.msk [tilespmem:v13+s15+$0x0], $0xffff  }
0x449: {  	_ = 	snop  }
0x44a: {  	v3 =	vshrl.u32 v3, $0x4  }
0x44b: {  	v8 =	vmul.u32 $0xFFFFFFE8, v3  }
0x44c: {  	v9 =	vadd.s32 $0x800, v4  }
0x44d: {  	v10 =	vmov s25;
	v2 =	vadd.s32 v2, v8  }
0x44e: {  	[tilespmem:s28+$0xFFFFF270] =	vst v28;
	vm1 =	veq.s32 v10, v0;
	vm0 =	vne.s32 v2, $0x0  }
0x44f: {  	s1 =	simm.s32 $0x70;
	v13 =	vadd.s32 $0xC00, v5;
	v10 =	vor.u32 v24, v27;
	v11 =	vld.idx.msk [tilespmem:v34+s26+$0x0], $0xffff;
	vm0 =	vmand vm1, vm0  }
0x450: {  	[tilespmem:s28+$0xFFFFF280] =	vst v29;
	v8 =	vor.u32 s1, v0;
	v2 =	vmul.u32 $0x18, v2;
	v14 =	vsel vm0, $0xFFFFFFFF, v1  }
0x451: {  	v10 =	vadd.s32 $0xD80, v10;
	v12 =	vmulhi.u32 $0xAAAAAAAB, v8;
	v9 =	vld.idx.msk [tilespmem:v9+s26+$0x0], $0xffff;
	v3 =	vadd.s32 v14, v3  }
0x452: {  	v15 =	vld.idx.msk [tilespmem:v6+s26+$0x0], $0xffff;
	v17 =	vadd.s32 $0x400, v6;
	v14 =	vadd.s32 $0xC00, v4;
	v2 =	vadd.s32 v2, v3  }
0x453: {  	v16 =	vld.idx.msk [tilespmem:v7+s26+$0x0], $0xffff;
	v12 =	vshrl.u32 v12, $0x4;
	v3 =	vand.u32 $0x7, v3;
	v2 =	vand.u32 $0xFFFFFFF8, v2  }
0x454: {  	[tilespmem:s28+$0xFFFFF4B0] =	vst v11;
	v18 =	vmul.u32 $0x1FFFFFE8, v12;
	v2 =	vor.u32 v3, v2;
	v3 =	vadd.s32 $0x400, v7  }
0x455: {  	p4 =	por $0x1, $0x1;
	v13 =	vld.idx.msk [tilespmem:v13+s26+$0x0], $0xffff;
	v19 =	vadd.s32 $0xD80, v2  }
.Ltmp39:
0x456: {  	s29 =	simm.s32 $0xADF0;
	v11 =	vld.idx.msk [tilespmem:v10+s15+$0x0], $0xffff;
	[tilespmem:s28+$0xFFFFF4C0] =	vst v9;
	v2 =	vadd.s32 v8, v18;
	(pc) =	sbr.rel @!p4 .LBB2_80-.Ltmp39, $4  }
0x457: {  	[tilespmem:s29+$0xFFFFF030] =	vst v15;
	v8 =	vld.idx.msk [tilespmem:v14+s26+$0x0], $0xffff;
	v14 =	vmul.u32 $0x18, v2  }
0x458: {  	v34 =	vadd.s32 $0x800, v6;
	v10 =	vadd.s32 $0x1000, v4;
	[tilespmem:s29+$0xFFFFF040] =	vst v16;
	v28 =	vld.idx.msk [tilespmem:v17+s26+$0x0], $0xffff  }
0x459: {  	v24 =	vand.u32 $0x7, v12;
	v2 =	vor.u32 s0, v0;
	v12 =	vadd.s32 v12, v14;
	v29 =	vld.idx.msk [tilespmem:v3+s26+$0x0], $0xffff  }
0x45a: {  	s25 =	simm.s32 $0x80;
	p3 =	por $0x1, $0x1;
	v9 =	vadd.s32 $0x1000, v5;
	[tilespmem:s28+$0xFFFFF6F0] =	vst v13;
	v3 =	vmulhi.u32 $0xAAAAAAAB, v2;
	v27 =	vand.u32 $0x1FFFFFF8, v12;
	v14 =	vld.idx.msk [tilespmem:v19+s15+$0x0], $0xffff  }
0x45b: {  	_ =	sdelay $0x2  }
0x45c: {  	v12 =	vor.u32 v24, v27;
	v13 =	vadd.s32 $0x800, v7;
	v3 =	vshrl.u32 v3, $0x4  }
0x45d: {  	v15 =	vld.idx.msk [tilespmem:v9+s26+$0x0], $0xffff;
	v12 =	vadd.s32 $0xD80, v12;
	v16 =	vmul.u32 $0xFFFFFFE8, v3  }
0x45e: {  	v17 =	vadd.s32 $0x1400, v5;
	[tilespmem:s28+$0xFFFFF700] =	vst v8  }
0x45f: {  	s1 =	simm.s32 $0x90;
	v19 =	vmov s0;
	v18 =	vld.idx.msk [tilespmem:v10+s26+$0x0], $0xffff;
	[tilespmem:s29+$0xFFFFF270] =	vst v28;
	v2 =	vadd.s32 v2, v16  }
0x460: {  	v20 =	vor.u32 s1, v0;
	vm1 =	veq.s32 v19, v0;
	[tilespmem:s29+$0xFFFFF280] =	vst v29;
	v16 =	vld.idx.msk [tilespmem:v34+s26+$0x0], $0xffff;
	vm0 =	vne.s32 v2, $0x0  }
0x461: {  	v21 =	vadd.s32 $0x1400, v4;
	v22 =	vmulhi.u32 $0xAAAAAAAB, v20;
	v19 =	vld.idx.msk [tilespmem:v13+s26+$0x0], $0xffff;
	vm0 =	vmand vm1, vm0  }
0x462: {  	[tilespmem:s28+$0xFFFFF930] =	vst v15;
	v2 =	vmul.u32 $0x18, v2;
	v13 =	vld.idx.msk [tilespmem:v12+s15+$0x0], $0xffff;
	v12 =	vadd.s32 $0xC00, v6;
	v15 =	vsel vm0, $0xFFFFFFFF, v1  }
0x463: {  	v23 =	vadd.s32 $0xC00, v7;
	s1 =	simm.s32 $0x0;
	v17 =	vld.idx.msk [tilespmem:v17+s26+$0x0], $0xffff;
	v3 =	vadd.s32 v15, v3  }
0x464: {  	v24 =	vadd.s32 $0x1800, v5;
	v22 =	vshrl.u32 v22, $0x4;
	v15 =	vld.idx.msk [tilespmem:v14+s1+$0x0], $0xffff;
	v2 =	vadd.s32 v2, v3  }
0x465: {  	v25 =	vadd.s32 $0x400, v14;
	[tilespmem:s28+$0xFFFFF940] =	vst v18;
	v18 =	vld.idx.msk [tilespmem:v11+s1+$0x0], $0xffff;
	v3 =	vand.u32 $0x7, v3;
	v2 =	vand.u32 $0xFFFFFFF8, v2  }
0x466: {  	v26 =	vld.idx.msk [tilespmem:v21+s26+$0x0], $0xffff;
	v21 =	vmul.u32 $0x1FFFFFE8, v22;
	[tilespmem:s29+$0xFFFFF4B0] =	vst v16;
	v2 =	vor.u32 v3, v2;
	v3 =	vadd.s32 $0x400, v11  }
0x467: {  	p5 =	por $0x1, $0x1;
	[tilespmem:s29+$0xFFFFF4C0] =	vst v19;
	v28 =	vld.idx.msk [tilespmem:v12+s26+$0x0], $0xffff;
	v12 =	vadd.s32 $0xD80, v2  }
.Ltmp40:
0x468: {  	s31 =	simm.s32 $0xAE10;
	v16 =	vld.idx.msk [tilespmem:v23+s26+$0x0], $0xffff;
	[tilespmem:s28+$0xFFFFFB70] =	vst v17;
	v2 =	vadd.s32 v20, v21;
	(pc) =	sbr.rel @!p5 .LBB2_82-.Ltmp40, $4  }
0x469: {  	v17 =	vadd.s32 $0x1000, v6;
	v19 =	vmul.u32 $0x18, v2;
	[tilespmem:s31+$0xFFFFF030] =	vst v15;
	v15 =	vld.idx.msk [tilespmem:v24+s26+$0x0], $0xffff  }
0x46a: {  	v20 =	vadd.s32 $0x1000, v7;
	[tilespmem:s31+$0xFFFFF040] =	vst v18;
	v18 =	vadd.s32 $0x1800, v4;
	v24 =	vand.u32 $0x7, v22;
	v21 =	vld.idx.msk [tilespmem:v25+s1+$0x0], $0xffff  }
0x46b: {  	s20 =	simm.s32 $0xA0;
	v2 =	vor.u32 s25, v0;
	[tilespmem:s28+$0xFFFFFB80] =	vst v26;
	v25 =	vadd.s32 $0x800, v14;
	v22 =	vadd.s32 v22, v19;
	v23 =	vld.idx.msk [tilespmem:v3+s1+$0x0], $0xffff  }
0x46c: {  	p4 =	por $0x1, $0x1;
	v19 =	vadd.s32 $0x1C00, v5;
	v3 =	vmulhi.u32 $0xAAAAAAAB, v2;
	v27 =	vand.u32 $0x1FFFFFF8, v22;
	[tilespmem:s29+$0xFFFFF6F0] =	vst v28;
	v12 =	vld.idx.msk [tilespmem:v12+s15+$0x0], $0xffff  }
0x46d: {  	_ =	sdelay $0x3  }
0x46e: {  	v22 =	vor.u32 v24, v27;
	v26 =	vld.idx.msk [tilespmem:v17+s26+$0x0], $0xffff;
	v3 =	vshrl.u32 v3, $0x4  }
0x46f: {  	[tilespmem:s29+$0xFFFFF700] =	vst v16;
	v30 =	vld.idx.msk [tilespmem:v18+s26+$0x0], $0xffff;
	v22 =	vadd.s32 $0xD80, v22;
	v28 =	vmul.u32 $0xFFFFFFE8, v3  }
0x470: {  	v24 =	vadd.s32 $0x800, v11;
	v27 =	vld.idx.msk [tilespmem:v20+s26+$0x0], $0xffff  }
0x471: {  	v29 =	vadd.s32 $0x1400, v6;
	s0 =	simm.s32 $0xB0;
	v33 =	vmov s25;
	v63 =	vld.idx.msk [tilespmem:v13+s1+$0x0], $0xffff;
	[tilespmem:s31+$0xFFFFF270] =	vst v21;
	v2 =	vadd.s32 v2, v28  }
0x472: {  	[tilespmem:s28+$0xFFFFFDB0] =	vst v15;
	v32 =	vor.u32 s0, v0;
	vm1 =	veq.s32 v33, v0;
	v28 =	vld.idx.msk [tilespmem:v25+s1+$0x0], $0xffff;
	vm0 =	vne.s32 v2, $0x0  }
0x473: {  	v62 =	vadd.s32 $0x1400, v7;
	v31 =	vld.idx.msk [tilespmem:v19+s26+$0x0], $0xffff;
	v34 =	vmulhi.u32 $0xAAAAAAAB, v32;
	[tilespmem:s31+$0xFFFFF280] =	vst v23;
	vm0 =	vmand vm1, vm0  }
0x474: {  	[tilespmem:s29+$0xFFFFF930] =	vst v26;
	v2 =	vmul.u32 $0x18, v2;
	v41 =	vld.idx.msk [tilespmem:v22+s15+$0x0], $0xffff;
	v22 =	vadd.s32 $0xC00, v14;
	v26 =	vsel vm0, $0xFFFFFFFF, v1  }
0x475: {  	v35 =	vadd.s32 $0xC00, v11;
	v24 =	vld.idx.msk [tilespmem:v24+s1+$0x0], $0xffff;
	[tilespmem:s29+$0xFFFFF940] =	vst v27;
	v27 =	vadd.s32 $0x1C00, v4;
	v3 =	vadd.s32 v26, v3  }
0x476: {  	v36 =	vadd.s32 $0x1800, v6;
	[tilespmem:s28+$0xFFFFFDC0] =	vst v30;
	v30 =	vshrl.u32 v34, $0x4;
	v29 =	vld.idx.msk [tilespmem:v29+s26+$0x0], $0xffff;
	v2 =	vadd.s32 v2, v3  }
0x477: {  	v26 =	vld.idx.msk [tilespmem:v12+s1+$0x0], $0xffff;
	v3 =	vand.u32 $0x7, v3;
	[tilespmem:s31+$0xFFFFF4B0] =	vst v28;
	v28 =	vmul.u32 $0x1FFFFFE8, v30;
	v2 =	vand.u32 $0xFFFFFFF8, v2  }
0x478: {  	v39 =	vadd.s32 $0x400, v12;
	v40 =	vld.idx.msk [tilespmem:v62+s26+$0x0], $0xffff;
	v2 =	vor.u32 v3, v2  }
0x479: {  	[tilespmem:s28+$0xFFFFFFF0] =	vst v31;
	v3 =	vadd.s32 $0x400, v13;
	v22 =	vld.idx.msk [tilespmem:v22+s1+$0x0], $0xffff;
	v42 =	vadd.s32 $0xD80, v2;
	v2 =	vadd.s32 v32, v28  }
0x47a: {  	p5 =	por $0x1, $0x1;
	[tilespmem:s31+$0xFFFFF4C0] =	vst v24;
	v33 =	vld.idx.msk [tilespmem:v27+s26+$0x0], $0xffff;
	v27 =	vmul.u32 $0x18, v2  }
.Ltmp41:
0x47b: {  	s25 =	simm.s32 $0xAE30;
	v31 =	vld.idx.msk [tilespmem:v35+s1+$0x0], $0xffff;
	[tilespmem:s29+$0xFFFFFB70] =	vst v29;
	v32 =	vadd.s32 $0x1000, v14;
	(pc) =	sbr.rel @!p5 .LBB2_84-.Ltmp41, $4  }
0x47c: {  	v37 =	vadd.s32 $0x1000, v11;
	v38 =	vld.idx.msk [tilespmem:v36+s26+$0x0], $0xffff;
	[tilespmem:s25+$0xFFFFF030] =	vst v26;
	v26 =	vadd.s32 v30, v27  }
0x47d: {  	s19 =	simm.s32 $0xC0;
	[tilespmem:s25+$0xFFFFF040] =	vst v63;
	v34 =	vadd.s32 $0x800, v12;
	v28 =	vld.idx.msk [tilespmem:v39+s1+$0x0], $0xffff;
	v39 =	vadd.s32 $0x1800, v7  }
0x47e: {  	p0 =	por $0x1, $0x1;
	s30 =	simm.s32 $0xADD0;
	s18 =	simm.s32 $0xADF0;
	v24 =	vand.u32 $0x7, v30;
	[tilespmem:s29+$0xFFFFFB80] =	vst v40;
	v40 =	vadd.s32 $0x1C00, v6;
	v2 =	vor.u32 s20, v0;
	v29 =	vld.idx.msk [tilespmem:v3+s1+$0x0], $0xffff  }
0x47f: {  	s17 =	simm.s32 $0x0;
	s16 =	simm.s32 $0x0;
	s0 =	simm.s32 $0x0;
	v36 =	vmovc v7;
	v3 =	vmulhi.u32 $0xAAAAAAAB, v2;
	v27 =	vand.u32 $0x1FFFFFF8, v26;
	[tilespmem:s31+$0xFFFFF6F0] =	vst v22;
	v22 =	vmovc v14;
	v42 =	vld.idx.msk [tilespmem:v42+s15+$0x0], $0xffff;
	v26 =	vmov v11  }
.LBB2_85:
0x480: {  	p5 =	slt.u32 s19, $0x220;
	v24 =	vor.u32 v24, v27;
	v27 =	vadd.s32 $0x800, v13;
	v30 =	vld.idx.msk [tilespmem:v32+s0+$0x0], $0xffff;
	[tilespmem:s31+$0xFFFFF700] =	vst v31  }
0x481: {  	v3 =	vshrl.u32 v3, $0x4;
	v24 =	vadd.s32 $0xD80, v24;
	v31 =	vld.idx.msk [tilespmem:v37+s0+$0x0], $0xffff;
	[tilespmem:s30+$0x0] =	vst v33;
	s30 =	smov.u32 s18;
	s18 =	smov.u32 s31;
	s31 =	smov.u32 s25  }
0x482: {  	v33 =	vadd.s32 $0x1400, v22;
	v32 =	vmul.u32 $0xFFFFFFE8, v3;
	[tilespmem:s30+$0xFFFFFDB0] =	vst v38;
	v35 =	vld.idx.msk [tilespmem:v39+s17+$0x0], $0xffff  }
0x483: {  	s21 =	sadd.s32 $0x10, s19;
	[tilespmem:s25+$0xFFFFF270] =	vst v28;
	v28 =	vld.idx.msk [tilespmem:v40+s17+$0x0], $0xffff  }
0x484: {  	v37 =	vor.u32 s21, v0;
	v38 =	vmov s20;
	s20 =	smov.u32 s19;
	v2 =	vadd.s32 v2, v32;
	v32 =	vld.idx.msk [tilespmem:v34+s16+$0x0], $0xffff;
	[tilespmem:s25+$0xFFFFF280] =	vst v29  }
0x485: {  	vm1 =	veq.s32 v38, v0;
	v29 =	vadd.s32 $0x1400, v26;
	vm0 =	vne.s32 v2, $0x0;
	v27 =	vld.idx.msk [tilespmem:v27+s16+$0x0], $0xffff  }
0x486: {  	v38 =	vadd.s32 $0xC00, v12;
	v34 =	vmulhi.u32 $0xAAAAAAAB, v37;
	vm0 =	vmand vm1, vm0;
	v24 =	vld.idx.msk [tilespmem:v24+s15+$0x0], $0xffff;
	[tilespmem:s18+$0xFFFFF930] =	vst v30  }
0x487: {  	s21 =	simm.s32 $0x0;
	v39 =	vadd.s32 $0xC00, v13;
	v2 =	vmul.u32 $0x18, v2;
	v30 =	vsel vm0, $0xFFFFFFFF, v1;
	v33 =	vld.idx.msk [tilespmem:v33+s0+$0x0], $0xffff;
	[tilespmem:s18+$0xFFFFF940] =	vst v31  }
0x488: {  	v3 =	vadd.s32 v30, v3;
	v30 =	vld.idx.msk [tilespmem:v42+s21+$0x0], $0xffff;
	[tilespmem:s30+$0xFFFFFDC0] =	vst v35;
	v35 =	vadd.s32 $0x1C00, v36;
	v36 =	vmovc v26;
	v26 =	vmov v13  }
0x489: {  	v43 =	vadd.s32 $0x1800, v22;
	v34 =	vshrl.u32 v34, $0x4;
	v13 =	vmovc v41;
	v2 =	vadd.s32 v2, v3;
	v40 =	vld.idx.msk [tilespmem:v41+s21+$0x0], $0xffff;
	[tilespmem:s30+$0xFFFFFFF0] =	vst v28  }
0x48a: {  	v3 =	vand.u32 $0x7, v3;
	v28 =	vadd.s32 $0x400, v42;
	v2 =	vand.u32 $0xFFFFFFF8, v2;
	[tilespmem:s25+$0xFFFFF4B0] =	vst v32;
	v44 =	vld.idx.msk [tilespmem:v29+s0+$0x0], $0xffff  }
0x48b: {  	v29 =	vmul.u32 $0x1FFFFFE8, v34;
	v2 =	vor.u32 v3, v2;
	v3 =	vadd.s32 $0x400, v13;
	v45 =	vld.idx.msk [tilespmem:v38+s16+$0x0], $0xffff;
	[tilespmem:s25+$0xFFFFF4C0] =	vst v27  }
0x48c: {  	v41 =	vmov v24;
	v46 =	vadd.s32 $0xD80, v2;
	v31 =	vld.idx.msk [tilespmem:v39+s16+$0x0], $0xffff  }
.Ltmp42:
0x48d: {  	v32 =	vadd.s32 $0x1000, v12;
	s25 =	sadd.s32 $0x20, s25;
	v2 =	vadd.s32 v37, v29;
	[tilespmem:s18+$0xFFFFFB70] =	vst v33;
	v33 =	vld.idx.msk [tilespmem:v35+s17+$0x0], $0xffff;
	s17 =	smov.u32 s0;
	(pc) =	sbr.rel @p5 .LBB2_85-.Ltmp42, $4  }
0x48e: {  	v37 =	vadd.s32 $0x1000, v26;
	v27 =	vmul.u32 $0x18, v2;
	s0 =	smov.u32 s16;
	s16 =	smov.u32 s21;
	[tilespmem:s25+$0xFFFFF030] =	vst v30;
	v38 =	vld.idx.msk [tilespmem:v43+s17+$0x0], $0xffff  }
0x48f: {  	v24 =	vand.u32 $0x7, v34;
	v39 =	vadd.s32 $0x1800, v36;
	v28 =	vld.idx.msk [tilespmem:v28+s16+$0x0], $0xffff;
	[tilespmem:s25+$0xFFFFF040] =	vst v40  }
0x490: {  	v2 =	vor.u32 s19, v0;
	v27 =	vadd.s32 v34, v27;
	v40 =	vadd.s32 $0x1C00, v22;
	v22 =	vmovc v12;
	v29 =	vld.idx.msk [tilespmem:v3+s16+$0x0], $0xffff;
	[tilespmem:s18+$0xFFFFFB80] =	vst v44  }
0x491: {  	s19 =	sadd.s32 $0x20, s19;
	v34 =	vadd.s32 $0x800, v42;
	v12 =	vmovc v42;
	v3 =	vmulhi.u32 $0xAAAAAAAB, v2;
	v27 =	vand.u32 $0x1FFFFFF8, v27;
	[tilespmem:s31+$0xFFFFF6F0] =	vst v45;
	v42 =	vld.idx.msk [tilespmem:v46+s15+$0x0], $0xffff  }
0x492: {  	_ =	sdelay $0x3  }
0x493: {  	v30 =	vmovc v13;
	s19 =	smov.u32 s31;
	v35 =	vmov v12;
	s31 =	smov.u32 s25;
	s25 =	smov.u32 s20;
	v13 =	vmov v41;
	v12 =	vmov v42  }
.LBB2_87:
0x494: {  	v3 =	vshrl.u32 v3, $0x4  }
0x495: {  	v41 =	vmul.u32 $0xFFFFFFE8, v3;
	_ =	sdelay $0x1  }
0x496: {  	v49 =	vmov s25;
	v2 =	vadd.s32 v2, v41  }
0x497: {  	vm1 =	veq.s32 v49, v0;
	vm0 =	vne.s32 v2, $0x0  }
0x498: {  	v24 =	vor.u32 v24, v27;
	v27 =	vld.idx.msk @p3 [tilespmem:v32+s0+$0x0], $0xffff;
	[tilespmem:s19+$0xFFFFF700] =	vst @p3 v31;
	vm0 =	vmand vm1, vm0  }
0x499: {  	v31 =	vld.idx.msk @p3 [tilespmem:v37+s0+$0x0], $0xffff;
	v37 =	vadd.s32 @p2 $0x800, v30;
	v2 =	vmul.u32 $0x18, v2;
	v50 =	vsel vm0, $0xFFFFFFFF, v1  }
0x49a: {  	v32 =	vld.idx.msk @p4 [tilespmem:v39+s17+$0x0], $0xffff;
	[tilespmem:s31+$0xFFFFF270] =	vst @p2 v28;
	v24 =	vadd.s32 $0xD80, v24;
	v3 =	vadd.s32 v50, v3  }
0x49b: {  	s25 =	smov.u32 @p4 s18;
	[tilespmem:s30+$0x0] =	vst @p0 v33;
	s18 =	simm.s32 @p1 $0x0;
	v34 =	vld.idx.msk @p2 [tilespmem:v34+s16+$0x0], $0xffff;
	v2 =	vadd.s32 v2, v3  }
0x49c: {  	[tilespmem:s25+$0xFFFFFDB0] =	vst @p4 v38;
	v38 =	vadd.s32 @p3 $0x1400, v22;
	v33 =	vld.idx.msk @p1 [tilespmem:v12+s18+$0x0], $0xffff;
	v3 =	vand.u32 $0x7, v3;
	v2 =	vand.u32 $0xFFFFFFF8, v2  }
0x49d: {  	s20 =	smov.u32 @p3 s19;
	[tilespmem:s31+$0xFFFFF280] =	vst @p2 v29;
	v29 =	vadd.s32 @p2 $0xC00, v35;
	v28 =	vld.idx.msk @p4 [tilespmem:v40+s17+$0x0], $0xffff;
	v2 =	vor.u32 v3, v2  }
0x49e: {  	[tilespmem:s20+$0xFFFFF930] =	vst @p3 v27;
	v37 =	vld.idx.msk @p2 [tilespmem:v37+s16+$0x0], $0xffff;
	v3 =	vadd.s32 $0xD80, v2  }
0x49f: {  	[tilespmem:s25+$0xFFFFFDC0] =	vst @p4 v32;
	v2 =	vld.idx.msk [tilespmem:v24+s15+$0x0], $0xffff;
	v24 =	vadd.s32 @p3 $0x1400, v26  }
0x4a0: {  	s21 =	sadd.s32 @p2 $0x20, s31;
	s19 =	smov.u32 s28;
	v27 =	vadd.s32 @p1 $0x400, v12;
	[tilespmem:s20+$0xFFFFF940] =	vst @p3 v31;
	v31 =	vld.idx.msk @p1 [tilespmem:v13+s18+$0x0], $0xffff  }
0x4a1: {  	s19 =	smov.u32 @p2 s21;
	v32 =	vadd.s32 @p1 $0x400, v13;
	v38 =	vld.idx.msk @p3 [tilespmem:v38+s0+$0x0], $0xffff;
	[tilespmem:s31+$0xFFFFF4B0] =	vst @p2 v34  }
0x4a2: {  	v34 =	vadd.s32 @p2 $0xC00, v30;
	[tilespmem:s19+$0xFFFFF030] =	vst @p1 v33;
	v29 =	vld.idx.msk @p2 [tilespmem:v29+s16+$0x0], $0xffff  }
0x4a3: {  	[tilespmem:s25+$0xFFFFFFF0] =	vst @p4 v28;
	v3 =	vld.idx.msk [tilespmem:v3+s15+$0x0], $0xffff  }
0x4a4: {  	s21 =	smov.u32 @p1 s18;
	v33 =	vadd.s32 @p4 $0x1C00, v36;
	[tilespmem:s31+$0xFFFFF4C0] =	vst @p2 v37;
	v24 =	vld.idx.msk @p3 [tilespmem:v24+s0+$0x0], $0xffff  }
0x4a5: {  	v28 =	vadd.s32 @p3 $0x1800, v22;
	v27 =	vld.idx.msk @p1 [tilespmem:v27+s21+$0x0], $0xffff;
	[tilespmem:s19+$0xFFFFF040] =	vst @p1 v31  }
0x4a6: {  	[tilespmem:s20+$0xFFFFFB70] =	vst @p3 v38;
	v38 =	vadd.s32 @p1 $0x800, v12;
	v32 =	vld.idx.msk @p1 [tilespmem:v32+s21+$0x0], $0xffff  }
0x4a7: {  	s30 =	simm.s32 $0x0;
	s22 =	smov.u32 @p2 s31;
	v11 =	vpsel p1, v13, v11;
	v34 =	vld.idx.msk @p2 [tilespmem:v34+s16+$0x0], $0xffff;
	v13 =	vpsel p1, v38, v25  }
0x4a8: {  	s18 =	smov.u32 s28;
	s31 =	sadd.s32 @p1 $0x20, s19;
	[tilespmem:s22+$0xFFFFF6F0] =	vst @p2 v29;
	v29 =	vadd.s32 @p1 $0x800, v11;
	v31 =	vld.idx.msk [tilespmem:v2+s30+$0x0], $0xffff  }
0x4a9: {  	s18 =	smov.u32 @p1 s31;
	v25 =	vmov @p2 v30;
	v30 =	vadd.s32 @p2 $0x1000, v35;
	s31 =	smov.u32 @p3 s0;
	[tilespmem:s20+$0xFFFFFB80] =	vst @p3 v24;
	v24 =	vld.idx.msk @p4 [tilespmem:v33+s17+$0x0], $0xffff  }
0x4aa: {  	v28 =	vld.idx.msk @p3 [tilespmem:v28+s31+$0x0], $0xffff;
	v17 =	vpsel p2, v30, v17;
	v21 =	vpsel p1, v27, v21  }
0x4ab: {  	s1 =	smov.u32 @p1 s21;
	v53 =	vadd.s32 $0x400, v2;
	[tilespmem:s19+$0xFFFFF270] =	vst @p1 v21;
	v23 =	vpsel p1, v32, v23;
	v51 =	vld.idx.msk [tilespmem:v3+s30+$0x0], $0xffff  }
0x4ac: {  	s29 =	smov.u32 @p2 s22;
	v16 =	vpsel p2, v34, v16;
	v13 =	vld.idx.msk @p1 [tilespmem:v13+s1+$0x0], $0xffff;
	[tilespmem:s19+$0xFFFFF280] =	vst @p1 v23;
	v52 =	vadd.s32 $0x400, v3  }
0x4ad: {  	v12 =	vpsel p1, v12, v14;
	s0 =	smov.u32 @p2 s16;
	s16 =	smov.u32 s26;
	[tilespmem:s29+$0xFFFFF700] =	vst @p2 v16;
	v16 =	vld.idx.msk @p1 [tilespmem:v29+s1+$0x0], $0xffff  }
0x4ae: {  	s16 =	smov.u32 @p2 s0;
	s0 =	smov.u32 @p4 s25;
	v23 =	vmov @p3 v26;
	v26 =	vadd.s32 @p1 $0xC00, v12;
	[tilespmem:s18+$0xFFFFF040] =	vst v31;
	v24 =	vpsel p4, v24, v0  }
0x4af: {  	v17 =	vld.idx.msk @p2 [tilespmem:v17+s16+$0x0], $0xffff;
	[tilespmem:s0+$0x0] =	vst @p4 v24;
	v24 =	vadd.s32 @p1 $0xC00, v11  }
0x4b0: {  	v21 =	vld.idx.msk [tilespmem:v53+s30+$0x0], $0xffff;
	[tilespmem:s18+$0xFFFFF030] =	vst v51  }
0x4b1: {  	v54 =	vadd.s32 $0x800, v2;
	[tilespmem:s19+$0xFFFFF4B0] =	vst @p1 v13;
	s0 =	smov.u32 s28;
	v27 =	vld.idx.msk [tilespmem:v52+s30+$0x0], $0xffff  }
0x4b2: {  	v15 =	vpsel p3, v28, v15;
	v30 =	vadd.s32 $0x800, v3;
	[tilespmem:s19+$0xFFFFF4C0] =	vst @p1 v16;
	s0 =	smov.u32 @p3 s20  }
0x4b3: {  	v33 =	vadd.s32 @p2 $0x1000, v25;
	v26 =	vld.idx.msk @p1 [tilespmem:v26+s1+$0x0], $0xffff;
	s20 =	smov.u32 @p2 s29;
	[tilespmem:s0+$0xFFFFFDB0] =	vst @p3 v15  }
0x4b4: {  	v20 =	vpsel p2, v33, v20;
	v16 =	vadd.s32 @p1 $0x1000, v12;
	[tilespmem:s20+$0xFFFFF930] =	vst @p2 v17;
	v15 =	vld.idx.msk @p1 [tilespmem:v24+s1+$0x0], $0xffff  }
0x4b5: {  	v9 =	vpsel p1, v16, v9;
	v17 =	vadd.s32 @p1 $0x1000, v11;
	[tilespmem:s18+$0xFFFFF280] =	vst v21  }
0x4b6: {  	v22 =	vadd.s32 @p3 $0x1C00, v22;
	v10 =	vpsel p1, v17, v10;
	v55 =	vld.idx.msk [tilespmem:v54+s30+$0x0], $0xffff;
	[tilespmem:s18+$0xFFFFF270] =	vst v27  }
0x4b7: {  	v19 =	vpsel p3, v22, v19;
	v29 =	vadd.s32 @p3 $0x1800, v23;
	v27 =	vadd.s32 $0xC00, v2;
	v22 =	vld.idx.msk [tilespmem:v30+s30+$0x0], $0xffff  }
0x4b8: {  	v56 =	vadd.s32 $0xC00, v3;
	v18 =	vpsel p3, v29, v18;
	v21 =	vmov @p2 v35  }
0x4b9: {  	s17 =	smov.u32 s26;
	s26 =	smov.u32 @p1 s1;
	v20 =	vld.idx.msk @p2 [tilespmem:v20+s16+$0x0], $0xffff;
	s28 =	smov.u32 @p1 s19;
	[tilespmem:s19+$0xFFFFF6F0] =	vst @p1 v26;
	v6 =	vpsel p2, v21, v6;
	v8 =	vpsel p1, v15, v8  }
0x4ba: {  	v7 =	vpsel p2, v25, v7;
	v9 =	vld.idx.msk @p1 [tilespmem:v9+s26+$0x0], $0xffff;
	v16 =	vadd.s32 @p2 $0x1400, v6;
	[tilespmem:s28+$0xFFFFF700] =	vst @p1 v8  }
0x4bb: {  	v5 =	vpsel p1, v12, v5;
	v17 =	vadd.s32 @p2 $0x1400, v7;
	[tilespmem:s18+$0xFFFFF4C0] =	vst v55;
	v10 =	vld.idx.msk @p1 [tilespmem:v10+s26+$0x0], $0xffff  }
0x4bc: {  	v8 =	vadd.s32 @p1 $0x1400, v5;
	v13 =	vld.idx.msk [tilespmem:v27+s30+$0x0], $0xffff;
	[tilespmem:s18+$0xFFFFF4B0] =	vst v22  }
0x4bd: {  	v57 =	vadd.s32 $0x1000, v2;
	s17 =	smov.u32 @p3 s31;
	v14 =	vld.idx.msk [tilespmem:v56+s30+$0x0], $0xffff  }
0x4be: {  	v18 =	vld.idx.msk @p3 [tilespmem:v18+s17+$0x0], $0xffff;
	v21 =	vadd.s32 $0x1000, v3;
	[tilespmem:s20+$0xFFFFF940] =	vst @p2 v20;
	s1 =	smov.u32 @p1 s28  }
0x4bf: {  	[tilespmem:s1+$0xFFFFF930] =	vst @p1 v9;
	v15 =	vld.idx.msk @p2 [tilespmem:v16+s16+$0x0], $0xffff  }
0x4c0: {  	v11 =	vpsel p1, v11, v4;
	v17 =	vld.idx.msk @p2 [tilespmem:v17+s16+$0x0], $0xffff;
	v16 =	vadd.s32 @p2 $0x1800, v6;
	[tilespmem:s1+$0xFFFFF940] =	vst @p1 v10  }
0x4c1: {  	v20 =	vadd.s32 @p1 $0x1400, v11;
	v8 =	vld.idx.msk @p1 [tilespmem:v8+s26+$0x0], $0xffff;
	[tilespmem:s18+$0xFFFFF700] =	vst v13  }
0x4c2: {  	v10 =	vmov @p1 v11;
	v11 =	vadd.s32 @p1 $0x1800, v5;
	v9 =	vld.idx.msk [tilespmem:v57+s30+$0x0], $0xffff;
	[tilespmem:s18+$0xFFFFF6F0] =	vst v14  }
0x4c3: {  	v60 =	vadd.s32 $0x1400, v2;
	[tilespmem:s0+$0xFFFFFDC0] =	vst @p3 v18;
	v58 =	vld.idx.msk [tilespmem:v21+s30+$0x0], $0xffff  }
0x4c4: {  	v59 =	vadd.s32 $0x1400, v3;
	v19 =	vld.idx.msk @p3 [tilespmem:v19+s17+$0x0], $0xffff;
	v18 =	vadd.s32 @p2 $0x1800, v7;
	[tilespmem:s20+$0xFFFFFB70] =	vst @p2 v15  }
0x4c5: {  	v4 =	vpsel p3, v23, v4;
	[tilespmem:s20+$0xFFFFFB80] =	vst @p2 v17;
	v15 =	vld.idx.msk @p2 [tilespmem:v16+s16+$0x0], $0xffff;
	v14 =	vpsel p2, v18, v0  }
0x4c6: {  	v4 =	vadd.s32 @p3 $0x1C00, v4;
	s19 =	smov.u32 @p1 s26;
	v16 =	vld.idx.msk @p1 [tilespmem:v20+s26+$0x0], $0xffff;
	v17 =	vadd.s32 @p1 $0x1800, v10;
	[tilespmem:s1+$0xFFFFFB70] =	vst @p1 v8  }
0x4c7: {  	v6 =	vadd.s32 @p2 $0x1C00, v6;
	v17 =	vpsel p1, v17, v0;
	v11 =	vld.idx.msk @p1 [tilespmem:v11+s19+$0x0], $0xffff;
	[tilespmem:s18+$0xFFFFF940] =	vst v9  }
0x4c8: {  	v6 =	vpsel p2, v6, v0;
	v9 =	vld.idx.msk [tilespmem:v60+s30+$0x0], $0xffff;
	[tilespmem:s18+$0xFFFFF930] =	vst v58  }
0x4c9: {  	v61 =	vadd.s32 $0x1800, v2;
	s16 =	smov.u32 @p2 s16;
	v12 =	vld.idx.msk [tilespmem:v59+s30+$0x0], $0xffff  }
0x4ca: {  	v7 =	vpsel p2, v7, v0;
	[tilespmem:s0+$0xFFFFFFF0] =	vst @p3 v19;
	s20 =	smov.u32 @p2 s20;
	v8 =	vadd.s32 $0x1800, v3;
	v14 =	vld.idx.msk @p2 [tilespmem:v14+s16+$0x0], $0xffff  }
0x4cb: {  	v7 =	vadd.s32 @p2 $0x1C00, v7;
	v4 =	vld.idx.msk @p3 [tilespmem:v4+s17+$0x0], $0xffff;
	s17 =	smov.u32 @p2 s20;
	v5 =	vadd.s32 @p1 $0x1C00, v5;
	v15 =	vpsel p2, v15, v0;
	s19 =	smov.u32 @p1 s19;
	[tilespmem:s1+$0xFFFFFB80] =	vst @p1 v16  }
0x4cc: {  	v5 =	vpsel p1, v5, v0;
	v10 =	vpsel p1, v10, v0;
	[tilespmem:s17+$0xFFFFFDB0] =	vst @p2 v15;
	v15 =	vld.idx.msk @p1 [tilespmem:v17+s19+$0x0], $0xffff  }
0x4cd: {  	v10 =	vadd.s32 @p1 $0x1C00, v10;
	v6 =	vld.idx.msk @p2 [tilespmem:v6+s16+$0x0], $0xffff;
	[tilespmem:s18+$0xFFFFFB80] =	vst v9  }
0x4ce: {  	v9 =	vpsel p1, v11, v0;
	v11 =	vld.idx.msk [tilespmem:v61+s30+$0x0], $0xffff;
	[tilespmem:s18+$0xFFFFFB70] =	vst v12  }
0x4cf: {  	v2 =	vadd.s32 $0x1C00, v2;
	s1 =	smov.u32 @p1 s1;
	[tilespmem:s17+$0xFFFFFDC0] =	vst @p2 v14;
	v8 =	vld.idx.msk [tilespmem:v8+s30+$0x0], $0xffff  }
0x4d0: {  	v3 =	vadd.s32 $0x1C00, v3;
	v7 =	vld.idx.msk @p2 [tilespmem:v7+s16+$0x0], $0xffff;
	[tilespmem:s1+$0xFFFFFDB0] =	vst @p1 v9  }
0x4d1: {  	s0 =	smov.u32 @p3 s0;
	v4 =	vpsel p3, v4, v0;
	[tilespmem:s1+$0xFFFFFDC0] =	vst @p1 v15;
	v5 =	vld.idx.msk @p1 [tilespmem:v5+s19+$0x0], $0xffff  }
0x4d2: {  	[tilespmem:s0+$0x0] =	vst @p3 v4;
	v4 =	vld.idx.msk @p1 [tilespmem:v10+s19+$0x0], $0xffff  }
0x4d3: {  	s0 =	simm.s32 $0x10;
	[tilespmem:s18+$0xFFFFFDC0] =	vst v11  }
0x4d4: {  	v2 =	vld.idx.msk [tilespmem:v2+s30+$0x0], $0xffff;
	[tilespmem:s18+$0xFFFFFDB0] =	vst v8;
	v8 =	vor.u32 s0, v0  }
0x4d5: {  	p5 =	por $0x1, $0x1;
	[tilespmem:s17+$0xFFFFFFF0] =	vst @p2 v6;
	v3 =	vld.idx.msk [tilespmem:v3+s30+$0x0], $0xffff;
	v62 =	vmulhi.u32 $0xAAAAAAAB, v8  }
.Ltmp43:
0x4d6: {  	v6 =	vpsel p2, v7, v0;
	[tilespmem:s1+$0xFFFFFFF0] =	vst @p1 v5;
	s0 =	smov.u32 @p2 s17;
	(pc) =	sbr.rel @!p5 .LBB2_88-.Ltmp43, $4  }
0x4d7: {  	v4 =	vpsel p1, v4, v0;
	[tilespmem:s0+$0x0] =	vst @p2 v6;
	s0 =	smov.u32 @p1 s1;
	v11 =	vshrl.u32 v62, $0x4  }
0x4d8: {  	p0 =	por $0x0, $0x0;
	[tilespmem:s0+$0x0] =	vst @p1 v4;
	v63 =	vmul.u32 $0x1FFFFFE8, v11  }
0x4d9: {  	s25 =	simm.s32 $0xBFD0;
	p4 =	por $0x0, $0x0;
	v23 =	vor.u32 s30, v0;
	p3 =	por $0x0, $0x0;
	[tilespmem:s18+$0x0] =	vst v2  }
0x4da: {  	v30 =	vmulhi.u32 $0xAAAAAAAB, v23;
	p2 =	por $0x0, $0x0;
	s0 =	simm.s32 $0x20;
	p1 =	por $0x0, $0x0;
	[tilespmem:s18+$0xFFFFFFF0] =	vst v3;
	v29 =	vadd.s32 v8, v63  }
0x4db: {  	_ = 	snop  }
0x4dc: {  	v2 =	vshrl.u32 v30, $0x4  }
0x4dd: {  	v3 =	vmul.u32 $0xFFFFFFE8, v2;
	_ =	sdelay $0x1  }
0x4de: {  	v4 =	vmov s30;
	v3 =	vadd.s32 v23, v3  }
0x4df: {  	vm1 =	veq.s32 v4, v0;
	vm0 =	vne.s32 v3, $0x0  }
0x4e0: {  	v4 =	vmul.u32 $0x18, v29;
	vm0 =	vmand vm1, vm0  }
0x4e1: {  	v3 =	vmul.u32 $0x18, v3;
	v5 =	vsel vm0, $0xFFFFFFFF, v1  }
0x4e2: {  	v4 =	vadd.s32 v11, v4;
	v2 =	vadd.s32 v5, v2  }
0x4e3: {  	v4 =	vand.u32 $0x1FFFFFF8, v4;
	v5 =	vand.u32 $0x7, v11;
	v3 =	vadd.s32 v3, v2  }
0x4e4: {  	s1 =	simm.s32 $0x30;
	v4 =	vor.u32 v5, v4;
	v2 =	vand.u32 $0x7, v2;
	v3 =	vand.u32 $0xFFFFFFF8, v3  }
0x4e5: {  	v5 =	vor.u32 s1, v0;
	v4 =	vadd.s32 $0xFC0, v4;
	v2 =	vor.u32 v2, v3  }
0x4e6: {  	p5 =	por $0x1, $0x1;
	v3 =	vmulhi.u32 $0xAAAAAAAB, v5;
	v6 =	vadd.s32 $0xFC0, v2  }
.Ltmp44:
0x4e7: {  	_ = 	snop;
	(pc) =	sbr.rel @!p5 .LBB2_90-.Ltmp44, $4  }
0x4e8: {  	v11 =	vshrl.u32 v3, $0x4  }
0x4e9: {  	v3 =	vmul.u32 $0x1FFFFFE8, v11  }
0x4ea: {  	v23 =	vor.u32 s0, v0;
	v2 =	vld.idx.msk [tilespmem:v4+s15+$0x0], $0xffff  }
0x4eb: {  	s30 =	simm.s32 $0x40;
	p0 =	por $0x1, $0x1;
	v30 =	vmulhi.u32 $0xAAAAAAAB, v23;
	v29 =	vadd.s32 v5, v3;
	v3 =	vld.idx.msk [tilespmem:v6+s15+$0x0], $0xffff  }
0x4ec: {  	_ = 	snop  }
0x4ed: {  	v4 =	vshrl.u32 v30, $0x4  }
0x4ee: {  	v5 =	vmul.u32 $0xFFFFFFE8, v4;
	_ =	sdelay $0x1  }
0x4ef: {  	v6 =	vmul.u32 $0x18, v29;
	v7 =	vmov s0;
	v5 =	vadd.s32 v23, v5  }
0x4f0: {  	vm1 =	veq.s32 v7, v0;
	vm0 =	vne.s32 v5, $0x0  }
0x4f1: {  	v7 =	vand.u32 $0x7, v11;
	v6 =	vadd.s32 v11, v6;
	vm0 =	vmand vm1, vm0  }
0x4f2: {  	v6 =	vand.u32 $0x1FFFFFF8, v6;
	v5 =	vmul.u32 $0x18, v5;
	v8 =	vsel vm0, $0xFFFFFFFF, v1  }
0x4f3: {  	v6 =	vor.u32 v7, v6;
	v7 =	vld.idx.msk [tilespmem:v3+s2+$0x0], $0xffff;
	v4 =	vadd.s32 v8, v4  }
0x4f4: {  	v9 =	vadd.s32 $0x400, v3;
	v5 =	vadd.s32 v5, v4  }
0x4f5: {  	s31 =	simm.s32 $0x50;
	v6 =	vadd.s32 $0xFC0, v6;
	v8 =	vld.idx.msk [tilespmem:v2+s2+$0x0], $0xffff;
	v4 =	vand.u32 $0x7, v4;
	v5 =	vand.u32 $0xFFFFFFF8, v5  }
0x4f6: {  	v10 =	vor.u32 s31, v0;
	v12 =	vadd.s32 $0x400, v2;
	v4 =	vor.u32 v4, v5  }
0x4f7: {  	p5 =	por $0x1, $0x1;
	v11 =	vmulhi.u32 $0xAAAAAAAB, v10;
	v4 =	vadd.s32 $0xFC0, v4  }
.Ltmp45:
0x4f8: {  	[tilespmem:s25+$0xFFFFF030] =	vst v7;
	(pc) =	sbr.rel @!p5 .LBB2_92-.Ltmp45, $4  }
0x4f9: {  	v11 =	vshrl.u32 v11, $0x4;
	v26 =	vld.idx.msk [tilespmem:v9+s2+$0x0], $0xffff  }
0x4fa: {  	v5 =	vld.idx.msk [tilespmem:v6+s15+$0x0], $0xffff;
	v6 =	vmul.u32 $0x1FFFFFE8, v11;
	[tilespmem:s25+$0xFFFFF040] =	vst v8  }
0x4fb: {  	v23 =	vor.u32 s30, v0;
	v27 =	vld.idx.msk [tilespmem:v12+s2+$0x0], $0xffff  }
0x4fc: {  	s0 =	simm.s32 $0x60;
	p1 =	por $0x1, $0x1;
	v33 =	vadd.s32 $0x800, v3;
	v30 =	vmulhi.u32 $0xAAAAAAAB, v23;
	v29 =	vadd.s32 v10, v6;
	v4 =	vld.idx.msk [tilespmem:v4+s15+$0x0], $0xffff  }
0x4fd: {  	_ = 	snop  }
0x4fe: {  	v6 =	vshrl.u32 v30, $0x4  }
0x4ff: {  	v7 =	vadd.s32 $0x800, v2;
	v8 =	vmul.u32 $0xFFFFFFE8, v6  }
0x500: {  	v9 =	vmul.u32 $0x18, v29;
	v10 =	vmov s30  }
0x501: {  	[tilespmem:s25+$0xFFFFF270] =	vst v26;
	vm1 =	veq.s32 v10, v0;
	v8 =	vadd.s32 v23, v8  }
0x502: {  	v10 =	vand.u32 $0x7, v11;
	v9 =	vadd.s32 v11, v9;
	v11 =	vld.idx.msk [tilespmem:v33+s2+$0x0], $0xffff;
	vm0 =	vne.s32 v8, $0x0  }
0x503: {  	v12 =	vadd.s32 $0xC00, v3;
	v14 =	vld.idx.msk [tilespmem:v5+s2+$0x0], $0xffff;
	[tilespmem:s25+$0xFFFFF280] =	vst v27;
	vm0 =	vmand vm1, vm0  }
0x504: {  	v9 =	vand.u32 $0x1FFFFFF8, v9;
	v7 =	vld.idx.msk [tilespmem:v7+s2+$0x0], $0xffff;
	v8 =	vmul.u32 $0x18, v8;
	v13 =	vsel vm0, $0xFFFFFFFF, v1  }
0x505: {  	v17 =	vadd.s32 $0x400, v5;
	v9 =	vor.u32 v10, v9;
	v6 =	vadd.s32 v13, v6  }
0x506: {  	v9 =	vadd.s32 $0xFC0, v9;
	v8 =	vadd.s32 v8, v6  }
0x507: {  	s1 =	simm.s32 $0x70;
	s26 =	simm.s32 $0xBFF0;
	v10 =	vadd.s32 $0xC00, v2;
	v63 =	vld.idx.msk [tilespmem:v4+s2+$0x0], $0xffff;
	[tilespmem:s25+$0xFFFFF4B0] =	vst v11;
	v6 =	vand.u32 $0x7, v6;
	v8 =	vand.u32 $0xFFFFFFF8, v8  }
0x508: {  	v16 =	vor.u32 s1, v0;
	v15 =	vadd.s32 $0x400, v4;
	[tilespmem:s26+$0xFFFFF040] =	vst v14;
	v6 =	vor.u32 v6, v8  }
0x509: {  	p5 =	por $0x1, $0x1;
	v12 =	vld.idx.msk [tilespmem:v12+s2+$0x0], $0xffff;
	[tilespmem:s25+$0xFFFFF4C0] =	vst v7;
	v7 =	vmulhi.u32 $0xAAAAAAAB, v16;
	v18 =	vadd.s32 $0xFC0, v6  }
.Ltmp46:
0x50a: {  	v27 =	vld.idx.msk [tilespmem:v17+s2+$0x0], $0xffff;
	(pc) =	sbr.rel @!p5 .LBB2_94-.Ltmp46, $4  }
0x50b: {  	v9 =	vld.idx.msk [tilespmem:v9+s15+$0x0], $0xffff;
	v11 =	vshrl.u32 v7, $0x4  }
0x50c: {  	v23 =	vor.u32 s0, v0;
	[tilespmem:s26+$0xFFFFF030] =	vst v63;
	v6 =	vld.idx.msk [tilespmem:v10+s2+$0x0], $0xffff;
	v10 =	vmul.u32 $0x1FFFFFE8, v11  }
0x50d: {  	v33 =	vadd.s32 $0x800, v4;
	v30 =	vmulhi.u32 $0xAAAAAAAB, v23;
	v26 =	vld.idx.msk [tilespmem:v15+s2+$0x0], $0xffff  }
0x50e: {  	s30 =	simm.s32 $0x80;
	p2 =	por $0x1, $0x1;
	v8 =	vadd.s32 $0x1000, v2;
	v7 =	vadd.s32 $0x1000, v3;
	[tilespmem:s25+$0xFFFFF6F0] =	vst v12;
	v29 =	vadd.s32 v16, v10;
	v10 =	vld.idx.msk [tilespmem:v18+s15+$0x0], $0xffff  }
0x50f: {  	_ =	sdelay $0x2  }
0x510: {  	v12 =	vmul.u32 $0x18, v29;
	v14 =	vshrl.u32 v30, $0x4  }
0x511: {  	v13 =	vadd.s32 $0x800, v5;
	v15 =	vld.idx.msk [tilespmem:v7+s2+$0x0], $0xffff;
	v19 =	vmov s0;
	v16 =	vmul.u32 $0xFFFFFFE8, v14  }
0x512: {  	v17 =	vadd.s32 $0x1400, v3;
	vm1 =	veq.s32 v19, v0;
	[tilespmem:s25+$0xFFFFF700] =	vst v6  }
0x513: {  	v21 =	vadd.s32 $0x1400, v2;
	v12 =	vadd.s32 v11, v12;
	v18 =	vld.idx.msk [tilespmem:v8+s2+$0x0], $0xffff;
	[tilespmem:s26+$0xFFFFF270] =	vst v26;
	v16 =	vadd.s32 v23, v16  }
0x514: {  	v11 =	vand.u32 $0x7, v11;
	v12 =	vand.u32 $0x1FFFFFF8, v12;
	v20 =	vld.idx.msk [tilespmem:v33+s2+$0x0], $0xffff;
	vm0 =	vne.s32 v16, $0x0  }
0x515: {  	[tilespmem:s26+$0xFFFFF280] =	vst v27;
	v22 =	vld.idx.msk [tilespmem:v9+s2+$0x0], $0xffff;
	v11 =	vor.u32 v11, v12;
	v12 =	vadd.s32 $0xC00, v4;
	vm0 =	vmand vm1, vm0  }
0x516: {  	v13 =	vld.idx.msk [tilespmem:v13+s2+$0x0], $0xffff;
	[tilespmem:s25+$0xFFFFF930] =	vst v15;
	v15 =	vmul.u32 $0x18, v16;
	v11 =	vadd.s32 $0xFC0, v11;
	v16 =	vsel vm0, $0xFFFFFFFF, v1  }
0x517: {  	v19 =	vadd.s32 $0xC00, v5;
	v17 =	vld.idx.msk [tilespmem:v17+s2+$0x0], $0xffff;
	v14 =	vadd.s32 v16, v14  }
0x518: {  	v16 =	vld.idx.msk [tilespmem:v10+s2+$0x0], $0xffff;
	[tilespmem:s25+$0xFFFFF940] =	vst v18;
	v15 =	vadd.s32 v15, v14;
	v18 =	vadd.s32 $0x1800, v3  }
0x519: {  	s31 =	simm.s32 $0x90;
	v14 =	vand.u32 $0x7, v14;
	v24 =	vld.idx.msk [tilespmem:v21+s2+$0x0], $0xffff;
	v15 =	vand.u32 $0xFFFFFFF8, v15;
	v21 =	vadd.s32 $0x400, v10;
	[tilespmem:s26+$0xFFFFF4B0] =	vst v20  }
0x51a: {  	v25 =	vor.u32 s31, v0;
	v26 =	vadd.s32 $0x400, v9;
	v14 =	vor.u32 v14, v15;
	v27 =	vld.idx.msk [tilespmem:v12+s2+$0x0], $0xffff  }
0x51b: {  	p5 =	por $0x1, $0x1;
	[tilespmem:s26+$0xFFFFF4C0] =	vst v13;
	v12 =	vmulhi.u32 $0xAAAAAAAB, v25;
	v15 =	vld.idx.msk [tilespmem:v11+s15+$0x0], $0xffff;
	v14 =	vadd.s32 $0xFC0, v14  }
.Ltmp47:
0x51c: {  	s1 =	simm.s32 $0xC010;
	v13 =	vld.idx.msk [tilespmem:v19+s2+$0x0], $0xffff;
	[tilespmem:s25+$0xFFFFFB70] =	vst v17;
	(pc) =	sbr.rel @!p5 .LBB2_96-.Ltmp47, $4  }
0x51d: {  	v23 =	vor.u32 s30, v0;
	v11 =	vshrl.u32 v12, $0x4;
	[tilespmem:s1+$0xFFFFF030] =	vst v16;
	v12 =	vld.idx.msk [tilespmem:v18+s2+$0x0], $0xffff  }
0x51e: {  	v30 =	vmulhi.u32 $0xAAAAAAAB, v23;
	[tilespmem:s1+$0xFFFFF040] =	vst v22;
	v28 =	vmul.u32 $0x1FFFFFE8, v11;
	v20 =	vld.idx.msk [tilespmem:v21+s2+$0x0], $0xffff  }
0x51f: {  	v19 =	vadd.s32 $0x1000, v5;
	v17 =	vadd.s32 $0x1800, v2;
	v16 =	vadd.s32 $0x1000, v4;
	v21 =	vld.idx.msk [tilespmem:v26+s2+$0x0], $0xffff;
	[tilespmem:s25+$0xFFFFFB80] =	vst v24  }
0x520: {  	s18 =	simm.s32 $0xA0;
	p3 =	por $0x1, $0x1;
	v18 =	vadd.s32 $0x1C00, v3;
	v24 =	vadd.s32 $0x800, v10;
	v29 =	vadd.s32 v25, v28;
	[tilespmem:s26+$0xFFFFF6F0] =	vst v27;
	v14 =	vld.idx.msk [tilespmem:v14+s15+$0x0], $0xffff  }
0x521: {  	_ =	sdelay $0x3  }
0x522: {  	v25 =	vadd.s32 $0x800, v9;
	v26 =	vld.idx.msk [tilespmem:v16+s2+$0x0], $0xffff  }
0x523: {  	v22 =	vmul.u32 $0x18, v29;
	[tilespmem:s26+$0xFFFFF700] =	vst v13;
	v27 =	vshrl.u32 v30, $0x4;
	v31 =	vld.idx.msk [tilespmem:v17+s2+$0x0], $0xffff  }
0x524: {  	v30 =	vadd.s32 $0x1400, v4;
	v33 =	vmov s30;
	v28 =	vld.idx.msk [tilespmem:v19+s2+$0x0], $0xffff;
	v29 =	vmul.u32 $0xFFFFFFE8, v27;
	[tilespmem:s25+$0xFFFFFDB0] =	vst v12  }
0x525: {  	v62 =	vadd.s32 $0x1C00, v2;
	vm1 =	veq.s32 v33, v0;
	[tilespmem:s1+$0xFFFFF270] =	vst v20;
	v32 =	vld.idx.msk [tilespmem:v18+s2+$0x0], $0xffff  }
0x526: {  	v34 =	vadd.s32 $0x1400, v5;
	v22 =	vadd.s32 v11, v22;
	v23 =	vadd.s32 v23, v29;
	v29 =	vld.idx.msk [tilespmem:v24+s2+$0x0], $0xffff;
	[tilespmem:s1+$0xFFFFF280] =	vst v21  }
0x527: {  	v11 =	vand.u32 $0x7, v11;
	v22 =	vand.u32 $0x1FFFFFF8, v22;
	vm0 =	vne.s32 v23, $0x0;
	v25 =	vld.idx.msk [tilespmem:v25+s2+$0x0], $0xffff  }
0x528: {  	v35 =	vadd.s32 $0xC00, v10;
	v11 =	vor.u32 v11, v22;
	v22 =	vld.idx.msk [tilespmem:v15+s2+$0x0], $0xffff;
	vm0 =	vmand vm1, vm0;
	[tilespmem:s26+$0xFFFFF930] =	vst v26  }
0x529: {  	v23 =	vmul.u32 $0x18, v23;
	v11 =	vadd.s32 $0xFC0, v11;
	[tilespmem:s25+$0xFFFFFDC0] =	vst v31;
	v26 =	vsel vm0, $0xFFFFFFFF, v1;
	v30 =	vld.idx.msk [tilespmem:v30+s2+$0x0], $0xffff  }
0x52a: {  	v36 =	vadd.s32 $0xC00, v9;
	s0 =	simm.s32 $0xB0;
	v39 =	vadd.s32 $0x400, v14;
	[tilespmem:s26+$0xFFFFF940] =	vst v28;
	v28 =	vld.idx.msk [tilespmem:v62+s2+$0x0], $0xffff;
	v26 =	vadd.s32 v26, v27  }
0x52b: {  	v31 =	vadd.s32 $0x1800, v4;
	v27 =	vld.idx.msk [tilespmem:v14+s2+$0x0], $0xffff;
	v23 =	vadd.s32 v23, v26;
	[tilespmem:s1+$0xFFFFF4B0] =	vst v29;
	v29 =	vor.u32 s0, v0  }
0x52c: {  	v37 =	vld.idx.msk [tilespmem:v34+s2+$0x0], $0xffff;
	v26 =	vand.u32 $0x7, v26;
	v23 =	vand.u32 $0xFFFFFFF8, v23;
	[tilespmem:s1+$0xFFFFF4C0] =	vst v25;
	v25 =	vmulhi.u32 $0xAAAAAAAB, v29  }
0x52d: {  	v63 =	vadd.s32 $0x400, v15;
	v35 =	vld.idx.msk [tilespmem:v35+s2+$0x0], $0xffff;
	v23 =	vor.u32 v26, v23  }
0x52e: {  	p5 =	por $0x1, $0x1;
	[tilespmem:s25+$0xFFFFFFF0] =	vst v32;
	v42 =	vld.idx.msk [tilespmem:v11+s15+$0x0], $0xffff;
	v41 =	vadd.s32 $0xFC0, v23;
	v11 =	vshrl.u32 v25, $0x4  }
.Ltmp48:
0x52f: {  	s19 =	simm.s32 $0xC030;
	v34 =	vadd.s32 $0x1000, v10;
	v32 =	vld.idx.msk [tilespmem:v36+s2+$0x0], $0xffff;
	[tilespmem:s26+$0xFFFFFB70] =	vst v30;
	v25 =	vmul.u32 $0x1FFFFFE8, v11;
	(pc) =	sbr.rel @!p5 .LBB2_98-.Ltmp48, $4  }
0x530: {  	v36 =	vadd.s32 $0x1000, v9;
	[tilespmem:s19+$0xFFFFF030] =	vst v27;
	v38 =	vld.idx.msk [tilespmem:v31+s2+$0x0], $0xffff  }
0x531: {  	[tilespmem:s19+$0xFFFFF040] =	vst v22;
	v26 =	vld.idx.msk [tilespmem:v39+s2+$0x0], $0xffff;
	v39 =	vadd.s32 $0x1800, v5  }
0x532: {  	v40 =	vadd.s32 $0x1C00, v4;
	s17 =	simm.s32 $0xC0;
	v33 =	vadd.s32 $0x800, v14;
	v22 =	vmovc v10;
	v23 =	vor.u32 s18, v0;
	v27 =	vld.idx.msk [tilespmem:v63+s2+$0x0], $0xffff;
	[tilespmem:s26+$0xFFFFFB80] =	vst v37  }
0x533: {  	p4 =	por $0x1, $0x1;
	s16 =	simm.s32 $0xBFF0;
	s0 =	simm.s32 $0xBFD0;
	v30 =	vmulhi.u32 $0xAAAAAAAB, v23;
	v31 =	vmovc v5;
	[tilespmem:s1+$0xFFFFF6F0] =	vst v35;
	v29 =	vadd.s32 v29, v25;
	v41 =	vld.idx.msk [tilespmem:v41+s15+$0x0], $0xffff;
	v25 =	vmov v9  }
.LBB2_99:
0x534: {  	p5 =	slt.u32 s17, $0x220;
	v29 =	vmul.u32 $0x18, v29;
	v35 =	vadd.s32 $0x800, v15;
	v34 =	vld.idx.msk [tilespmem:v34+s2+$0x0], $0xffff;
	[tilespmem:s1+$0xFFFFF700] =	vst v32  }
0x535: {  	v30 =	vshrl.u32 v30, $0x4;
	v32 =	vld.idx.msk [tilespmem:v36+s2+$0x0], $0xffff;
	[tilespmem:s0+$0x0] =	vst v28;
	s0 =	smov.u32 s16;
	s16 =	smov.u32 s1;
	s1 =	smov.u32 s19  }
0x536: {  	v36 =	vadd.s32 $0x1400, v22;
	v28 =	vmul.u32 $0xFFFFFFE8, v30;
	v29 =	vadd.s32 v11, v29;
	[tilespmem:s0+$0xFFFFFDB0] =	vst v38;
	v37 =	vld.idx.msk [tilespmem:v39+s2+$0x0], $0xffff  }
0x537: {  	v11 =	vand.u32 $0x7, v11;
	v29 =	vand.u32 $0x1FFFFFF8, v29;
	[tilespmem:s19+$0xFFFFF270] =	vst v26;
	v26 =	vld.idx.msk [tilespmem:v40+s2+$0x0], $0xffff  }
0x538: {  	v38 =	vmov s18;
	s18 =	smov.u32 s17;
	v23 =	vadd.s32 v23, v28;
	v28 =	vld.idx.msk [tilespmem:v33+s2+$0x0], $0xffff;
	[tilespmem:s19+$0xFFFFF280] =	vst v27;
	v27 =	vadd.s32 $0x1400, v25  }
0x539: {  	vm1 =	veq.s32 v38, v0;
	vm0 =	vne.s32 v23, $0x0;
	v33 =	vld.idx.msk [tilespmem:v35+s2+$0x0], $0xffff;
	v35 =	vadd.s32 $0x1C00, v31;
	v31 =	vmovc v25;
	v25 =	vmovc v15  }
0x53a: {  	v38 =	vadd.s32 $0xC00, v14;
	v11 =	vor.u32 v11, v29;
	v15 =	vmovc v42;
	vm0 =	vmand vm1, vm0;
	v29 =	vld.idx.msk [tilespmem:v42+s2+$0x0], $0xffff;
	[tilespmem:s16+$0xFFFFF930] =	vst v34  }
0x53b: {  	v23 =	vmul.u32 $0x18, v23;
	v39 =	vadd.s32 $0xC00, v25;
	v34 =	vsel vm0, $0xFFFFFFFF, v1;
	v36 =	vld.idx.msk [tilespmem:v36+s2+$0x0], $0xffff;
	[tilespmem:s16+$0xFFFFF940] =	vst v32  }
0x53c: {  	v11 =	vadd.s32 $0xFC0, v11;
	v30 =	vadd.s32 v34, v30;
	v40 =	vld.idx.msk [tilespmem:v41+s2+$0x0], $0xffff;
	[tilespmem:s0+$0xFFFFFDC0] =	vst v37  }
0x53d: {  	v37 =	vadd.s32 $0x1800, v22;
	v23 =	vadd.s32 v23, v30;
	v43 =	vld.idx.msk [tilespmem:v27+s2+$0x0], $0xffff;
	[tilespmem:s0+$0xFFFFFFF0] =	vst v26  }
0x53e: {  	s20 =	sadd.s32 $0x10, s17;
	v26 =	vand.u32 $0x7, v30;
	v27 =	vadd.s32 $0x400, v41;
	v23 =	vand.u32 $0xFFFFFFF8, v23;
	[tilespmem:s19+$0xFFFFF4B0] =	vst v28;
	v28 =	vld.idx.msk [tilespmem:v35+s2+$0x0], $0xffff  }
0x53f: {  	v30 =	vadd.s32 $0x400, v15;
	v35 =	vor.u32 s20, v0;
	v23 =	vor.u32 v26, v23;
	v44 =	vld.idx.msk [tilespmem:v38+s2+$0x0], $0xffff;
	[tilespmem:s19+$0xFFFFF4C0] =	vst v33  }
0x540: {  	v26 =	vmulhi.u32 $0xAAAAAAAB, v35;
	v33 =	vadd.s32 $0xFC0, v23;
	v32 =	vld.idx.msk [tilespmem:v39+s2+$0x0], $0xffff  }
.Ltmp49:
0x541: {  	v34 =	vadd.s32 $0x1000, v14;
	s19 =	sadd.s32 $0x20, s19;
	v42 =	vld.idx.msk [tilespmem:v11+s15+$0x0], $0xffff;
	[tilespmem:s16+$0xFFFFFB70] =	vst v36;
	(pc) =	sbr.rel @p5 .LBB2_99-.Ltmp49, $4  }
0x542: {  	v11 =	vshrl.u32 v26, $0x4;
	v36 =	vadd.s32 $0x1000, v25;
	[tilespmem:s19+$0xFFFFF030] =	vst v40;
	v38 =	vld.idx.msk [tilespmem:v37+s2+$0x0], $0xffff  }
0x543: {  	v39 =	vadd.s32 $0x1800, v31;
	v37 =	vmul.u32 $0x1FFFFFE8, v11;
	v26 =	vld.idx.msk [tilespmem:v27+s2+$0x0], $0xffff;
	[tilespmem:s19+$0xFFFFF040] =	vst v29  }
0x544: {  	v23 =	vor.u32 s17, v0;
	v40 =	vadd.s32 $0x1C00, v22;
	v22 =	vmovc v14;
	v14 =	vmov v41;
	v27 =	vld.idx.msk [tilespmem:v30+s2+$0x0], $0xffff;
	[tilespmem:s16+$0xFFFFFB80] =	vst v43  }
0x545: {  	s17 =	sadd.s32 $0x20, s17;
	v30 =	vmulhi.u32 $0xAAAAAAAB, v23;
	v29 =	vadd.s32 v35, v37;
	v41 =	vld.idx.msk [tilespmem:v33+s15+$0x0], $0xffff;
	v33 =	vadd.s32 $0x800, v14;
	[tilespmem:s1+$0xFFFFF6F0] =	vst v44  }
0x546: {  	_ =	sdelay $0x3  }
0x547: {  	v37 =	vmovc v15;
	s17 =	smov.u32 s1;
	v35 =	vmov v14;
	s1 =	smov.u32 s19;
	s30 =	smov.u32 s18;
	v15 =	vmov v42;
	v14 =	vmov v41  }
.LBB2_101:
0x548: {  	v30 =	vshrl.u32 v30, $0x4  }
0x549: {  	v41 =	vmul.u32 $0xFFFFFFE8, v30  }
0x54a: {  	v29 =	vmul.u32 $0x18, v29  }
0x54b: {  	v59 =	vmov s30;
	v23 =	vadd.s32 v23, v41  }
0x54c: {  	vm1 =	veq.s32 v59, v0;
	v29 =	vadd.s32 v11, v29;
	vm0 =	vne.s32 v23, $0x0  }
0x54d: {  	v61 =	vand.u32 $0x7, v11;
	v29 =	vand.u32 $0x1FFFFFF8, v29;
	vm0 =	vmand vm1, vm0  }
0x54e: {  	v34 =	vld.idx.msk @p2 [tilespmem:v34+s2+$0x0], $0xffff;
	[tilespmem:s1+$0xFFFFF270] =	vst @p1 v26;
	v23 =	vmul.u32 $0x18, v23;
	v11 =	vor.u32 v61, v29;
	v60 =	vsel vm0, $0xFFFFFFFF, v1  }
0x54f: {  	s18 =	smov.u32 @p3 s16;
	v33 =	vld.idx.msk @p1 [tilespmem:v33+s2+$0x0], $0xffff;
	v11 =	vadd.s32 $0xFC0, v11;
	v30 =	vadd.s32 v60, v30  }
0x550: {  	[tilespmem:s18+$0xFFFFFDB0] =	vst @p3 v38;
	v38 =	vld.idx.msk @p0 [tilespmem:v14+s2+$0x0], $0xffff;
	v23 =	vadd.s32 v23, v30  }
0x551: {  	[tilespmem:s17+$0xFFFFF700] =	vst @p2 v32;
	v32 =	vadd.s32 @p1 $0x800, v37;
	v26 =	vld.idx.msk @p3 [tilespmem:v40+s2+$0x0], $0xffff;
	v30 =	vand.u32 $0x7, v30;
	v23 =	vand.u32 $0xFFFFFFF8, v23  }
0x552: {  	v23 =	vor.u32 v30, v23;
	v30 =	vld.idx.msk @p2 [tilespmem:v36+s2+$0x0], $0xffff;
	v36 =	vadd.s32 @p2 $0x1400, v22  }
0x553: {  	[tilespmem:s0+$0x0] =	vst @p4 v28;
	v29 =	vld.idx.msk @p3 [tilespmem:v39+s2+$0x0], $0xffff;
	v23 =	vadd.s32 $0xFC0, v23  }
0x554: {  	[tilespmem:s1+$0xFFFFF280] =	vst @p1 v27;
	v27 =	vadd.s32 @p1 $0xC00, v35;
	v11 =	vld.idx.msk [tilespmem:v11+s15+$0x0], $0xffff  }
0x555: {  	v39 =	vld.idx.msk @p0 [tilespmem:v15+s2+$0x0], $0xffff;
	[tilespmem:s17+$0xFFFFF930] =	vst @p2 v34;
	v34 =	vadd.s32 @p0 $0x400, v14  }
0x556: {  	v28 =	vadd.s32 @p2 $0x1400, v25;
	v32 =	vld.idx.msk @p1 [tilespmem:v32+s2+$0x0], $0xffff;
	[tilespmem:s1+$0xFFFFF4B0] =	vst @p1 v33  }
0x557: {  	s0 =	sadd.s32 @p1 $0x20, s1;
	s16 =	smov.u32 s25;
	[tilespmem:s17+$0xFFFFF940] =	vst @p2 v30;
	v30 =	vld.idx.msk @p2 [tilespmem:v36+s2+$0x0], $0xffff  }
0x558: {  	s16 =	smov.u32 @p1 s0;
	v33 =	vadd.s32 @p0 $0x400, v15;
	[tilespmem:s18+$0xFFFFFDC0] =	vst @p3 v29;
	v29 =	vmov @p1 v37;
	v23 =	vld.idx.msk [tilespmem:v23+s15+$0x0], $0xffff  }
0x559: {  	[tilespmem:s16+$0xFFFFF030] =	vst @p0 v38;
	v27 =	vld.idx.msk @p1 [tilespmem:v27+s2+$0x0], $0xffff;
	v36 =	vadd.s32 @p1 $0xC00, v29  }
0x55a: {  	v31 =	vadd.s32 @p3 $0x1C00, v31;
	[tilespmem:s18+$0xFFFFFFF0] =	vst @p3 v26;
	v26 =	vld.idx.msk @p0 [tilespmem:v34+s2+$0x0], $0xffff  }
0x55b: {  	[tilespmem:s16+$0xFFFFF040] =	vst @p0 v39;
	v28 =	vld.idx.msk @p2 [tilespmem:v28+s2+$0x0], $0xffff  }
0x55c: {  	v34 =	vadd.s32 @p2 $0x1800, v22;
	[tilespmem:s1+$0xFFFFF4C0] =	vst @p1 v32;
	v63 =	vld.idx.msk [tilespmem:v11+s2+$0x0], $0xffff  }
0x55d: {  	v43 =	vadd.s32 $0x400, v11;
	[tilespmem:s17+$0xFFFFFB70] =	vst @p2 v30;
	v30 =	vld.idx.msk @p0 [tilespmem:v33+s2+$0x0], $0xffff  }
0x55e: {  	v9 =	vpsel p0, v15, v9;
	v33 =	vadd.s32 @p0 $0x800, v14;
	v36 =	vld.idx.msk @p1 [tilespmem:v36+s2+$0x0], $0xffff  }
0x55f: {  	s0 =	smov.u32 s25;
	s19 =	sadd.s32 @p0 $0x20, s16;
	[tilespmem:s1+$0xFFFFF6F0] =	vst @p1 v27;
	v20 =	vpsel p0, v26, v20;
	v15 =	vpsel p0, v33, v24;
	v24 =	vld.idx.msk @p3 [tilespmem:v31+s2+$0x0], $0xffff  }
0x560: {  	s0 =	smov.u32 @p0 s19;
	v27 =	vadd.s32 @p0 $0x800, v9;
	[tilespmem:s16+$0xFFFFF270] =	vst @p0 v20;
	v62 =	vld.idx.msk [tilespmem:v23+s2+$0x0], $0xffff  }
0x561: {  	v42 =	vadd.s32 $0x400, v23;
	v33 =	vld.idx.msk @p2 [tilespmem:v34+s2+$0x0], $0xffff;
	[tilespmem:s0+$0xFFFFF040] =	vst v63  }
0x562: {  	[tilespmem:s17+$0xFFFFFB80] =	vst @p2 v28;
	v28 =	vadd.s32 @p1 $0x1000, v35;
	v45 =	vld.idx.msk [tilespmem:v43+s2+$0x0], $0xffff;
	v21 =	vpsel p0, v30, v21  }
0x563: {  	s26 =	smov.u32 @p1 s1;
	v16 =	vpsel p1, v28, v16;
	v13 =	vpsel p1, v36, v13;
	[tilespmem:s16+$0xFFFFF280] =	vst @p0 v21  }
0x564: {  	v10 =	vpsel p0, v14, v10;
	v47 =	vadd.s32 $0x800, v11;
	v14 =	vld.idx.msk @p0 [tilespmem:v15+s2+$0x0], $0xffff;
	[tilespmem:s26+$0xFFFFF700] =	vst @p1 v13  }
0x565: {  	s1 =	smov.u32 @p3 s18;
	v24 =	vpsel p3, v24, v0;
	v13 =	vld.idx.msk @p0 [tilespmem:v27+s2+$0x0], $0xffff;
	v21 =	vmov @p2 v25;
	v25 =	vadd.s32 @p0 $0xC00, v10;
	[tilespmem:s0+$0xFFFFF030] =	vst v62  }
0x566: {  	[tilespmem:s1+$0x0] =	vst @p3 v24;
	v24 =	vadd.s32 @p0 $0xC00, v9;
	s1 =	smov.u32 s25;
	v44 =	vld.idx.msk [tilespmem:v42+s2+$0x0], $0xffff  }
0x567: {  	v46 =	vadd.s32 $0x800, v23;
	v12 =	vpsel p2, v33, v12;
	s1 =	smov.u32 @p2 s17;
	[tilespmem:s0+$0xFFFFF280] =	vst v45  }
0x568: {  	v31 =	vadd.s32 @p1 $0x1000, v29;
	v16 =	vld.idx.msk @p1 [tilespmem:v16+s2+$0x0], $0xffff;
	[tilespmem:s1+$0xFFFFFDB0] =	vst @p2 v12  }
0x569: {  	v19 =	vpsel p1, v31, v19;
	v27 =	vadd.s32 @p2 $0x1800, v21;
	v49 =	vld.idx.msk [tilespmem:v47+s2+$0x0], $0xffff;
	[tilespmem:s16+$0xFFFFF4B0] =	vst @p0 v14  }
0x56a: {  	v17 =	vpsel p2, v27, v17;
	[tilespmem:s16+$0xFFFFF4C0] =	vst @p0 v13;
	v25 =	vld.idx.msk @p0 [tilespmem:v25+s2+$0x0], $0xffff  }
0x56b: {  	v51 =	vadd.s32 $0xC00, v11;
	v13 =	vadd.s32 @p0 $0x1000, v10;
	v12 =	vld.idx.msk @p0 [tilespmem:v24+s2+$0x0], $0xffff;
	[tilespmem:s0+$0xFFFFF270] =	vst v44  }
0x56c: {  	s17 =	smov.u32 @p1 s26;
	v7 =	vpsel p0, v13, v7;
	v48 =	vld.idx.msk [tilespmem:v46+s2+$0x0], $0xffff  }
0x56d: {  	v20 =	vmov @p1 v35;
	v50 =	vadd.s32 $0xC00, v23;
	[tilespmem:s17+$0xFFFFF930] =	vst @p1 v16;
	v16 =	vadd.s32 @p0 $0x1000, v9  }
0x56e: {  	v4 =	vpsel p1, v20, v4;
	v19 =	vld.idx.msk @p1 [tilespmem:v19+s2+$0x0], $0xffff;
	v8 =	vpsel p0, v16, v8  }
0x56f: {  	v5 =	vpsel p1, v29, v5;
	v13 =	vadd.s32 @p1 $0x1400, v4;
	v17 =	vld.idx.msk @p2 [tilespmem:v17+s2+$0x0], $0xffff;
	[tilespmem:s0+$0xFFFFF4C0] =	vst v49  }
0x570: {  	v16 =	vadd.s32 @p1 $0x1400, v5;
	v14 =	vld.idx.msk [tilespmem:v51+s2+$0x0], $0xffff;
	[tilespmem:s16+$0xFFFFF6F0] =	vst @p0 v25  }
0x571: {  	v3 =	vpsel p0, v10, v3;
	v53 =	vadd.s32 $0x1000, v11;
	s25 =	smov.u32 @p0 s16;
	v6 =	vpsel p0, v12, v6;
	v7 =	vld.idx.msk @p0 [tilespmem:v7+s2+$0x0], $0xffff;
	[tilespmem:s0+$0xFFFFF4B0] =	vst v48  }
0x572: {  	[tilespmem:s25+$0xFFFFF700] =	vst @p0 v6;
	v6 =	vadd.s32 @p0 $0x1400, v3;
	v15 =	vld.idx.msk [tilespmem:v50+s2+$0x0], $0xffff  }
0x573: {  	v22 =	vadd.s32 @p2 $0x1C00, v22;
	v52 =	vadd.s32 $0x1000, v23;
	[tilespmem:s17+$0xFFFFF940] =	vst @p1 v19;
	v8 =	vld.idx.msk @p0 [tilespmem:v8+s2+$0x0], $0xffff  }
0x574: {  	v18 =	vpsel p2, v22, v18;
	v12 =	vld.idx.msk @p1 [tilespmem:v13+s2+$0x0], $0xffff;
	[tilespmem:s1+$0xFFFFFDC0] =	vst @p2 v17  }
0x575: {  	v9 =	vpsel p0, v9, v2;
	v13 =	vadd.s32 @p1 $0x1800, v4;
	v16 =	vld.idx.msk @p1 [tilespmem:v16+s2+$0x0], $0xffff;
	s16 =	smov.u32 @p0 s25;
	[tilespmem:s0+$0xFFFFF700] =	vst v14  }
0x576: {  	v19 =	vadd.s32 @p0 $0x1400, v9;
	v55 =	vld.idx.msk [tilespmem:v53+s2+$0x0], $0xffff;
	[tilespmem:s16+$0xFFFFF930] =	vst @p0 v7  }
0x577: {  	v57 =	vadd.s32 $0x1400, v11;
	v6 =	vld.idx.msk @p0 [tilespmem:v6+s2+$0x0], $0xffff;
	[tilespmem:s0+$0xFFFFF6F0] =	vst v15  }
0x578: {  	[tilespmem:s16+$0xFFFFF940] =	vst @p0 v8;
	v8 =	vadd.s32 @p0 $0x1800, v3;
	v54 =	vld.idx.msk [tilespmem:v52+s2+$0x0], $0xffff  }
0x579: {  	v56 =	vadd.s32 $0x1400, v23;
	v18 =	vld.idx.msk @p2 [tilespmem:v18+s2+$0x0], $0xffff;
	v17 =	vadd.s32 @p1 $0x1800, v5;
	[tilespmem:s17+$0xFFFFFB70] =	vst @p1 v12  }
0x57a: {  	v2 =	vpsel p2, v21, v2;
	[tilespmem:s17+$0xFFFFFB80] =	vst @p1 v16;
	v13 =	vld.idx.msk @p1 [tilespmem:v13+s2+$0x0], $0xffff;
	v15 =	vpsel p1, v17, v0  }
0x57b: {  	v2 =	vadd.s32 @p2 $0x1C00, v2;
	v16 =	vadd.s32 @p0 $0x1800, v9;
	v14 =	vld.idx.msk @p0 [tilespmem:v19+s2+$0x0], $0xffff;
	[tilespmem:s0+$0xFFFFF940] =	vst v55  }
0x57c: {  	v4 =	vadd.s32 @p1 $0x1C00, v4;
	v16 =	vpsel p0, v16, v0;
	v7 =	vld.idx.msk [tilespmem:v57+s2+$0x0], $0xffff;
	[tilespmem:s16+$0xFFFFFB70] =	vst @p0 v6  }
0x57d: {  	v4 =	vpsel p1, v4, v0;
	v8 =	vld.idx.msk @p0 [tilespmem:v8+s2+$0x0], $0xffff;
	[tilespmem:s0+$0xFFFFF930] =	vst v54  }
0x57e: {  	v59 =	vadd.s32 $0x1800, v11;
	v10 =	vld.idx.msk [tilespmem:v56+s2+$0x0], $0xffff  }
0x57f: {  	v58 =	vadd.s32 $0x1800, v23;
	[tilespmem:s1+$0xFFFFFFF0] =	vst @p2 v18;
	v5 =	vpsel p1, v5, v0;
	v15 =	vld.idx.msk @p1 [tilespmem:v15+s2+$0x0], $0xffff  }
0x580: {  	v2 =	vld.idx.msk @p2 [tilespmem:v2+s2+$0x0], $0xffff;
	v5 =	vadd.s32 @p1 $0x1C00, v5;
	s17 =	smov.u32 @p1 s17;
	v3 =	vadd.s32 @p0 $0x1C00, v3;
	v13 =	vpsel p1, v13, v0;
	[tilespmem:s16+$0xFFFFFB80] =	vst @p0 v14  }
0x581: {  	v9 =	vpsel p0, v9, v0;
	v3 =	vpsel p0, v3, v0;
	[tilespmem:s17+$0xFFFFFDB0] =	vst @p1 v13;
	v13 =	vld.idx.msk @p0 [tilespmem:v16+s2+$0x0], $0xffff  }
0x582: {  	v9 =	vadd.s32 @p0 $0x1C00, v9;
	v4 =	vld.idx.msk @p1 [tilespmem:v4+s2+$0x0], $0xffff;
	[tilespmem:s0+$0xFFFFFB80] =	vst v7  }
0x583: {  	v61 =	vld.idx.msk [tilespmem:v59+s2+$0x0], $0xffff;
	[tilespmem:s0+$0xFFFFFB70] =	vst v10  }
0x584: {  	v62 =	vadd.s32 $0x1C00, v11;
	s16 =	smov.u32 @p0 s16;
	v7 =	vpsel p0, v8, v0;
	[tilespmem:s17+$0xFFFFFDC0] =	vst @p1 v15;
	v6 =	vld.idx.msk [tilespmem:v58+s2+$0x0], $0xffff  }
0x585: {  	v60 =	vadd.s32 $0x1C00, v23;
	[tilespmem:s16+$0xFFFFFDB0] =	vst @p0 v7;
	v5 =	vld.idx.msk @p1 [tilespmem:v5+s2+$0x0], $0xffff  }
0x586: {  	s1 =	smov.u32 @p2 s1;
	v2 =	vpsel p2, v2, v0;
	[tilespmem:s16+$0xFFFFFDC0] =	vst @p0 v13;
	v3 =	vld.idx.msk @p0 [tilespmem:v3+s2+$0x0], $0xffff  }
0x587: {  	[tilespmem:s1+$0x0] =	vst @p2 v2;
	v2 =	vld.idx.msk @p0 [tilespmem:v9+s2+$0x0], $0xffff  }
0x588: {  	[tilespmem:s0+$0xFFFFFDC0] =	vst v61  }
0x589: {  	v63 =	vld.idx.msk [tilespmem:v62+s2+$0x0], $0xffff;
	[tilespmem:s0+$0xFFFFFDB0] =	vst v6  }
0x58a: {  	[tilespmem:s17+$0xFFFFFFF0] =	vst @p1 v4;
	v6 =	vld.idx.msk [tilespmem:v60+s2+$0x0], $0xffff  }
0x58b: {  	s1 =	smov.u32 @p1 s17;
	v4 =	vpsel p1, v5, v0;
	[tilespmem:s16+$0xFFFFFFF0] =	vst @p0 v3  }
0x58c: {  	v2 =	vpsel p0, v2, v0;
	[tilespmem:s1+$0x0] =	vst @p1 v4;
	s1 =	smov.u32 @p0 s16  }
0x58d: {  	[tilespmem:s1+$0x0] =	vst @p0 v2  }
0x58e: {  	[tilespmem:s0+$0x0] =	vst v63  }
0x58f: {  	s22 =	simm.s32 $0x3200;
	[tilespmem:s0+$0xFFFFFFF0] =	vst v6  }
0x590: {  	[hbm4b:s4+s2] =	stream.linear.scatter [tilespmem:s22], [sflag:$0x1], $0x1200, $0x38;
	[tilespmem:$0xC200] =	vst v63  }
0x591: {  	_ =	swait.ge [sflag:s14], $0x1200  }
0x592: {  	[sflag:s14] =	ssyncset.done $0x0  }
0x593: {  	s25 =	simm.s32 $0x4400;
	[sflag:s14] =	ssyncadd.s32 $0xFFFFEE00  }
0x594: {  	[hbm4b:s6+s2] =	stream.linear.scatter [tilespmem:s25], [sflag:$0x1], $0x1200, $0x38;
	[tilespmem:$0xC200] =	vst v63  }
0x595: {  	_ =	swait.ge [sflag:s14], $0x1200  }
0x596: {  	[sflag:s14] =	ssyncset.done $0x0  }
0x597: {  	s26 =	simm.s32 $0x5600;
	[sflag:s14] =	ssyncadd.s32 $0xFFFFEE00  }
0x598: {  	[hbm4b:s7+s2] =	stream.linear.scatter [tilespmem:s26], [sflag:$0x1], $0x1200, $0x38;
	[tilespmem:$0xC200] =	vst v63  }
0x599: {  	_ =	swait.ge [sflag:s14], $0x1200  }
0x59a: {  	[sflag:s14] =	ssyncset.done $0x0  }
0x59b: {  	s28 =	simm.s32 $0x6800;
	[sflag:s14] =	ssyncadd.s32 $0xFFFFEE00  }
0x59c: {  	[hbm4b:s8+s2] =	stream.linear.scatter [tilespmem:s28], [sflag:$0x1], $0x1200, $0x38;
	[tilespmem:$0xC200] =	vst v63  }
0x59d: {  	_ =	swait.ge [sflag:s14], $0x1200  }
0x59e: {  	[sflag:s14] =	ssyncset.done $0x0  }
0x59f: {  	s29 =	simm.s32 $0x7A00;
	[sflag:s14] =	ssyncadd.s32 $0xFFFFEE00  }
0x5a0: {  	[hbm4b:s9+s2] =	stream.linear.scatter [tilespmem:s29], [sflag:$0x1], $0x1200, $0x38;
	[tilespmem:$0xC200] =	vst v63  }
0x5a1: {  	_ =	swait.ge [sflag:s14], $0x1200  }
0x5a2: {  	[sflag:s14] =	ssyncset.done $0x0  }
0x5a3: {  	s30 =	simm.s32 $0x8C00;
	[sflag:s14] =	ssyncadd.s32 $0xFFFFEE00  }
0x5a4: {  	[hbm4b:s10+s2] =	stream.linear.scatter [tilespmem:s30], [sflag:$0x1], $0x1200, $0x38;
	[tilespmem:$0xC200] =	vst v63  }
0x5a5: {  	_ =	swait.ge [sflag:s14], $0x1200  }
0x5a6: {  	[sflag:s14] =	ssyncset.done $0x0  }
0x5a7: {  	s31 =	simm.s32 $0x9E00;
	[sflag:s14] =	ssyncadd.s32 $0xFFFFEE00  }
0x5a8: {  	[hbm4b:s11+s2] =	stream.linear.scatter [tilespmem:s31], [sflag:$0x1], $0x1200, $0x38;
	[tilespmem:$0xC200] =	vst v63  }
0x5a9: {  	_ =	swait.ge [sflag:s14], $0x1200  }
0x5aa: {  	s24 =	sadd.s32 $0x1, s24;
	[sflag:s14] =	ssyncset.done $0x0  }
0x5ab: {  	p0 =	sne.s32 s24, s13;
	[sflag:s14] =	ssyncadd.s32 $0xFFFFEE00  }
0x5ac: {  	[hbm4b:s12+s2] =	stream.linear.scatter [tilespmem:s23], [sflag:$0x1], $0x1200, $0x38;
	[tilespmem:$0xC200] =	vst v63  }
.Ltmp50:
0x5ad: {  	_ = 	snop;
	(pc) =	sbr.rel @p0 .LBB2_1-.Ltmp50, $4  }
.Ltmp51:
0x5ae: {  	_ = 	snop;
	(pc) =	sbr.rel @!p0 .LBB2_102-.Ltmp51, $4  }
0x5af: {  	_ =	swait.ge [sflag:s14], $0x1200  }
0x5b0: {  	[sflag:s14] =	ssyncset.done $0x0  }
0x5b1: {  	[sflag:s14] =	ssyncadd.s32 $0xFFFFEE00  }
0x5b2: {  	_ = 	snop  }
.LBB2_4:
.Ltmp52:
0x5b3: {  	(pc) =	sbr.rel .LBB2_17-.Ltmp52, $2  }
0x5b4: {  	_ =	sdelay $0x2  }
0x5b5: {  	v33 =	vmovc v5;
	s1 =	simm.s32 $0x53D0;
	v23 =	vmov v4;
	s16 =	simm.s32 $0x0;
	v28 =	vmov v2;
	p6 =	por $0x0, $0x0;
	v34 =	vmov v3  }
.LBB2_18:
.Ltmp53:
0x5b6: {  	(pc) =	sbr.rel .LBB2_31-.Ltmp53, $3  }
0x5b7: {  	_ =	sdelay $0x1  }
0x5b8: {  	s30 =	simm.s32 $0x65D0;
	p1 =	por $0x0, $0x0  }
0x5b9: {  	p2 =	por $0x0, $0x0;
	p3 =	por $0x0, $0x0;
	p4 =	por $0x0, $0x0  }
.LBB2_32:
.Ltmp54:
0x5ba: {  	(pc) =	sbr.rel .LBB2_45-.Ltmp54, $2  }
0x5bb: {  	_ =	sdelay $0x2  }
0x5bc: {  	v33 =	vmovc v5;
	s1 =	simm.s32 $0x77D0;
	v23 =	vmov v4;
	s16 =	simm.s32 $0x0;
	v28 =	vmov v2;
	p6 =	por $0x0, $0x0;
	v34 =	vmov v3  }
.LBB2_46:
.Ltmp55:
0x5bd: {  	(pc) =	sbr.rel .LBB2_59-.Ltmp55, $3  }
0x5be: {  	_ =	sdelay $0x1  }
0x5bf: {  	s30 =	simm.s32 $0x89D0;
	p1 =	por $0x0, $0x0  }
0x5c0: {  	p2 =	por $0x0, $0x0;
	p3 =	por $0x0, $0x0;
	p4 =	por $0x0, $0x0  }
.LBB2_60:
.Ltmp56:
0x5c1: {  	(pc) =	sbr.rel .LBB2_73-.Ltmp56, $2  }
0x5c2: {  	_ =	sdelay $0x2  }
0x5c3: {  	v33 =	vmovc v5;
	s1 =	simm.s32 $0x9BD0;
	v23 =	vmov v4;
	s16 =	simm.s32 $0x0;
	v28 =	vmov v2;
	p6 =	por $0x0, $0x0;
	v34 =	vmov v3  }
.LBB2_74:
.Ltmp57:
0x5c4: {  	(pc) =	sbr.rel .LBB2_87-.Ltmp57, $3  }
0x5c5: {  	_ =	sdelay $0x1  }
0x5c6: {  	s31 =	simm.s32 $0xADD0;
	p1 =	por $0x0, $0x0  }
0x5c7: {  	p2 =	por $0x0, $0x0;
	p3 =	por $0x0, $0x0;
	p4 =	por $0x0, $0x0  }
.LBB2_88:
.Ltmp58:
0x5c8: {  	(pc) =	sbr.rel .LBB2_101-.Ltmp58, $2  }
0x5c9: {  	_ =	sdelay $0x2  }
0x5ca: {  	s1 =	simm.s32 $0xBFD0  }
.LBB2_6:
.Ltmp59:
0x5cb: {  	_ = 	snop;
	(pc) =	sbr.rel .LBB2_17-.Ltmp59, $3  }
0x5cc: {  	_ =	sdelay $0x1  }
0x5cd: {  	s1 =	simm.s32 $0x53D0  }
0x5ce: {  	s16 =	simm.s32 $0x20;
	p6 =	por $0x0, $0x0;
	p1 =	por $0x1, $0x1;
	v18 =	vmov v6;
	v17 =	vmov v7  }
.LBB2_20:
.Ltmp60:
0x5cf: {  	_ = 	snop;
	(pc) =	sbr.rel .LBB2_31-.Ltmp60, $3  }
0x5d0: {  	_ =	sdelay $0x1  }
0x5d1: {  	s30 =	simm.s32 $0x65D0;
	s20 =	simm.s32 $0x20  }
0x5d2: {  	p2 =	por $0x0, $0x0;
	p3 =	por $0x0, $0x0;
	p4 =	por $0x0, $0x0;
	v13 =	vmov v4;
	v12 =	vmov v5  }
.LBB2_34:
.Ltmp61:
0x5d3: {  	_ = 	snop;
	(pc) =	sbr.rel .LBB2_45-.Ltmp61, $3  }
0x5d4: {  	_ =	sdelay $0x1  }
0x5d5: {  	s1 =	simm.s32 $0x77D0  }
0x5d6: {  	s16 =	simm.s32 $0x20;
	p6 =	por $0x0, $0x0;
	p1 =	por $0x1, $0x1;
	v18 =	vmov v6;
	v17 =	vmov v7  }
.LBB2_48:
.Ltmp62:
0x5d7: {  	_ = 	snop;
	(pc) =	sbr.rel .LBB2_59-.Ltmp62, $3  }
0x5d8: {  	_ =	sdelay $0x1  }
0x5d9: {  	s30 =	simm.s32 $0x89D0;
	s25 =	simm.s32 $0x20  }
0x5da: {  	p2 =	por $0x0, $0x0;
	p3 =	por $0x0, $0x0;
	p4 =	por $0x0, $0x0;
	v13 =	vmov v4;
	v12 =	vmov v5  }
.LBB2_62:
.Ltmp63:
0x5db: {  	_ = 	snop;
	(pc) =	sbr.rel .LBB2_73-.Ltmp63, $3  }
0x5dc: {  	_ =	sdelay $0x1  }
0x5dd: {  	s1 =	simm.s32 $0x9BD0  }
0x5de: {  	s16 =	simm.s32 $0x20;
	p6 =	por $0x0, $0x0;
	p1 =	por $0x1, $0x1;
	v18 =	vmov v6;
	v17 =	vmov v7  }
.LBB2_76:
.Ltmp64:
0x5df: {  	_ = 	snop;
	(pc) =	sbr.rel .LBB2_87-.Ltmp64, $3  }
0x5e0: {  	_ =	sdelay $0x1  }
0x5e1: {  	s31 =	simm.s32 $0xADD0;
	s25 =	simm.s32 $0x20  }
0x5e2: {  	p2 =	por $0x0, $0x0;
	p3 =	por $0x0, $0x0;
	p4 =	por $0x0, $0x0;
	v13 =	vmov v4;
	v12 =	vmov v5  }
.LBB2_90:
.Ltmp65:
0x5e3: {  	_ = 	snop;
	(pc) =	sbr.rel .LBB2_101-.Ltmp65, $2  }
0x5e4: {  	_ =	sdelay $0x2  }
0x5e5: {  	s1 =	simm.s32 $0xBFD0;
	s30 =	simm.s32 $0x20;
	v15 =	vmov v2;
	v14 =	vmov v3  }
.LBB2_8:
.Ltmp66:
0x5e6: {  	_ = 	snop;
	(pc) =	sbr.rel .LBB2_17-.Ltmp66, $2  }
0x5e7: {  	_ =	sdelay $0x2  }
0x5e8: {  	v40 =	vmovc v6;
	v39 =	vmov v7;
	s1 =	simm.s32 $0x53D0;
	p6 =	por $0x0, $0x0;
	p1 =	por $0x1, $0x1;
	v18 =	vmov v9;
	v17 =	vmov v8  }
.LBB2_22:
.Ltmp67:
0x5e9: {  	_ = 	snop;
	(pc) =	sbr.rel .LBB2_31-.Ltmp67, $3  }
0x5ea: {  	_ =	sdelay $0x1  }
0x5eb: {  	s30 =	simm.s32 $0x65D0  }
0x5ec: {  	v30 =	vmovc v4;
	v35 =	vmov v5;
	s0 =	simm.s32 $0x0;
	p3 =	por $0x0, $0x0;
	p4 =	por $0x0, $0x0;
	v13 =	vmov v7;
	v12 =	vmov v6  }
.LBB2_36:
.Ltmp68:
0x5ed: {  	_ = 	snop;
	(pc) =	sbr.rel .LBB2_45-.Ltmp68, $2  }
0x5ee: {  	_ =	sdelay $0x2  }
0x5ef: {  	v40 =	vmovc v6;
	v39 =	vmov v7;
	s1 =	simm.s32 $0x77D0;
	p6 =	por $0x0, $0x0;
	p1 =	por $0x1, $0x1;
	v18 =	vmov v9;
	v17 =	vmov v8  }
.LBB2_50:
.Ltmp69:
0x5f0: {  	_ = 	snop;
	(pc) =	sbr.rel .LBB2_59-.Ltmp69, $3  }
0x5f1: {  	_ =	sdelay $0x1  }
0x5f2: {  	s30 =	simm.s32 $0x89D0  }
0x5f3: {  	v30 =	vmovc v4;
	v35 =	vmov v5;
	s0 =	simm.s32 $0x0;
	p3 =	por $0x0, $0x0;
	p4 =	por $0x0, $0x0;
	v13 =	vmov v7;
	v12 =	vmov v6  }
.LBB2_64:
.Ltmp70:
0x5f4: {  	_ = 	snop;
	(pc) =	sbr.rel .LBB2_73-.Ltmp70, $2  }
0x5f5: {  	_ =	sdelay $0x2  }
0x5f6: {  	v40 =	vmovc v6;
	v39 =	vmov v7;
	s1 =	simm.s32 $0x9BD0;
	p6 =	por $0x0, $0x0;
	p1 =	por $0x1, $0x1;
	v18 =	vmov v9;
	v17 =	vmov v8  }
.LBB2_78:
.Ltmp71:
0x5f7: {  	_ = 	snop;
	(pc) =	sbr.rel .LBB2_87-.Ltmp71, $3  }
0x5f8: {  	_ =	sdelay $0x1  }
0x5f9: {  	s31 =	simm.s32 $0xADD0  }
0x5fa: {  	v30 =	vmovc v4;
	v35 =	vmov v5;
	s16 =	simm.s32 $0x0;
	p3 =	por $0x0, $0x0;
	p4 =	por $0x0, $0x0;
	v13 =	vmov v7;
	v12 =	vmov v6  }
.LBB2_92:
.Ltmp72:
0x5fb: {  	_ = 	snop;
	(pc) =	sbr.rel .LBB2_101-.Ltmp72, $2  }
0x5fc: {  	_ =	sdelay $0x2  }
0x5fd: {  	v37 =	vmovc v2;
	v35 =	vmov v3;
	s1 =	simm.s32 $0xBFD0;
	v15 =	vmov v5;
	v14 =	vmov v4  }
.LBB2_10:
.Ltmp73:
0x5fe: {  	_ = 	snop;
	(pc) =	sbr.rel .LBB2_17-.Ltmp73, $3  }
0x5ff: {  	_ =	sdelay $0x1  }
0x600: {  	v40 =	vmovc v9;
	s18 =	simm.s32 $0x53D0;
	v39 =	vmov v8;
	v38 =	vmov v11;
	v41 =	vmov v12;
	s1 =	simm.s32 $0x53F0  }
0x601: {  	v26 =	vmovc v7;
	s16 =	simm.s32 $0x60;
	v29 =	vmovc v6;
	p6 =	por $0x0, $0x0;
	p1 =	por $0x1, $0x1;
	v18 =	vmov v13;
	v36 =	vmov v10;
	v17 =	vmov v14  }
.LBB2_24:
.Ltmp74:
0x602: {  	_ = 	snop;
	(pc) =	sbr.rel .LBB2_31-.Ltmp74, $3  }
0x603: {  	_ =	sdelay $0x1  }
0x604: {  	v30 =	vmovc v7;
	s1 =	simm.s32 $0x0;
	s19 =	simm.s32 $0x65D0;
	s30 =	simm.s32 $0x65F0;
	v35 =	vmov v6;
	v13 =	vmov v11;
	v32 =	vmov v9  }
0x605: {  	v37 =	vmovc v10;
	v22 =	vmovc v5;
	s20 =	simm.s32 $0x60;
	s0 =	simm.s32 $0x0;
	v26 =	vmov v4;
	p4 =	por $0x0, $0x0;
	v31 =	vmov v8;
	v12 =	vmov v14  }
.LBB2_38:
.Ltmp75:
0x606: {  	_ = 	snop;
	(pc) =	sbr.rel .LBB2_45-.Ltmp75, $3  }
0x607: {  	_ =	sdelay $0x1  }
0x608: {  	v40 =	vmovc v9;
	s18 =	simm.s32 $0x77D0;
	v39 =	vmov v8;
	v38 =	vmov v11;
	v41 =	vmov v12;
	s1 =	simm.s32 $0x77F0  }
0x609: {  	v26 =	vmovc v7;
	s16 =	simm.s32 $0x60;
	v29 =	vmovc v6;
	p6 =	por $0x0, $0x0;
	p1 =	por $0x1, $0x1;
	v18 =	vmov v13;
	v36 =	vmov v10;
	v17 =	vmov v14  }
.LBB2_52:
.Ltmp76:
0x60a: {  	_ = 	snop;
	(pc) =	sbr.rel .LBB2_59-.Ltmp76, $3  }
0x60b: {  	_ =	sdelay $0x1  }
0x60c: {  	v30 =	vmovc v7;
	s1 =	simm.s32 $0x0;
	s19 =	simm.s32 $0x89D0;
	s30 =	simm.s32 $0x89F0;
	v35 =	vmov v6;
	v13 =	vmov v11;
	v32 =	vmov v9  }
0x60d: {  	v37 =	vmovc v10;
	v22 =	vmovc v5;
	s25 =	simm.s32 $0x60;
	s0 =	simm.s32 $0x0;
	v26 =	vmov v4;
	p4 =	por $0x0, $0x0;
	v31 =	vmov v8;
	v12 =	vmov v14  }
.LBB2_66:
.Ltmp77:
0x60e: {  	_ = 	snop;
	(pc) =	sbr.rel .LBB2_73-.Ltmp77, $3  }
0x60f: {  	_ =	sdelay $0x1  }
0x610: {  	v40 =	vmovc v9;
	s18 =	simm.s32 $0x9BD0;
	v39 =	vmov v8;
	v38 =	vmov v11;
	v41 =	vmov v12;
	s1 =	simm.s32 $0x9BF0  }
0x611: {  	v26 =	vmovc v7;
	s16 =	simm.s32 $0x60;
	v29 =	vmovc v6;
	p6 =	por $0x0, $0x0;
	p1 =	por $0x1, $0x1;
	v18 =	vmov v13;
	v36 =	vmov v10;
	v17 =	vmov v14  }
.LBB2_80:
.Ltmp78:
0x612: {  	_ = 	snop;
	(pc) =	sbr.rel .LBB2_87-.Ltmp78, $3  }
0x613: {  	_ =	sdelay $0x1  }
0x614: {  	v30 =	vmovc v7;
	s0 =	simm.s32 $0x0;
	s19 =	simm.s32 $0xADD0;
	s31 =	simm.s32 $0xADF0;
	v35 =	vmov v6;
	v13 =	vmov v11;
	v32 =	vmov v9  }
0x615: {  	v37 =	vmovc v10;
	v22 =	vmovc v5;
	s25 =	simm.s32 $0x60;
	s16 =	simm.s32 $0x0;
	v26 =	vmov v4;
	p4 =	por $0x0, $0x0;
	v31 =	vmov v8;
	v12 =	vmov v14  }
.LBB2_94:
.Ltmp79:
0x616: {  	_ = 	snop;
	(pc) =	sbr.rel .LBB2_101-.Ltmp79, $3  }
0x617: {  	_ =	sdelay $0x1  }
0x618: {  	v37 =	vmovc v5;
	v35 =	vmov v4;
	v34 =	vmov v7;
	v36 =	vmov v8  }
0x619: {  	s17 =	simm.s32 $0xBFD0;
	s1 =	simm.s32 $0xBFF0;
	v22 =	vmovc v3;
	s30 =	simm.s32 $0x60;
	v25 =	vmovc v2;
	v15 =	vmov v9;
	v32 =	vmov v6;
	v14 =	vmov v10  }
.LBB2_12:
.Ltmp80:
0x61a: {  	(pc) =	sbr.rel .LBB2_17-.Ltmp80, $4  }
0x61b: {  	_ = 	snop  }
0x61c: {  	v40 =	vmovc v13;
	v38 =	vmov v19;
	v36 =	vmov v16;
	v41 =	vmov v22  }
0x61d: {  	s18 =	simm.s32 $0x53F0;
	v26 =	vmovc v8;
	v43 =	vmovc v20;
	v44 =	vmov v21;
	v37 =	vmov v27;
	v29 =	vmov v9  }
0x61e: {  	s17 =	simm.s32 $0x53D0;
	v35 =	vmovc v6;
	v39 =	vmovc v14;
	p6 =	por $0x0, $0x0;
	p1 =	por $0x1, $0x1;
	v42 =	vmov v15;
	v30 =	vmov v24;
	v31 =	vmov v25  }
.LBB2_26:
.Ltmp81:
0x61f: {  	(pc) =	sbr.rel .LBB2_31-.Ltmp81, $4  }
0x620: {  	_ = 	snop  }
0x621: {  	v30 =	vmovc v11;
	v32 =	vmov v17;
	v31 =	vmov v16;
	v37 =	vmov v20  }
0x622: {  	s1 =	simm.s32 $0x0;
	s19 =	simm.s32 $0x65F0;
	v22 =	vmovc v6;
	v39 =	vmovc v18;
	v40 =	vmov v19;
	v34 =	vmov v25;
	v26 =	vmov v7  }
0x623: {  	s18 =	simm.s32 $0x65D0;
	s16 =	simm.s32 $0x0;
	s0 =	simm.s32 $0x0;
	v35 =	vmovc v14;
	v36 =	vmovc v4;
	v38 =	vmov v15;
	v28 =	vmov v21;
	v29 =	vmov v23  }
.LBB2_40:
.Ltmp82:
0x624: {  	(pc) =	sbr.rel .LBB2_45-.Ltmp82, $4  }
0x625: {  	_ = 	snop  }
0x626: {  	v40 =	vmovc v13;
	v38 =	vmov v19;
	v36 =	vmov v16;
	v41 =	vmov v22  }
0x627: {  	s18 =	simm.s32 $0x77F0;
	v26 =	vmovc v8;
	v43 =	vmovc v20;
	v44 =	vmov v21;
	v37 =	vmov v27;
	v29 =	vmov v9  }
0x628: {  	s17 =	simm.s32 $0x77D0;
	v35 =	vmovc v6;
	v39 =	vmovc v14;
	p6 =	por $0x0, $0x0;
	p1 =	por $0x1, $0x1;
	v42 =	vmov v15;
	v30 =	vmov v24;
	v31 =	vmov v25  }
.LBB2_54:
.Ltmp83:
0x629: {  	(pc) =	sbr.rel .LBB2_59-.Ltmp83, $4  }
0x62a: {  	_ = 	snop  }
0x62b: {  	v30 =	vmovc v11;
	v32 =	vmov v17;
	v31 =	vmov v16;
	v37 =	vmov v20  }
0x62c: {  	s1 =	simm.s32 $0x0;
	s19 =	simm.s32 $0x89F0;
	v22 =	vmovc v6;
	v39 =	vmovc v18;
	v40 =	vmov v19;
	v34 =	vmov v25;
	v26 =	vmov v7  }
0x62d: {  	s18 =	simm.s32 $0x89D0;
	s16 =	simm.s32 $0x0;
	s0 =	simm.s32 $0x0;
	v35 =	vmovc v14;
	v36 =	vmovc v4;
	v38 =	vmov v15;
	v28 =	vmov v21;
	v29 =	vmov v23  }
.LBB2_68:
.Ltmp84:
0x62e: {  	(pc) =	sbr.rel .LBB2_73-.Ltmp84, $4  }
0x62f: {  	_ = 	snop  }
0x630: {  	v40 =	vmovc v13;
	v38 =	vmov v19;
	v36 =	vmov v16;
	v41 =	vmov v22  }
0x631: {  	s18 =	simm.s32 $0x9BF0;
	v26 =	vmovc v8;
	v43 =	vmovc v20;
	v44 =	vmov v21;
	v37 =	vmov v27;
	v29 =	vmov v9  }
0x632: {  	s17 =	simm.s32 $0x9BD0;
	v35 =	vmovc v6;
	v39 =	vmovc v14;
	p6 =	por $0x0, $0x0;
	p1 =	por $0x1, $0x1;
	v42 =	vmov v15;
	v30 =	vmov v24;
	v31 =	vmov v25  }
.LBB2_82:
.Ltmp85:
0x633: {  	(pc) =	sbr.rel .LBB2_87-.Ltmp85, $4  }
0x634: {  	_ = 	snop  }
0x635: {  	v30 =	vmovc v11;
	v32 =	vmov v17;
	v31 =	vmov v16;
	v37 =	vmov v20  }
0x636: {  	s0 =	simm.s32 $0x0;
	s19 =	simm.s32 $0xADF0;
	v22 =	vmovc v6;
	v39 =	vmovc v18;
	v40 =	vmov v19;
	v34 =	vmov v25;
	v26 =	vmov v7  }
0x637: {  	s18 =	simm.s32 $0xADD0;
	s17 =	simm.s32 $0x0;
	s16 =	simm.s32 $0x0;
	v35 =	vmovc v14;
	v36 =	vmovc v4;
	v38 =	vmov v15;
	v28 =	vmov v21;
	v29 =	vmov v23  }
.LBB2_96:
.Ltmp86:
0x638: {  	(pc) =	sbr.rel .LBB2_101-.Ltmp86, $4  }
0x639: {  	_ = 	snop  }
0x63a: {  	v37 =	vmovc v9;
	v34 =	vmov v16;
	v32 =	vmov v13;
	v36 =	vmov v19  }
0x63b: {  	v22 =	vmovc v4;
	v39 =	vmovc v17;
	v40 =	vmov v18;
	v33 =	vmov v24;
	v25 =	vmov v5  }
0x63c: {  	s17 =	simm.s32 $0xBFF0;
	s16 =	simm.s32 $0xBFD0;
	v31 =	vmovc v2;
	v35 =	vmovc v10;
	v38 =	vmov v12;
	v26 =	vmov v20;
	v27 =	vmov v21  }
.LBB2_14:
.Ltmp87:
0x63d: {  	_ = 	snop;
	(pc) =	sbr.rel .LBB2_17-.Ltmp87, $3  }
0x63e: {  	_ =	sdelay $0x1  }
0x63f: {  	v40 =	vmov v18;
	s18 =	simm.s32 $0x5410;
	s0 =	simm.s32 $0x53D0;
	v39 =	vmov v17;
	s17 =	simm.s32 $0x53F0  }
0x640: {  	s1 =	simm.s32 $0x5430;
	v26 =	vmovc v14;
	s16 =	simm.s32 $0xA0;
	v29 =	vmovc v13;
	v35 =	vmov v9;
	v18 =	vmov v46;
	p1 =	por $0x1, $0x1;
	v17 =	vmov v45  }
.LBB2_28:
.Ltmp88:
0x641: {  	_ = 	snop;
	(pc) =	sbr.rel .LBB2_31-.Ltmp88, $4  }
0x642: {  	_ = 	snop  }
0x643: {  	s1 =	simm.s32 $0x0;
	s19 =	simm.s32 $0x6610  }
0x644: {  	v30 =	vmov v13;
	s17 =	simm.s32 $0x65D0;
	s18 =	simm.s32 $0x65F0;
	s30 =	simm.s32 $0x6630;
	v35 =	vmov v12  }
0x645: {  	v22 =	vmovc v14;
	s16 =	simm.s32 $0x0;
	s20 =	simm.s32 $0xA0;
	s0 =	simm.s32 $0x0;
	v26 =	vmovc v11;
	v36 =	vmov v7;
	v13 =	vmov v41;
	v12 =	vmov v42  }
.LBB2_42:
.Ltmp89:
0x646: {  	_ = 	snop;
	(pc) =	sbr.rel .LBB2_45-.Ltmp89, $3  }
0x647: {  	_ =	sdelay $0x1  }
0x648: {  	v40 =	vmov v18;
	s18 =	simm.s32 $0x7810;
	s0 =	simm.s32 $0x77D0;
	v39 =	vmov v17;
	s17 =	simm.s32 $0x77F0  }
0x649: {  	s1 =	simm.s32 $0x7830;
	v26 =	vmovc v14;
	s16 =	simm.s32 $0xA0;
	v29 =	vmovc v13;
	v35 =	vmov v9;
	v18 =	vmov v46;
	p1 =	por $0x1, $0x1;
	v17 =	vmov v45  }
.LBB2_56:
.Ltmp90:
0x64a: {  	_ = 	snop;
	(pc) =	sbr.rel .LBB2_59-.Ltmp90, $4  }
0x64b: {  	_ = 	snop  }
0x64c: {  	s1 =	simm.s32 $0x0;
	s19 =	simm.s32 $0x8A10  }
0x64d: {  	v30 =	vmov v13;
	s17 =	simm.s32 $0x89D0;
	s18 =	simm.s32 $0x89F0;
	s30 =	simm.s32 $0x8A30;
	v35 =	vmov v12  }
0x64e: {  	v22 =	vmovc v14;
	s16 =	simm.s32 $0x0;
	s25 =	simm.s32 $0xA0;
	s0 =	simm.s32 $0x0;
	v26 =	vmovc v11;
	v36 =	vmov v7;
	v13 =	vmov v41;
	v12 =	vmov v42  }
.LBB2_70:
.Ltmp91:
0x64f: {  	_ = 	snop;
	(pc) =	sbr.rel .LBB2_73-.Ltmp91, $3  }
0x650: {  	_ =	sdelay $0x1  }
0x651: {  	v40 =	vmov v18;
	s18 =	simm.s32 $0x9C10;
	s0 =	simm.s32 $0x9BD0;
	v39 =	vmov v17;
	s17 =	simm.s32 $0x9BF0  }
0x652: {  	s1 =	simm.s32 $0x9C30;
	v26 =	vmovc v14;
	s16 =	simm.s32 $0xA0;
	v29 =	vmovc v13;
	v35 =	vmov v9;
	v18 =	vmov v46;
	p1 =	por $0x1, $0x1;
	v17 =	vmov v45  }
.LBB2_84:
.Ltmp92:
0x653: {  	_ = 	snop;
	(pc) =	sbr.rel .LBB2_87-.Ltmp92, $4  }
0x654: {  	_ = 	snop  }
0x655: {  	s0 =	simm.s32 $0x0;
	s19 =	simm.s32 $0xAE10  }
0x656: {  	v30 =	vmov v13;
	s30 =	simm.s32 $0xADD0;
	s18 =	simm.s32 $0xADF0;
	s31 =	simm.s32 $0xAE30;
	v35 =	vmov v12  }
0x657: {  	v22 =	vmovc v14;
	s17 =	simm.s32 $0x0;
	s25 =	simm.s32 $0xA0;
	s16 =	simm.s32 $0x0;
	v26 =	vmovc v11;
	v36 =	vmov v7;
	v13 =	vmov v41;
	v12 =	vmov v42  }
.LBB2_98:
.Ltmp93:
0x658: {  	_ = 	snop;
	(pc) =	sbr.rel .LBB2_101-.Ltmp93, $3  }
0x659: {  	_ =	sdelay $0x1  }
0x65a: {  	v37 =	vmov v15;
	s17 =	simm.s32 $0xC010;
	s0 =	simm.s32 $0xBFD0;
	v35 =	vmov v14  }
0x65b: {  	s16 =	simm.s32 $0xBFF0;
	s1 =	simm.s32 $0xC030;
	v22 =	vmovc v10;
	s30 =	simm.s32 $0xA0;
	v25 =	vmovc v9;
	v31 =	vmov v5;
	v15 =	vmov v42;
	v14 =	vmov v41  }
.LBB2_102:
0x65c: {  	_ =	sfence.sel $0x180000  }
0x65d: {  	[bflag:$0x0] =	sbarrier.arrive $0xFFFF  }
0x65e: {  	_ =	strace $0x90000047  }
0x65f: {  	s0 =	stileid.u32;
	[bflag:$0x2] =	sbarrier.arrive $0xFFFF  }
0x660: {  	p0 =	sne.s32 s0, $0x0;
	s0 =	rddreg [dreg:$0x2]  }
0x661: {  	s0 =	sadd.s32 @!p0 $0x100000, s0  }
0x662: {  	[sflag:s0] =	ssyncadd.tile.s32 @!p0 $0x1;
	_ =	shalt  }
.Lfunc_end2:
_tile_overlayer_lowered:
.L_overlay_start_2:
0x663: {  	(tag) =	ssettag $0x2  }
0x664: {  	s0 =	rddreg [dreg:$0x0];
	s2 =	stileid.u32  }
0x665: {  	s1 =	rddreg [dreg:$0x1];
	p0 =	sne.s32 s2, $0x0  }
0x666: {  	s3 =	rddreg [dreg:$0x2];
	[bflag:$0x3] =	sbarrier.arrive $0xFFFF;
	s2 =	simm.s32 @!p0 $0x1C01  }
0x667: {  	[timem:s3], [sflag:s2] =	dma.local @!p0 [hbm:s0], s1  }
0x668: {  	s0 =	simm.s32 @!p0 $0x1  }
0x669: {  	_ =	swait.ge @!p0 [sflag:s0], s1  }
0x66a: {  	s1 =	ssub.s32 @!p0 $0x0, s1;
	[sflag:s0] =	ssyncset.done @!p0 $0x0  }
0x66b: {  	[sflag:s0] =	ssyncadd.s32 @!p0 s1  }
0x66c: {  	[bflag:$0x3] =	sbarrier.arrive $0xFFFF  }
0x66d: {  	_ =	shalt  }

</sc_bundles>
